<compile_context>
chip_gen: v7x
topology: tpu7x:2x2x1
jax: 0.10.2.dev20260603
libtpu: 0.0.44.dev20260713+nightly
codegen_flags: <defaults>
</compile_context>

<pallas_src>
import functools

import jax
import jax.numpy as jnp
from jax import lax
from jax.experimental import pallas as pl
from jax.experimental.pallas import tpu as pltpu
from jax.experimental.pallas import tpu_sc as plsc

LEVEL = 255
NC, NS, L = 2, 16, 16
NW = NC * NS
B, C, H, W = 16, 3, 512, 512
NPIX = C * H * W
TOTAL = B * NPIX
PER_W = TOTAL // NW
CH = 16384
NCHUNK = PER_W // CH
VPC = CH // L
UNROLL = 16
HBINS = 256

_mesh = plsc.VectorSubcoreMesh(
    core_axis_name="c", subcore_axis_name="s", num_cores=NC, num_subcores=NS
)
_params = pltpu.CompilerParams(needs_layout_passes=False)


def _bin_of(x):
    t = (255.0 - x * 255.0).astype(jnp.int32)
    return jnp.maximum((LEVEL - 1) - t, 0)


@functools.partial(
    pl.kernel,
    out_type=jax.ShapeDtypeStruct((TOTAL,), jnp.float32),
    mesh=_mesh,
    scratch_types=[
        pltpu.VMEM((CH,), jnp.float32),
        pltpu.VMEM((CH,), jnp.float32),
        pltpu.VMEM((CH,), jnp.float32),
        pltpu.VMEM((CH,), jnp.float32),
        pltpu.VMEM((L * HBINS,), jnp.float32),
        pltpu.VMEM((HBINS,), jnp.float32),
        pltpu.VMEM((HBINS,), jnp.float32),
        pltpu.VMEM((HBINS,), jnp.float32),
        pltpu.VMEM_SHARED((NS, HBINS), jnp.float32),
        pltpu.SemaphoreType.DMA,
        pltpu.SemaphoreType.DMA,
        pltpu.SemaphoreType.DMA,
        pltpu.SemaphoreType.DMA,
    ],
    compiler_params=_params,
)
def _equalize_kernel(x_hbm, out_hbm, buf0_v, buf1_v, obuf0_v, obuf1_v,
                     hist_v, row_v, prow_v, cdf_v, shared_sp,
                     isem0, isem1, osem0, osem1):
    s = lax.axis_index("s")
    img = lax.axis_index("c") * (NS // 2) + s // 2
    base = img * NPIX + (s % 2) * PER_W
    bufs, isems = (buf0_v, buf1_v), (isem0, isem1)
    obufs, osems = (obuf0_v, obuf1_v), (osem0, osem1)
    lane = lax.iota(jnp.int32, L)
    ones = jnp.full((L,), 1.0, dtype=jnp.float32)

    def start_in(ci, b):
        pltpu.async_copy(x_hbm.at[pl.ds(base + ci * CH, CH)], bufs[b], isems[b])

    def wait_in(b):
        pltpu.make_async_copy(
            x_hbm.at[pl.ds(base, CH)], bufs[b], isems[b]
        ).wait()

    def start_out(ci, b):
        pltpu.async_copy(
            obufs[b], out_hbm.at[pl.ds(base + ci * CH, CH)], osems[b]
        )

    def wait_out(b):
        pltpu.make_async_copy(
            obufs[b], out_hbm.at[pl.ds(base, CH)], osems[b]
        ).wait()

    start_in(0, 0)
    start_in(1, 1)

    @plsc.parallel_loop(0, (L * HBINS) // L)
    def _(i):
        hist_v[pl.ds(i * L, L)] = jnp.zeros((L,), jnp.float32)

    def hist_pair(g, _):
        for b in range(2):
            ci = g * 2 + b
            wait_in(b)

            @plsc.parallel_loop(0, VPC, unroll=UNROLL)
            def _(vi, buf=bufs[b]):
                idx = _bin_of(buf[pl.ds(vi * L, L)]) * L + lane
                plsc.addupdate_scatter(hist_v, [idx], ones)

            @pl.when(ci + 2 < NCHUNK)
            def _():
                start_in(ci + 2, b)
        return 0
    lax.fori_loop(0, NCHUNK // 2, hist_pair, 0)

    for k in range(HBINS // L):
        base_idx = (lane + k * L) * L
        acc = plsc.load_gather(hist_v, [base_idx])
        for l in range(1, L):
            acc = acc + plsc.load_gather(hist_v, [base_idx + l])
        row_v[pl.ds(k * L, L)] = acc

    pltpu.sync_copy(row_v, shared_sp.at[s])

    start_in(0, 0)
    start_in(1, 1)

    plsc.subcore_barrier()
    pltpu.sync_copy(shared_sp.at[s ^ 1], prow_v)

    inv_n = jnp.float32(1.0 / NPIX)
    running = jnp.zeros((L,), jnp.float32)
    for k in range(HBINS // L):
        v = row_v[pl.ds(k * L, L)] + prow_v[pl.ds(k * L, L)]
        c = plsc.cumsum(v) + running
        cdf_v[pl.ds(k * L, L)] = c * inv_n
        running = running + jnp.sum(v)

    def map_pair(g, _):
        for b in range(2):
            ci = g * 2 + b
            wait_in(b)

            @pl.when(ci >= 2)
            def _():
                wait_out(b)

            @plsc.parallel_loop(0, VPC, unroll=UNROLL)
            def _(vi, buf=bufs[b], obuf=obufs[b]):
                j = vi * L
                bins = _bin_of(buf[pl.ds(j, L)])
                obuf[pl.ds(j, L)] = plsc.load_gather(cdf_v, [bins])

            start_out(ci, b)

            @pl.when(ci + 2 < NCHUNK)
            def _():
                start_in(ci + 2, b)
        return 0
    lax.fori_loop(0, NCHUNK // 2, map_pair, 0)

    wait_out(0)
    wait_out(1)


@jax.jit
def kernel(fusion):
    x = fusion.reshape(TOTAL)
    out = _equalize_kernel(x)
    return out.reshape(fusion.shape)

# --- scband reference (transcript-rebuilt; emitter-appended) ---
"""Pipeline reference for scband-ada-hister-7842610283315 (READ-ONLY COPY).

The authoritative reference and input builder live on the scoring server;
editing this copy changes nothing except your own understanding.
"""

import jax, jax.numpy as jnp
import numpy as np

LEVEL = 255


def setup_inputs(seed: int = 0) -> dict:
    key = jax.random.key(seed)
    fusion = jax.random.uniform(key, (16, 3, 512, 512), dtype=jnp.float32)
    return {"fusion": fusion}


def reference(fusion):
    level = LEVEL
    step = jnp.linspace(0.0, 1.0, level + 1)
    im = jnp.clip(fusion, 0.0, 1.0)
    B = im.shape[0]
    im_f = im.reshape(B, -1)
    N = im_f.shape[-1]
    # Torch loop semantics: bin idx satisfies step[idx] < x <= step[idx+1],
    # with the first bin also including x == step[0] (x >= 0 after clamp).
    # searchsorted(side='left') returns first i with step[i] >= x, so bin = i-1,
    # clipped so x==0 falls into bin 0 and x==1 into bin level-1.
    bins = jnp.clip(jnp.searchsorted(step, im_f, side='left') - 1, 0, level - 1)
    batch_idx = jnp.broadcast_to(jnp.arange(B)[:, None], (B, N))
    counts = jnp.zeros((B, level), dtype=jnp.float32).at[batch_idx, bins].add(1.0)
    pdf = counts / N
    cdf = jnp.cumsum(pdf, axis=-1)
    # hist_filter: the bin masks partition the clamped image, so summing
    # mask * transform[:, idx] equals gathering cdf at each pixel's bin index.
    filtered_flat = jnp.take_along_axis(cdf, bins, axis=-1)
    return filtered_flat.reshape(im.shape)

if __name__ == "__main__":
    import jax
    _d = setup_inputs()
    print(jax.jit(kernel)(*tuple(_d.values())))

</pallas_src>

<mosaic_0001>
#map = affine_map<(d0, d1) -> (0)>
module attributes {stable_mosaic.version = 14 : i64} {
  func.func @_equalize_kernel(%arg0: i32, %arg1: i32, %arg2: memref<12582912xf32, #tpu.memory_space<hbm>>, %arg3: memref<12582912xf32, #tpu.memory_space<hbm>>, %arg4: memref<16384xf32, #tpu.memory_space<vmem>>, %arg5: memref<16384xf32, #tpu.memory_space<vmem>>, %arg6: memref<16384xf32, #tpu.memory_space<vmem>>, %arg7: memref<16384xf32, #tpu.memory_space<vmem>>, %arg8: memref<4096xf32, #tpu.memory_space<vmem>>, %arg9: memref<256xf32, #tpu.memory_space<vmem>>, %arg10: memref<256xf32, #tpu.memory_space<vmem>>, %arg11: memref<256xf32, #tpu.memory_space<vmem>>, %arg12: memref<16x256xf32, #tpu.memory_space<vmem_shared>>, %arg13: memref<!tpu.dma_semaphore, #tpu.memory_space<semaphore_mem>>, %arg14: memref<!tpu.dma_semaphore, #tpu.memory_space<semaphore_mem>>, %arg15: memref<!tpu.dma_semaphore, #tpu.memory_space<semaphore_mem>>, %arg16: memref<!tpu.dma_semaphore, #tpu.memory_space<semaphore_mem>>) attributes {dimension_semantics = [#tpu.dimension_semantics<core_parallel>, #tpu.dimension_semantics<subcore_parallel>], iteration_bounds = array<i64: 2, 16>, scalar_prefetch = 0 : i64, scratch_operands = 13 : i64, tpu.core_type = #tpu.core_type<sc_vector_subcore>, window_params = [{transform_indices = #map}, {transform_indices = #map}]} {
    %mul3A = arith.constant 8 : i32
    %mul3A_0 = arith.muli %arg0, %mul3A : i32
    %jit3A = arith.constant 2 : i32
    %div3A = arith.divsi %arg1, %jit3A : i32
    %sign3A = arith.constant 0 : i32
    %sign3A_1 = arith.cmpi sgt, %arg1, %sign3A : i32
    %sign3A_2 = arith.extui %sign3A_1 : i1 to i32
    %sign3A_3 = arith.constant 0 : i32
    %sign3A_4 = arith.cmpi slt, %arg1, %sign3A_3 : i32
    %sign3A_5 = arith.extui %sign3A_4 : i1 to i32
    %sign3A_6 = arith.subi %sign3A_2, %sign3A_5 : i32
    %sign3A_7 = arith.constant 0 : i32
    %sign3A_8 = arith.cmpi sgt, %jit3A, %sign3A_7 : i32
    %sign3A_9 = arith.extui %sign3A_8 : i1 to i32
    %sign3A_10 = arith.constant 0 : i32
    %sign3A_11 = arith.cmpi slt, %jit3A, %sign3A_10 : i32
    %sign3A_12 = arith.extui %sign3A_11 : i1 to i32
    %sign3A_13 = arith.subi %sign3A_9, %sign3A_12 : i32
    %ne3A = arith.cmpi ne, %sign3A_6, %sign3A_13 : i32
    %rem3A = arith.remsi %arg1, %jit3A : i32
    %ne3A_14 = arith.constant 0 : i32
    %ne3A_15 = arith.cmpi ne, %rem3A, %ne3A_14 : i32
    %and3A = arith.andi %ne3A, %ne3A_15 : i1
    %sub3A = arith.constant 1 : i32
    %sub3A_16 = arith.subi %div3A, %sub3A : i32
    %select_n3A = arith.select %and3A, %sub3A_16, %div3A : i32
    %add3A = arith.addi %mul3A_0, %select_n3A : i32
    %mul3A_17 = arith.constant 786432 : i32
    %mul3A_18 = arith.muli %add3A, %mul3A_17 : i32
    %jit3A_19 = arith.constant 2 : i32
    %eq3A = arith.constant 0 : i32
    %eq3A_20 = arith.cmpi eq, %jit3A_19, %eq3A : i32
    %jit3A_21 = arith.constant 1 : i32
    %select_n3A_22 = arith.select %eq3A_20, %jit3A_21, %jit3A_19 : i32
    %rem3A_23 = arith.remsi %arg1, %select_n3A_22 : i32
    %ne3A_24 = arith.constant 0 : i32
    %ne3A_25 = arith.cmpi ne, %rem3A_23, %ne3A_24 : i32
    %lt3A = arith.constant 0 : i32
    %lt3A_26 = arith.cmpi slt, %rem3A_23, %lt3A : i32
    %lt3A_27 = arith.constant 0 : i32
    %lt3A_28 = arith.cmpi slt, %select_n3A_22, %lt3A_27 : i32
    %ne3A_29 = arith.xori %lt3A_26, %lt3A_28 : i1
    %and3A_30 = arith.andi %ne3A_29, %ne3A_25 : i1
    %add3A_31 = arith.addi %rem3A_23, %select_n3A_22 : i32
    %select_n3A_32 = arith.select %and3A_30, %add3A_31, %rem3A_23 : i32
    %mul3A_33 = arith.constant 393216 : i32
    %mul3A_34 = arith.muli %select_n3A_32, %mul3A_33 : i32
    %add3A_35 = arith.addi %mul3A_18, %mul3A_34 : i32
    %iota3A = tpu.iota {dimensions = array<i32: 0>} : vector<16xi32>
    %broadcast_in_dim3A = arith.constant 1.000000e+00 : f32
    %broadcast_in_dim3A_36 = vector.broadcast %broadcast_in_dim3A : f32 to vector<16xf32>
    %add3A_37 = arith.constant 0 : i32
    %add3A_38 = arith.addi %add3A_35, %add3A_37 : i32
    %dma_start3A = tpu.memref_slice %arg2[%add3A_38] : memref<12582912xf32, #tpu.memory_space<hbm>> -> memref<16384xf32, #tpu.memory_space<hbm>>
    %dma_start3A_39 = tpu.memref_slice %arg2[%add3A_38] : memref<12582912xf32, #tpu.memory_space<hbm>> -> memref<16384xf32, #tpu.memory_space<hbm>>
    tpu.enqueue_dma source(%dma_start3A_39 : memref<16384xf32, #tpu.memory_space<hbm>>) target(%arg4 : memref<16384xf32, #tpu.memory_space<vmem>>) target_semaphore(%arg13 : memref<!tpu.dma_semaphore, #tpu.memory_space<semaphore_mem>>)
    %add3A_40 = arith.constant 16384 : i32
    %add3A_41 = arith.addi %add3A_35, %add3A_40 : i32
    %dma_start3A_42 = tpu.memref_slice %arg2[%add3A_41] : memref<12582912xf32, #tpu.memory_space<hbm>> -> memref<16384xf32, #tpu.memory_space<hbm>>
    %dma_start3A_43 = tpu.memref_slice %arg2[%add3A_41] : memref<12582912xf32, #tpu.memory_space<hbm>> -> memref<16384xf32, #tpu.memory_space<hbm>>
    tpu.enqueue_dma source(%dma_start3A_43 : memref<16384xf32, #tpu.memory_space<hbm>>) target(%arg5 : memref<16384xf32, #tpu.memory_space<vmem>>) target_semaphore(%arg14 : memref<!tpu.dma_semaphore, #tpu.memory_space<semaphore_mem>>)
    %parallel_loop3A = arith.constant 0 : i32
    %parallel_loop3A_44 = arith.constant 256 : i32
    %parallel_loop3A_45 = arith.constant 1 : i32
    scf.for %parallel_loop3A_1732 = %parallel_loop3A to %parallel_loop3A_44 step %parallel_loop3A_45  : i32 {
      %parallel_loop3A_1733 = arith.constant 0.000000e+00 : f32
      %parallel_loop3A_1734 = vector.broadcast %parallel_loop3A_1733 : f32 to vector<16xf32>
      %parallel_loop3A_1735 = arith.constant 16 : i32
      %parallel_loop3A_1736 = arith.muli %parallel_loop3A_1732, %parallel_loop3A_1735 : i32
      %parallel_loop3A_1737 = arith.index_cast %parallel_loop3A_1736 : i32 to index
      %parallel_loop3A_1738 = tpu.vector_load %arg8[%parallel_loop3A_1737] {strides = array<i32>} : memref<4096xf32, #tpu.memory_space<vmem>>, vector<16xf32>,
      tpu.vector_store %arg8[%parallel_loop3A_1737], %parallel_loop3A_1734 {strides = array<i32>} : memref<4096xf32, #tpu.memory_space<vmem>>, vector<16xf32>,
    } {sc.loop_unroll_factor = 1 : i64, sc.parallel_access}
    %scan3A = arith.constant 0 : i32
    %scan3A_46 = arith.constant 0 : i32
    %scan3A_47 = arith.constant 12 : i32
    %scan3A_48 = arith.addi %scan3A_46, %scan3A_47 : i32
    %scan3A_49 = arith.constant 1 : i32
    %scan3A_50 = scf.for %scan3A_1732 = %scan3A_46 to %scan3A_48 step %scan3A_49 iter_args(%scan3A_1733 = %scan3A) -> (i32)  : i32 {
      %mul3A_1734 = arith.constant 2 : i32
      %mul3A_1735 = arith.muli %scan3A_1732, %mul3A_1734 : i32
      %add3A_1736 = arith.constant 0 : i32
      %add3A_1737 = arith.addi %mul3A_1735, %add3A_1736 : i32
      %dma_wait3A_1738 = tpu.memref_slice %arg2[%add3A_35] : memref<12582912xf32, #tpu.memory_space<hbm>> -> memref<16384xf32, #tpu.memory_space<hbm>>
      %dma_wait3A_1739 = tpu.memref_slice %arg2[%add3A_35] : memref<12582912xf32, #tpu.memory_space<hbm>> -> memref<16384xf32, #tpu.memory_space<hbm>>
      tpu.wait_dma2 semaphore(%arg13 : memref<!tpu.dma_semaphore, #tpu.memory_space<semaphore_mem>>) src(%dma_wait3A_1739 : memref<16384xf32, #tpu.memory_space<hbm>>) dst(%arg4 : memref<16384xf32, #tpu.memory_space<vmem>>)
      %parallel_loop3A_1740 = arith.constant 0 : i32
      %parallel_loop3A_1741 = arith.constant 1024 : i32
      %parallel_loop3A_1742 = arith.constant 1 : i32
      scf.for %parallel_loop3A_1765 = %parallel_loop3A_1740 to %parallel_loop3A_1741 step %parallel_loop3A_1742  : i32 {
        %parallel_loop3A_1766 = arith.constant 16 : i32
        %parallel_loop3A_1767 = arith.muli %parallel_loop3A_1765, %parallel_loop3A_1766 : i32
        %parallel_loop3A_1768 = arith.index_cast %parallel_loop3A_1767 : i32 to index
        %parallel_loop3A_1769 = tpu.vector_load %arg4[%parallel_loop3A_1768] {strides = array<i32>} : memref<16384xf32, #tpu.memory_space<vmem>>, vector<16xf32>,
        %parallel_loop3A_1770 = arith.constant 2.550000e+02 : f32
        %parallel_loop3A_1771 = vector.broadcast %parallel_loop3A_1770 : f32 to vector<16xf32>
        %parallel_loop3A_1772 = arith.mulf %parallel_loop3A_1769, %parallel_loop3A_1771 : vector<16xf32>
        %parallel_loop3A_1773 = arith.constant 2.550000e+02 : f32
        %parallel_loop3A_1774 = vector.broadcast %parallel_loop3A_1773 : f32 to vector<16xf32>
        %parallel_loop3A_1775 = arith.subf %parallel_loop3A_1774, %parallel_loop3A_1772 : vector<16xf32>
        %parallel_loop3A_1776 = arith.fptosi %parallel_loop3A_1775 : vector<16xf32> to vector<16xi32>
        %parallel_loop3A_1777 = arith.constant 254 : i32
        %parallel_loop3A_1778 = vector.broadcast %parallel_loop3A_1777 : i32 to vector<16xi32>
        %parallel_loop3A_1779 = arith.subi %parallel_loop3A_1778, %parallel_loop3A_1776 : vector<16xi32>
        %parallel_loop3A_1780 = arith.constant 0 : i32
        %parallel_loop3A_1781 = vector.broadcast %parallel_loop3A_1780 : i32 to vector<16xi32>
        %parallel_loop3A_1782 = arith.maxsi %parallel_loop3A_1779, %parallel_loop3A_1781 : vector<16xi32>
        %parallel_loop3A_1783 = arith.constant 16 : i32
        %parallel_loop3A_1784 = vector.broadcast %parallel_loop3A_1783 : i32 to vector<16xi32>
        %parallel_loop3A_1785 = arith.muli %parallel_loop3A_1782, %parallel_loop3A_1784 : vector<16xi32>
        %parallel_loop3A_1786 = arith.addi %parallel_loop3A_1785, %iota3A : vector<16xi32>
        tpu.vector_store_idx %arg8[%parallel_loop3A_1786], %broadcast_in_dim3A_36 {add = true} : memref<4096xf32, #tpu.memory_space<vmem>>[vector<16xi32>], vector<16xf32>,
      } {sc.loop_unroll_factor = 16 : i64, sc.parallel_access}
      %add3A_1743 = arith.constant 2 : i32
      %add3A_1744 = arith.addi %add3A_1737, %add3A_1743 : i32
      %lt3A_1745 = arith.constant 24 : i32
      %lt3A_1746 = arith.cmpi slt, %add3A_1744, %lt3A_1745 : i32
      %convert_element_type3A = arith.extui %lt3A_1746 : i1 to i32
      %cond3A = arith.constant 0 : i32
      %cond3A_1747 = arith.cmpi ne, %convert_element_type3A, %cond3A : i32
      scf.if %cond3A_1747 {
        %add3A_1765 = arith.constant 2 : i32
        %add3A_1766 = arith.addi %add3A_1737, %add3A_1765 : i32
        %mul3A_1767 = arith.constant 16384 : i32
        %mul3A_1768 = arith.muli %add3A_1766, %mul3A_1767 : i32
        %add3A_1769 = arith.addi %add3A_35, %mul3A_1768 : i32
        %dma_start3A_1770 = tpu.memref_slice %arg2[%add3A_1769] : memref<12582912xf32, #tpu.memory_space<hbm>> -> memref<16384xf32, #tpu.memory_space<hbm>>
        %dma_start3A_1771 = tpu.memref_slice %arg2[%add3A_1769] : memref<12582912xf32, #tpu.memory_space<hbm>> -> memref<16384xf32, #tpu.memory_space<hbm>>
        tpu.enqueue_dma source(%dma_start3A_1771 : memref<16384xf32, #tpu.memory_space<hbm>>) target(%arg4 : memref<16384xf32, #tpu.memory_space<vmem>>) target_semaphore(%arg13 : memref<!tpu.dma_semaphore, #tpu.memory_space<semaphore_mem>>)
      } else {
      }
      %mul3A_1748 = arith.constant 2 : i32
      %mul3A_1749 = arith.muli %scan3A_1732, %mul3A_1748 : i32
      %add3A_1750 = arith.constant 1 : i32
      %add3A_1751 = arith.addi %mul3A_1749, %add3A_1750 : i32
      %dma_wait3A_1752 = tpu.memref_slice %arg2[%add3A_35] : memref<12582912xf32, #tpu.memory_space<hbm>> -> memref<16384xf32, #tpu.memory_space<hbm>>
      %dma_wait3A_1753 = tpu.memref_slice %arg2[%add3A_35] : memref<12582912xf32, #tpu.memory_space<hbm>> -> memref<16384xf32, #tpu.memory_space<hbm>>
      tpu.wait_dma2 semaphore(%arg14 : memref<!tpu.dma_semaphore, #tpu.memory_space<semaphore_mem>>) src(%dma_wait3A_1753 : memref<16384xf32, #tpu.memory_space<hbm>>) dst(%arg5 : memref<16384xf32, #tpu.memory_space<vmem>>)
      %parallel_loop3A_1754 = arith.constant 0 : i32
      %parallel_loop3A_1755 = arith.constant 1024 : i32
      %parallel_loop3A_1756 = arith.constant 1 : i32
      scf.for %parallel_loop3A_1765 = %parallel_loop3A_1754 to %parallel_loop3A_1755 step %parallel_loop3A_1756  : i32 {
        %parallel_loop3A_1766 = arith.constant 16 : i32
        %parallel_loop3A_1767 = arith.muli %parallel_loop3A_1765, %parallel_loop3A_1766 : i32
        %parallel_loop3A_1768 = arith.index_cast %parallel_loop3A_1767 : i32 to index
        %parallel_loop3A_1769 = tpu.vector_load %arg5[%parallel_loop3A_1768] {strides = array<i32>} : memref<16384xf32, #tpu.memory_space<vmem>>, vector<16xf32>,
        %parallel_loop3A_1770 = arith.constant 2.550000e+02 : f32
        %parallel_loop3A_1771 = vector.broadcast %parallel_loop3A_1770 : f32 to vector<16xf32>
        %parallel_loop3A_1772 = arith.mulf %parallel_loop3A_1769, %parallel_loop3A_1771 : vector<16xf32>
        %parallel_loop3A_1773 = arith.constant 2.550000e+02 : f32
        %parallel_loop3A_1774 = vector.broadcast %parallel_loop3A_1773 : f32 to vector<16xf32>
        %parallel_loop3A_1775 = arith.subf %parallel_loop3A_1774, %parallel_loop3A_1772 : vector<16xf32>
        %parallel_loop3A_1776 = arith.fptosi %parallel_loop3A_1775 : vector<16xf32> to vector<16xi32>
        %parallel_loop3A_1777 = arith.constant 254 : i32
        %parallel_loop3A_1778 = vector.broadcast %parallel_loop3A_1777 : i32 to vector<16xi32>
        %parallel_loop3A_1779 = arith.subi %parallel_loop3A_1778, %parallel_loop3A_1776 : vector<16xi32>
        %parallel_loop3A_1780 = arith.constant 0 : i32
        %parallel_loop3A_1781 = vector.broadcast %parallel_loop3A_1780 : i32 to vector<16xi32>
        %parallel_loop3A_1782 = arith.maxsi %parallel_loop3A_1779, %parallel_loop3A_1781 : vector<16xi32>
        %parallel_loop3A_1783 = arith.constant 16 : i32
        %parallel_loop3A_1784 = vector.broadcast %parallel_loop3A_1783 : i32 to vector<16xi32>
        %parallel_loop3A_1785 = arith.muli %parallel_loop3A_1782, %parallel_loop3A_1784 : vector<16xi32>
        %parallel_loop3A_1786 = arith.addi %parallel_loop3A_1785, %iota3A : vector<16xi32>
        tpu.vector_store_idx %arg8[%parallel_loop3A_1786], %broadcast_in_dim3A_36 {add = true} : memref<4096xf32, #tpu.memory_space<vmem>>[vector<16xi32>], vector<16xf32>,
      } {sc.loop_unroll_factor = 16 : i64, sc.parallel_access}
      %add3A_1757 = arith.constant 2 : i32
      %add3A_1758 = arith.addi %add3A_1751, %add3A_1757 : i32
      %lt3A_1759 = arith.constant 24 : i32
      %lt3A_1760 = arith.cmpi slt, %add3A_1758, %lt3A_1759 : i32
      %convert_element_type3A_1761 = arith.extui %lt3A_1760 : i1 to i32
      %cond3A_1762 = arith.constant 0 : i32
      %cond3A_1763 = arith.cmpi ne, %convert_element_type3A_1761, %cond3A_1762 : i32
      scf.if %cond3A_1763 {
        %add3A_1765 = arith.constant 2 : i32
        %add3A_1766 = arith.addi %add3A_1751, %add3A_1765 : i32
        %mul3A_1767 = arith.constant 16384 : i32
        %mul3A_1768 = arith.muli %add3A_1766, %mul3A_1767 : i32
        %add3A_1769 = arith.addi %add3A_35, %mul3A_1768 : i32
        %dma_start3A_1770 = tpu.memref_slice %arg2[%add3A_1769] : memref<12582912xf32, #tpu.memory_space<hbm>> -> memref<16384xf32, #tpu.memory_space<hbm>>
        %dma_start3A_1771 = tpu.memref_slice %arg2[%add3A_1769] : memref<12582912xf32, #tpu.memory_space<hbm>> -> memref<16384xf32, #tpu.memory_space<hbm>>
        tpu.enqueue_dma source(%dma_start3A_1771 : memref<16384xf32, #tpu.memory_space<hbm>>) target(%arg5 : memref<16384xf32, #tpu.memory_space<vmem>>) target_semaphore(%arg14 : memref<!tpu.dma_semaphore, #tpu.memory_space<semaphore_mem>>)
      } else {
      }
      %scan3A_1764 = arith.constant 0 : i32
      scf.yield %scan3A_1764 : i32
    }
    %scan3A_51 = arith.constant 12 : i32
    %add3A_52 = arith.constant 0 : i32
    %add3A_53 = vector.broadcast %add3A_52 : i32 to vector<16xi32>
    %add3A_54 = arith.addi %iota3A, %add3A_53 : vector<16xi32>
    %mul3A_55 = arith.constant 16 : i32
    %mul3A_56 = vector.broadcast %mul3A_55 : i32 to vector<16xi32>
    %mul3A_57 = arith.muli %add3A_54, %mul3A_56 : vector<16xi32>
    %gather3A = tpu.vector_load_idx %arg8[%mul3A_57] : memref<4096xf32, #tpu.memory_space<vmem>>[vector<16xi32>], vector<16xf32>,
    %add3A_58 = arith.constant 1 : i32
    %add3A_59 = vector.broadcast %add3A_58 : i32 to vector<16xi32>
    %add3A_60 = arith.addi %mul3A_57, %add3A_59 : vector<16xi32>
    %gather3A_61 = tpu.vector_load_idx %arg8[%add3A_60] : memref<4096xf32, #tpu.memory_space<vmem>>[vector<16xi32>], vector<16xf32>,
    %add3A_62 = arith.addf %gather3A, %gather3A_61 : vector<16xf32>
    %add3A_63 = arith.constant 2 : i32
    %add3A_64 = vector.broadcast %add3A_63 : i32 to vector<16xi32>
    %add3A_65 = arith.addi %mul3A_57, %add3A_64 : vector<16xi32>
    %gather3A_66 = tpu.vector_load_idx %arg8[%add3A_65] : memref<4096xf32, #tpu.memory_space<vmem>>[vector<16xi32>], vector<16xf32>,
    %add3A_67 = arith.addf %add3A_62, %gather3A_66 : vector<16xf32>
    %add3A_68 = arith.constant 3 : i32
    %add3A_69 = vector.broadcast %add3A_68 : i32 to vector<16xi32>
    %add3A_70 = arith.addi %mul3A_57, %add3A_69 : vector<16xi32>
    %gather3A_71 = tpu.vector_load_idx %arg8[%add3A_70] : memref<4096xf32, #tpu.memory_space<vmem>>[vector<16xi32>], vector<16xf32>,
    %add3A_72 = arith.addf %add3A_67, %gather3A_71 : vector<16xf32>
    %add3A_73 = arith.constant 4 : i32
    %add3A_74 = vector.broadcast %add3A_73 : i32 to vector<16xi32>
    %add3A_75 = arith.addi %mul3A_57, %add3A_74 : vector<16xi32>
    %gather3A_76 = tpu.vector_load_idx %arg8[%add3A_75] : memref<4096xf32, #tpu.memory_space<vmem>>[vector<16xi32>], vector<16xf32>,
    %add3A_77 = arith.addf %add3A_72, %gather3A_76 : vector<16xf32>
    %add3A_78 = arith.constant 5 : i32
    %add3A_79 = vector.broadcast %add3A_78 : i32 to vector<16xi32>
    %add3A_80 = arith.addi %mul3A_57, %add3A_79 : vector<16xi32>
    %gather3A_81 = tpu.vector_load_idx %arg8[%add3A_80] : memref<4096xf32, #tpu.memory_space<vmem>>[vector<16xi32>], vector<16xf32>,
    %add3A_82 = arith.addf %add3A_77, %gather3A_81 : vector<16xf32>
    %add3A_83 = arith.constant 6 : i32
    %add3A_84 = vector.broadcast %add3A_83 : i32 to vector<16xi32>
    %add3A_85 = arith.addi %mul3A_57, %add3A_84 : vector<16xi32>
    %gather3A_86 = tpu.vector_load_idx %arg8[%add3A_85] : memref<4096xf32, #tpu.memory_space<vmem>>[vector<16xi32>], vector<16xf32>,
    %add3A_87 = arith.addf %add3A_82, %gather3A_86 : vector<16xf32>
    %add3A_88 = arith.constant 7 : i32
    %add3A_89 = vector.broadcast %add3A_88 : i32 to vector<16xi32>
    %add3A_90 = arith.addi %mul3A_57, %add3A_89 : vector<16xi32>
    %gather3A_91 = tpu.vector_load_idx %arg8[%add3A_90] : memref<4096xf32, #tpu.memory_space<vmem>>[vector<16xi32>], vector<16xf32>,
    %add3A_92 = arith.addf %add3A_87, %gather3A_91 : vector<16xf32>
    %add3A_93 = arith.constant 8 : i32
    %add3A_94 = vector.broadcast %add3A_93 : i32 to vector<16xi32>
    %add3A_95 = arith.addi %mul3A_57, %add3A_94 : vector<16xi32>
    %gather3A_96 = tpu.vector_load_idx %arg8[%add3A_95] : memref<4096xf32, #tpu.memory_space<vmem>>[vector<16xi32>], vector<16xf32>,
    %add3A_97 = arith.addf %add3A_92, %gather3A_96 : vector<16xf32>
    %add3A_98 = arith.constant 9 : i32
    %add3A_99 = vector.broadcast %add3A_98 : i32 to vector<16xi32>
    %add3A_100 = arith.addi %mul3A_57, %add3A_99 : vector<16xi32>
    %gather3A_101 = tpu.vector_load_idx %arg8[%add3A_100] : memref<4096xf32, #tpu.memory_space<vmem>>[vector<16xi32>], vector<16xf32>,
    %add3A_102 = arith.addf %add3A_97, %gather3A_101 : vector<16xf32>
    %add3A_103 = arith.constant 10 : i32
    %add3A_104 = vector.broadcast %add3A_103 : i32 to vector<16xi32>
    %add3A_105 = arith.addi %mul3A_57, %add3A_104 : vector<16xi32>
    %gather3A_106 = tpu.vector_load_idx %arg8[%add3A_105] : memref<4096xf32, #tpu.memory_space<vmem>>[vector<16xi32>], vector<16xf32>,
    %add3A_107 = arith.addf %add3A_102, %gather3A_106 : vector<16xf32>
    %add3A_108 = arith.constant 11 : i32
    %add3A_109 = vector.broadcast %add3A_108 : i32 to vector<16xi32>
    %add3A_110 = arith.addi %mul3A_57, %add3A_109 : vector<16xi32>
    %gather3A_111 = tpu.vector_load_idx %arg8[%add3A_110] : memref<4096xf32, #tpu.memory_space<vmem>>[vector<16xi32>], vector<16xf32>,
    %add3A_112 = arith.addf %add3A_107, %gather3A_111 : vector<16xf32>
    %add3A_113 = arith.constant 12 : i32
    %add3A_114 = vector.broadcast %add3A_113 : i32 to vector<16xi32>
    %add3A_115 = arith.addi %mul3A_57, %add3A_114 : vector<16xi32>
    %gather3A_116 = tpu.vector_load_idx %arg8[%add3A_115] : memref<4096xf32, #tpu.memory_space<vmem>>[vector<16xi32>], vector<16xf32>,
    %add3A_117 = arith.addf %add3A_112, %gather3A_116 : vector<16xf32>
    %add3A_118 = arith.constant 13 : i32
    %add3A_119 = vector.broadcast %add3A_118 : i32 to vector<16xi32>
    %add3A_120 = arith.addi %mul3A_57, %add3A_119 : vector<16xi32>
    %gather3A_121 = tpu.vector_load_idx %arg8[%add3A_120] : memref<4096xf32, #tpu.memory_space<vmem>>[vector<16xi32>], vector<16xf32>,
    %add3A_122 = arith.addf %add3A_117, %gather3A_121 : vector<16xf32>
    %add3A_123 = arith.constant 14 : i32
    %add3A_124 = vector.broadcast %add3A_123 : i32 to vector<16xi32>
    %add3A_125 = arith.addi %mul3A_57, %add3A_124 : vector<16xi32>
    %gather3A_126 = tpu.vector_load_idx %arg8[%add3A_125] : memref<4096xf32, #tpu.memory_space<vmem>>[vector<16xi32>], vector<16xf32>,
    %add3A_127 = arith.addf %add3A_122, %gather3A_126 : vector<16xf32>
    %add3A_128 = arith.constant 15 : i32
    %add3A_129 = vector.broadcast %add3A_128 : i32 to vector<16xi32>
    %add3A_130 = arith.addi %mul3A_57, %add3A_129 : vector<16xi32>
    %gather3A_131 = tpu.vector_load_idx %arg8[%add3A_130] : memref<4096xf32, #tpu.memory_space<vmem>>[vector<16xi32>], vector<16xf32>,
    %add3A_132 = arith.addf %add3A_127, %gather3A_131 : vector<16xf32>
    %swap3A = arith.constant 0 : index
    %swap3A_133 = tpu.vector_load %arg9[%swap3A] {strides = array<i32>} : memref<256xf32, #tpu.memory_space<vmem>>, vector<16xf32>,
    tpu.vector_store %arg9[%swap3A], %add3A_132 {strides = array<i32>} : memref<256xf32, #tpu.memory_space<vmem>>, vector<16xf32>,
    %add3A_134 = arith.constant 16 : i32
    %add3A_135 = vector.broadcast %add3A_134 : i32 to vector<16xi32>
    %add3A_136 = arith.addi %iota3A, %add3A_135 : vector<16xi32>
    %mul3A_137 = arith.constant 16 : i32
    %mul3A_138 = vector.broadcast %mul3A_137 : i32 to vector<16xi32>
    %mul3A_139 = arith.muli %add3A_136, %mul3A_138 : vector<16xi32>
    %gather3A_140 = tpu.vector_load_idx %arg8[%mul3A_139] : memref<4096xf32, #tpu.memory_space<vmem>>[vector<16xi32>], vector<16xf32>,
    %add3A_141 = arith.constant 1 : i32
    %add3A_142 = vector.broadcast %add3A_141 : i32 to vector<16xi32>
    %add3A_143 = arith.addi %mul3A_139, %add3A_142 : vector<16xi32>
    %gather3A_144 = tpu.vector_load_idx %arg8[%add3A_143] : memref<4096xf32, #tpu.memory_space<vmem>>[vector<16xi32>], vector<16xf32>,
    %add3A_145 = arith.addf %gather3A_140, %gather3A_144 : vector<16xf32>
    %add3A_146 = arith.constant 2 : i32
    %add3A_147 = vector.broadcast %add3A_146 : i32 to vector<16xi32>
    %add3A_148 = arith.addi %mul3A_139, %add3A_147 : vector<16xi32>
    %gather3A_149 = tpu.vector_load_idx %arg8[%add3A_148] : memref<4096xf32, #tpu.memory_space<vmem>>[vector<16xi32>], vector<16xf32>,
    %add3A_150 = arith.addf %add3A_145, %gather3A_149 : vector<16xf32>
    %add3A_151 = arith.constant 3 : i32
    %add3A_152 = vector.broadcast %add3A_151 : i32 to vector<16xi32>
    %add3A_153 = arith.addi %mul3A_139, %add3A_152 : vector<16xi32>
    %gather3A_154 = tpu.vector_load_idx %arg8[%add3A_153] : memref<4096xf32, #tpu.memory_space<vmem>>[vector<16xi32>], vector<16xf32>,
    %add3A_155 = arith.addf %add3A_150, %gather3A_154 : vector<16xf32>
    %add3A_156 = arith.constant 4 : i32
    %add3A_157 = vector.broadcast %add3A_156 : i32 to vector<16xi32>
    %add3A_158 = arith.addi %mul3A_139, %add3A_157 : vector<16xi32>
    %gather3A_159 = tpu.vector_load_idx %arg8[%add3A_158] : memref<4096xf32, #tpu.memory_space<vmem>>[vector<16xi32>], vector<16xf32>,
    %add3A_160 = arith.addf %add3A_155, %gather3A_159 : vector<16xf32>
    %add3A_161 = arith.constant 5 : i32
    %add3A_162 = vector.broadcast %add3A_161 : i32 to vector<16xi32>
    %add3A_163 = arith.addi %mul3A_139, %add3A_162 : vector<16xi32>
    %gather3A_164 = tpu.vector_load_idx %arg8[%add3A_163] : memref<4096xf32, #tpu.memory_space<vmem>>[vector<16xi32>], vector<16xf32>,
    %add3A_165 = arith.addf %add3A_160, %gather3A_164 : vector<16xf32>
    %add3A_166 = arith.constant 6 : i32
    %add3A_167 = vector.broadcast %add3A_166 : i32 to vector<16xi32>
    %add3A_168 = arith.addi %mul3A_139, %add3A_167 : vector<16xi32>
    %gather3A_169 = tpu.vector_load_idx %arg8[%add3A_168] : memref<4096xf32, #tpu.memory_space<vmem>>[vector<16xi32>], vector<16xf32>,
    %add3A_170 = arith.addf %add3A_165, %gather3A_169 : vector<16xf32>
    %add3A_171 = arith.constant 7 : i32
    %add3A_172 = vector.broadcast %add3A_171 : i32 to vector<16xi32>
    %add3A_173 = arith.addi %mul3A_139, %add3A_172 : vector<16xi32>
    %gather3A_174 = tpu.vector_load_idx %arg8[%add3A_173] : memref<4096xf32, #tpu.memory_space<vmem>>[vector<16xi32>], vector<16xf32>,
    %add3A_175 = arith.addf %add3A_170, %gather3A_174 : vector<16xf32>
    %add3A_176 = arith.constant 8 : i32
    %add3A_177 = vector.broadcast %add3A_176 : i32 to vector<16xi32>
    %add3A_178 = arith.addi %mul3A_139, %add3A_177 : vector<16xi32>
    %gather3A_179 = tpu.vector_load_idx %arg8[%add3A_178] : memref<4096xf32, #tpu.memory_space<vmem>>[vector<16xi32>], vector<16xf32>,
    %add3A_180 = arith.addf %add3A_175, %gather3A_179 : vector<16xf32>
    %add3A_181 = arith.constant 9 : i32
    %add3A_182 = vector.broadcast %add3A_181 : i32 to vector<16xi32>
    %add3A_183 = arith.addi %mul3A_139, %add3A_182 : vector<16xi32>
    %gather3A_184 = tpu.vector_load_idx %arg8[%add3A_183] : memref<4096xf32, #tpu.memory_space<vmem>>[vector<16xi32>], vector<16xf32>,
    %add3A_185 = arith.addf %add3A_180, %gather3A_184 : vector<16xf32>
    %add3A_186 = arith.constant 10 : i32
    %add3A_187 = vector.broadcast %add3A_186 : i32 to vector<16xi32>
    %add3A_188 = arith.addi %mul3A_139, %add3A_187 : vector<16xi32>
    %gather3A_189 = tpu.vector_load_idx %arg8[%add3A_188] : memref<4096xf32, #tpu.memory_space<vmem>>[vector<16xi32>], vector<16xf32>,
    %add3A_190 = arith.addf %add3A_185, %gather3A_189 : vector<16xf32>
    %add3A_191 = arith.constant 11 : i32
    %add3A_192 = vector.broadcast %add3A_191 : i32 to vector<16xi32>
    %add3A_193 = arith.addi %mul3A_139, %add3A_192 : vector<16xi32>
    %gather3A_194 = tpu.vector_load_idx %arg8[%add3A_193] : memref<4096xf32, #tpu.memory_space<vmem>>[vector<16xi32>], vector<16xf32>,
    %add3A_195 = arith.addf %add3A_190, %gather3A_194 : vector<16xf32>
    %add3A_196 = arith.constant 12 : i32
    %add3A_197 = vector.broadcast %add3A_196 : i32 to vector<16xi32>
    %add3A_198 = arith.addi %mul3A_139, %add3A_197 : vector<16xi32>
    %gather3A_199 = tpu.vector_load_idx %arg8[%add3A_198] : memref<4096xf32, #tpu.memory_space<vmem>>[vector<16xi32>], vector<16xf32>,
    %add3A_200 = arith.addf %add3A_195, %gather3A_199 : vector<16xf32>
    %add3A_201 = arith.constant 13 : i32
    %add3A_202 = vector.broadcast %add3A_201 : i32 to vector<16xi32>
    %add3A_203 = arith.addi %mul3A_139, %add3A_202 : vector<16xi32>
    %gather3A_204 = tpu.vector_load_idx %arg8[%add3A_203] : memref<4096xf32, #tpu.memory_space<vmem>>[vector<16xi32>], vector<16xf32>,
    %add3A_205 = arith.addf %add3A_200, %gather3A_204 : vector<16xf32>
    %add3A_206 = arith.constant 14 : i32
    %add3A_207 = vector.broadcast %add3A_206 : i32 to vector<16xi32>
    %add3A_208 = arith.addi %mul3A_139, %add3A_207 : vector<16xi32>
    %gather3A_209 = tpu.vector_load_idx %arg8[%add3A_208] : memref<4096xf32, #tpu.memory_space<vmem>>[vector<16xi32>], vector<16xf32>,
    %add3A_210 = arith.addf %add3A_205, %gather3A_209 : vector<16xf32>
    %add3A_211 = arith.constant 15 : i32
    %add3A_212 = vector.broadcast %add3A_211 : i32 to vector<16xi32>
    %add3A_213 = arith.addi %mul3A_139, %add3A_212 : vector<16xi32>
    %gather3A_214 = tpu.vector_load_idx %arg8[%add3A_213] : memref<4096xf32, #tpu.memory_space<vmem>>[vector<16xi32>], vector<16xf32>,
    %add3A_215 = arith.addf %add3A_210, %gather3A_214 : vector<16xf32>
    %swap3A_216 = arith.constant 16 : index
    %swap3A_217 = tpu.vector_load %arg9[%swap3A_216] {strides = array<i32>} : memref<256xf32, #tpu.memory_space<vmem>>, vector<16xf32>,
    tpu.vector_store %arg9[%swap3A_216], %add3A_215 {strides = array<i32>} : memref<256xf32, #tpu.memory_space<vmem>>, vector<16xf32>,
    %add3A_218 = arith.constant 32 : i32
    %add3A_219 = vector.broadcast %add3A_218 : i32 to vector<16xi32>
    %add3A_220 = arith.addi %iota3A, %add3A_219 : vector<16xi32>
    %mul3A_221 = arith.constant 16 : i32
    %mul3A_222 = vector.broadcast %mul3A_221 : i32 to vector<16xi32>
    %mul3A_223 = arith.muli %add3A_220, %mul3A_222 : vector<16xi32>
    %gather3A_224 = tpu.vector_load_idx %arg8[%mul3A_223] : memref<4096xf32, #tpu.memory_space<vmem>>[vector<16xi32>], vector<16xf32>,
    %add3A_225 = arith.constant 1 : i32
    %add3A_226 = vector.broadcast %add3A_225 : i32 to vector<16xi32>
    %add3A_227 = arith.addi %mul3A_223, %add3A_226 : vector<16xi32>
    %gather3A_228 = tpu.vector_load_idx %arg8[%add3A_227] : memref<4096xf32, #tpu.memory_space<vmem>>[vector<16xi32>], vector<16xf32>,
    %add3A_229 = arith.addf %gather3A_224, %gather3A_228 : vector<16xf32>
    %add3A_230 = arith.constant 2 : i32
    %add3A_231 = vector.broadcast %add3A_230 : i32 to vector<16xi32>
    %add3A_232 = arith.addi %mul3A_223, %add3A_231 : vector<16xi32>
    %gather3A_233 = tpu.vector_load_idx %arg8[%add3A_232] : memref<4096xf32, #tpu.memory_space<vmem>>[vector<16xi32>], vector<16xf32>,
    %add3A_234 = arith.addf %add3A_229, %gather3A_233 : vector<16xf32>
    %add3A_235 = arith.constant 3 : i32
    %add3A_236 = vector.broadcast %add3A_235 : i32 to vector<16xi32>
    %add3A_237 = arith.addi %mul3A_223, %add3A_236 : vector<16xi32>
    %gather3A_238 = tpu.vector_load_idx %arg8[%add3A_237] : memref<4096xf32, #tpu.memory_space<vmem>>[vector<16xi32>], vector<16xf32>,
    %add3A_239 = arith.addf %add3A_234, %gather3A_238 : vector<16xf32>
    %add3A_240 = arith.constant 4 : i32
    %add3A_241 = vector.broadcast %add3A_240 : i32 to vector<16xi32>
    %add3A_242 = arith.addi %mul3A_223, %add3A_241 : vector<16xi32>
    %gather3A_243 = tpu.vector_load_idx %arg8[%add3A_242] : memref<4096xf32, #tpu.memory_space<vmem>>[vector<16xi32>], vector<16xf32>,
    %add3A_244 = arith.addf %add3A_239, %gather3A_243 : vector<16xf32>
    %add3A_245 = arith.constant 5 : i32
    %add3A_246 = vector.broadcast %add3A_245 : i32 to vector<16xi32>
    %add3A_247 = arith.addi %mul3A_223, %add3A_246 : vector<16xi32>
    %gather3A_248 = tpu.vector_load_idx %arg8[%add3A_247] : memref<4096xf32, #tpu.memory_space<vmem>>[vector<16xi32>], vector<16xf32>,
    %add3A_249 = arith.addf %add3A_244, %gather3A_248 : vector<16xf32>
    %add3A_250 = arith.constant 6 : i32
    %add3A_251 = vector.broadcast %add3A_250 : i32 to vector<16xi32>
    %add3A_252 = arith.addi %mul3A_223, %add3A_251 : vector<16xi32>
    %gather3A_253 = tpu.vector_load_idx %arg8[%add3A_252] : memref<4096xf32, #tpu.memory_space<vmem>>[vector<16xi32>], vector<16xf32>,
    %add3A_254 = arith.addf %add3A_249, %gather3A_253 : vector<16xf32>
    %add3A_255 = arith.constant 7 : i32
    %add3A_256 = vector.broadcast %add3A_255 : i32 to vector<16xi32>
    %add3A_257 = arith.addi %mul3A_223, %add3A_256 : vector<16xi32>
    %gather3A_258 = tpu.vector_load_idx %arg8[%add3A_257] : memref<4096xf32, #tpu.memory_space<vmem>>[vector<16xi32>], vector<16xf32>,
    %add3A_259 = arith.addf %add3A_254, %gather3A_258 : vector<16xf32>
    %add3A_260 = arith.constant 8 : i32
    %add3A_261 = vector.broadcast %add3A_260 : i32 to vector<16xi32>
    %add3A_262 = arith.addi %mul3A_223, %add3A_261 : vector<16xi32>
    %gather3A_263 = tpu.vector_load_idx %arg8[%add3A_262] : memref<4096xf32, #tpu.memory_space<vmem>>[vector<16xi32>], vector<16xf32>,
    %add3A_264 = arith.addf %add3A_259, %gather3A_263 : vector<16xf32>
    %add3A_265 = arith.constant 9 : i32
    %add3A_266 = vector.broadcast %add3A_265 : i32 to vector<16xi32>
    %add3A_267 = arith.addi %mul3A_223, %add3A_266 : vector<16xi32>
    %gather3A_268 = tpu.vector_load_idx %arg8[%add3A_267] : memref<4096xf32, #tpu.memory_space<vmem>>[vector<16xi32>], vector<16xf32>,
    %add3A_269 = arith.addf %add3A_264, %gather3A_268 : vector<16xf32>
    %add3A_270 = arith.constant 10 : i32
    %add3A_271 = vector.broadcast %add3A_270 : i32 to vector<16xi32>
    %add3A_272 = arith.addi %mul3A_223, %add3A_271 : vector<16xi32>
    %gather3A_273 = tpu.vector_load_idx %arg8[%add3A_272] : memref<4096xf32, #tpu.memory_space<vmem>>[vector<16xi32>], vector<16xf32>,
    %add3A_274 = arith.addf %add3A_269, %gather3A_273 : vector<16xf32>
    %add3A_275 = arith.constant 11 : i32
    %add3A_276 = vector.broadcast %add3A_275 : i32 to vector<16xi32>
    %add3A_277 = arith.addi %mul3A_223, %add3A_276 : vector<16xi32>
    %gather3A_278 = tpu.vector_load_idx %arg8[%add3A_277] : memref<4096xf32, #tpu.memory_space<vmem>>[vector<16xi32>], vector<16xf32>,
    %add3A_279 = arith.addf %add3A_274, %gather3A_278 : vector<16xf32>
    %add3A_280 = arith.constant 12 : i32
    %add3A_281 = vector.broadcast %add3A_280 : i32 to vector<16xi32>
    %add3A_282 = arith.addi %mul3A_223, %add3A_281 : vector<16xi32>
    %gather3A_283 = tpu.vector_load_idx %arg8[%add3A_282] : memref<4096xf32, #tpu.memory_space<vmem>>[vector<16xi32>], vector<16xf32>,
    %add3A_284 = arith.addf %add3A_279, %gather3A_283 : vector<16xf32>
    %add3A_285 = arith.constant 13 : i32
    %add3A_286 = vector.broadcast %add3A_285 : i32 to vector<16xi32>
    %add3A_287 = arith.addi %mul3A_223, %add3A_286 : vector<16xi32>
    %gather3A_288 = tpu.vector_load_idx %arg8[%add3A_287] : memref<4096xf32, #tpu.memory_space<vmem>>[vector<16xi32>], vector<16xf32>,
    %add3A_289 = arith.addf %add3A_284, %gather3A_288 : vector<16xf32>
    %add3A_290 = arith.constant 14 : i32
    %add3A_291 = vector.broadcast %add3A_290 : i32 to vector<16xi32>
    %add3A_292 = arith.addi %mul3A_223, %add3A_291 : vector<16xi32>
    %gather3A_293 = tpu.vector_load_idx %arg8[%add3A_292] : memref<4096xf32, #tpu.memory_space<vmem>>[vector<16xi32>], vector<16xf32>,
    %add3A_294 = arith.addf %add3A_289, %gather3A_293 : vector<16xf32>
    %add3A_295 = arith.constant 15 : i32
    %add3A_296 = vector.broadcast %add3A_295 : i32 to vector<16xi32>
    %add3A_297 = arith.addi %mul3A_223, %add3A_296 : vector<16xi32>
    %gather3A_298 = tpu.vector_load_idx %arg8[%add3A_297] : memref<4096xf32, #tpu.memory_space<vmem>>[vector<16xi32>], vector<16xf32>,
    %add3A_299 = arith.addf %add3A_294, %gather3A_298 : vector<16xf32>
    %swap3A_300 = arith.constant 32 : index
    %swap3A_301 = tpu.vector_load %arg9[%swap3A_300] {strides = array<i32>} : memref<256xf32, #tpu.memory_space<vmem>>, vector<16xf32>,
    tpu.vector_store %arg9[%swap3A_300], %add3A_299 {strides = array<i32>} : memref<256xf32, #tpu.memory_space<vmem>>, vector<16xf32>,
    %add3A_302 = arith.constant 48 : i32
    %add3A_303 = vector.broadcast %add3A_302 : i32 to vector<16xi32>
    %add3A_304 = arith.addi %iota3A, %add3A_303 : vector<16xi32>
    %mul3A_305 = arith.constant 16 : i32
    %mul3A_306 = vector.broadcast %mul3A_305 : i32 to vector<16xi32>
    %mul3A_307 = arith.muli %add3A_304, %mul3A_306 : vector<16xi32>
    %gather3A_308 = tpu.vector_load_idx %arg8[%mul3A_307] : memref<4096xf32, #tpu.memory_space<vmem>>[vector<16xi32>], vector<16xf32>,
    %add3A_309 = arith.constant 1 : i32
    %add3A_310 = vector.broadcast %add3A_309 : i32 to vector<16xi32>
    %add3A_311 = arith.addi %mul3A_307, %add3A_310 : vector<16xi32>
    %gather3A_312 = tpu.vector_load_idx %arg8[%add3A_311] : memref<4096xf32, #tpu.memory_space<vmem>>[vector<16xi32>], vector<16xf32>,
    %add3A_313 = arith.addf %gather3A_308, %gather3A_312 : vector<16xf32>
    %add3A_314 = arith.constant 2 : i32
    %add3A_315 = vector.broadcast %add3A_314 : i32 to vector<16xi32>
    %add3A_316 = arith.addi %mul3A_307, %add3A_315 : vector<16xi32>
    %gather3A_317 = tpu.vector_load_idx %arg8[%add3A_316] : memref<4096xf32, #tpu.memory_space<vmem>>[vector<16xi32>], vector<16xf32>,
    %add3A_318 = arith.addf %add3A_313, %gather3A_317 : vector<16xf32>
    %add3A_319 = arith.constant 3 : i32
    %add3A_320 = vector.broadcast %add3A_319 : i32 to vector<16xi32>
    %add3A_321 = arith.addi %mul3A_307, %add3A_320 : vector<16xi32>
    %gather3A_322 = tpu.vector_load_idx %arg8[%add3A_321] : memref<4096xf32, #tpu.memory_space<vmem>>[vector<16xi32>], vector<16xf32>,
    %add3A_323 = arith.addf %add3A_318, %gather3A_322 : vector<16xf32>
    %add3A_324 = arith.constant 4 : i32
    %add3A_325 = vector.broadcast %add3A_324 : i32 to vector<16xi32>
    %add3A_326 = arith.addi %mul3A_307, %add3A_325 : vector<16xi32>
    %gather3A_327 = tpu.vector_load_idx %arg8[%add3A_326] : memref<4096xf32, #tpu.memory_space<vmem>>[vector<16xi32>], vector<16xf32>,
    %add3A_328 = arith.addf %add3A_323, %gather3A_327 : vector<16xf32>
    %add3A_329 = arith.constant 5 : i32
    %add3A_330 = vector.broadcast %add3A_329 : i32 to vector<16xi32>
    %add3A_331 = arith.addi %mul3A_307, %add3A_330 : vector<16xi32>
    %gather3A_332 = tpu.vector_load_idx %arg8[%add3A_331] : memref<4096xf32, #tpu.memory_space<vmem>>[vector<16xi32>], vector<16xf32>,
    %add3A_333 = arith.addf %add3A_328, %gather3A_332 : vector<16xf32>
    %add3A_334 = arith.constant 6 : i32
    %add3A_335 = vector.broadcast %add3A_334 : i32 to vector<16xi32>
    %add3A_336 = arith.addi %mul3A_307, %add3A_335 : vector<16xi32>
    %gather3A_337 = tpu.vector_load_idx %arg8[%add3A_336] : memref<4096xf32, #tpu.memory_space<vmem>>[vector<16xi32>], vector<16xf32>,
    %add3A_338 = arith.addf %add3A_333, %gather3A_337 : vector<16xf32>
    %add3A_339 = arith.constant 7 : i32
    %add3A_340 = vector.broadcast %add3A_339 : i32 to vector<16xi32>
    %add3A_341 = arith.addi %mul3A_307, %add3A_340 : vector<16xi32>
    %gather3A_342 = tpu.vector_load_idx %arg8[%add3A_341] : memref<4096xf32, #tpu.memory_space<vmem>>[vector<16xi32>], vector<16xf32>,
    %add3A_343 = arith.addf %add3A_338, %gather3A_342 : vector<16xf32>
    %add3A_344 = arith.constant 8 : i32
    %add3A_345 = vector.broadcast %add3A_344 : i32 to vector<16xi32>
    %add3A_346 = arith.addi %mul3A_307, %add3A_345 : vector<16xi32>
    %gather3A_347 = tpu.vector_load_idx %arg8[%add3A_346] : memref<4096xf32, #tpu.memory_space<vmem>>[vector<16xi32>], vector<16xf32>,
    %add3A_348 = arith.addf %add3A_343, %gather3A_347 : vector<16xf32>
    %add3A_349 = arith.constant 9 : i32
    %add3A_350 = vector.broadcast %add3A_349 : i32 to vector<16xi32>
    %add3A_351 = arith.addi %mul3A_307, %add3A_350 : vector<16xi32>
    %gather3A_352 = tpu.vector_load_idx %arg8[%add3A_351] : memref<4096xf32, #tpu.memory_space<vmem>>[vector<16xi32>], vector<16xf32>,
    %add3A_353 = arith.addf %add3A_348, %gather3A_352 : vector<16xf32>
    %add3A_354 = arith.constant 10 : i32
    %add3A_355 = vector.broadcast %add3A_354 : i32 to vector<16xi32>
    %add3A_356 = arith.addi %mul3A_307, %add3A_355 : vector<16xi32>
    %gather3A_357 = tpu.vector_load_idx %arg8[%add3A_356] : memref<4096xf32, #tpu.memory_space<vmem>>[vector<16xi32>], vector<16xf32>,
    %add3A_358 = arith.addf %add3A_353, %gather3A_357 : vector<16xf32>
    %add3A_359 = arith.constant 11 : i32
    %add3A_360 = vector.broadcast %add3A_359 : i32 to vector<16xi32>
    %add3A_361 = arith.addi %mul3A_307, %add3A_360 : vector<16xi32>
    %gather3A_362 = tpu.vector_load_idx %arg8[%add3A_361] : memref<4096xf32, #tpu.memory_space<vmem>>[vector<16xi32>], vector<16xf32>,
    %add3A_363 = arith.addf %add3A_358, %gather3A_362 : vector<16xf32>
    %add3A_364 = arith.constant 12 : i32
    %add3A_365 = vector.broadcast %add3A_364 : i32 to vector<16xi32>
    %add3A_366 = arith.addi %mul3A_307, %add3A_365 : vector<16xi32>
    %gather3A_367 = tpu.vector_load_idx %arg8[%add3A_366] : memref<4096xf32, #tpu.memory_space<vmem>>[vector<16xi32>], vector<16xf32>,
    %add3A_368 = arith.addf %add3A_363, %gather3A_367 : vector<16xf32>
    %add3A_369 = arith.constant 13 : i32
    %add3A_370 = vector.broadcast %add3A_369 : i32 to vector<16xi32>
    %add3A_371 = arith.addi %mul3A_307, %add3A_370 : vector<16xi32>
    %gather3A_372 = tpu.vector_load_idx %arg8[%add3A_371] : memref<4096xf32, #tpu.memory_space<vmem>>[vector<16xi32>], vector<16xf32>,
    %add3A_373 = arith.addf %add3A_368, %gather3A_372 : vector<16xf32>
    %add3A_374 = arith.constant 14 : i32
    %add3A_375 = vector.broadcast %add3A_374 : i32 to vector<16xi32>
    %add3A_376 = arith.addi %mul3A_307, %add3A_375 : vector<16xi32>
    %gather3A_377 = tpu.vector_load_idx %arg8[%add3A_376] : memref<4096xf32, #tpu.memory_space<vmem>>[vector<16xi32>], vector<16xf32>,
    %add3A_378 = arith.addf %add3A_373, %gather3A_377 : vector<16xf32>
    %add3A_379 = arith.constant 15 : i32
    %add3A_380 = vector.broadcast %add3A_379 : i32 to vector<16xi32>
    %add3A_381 = arith.addi %mul3A_307, %add3A_380 : vector<16xi32>
    %gather3A_382 = tpu.vector_load_idx %arg8[%add3A_381] : memref<4096xf32, #tpu.memory_space<vmem>>[vector<16xi32>], vector<16xf32>,
    %add3A_383 = arith.addf %add3A_378, %gather3A_382 : vector<16xf32>
    %swap3A_384 = arith.constant 48 : index
    %swap3A_385 = tpu.vector_load %arg9[%swap3A_384] {strides = array<i32>} : memref<256xf32, #tpu.memory_space<vmem>>, vector<16xf32>,
    tpu.vector_store %arg9[%swap3A_384], %add3A_383 {strides = array<i32>} : memref<256xf32, #tpu.memory_space<vmem>>, vector<16xf32>,
    %add3A_386 = arith.constant 64 : i32
    %add3A_387 = vector.broadcast %add3A_386 : i32 to vector<16xi32>
    %add3A_388 = arith.addi %iota3A, %add3A_387 : vector<16xi32>
    %mul3A_389 = arith.constant 16 : i32
    %mul3A_390 = vector.broadcast %mul3A_389 : i32 to vector<16xi32>
    %mul3A_391 = arith.muli %add3A_388, %mul3A_390 : vector<16xi32>
    %gather3A_392 = tpu.vector_load_idx %arg8[%mul3A_391] : memref<4096xf32, #tpu.memory_space<vmem>>[vector<16xi32>], vector<16xf32>,
    %add3A_393 = arith.constant 1 : i32
    %add3A_394 = vector.broadcast %add3A_393 : i32 to vector<16xi32>
    %add3A_395 = arith.addi %mul3A_391, %add3A_394 : vector<16xi32>
    %gather3A_396 = tpu.vector_load_idx %arg8[%add3A_395] : memref<4096xf32, #tpu.memory_space<vmem>>[vector<16xi32>], vector<16xf32>,
    %add3A_397 = arith.addf %gather3A_392, %gather3A_396 : vector<16xf32>
    %add3A_398 = arith.constant 2 : i32
    %add3A_399 = vector.broadcast %add3A_398 : i32 to vector<16xi32>
    %add3A_400 = arith.addi %mul3A_391, %add3A_399 : vector<16xi32>
    %gather3A_401 = tpu.vector_load_idx %arg8[%add3A_400] : memref<4096xf32, #tpu.memory_space<vmem>>[vector<16xi32>], vector<16xf32>,
    %add3A_402 = arith.addf %add3A_397, %gather3A_401 : vector<16xf32>
    %add3A_403 = arith.constant 3 : i32
    %add3A_404 = vector.broadcast %add3A_403 : i32 to vector<16xi32>
    %add3A_405 = arith.addi %mul3A_391, %add3A_404 : vector<16xi32>
    %gather3A_406 = tpu.vector_load_idx %arg8[%add3A_405] : memref<4096xf32, #tpu.memory_space<vmem>>[vector<16xi32>], vector<16xf32>,
    %add3A_407 = arith.addf %add3A_402, %gather3A_406 : vector<16xf32>
    %add3A_408 = arith.constant 4 : i32
    %add3A_409 = vector.broadcast %add3A_408 : i32 to vector<16xi32>
    %add3A_410 = arith.addi %mul3A_391, %add3A_409 : vector<16xi32>
    %gather3A_411 = tpu.vector_load_idx %arg8[%add3A_410] : memref<4096xf32, #tpu.memory_space<vmem>>[vector<16xi32>], vector<16xf32>,
    %add3A_412 = arith.addf %add3A_407, %gather3A_411 : vector<16xf32>
    %add3A_413 = arith.constant 5 : i32
    %add3A_414 = vector.broadcast %add3A_413 : i32 to vector<16xi32>
    %add3A_415 = arith.addi %mul3A_391, %add3A_414 : vector<16xi32>
    %gather3A_416 = tpu.vector_load_idx %arg8[%add3A_415] : memref<4096xf32, #tpu.memory_space<vmem>>[vector<16xi32>], vector<16xf32>,
    %add3A_417 = arith.addf %add3A_412, %gather3A_416 : vector<16xf32>
    %add3A_418 = arith.constant 6 : i32
    %add3A_419 = vector.broadcast %add3A_418 : i32 to vector<16xi32>
    %add3A_420 = arith.addi %mul3A_391, %add3A_419 : vector<16xi32>
    %gather3A_421 = tpu.vector_load_idx %arg8[%add3A_420] : memref<4096xf32, #tpu.memory_space<vmem>>[vector<16xi32>], vector<16xf32>,
    %add3A_422 = arith.addf %add3A_417, %gather3A_421 : vector<16xf32>
    %add3A_423 = arith.constant 7 : i32
    %add3A_424 = vector.broadcast %add3A_423 : i32 to vector<16xi32>
    %add3A_425 = arith.addi %mul3A_391, %add3A_424 : vector<16xi32>
    %gather3A_426 = tpu.vector_load_idx %arg8[%add3A_425] : memref<4096xf32, #tpu.memory_space<vmem>>[vector<16xi32>], vector<16xf32>,
    %add3A_427 = arith.addf %add3A_422, %gather3A_426 : vector<16xf32>
    %add3A_428 = arith.constant 8 : i32
    %add3A_429 = vector.broadcast %add3A_428 : i32 to vector<16xi32>
    %add3A_430 = arith.addi %mul3A_391, %add3A_429 : vector<16xi32>
    %gather3A_431 = tpu.vector_load_idx %arg8[%add3A_430] : memref<4096xf32, #tpu.memory_space<vmem>>[vector<16xi32>], vector<16xf32>,
    %add3A_432 = arith.addf %add3A_427, %gather3A_431 : vector<16xf32>
    %add3A_433 = arith.constant 9 : i32
    %add3A_434 = vector.broadcast %add3A_433 : i32 to vector<16xi32>
    %add3A_435 = arith.addi %mul3A_391, %add3A_434 : vector<16xi32>
    %gather3A_436 = tpu.vector_load_idx %arg8[%add3A_435] : memref<4096xf32, #tpu.memory_space<vmem>>[vector<16xi32>], vector<16xf32>,
    %add3A_437 = arith.addf %add3A_432, %gather3A_436 : vector<16xf32>
    %add3A_438 = arith.constant 10 : i32
    %add3A_439 = vector.broadcast %add3A_438 : i32 to vector<16xi32>
    %add3A_440 = arith.addi %mul3A_391, %add3A_439 : vector<16xi32>
    %gather3A_441 = tpu.vector_load_idx %arg8[%add3A_440] : memref<4096xf32, #tpu.memory_space<vmem>>[vector<16xi32>], vector<16xf32>,
    %add3A_442 = arith.addf %add3A_437, %gather3A_441 : vector<16xf32>
    %add3A_443 = arith.constant 11 : i32
    %add3A_444 = vector.broadcast %add3A_443 : i32 to vector<16xi32>
    %add3A_445 = arith.addi %mul3A_391, %add3A_444 : vector<16xi32>
    %gather3A_446 = tpu.vector_load_idx %arg8[%add3A_445] : memref<4096xf32, #tpu.memory_space<vmem>>[vector<16xi32>], vector<16xf32>,
    %add3A_447 = arith.addf %add3A_442, %gather3A_446 : vector<16xf32>
    %add3A_448 = arith.constant 12 : i32
    %add3A_449 = vector.broadcast %add3A_448 : i32 to vector<16xi32>
    %add3A_450 = arith.addi %mul3A_391, %add3A_449 : vector<16xi32>
    %gather3A_451 = tpu.vector_load_idx %arg8[%add3A_450] : memref<4096xf32, #tpu.memory_space<vmem>>[vector<16xi32>], vector<16xf32>,
    %add3A_452 = arith.addf %add3A_447, %gather3A_451 : vector<16xf32>
    %add3A_453 = arith.constant 13 : i32
    %add3A_454 = vector.broadcast %add3A_453 : i32 to vector<16xi32>
    %add3A_455 = arith.addi %mul3A_391, %add3A_454 : vector<16xi32>
    %gather3A_456 = tpu.vector_load_idx %arg8[%add3A_455] : memref<4096xf32, #tpu.memory_space<vmem>>[vector<16xi32>], vector<16xf32>,
    %add3A_457 = arith.addf %add3A_452, %gather3A_456 : vector<16xf32>
    %add3A_458 = arith.constant 14 : i32
    %add3A_459 = vector.broadcast %add3A_458 : i32 to vector<16xi32>
    %add3A_460 = arith.addi %mul3A_391, %add3A_459 : vector<16xi32>
    %gather3A_461 = tpu.vector_load_idx %arg8[%add3A_460] : memref<4096xf32, #tpu.memory_space<vmem>>[vector<16xi32>], vector<16xf32>,
    %add3A_462 = arith.addf %add3A_457, %gather3A_461 : vector<16xf32>
    %add3A_463 = arith.constant 15 : i32
    %add3A_464 = vector.broadcast %add3A_463 : i32 to vector<16xi32>
    %add3A_465 = arith.addi %mul3A_391, %add3A_464 : vector<16xi32>
    %gather3A_466 = tpu.vector_load_idx %arg8[%add3A_465] : memref<4096xf32, #tpu.memory_space<vmem>>[vector<16xi32>], vector<16xf32>,
    %add3A_467 = arith.addf %add3A_462, %gather3A_466 : vector<16xf32>
    %swap3A_468 = arith.constant 64 : index
    %swap3A_469 = tpu.vector_load %arg9[%swap3A_468] {strides = array<i32>} : memref<256xf32, #tpu.memory_space<vmem>>, vector<16xf32>,
    tpu.vector_store %arg9[%swap3A_468], %add3A_467 {strides = array<i32>} : memref<256xf32, #tpu.memory_space<vmem>>, vector<16xf32>,
    %add3A_470 = arith.constant 80 : i32
    %add3A_471 = vector.broadcast %add3A_470 : i32 to vector<16xi32>
    %add3A_472 = arith.addi %iota3A, %add3A_471 : vector<16xi32>
    %mul3A_473 = arith.constant 16 : i32
    %mul3A_474 = vector.broadcast %mul3A_473 : i32 to vector<16xi32>
    %mul3A_475 = arith.muli %add3A_472, %mul3A_474 : vector<16xi32>
    %gather3A_476 = tpu.vector_load_idx %arg8[%mul3A_475] : memref<4096xf32, #tpu.memory_space<vmem>>[vector<16xi32>], vector<16xf32>,
    %add3A_477 = arith.constant 1 : i32
    %add3A_478 = vector.broadcast %add3A_477 : i32 to vector<16xi32>
    %add3A_479 = arith.addi %mul3A_475, %add3A_478 : vector<16xi32>
    %gather3A_480 = tpu.vector_load_idx %arg8[%add3A_479] : memref<4096xf32, #tpu.memory_space<vmem>>[vector<16xi32>], vector<16xf32>,
    %add3A_481 = arith.addf %gather3A_476, %gather3A_480 : vector<16xf32>
    %add3A_482 = arith.constant 2 : i32
    %add3A_483 = vector.broadcast %add3A_482 : i32 to vector<16xi32>
    %add3A_484 = arith.addi %mul3A_475, %add3A_483 : vector<16xi32>
    %gather3A_485 = tpu.vector_load_idx %arg8[%add3A_484] : memref<4096xf32, #tpu.memory_space<vmem>>[vector<16xi32>], vector<16xf32>,
    %add3A_486 = arith.addf %add3A_481, %gather3A_485 : vector<16xf32>
    %add3A_487 = arith.constant 3 : i32
    %add3A_488 = vector.broadcast %add3A_487 : i32 to vector<16xi32>
    %add3A_489 = arith.addi %mul3A_475, %add3A_488 : vector<16xi32>
    %gather3A_490 = tpu.vector_load_idx %arg8[%add3A_489] : memref<4096xf32, #tpu.memory_space<vmem>>[vector<16xi32>], vector<16xf32>,
    %add3A_491 = arith.addf %add3A_486, %gather3A_490 : vector<16xf32>
    %add3A_492 = arith.constant 4 : i32
    %add3A_493 = vector.broadcast %add3A_492 : i32 to vector<16xi32>
    %add3A_494 = arith.addi %mul3A_475, %add3A_493 : vector<16xi32>
    %gather3A_495 = tpu.vector_load_idx %arg8[%add3A_494] : memref<4096xf32, #tpu.memory_space<vmem>>[vector<16xi32>], vector<16xf32>,
    %add3A_496 = arith.addf %add3A_491, %gather3A_495 : vector<16xf32>
    %add3A_497 = arith.constant 5 : i32
    %add3A_498 = vector.broadcast %add3A_497 : i32 to vector<16xi32>
    %add3A_499 = arith.addi %mul3A_475, %add3A_498 : vector<16xi32>
    %gather3A_500 = tpu.vector_load_idx %arg8[%add3A_499] : memref<4096xf32, #tpu.memory_space<vmem>>[vector<16xi32>], vector<16xf32>,
    %add3A_501 = arith.addf %add3A_496, %gather3A_500 : vector<16xf32>
    %add3A_502 = arith.constant 6 : i32
    %add3A_503 = vector.broadcast %add3A_502 : i32 to vector<16xi32>
    %add3A_504 = arith.addi %mul3A_475, %add3A_503 : vector<16xi32>
    %gather3A_505 = tpu.vector_load_idx %arg8[%add3A_504] : memref<4096xf32, #tpu.memory_space<vmem>>[vector<16xi32>], vector<16xf32>,
    %add3A_506 = arith.addf %add3A_501, %gather3A_505 : vector<16xf32>
    %add3A_507 = arith.constant 7 : i32
    %add3A_508 = vector.broadcast %add3A_507 : i32 to vector<16xi32>
    %add3A_509 = arith.addi %mul3A_475, %add3A_508 : vector<16xi32>
    %gather3A_510 = tpu.vector_load_idx %arg8[%add3A_509] : memref<4096xf32, #tpu.memory_space<vmem>>[vector<16xi32>], vector<16xf32>,
    %add3A_511 = arith.addf %add3A_506, %gather3A_510 : vector<16xf32>
    %add3A_512 = arith.constant 8 : i32
    %add3A_513 = vector.broadcast %add3A_512 : i32 to vector<16xi32>
    %add3A_514 = arith.addi %mul3A_475, %add3A_513 : vector<16xi32>
    %gather3A_515 = tpu.vector_load_idx %arg8[%add3A_514] : memref<4096xf32, #tpu.memory_space<vmem>>[vector<16xi32>], vector<16xf32>,
    %add3A_516 = arith.addf %add3A_511, %gather3A_515 : vector<16xf32>
    %add3A_517 = arith.constant 9 : i32
    %add3A_518 = vector.broadcast %add3A_517 : i32 to vector<16xi32>
    %add3A_519 = arith.addi %mul3A_475, %add3A_518 : vector<16xi32>
    %gather3A_520 = tpu.vector_load_idx %arg8[%add3A_519] : memref<4096xf32, #tpu.memory_space<vmem>>[vector<16xi32>], vector<16xf32>,
    %add3A_521 = arith.addf %add3A_516, %gather3A_520 : vector<16xf32>
    %add3A_522 = arith.constant 10 : i32
    %add3A_523 = vector.broadcast %add3A_522 : i32 to vector<16xi32>
    %add3A_524 = arith.addi %mul3A_475, %add3A_523 : vector<16xi32>
    %gather3A_525 = tpu.vector_load_idx %arg8[%add3A_524] : memref<4096xf32, #tpu.memory_space<vmem>>[vector<16xi32>], vector<16xf32>,
    %add3A_526 = arith.addf %add3A_521, %gather3A_525 : vector<16xf32>
    %add3A_527 = arith.constant 11 : i32
    %add3A_528 = vector.broadcast %add3A_527 : i32 to vector<16xi32>
    %add3A_529 = arith.addi %mul3A_475, %add3A_528 : vector<16xi32>
    %gather3A_530 = tpu.vector_load_idx %arg8[%add3A_529] : memref<4096xf32, #tpu.memory_space<vmem>>[vector<16xi32>], vector<16xf32>,
    %add3A_531 = arith.addf %add3A_526, %gather3A_530 : vector<16xf32>
    %add3A_532 = arith.constant 12 : i32
    %add3A_533 = vector.broadcast %add3A_532 : i32 to vector<16xi32>
    %add3A_534 = arith.addi %mul3A_475, %add3A_533 : vector<16xi32>
    %gather3A_535 = tpu.vector_load_idx %arg8[%add3A_534] : memref<4096xf32, #tpu.memory_space<vmem>>[vector<16xi32>], vector<16xf32>,
    %add3A_536 = arith.addf %add3A_531, %gather3A_535 : vector<16xf32>
    %add3A_537 = arith.constant 13 : i32
    %add3A_538 = vector.broadcast %add3A_537 : i32 to vector<16xi32>
    %add3A_539 = arith.addi %mul3A_475, %add3A_538 : vector<16xi32>
    %gather3A_540 = tpu.vector_load_idx %arg8[%add3A_539] : memref<4096xf32, #tpu.memory_space<vmem>>[vector<16xi32>], vector<16xf32>,
    %add3A_541 = arith.addf %add3A_536, %gather3A_540 : vector<16xf32>
    %add3A_542 = arith.constant 14 : i32
    %add3A_543 = vector.broadcast %add3A_542 : i32 to vector<16xi32>
    %add3A_544 = arith.addi %mul3A_475, %add3A_543 : vector<16xi32>
    %gather3A_545 = tpu.vector_load_idx %arg8[%add3A_544] : memref<4096xf32, #tpu.memory_space<vmem>>[vector<16xi32>], vector<16xf32>,
    %add3A_546 = arith.addf %add3A_541, %gather3A_545 : vector<16xf32>
    %add3A_547 = arith.constant 15 : i32
    %add3A_548 = vector.broadcast %add3A_547 : i32 to vector<16xi32>
    %add3A_549 = arith.addi %mul3A_475, %add3A_548 : vector<16xi32>
    %gather3A_550 = tpu.vector_load_idx %arg8[%add3A_549] : memref<4096xf32, #tpu.memory_space<vmem>>[vector<16xi32>], vector<16xf32>,
    %add3A_551 = arith.addf %add3A_546, %gather3A_550 : vector<16xf32>
    %swap3A_552 = arith.constant 80 : index
    %swap3A_553 = tpu.vector_load %arg9[%swap3A_552] {strides = array<i32>} : memref<256xf32, #tpu.memory_space<vmem>>, vector<16xf32>,
    tpu.vector_store %arg9[%swap3A_552], %add3A_551 {strides = array<i32>} : memref<256xf32, #tpu.memory_space<vmem>>, vector<16xf32>,
    %add3A_554 = arith.constant 96 : i32
    %add3A_555 = vector.broadcast %add3A_554 : i32 to vector<16xi32>
    %add3A_556 = arith.addi %iota3A, %add3A_555 : vector<16xi32>
    %mul3A_557 = arith.constant 16 : i32
    %mul3A_558 = vector.broadcast %mul3A_557 : i32 to vector<16xi32>
    %mul3A_559 = arith.muli %add3A_556, %mul3A_558 : vector<16xi32>
    %gather3A_560 = tpu.vector_load_idx %arg8[%mul3A_559] : memref<4096xf32, #tpu.memory_space<vmem>>[vector<16xi32>], vector<16xf32>,
    %add3A_561 = arith.constant 1 : i32
    %add3A_562 = vector.broadcast %add3A_561 : i32 to vector<16xi32>
    %add3A_563 = arith.addi %mul3A_559, %add3A_562 : vector<16xi32>
    %gather3A_564 = tpu.vector_load_idx %arg8[%add3A_563] : memref<4096xf32, #tpu.memory_space<vmem>>[vector<16xi32>], vector<16xf32>,
    %add3A_565 = arith.addf %gather3A_560, %gather3A_564 : vector<16xf32>
    %add3A_566 = arith.constant 2 : i32
    %add3A_567 = vector.broadcast %add3A_566 : i32 to vector<16xi32>
    %add3A_568 = arith.addi %mul3A_559, %add3A_567 : vector<16xi32>
    %gather3A_569 = tpu.vector_load_idx %arg8[%add3A_568] : memref<4096xf32, #tpu.memory_space<vmem>>[vector<16xi32>], vector<16xf32>,
    %add3A_570 = arith.addf %add3A_565, %gather3A_569 : vector<16xf32>
    %add3A_571 = arith.constant 3 : i32
    %add3A_572 = vector.broadcast %add3A_571 : i32 to vector<16xi32>
    %add3A_573 = arith.addi %mul3A_559, %add3A_572 : vector<16xi32>
    %gather3A_574 = tpu.vector_load_idx %arg8[%add3A_573] : memref<4096xf32, #tpu.memory_space<vmem>>[vector<16xi32>], vector<16xf32>,
    %add3A_575 = arith.addf %add3A_570, %gather3A_574 : vector<16xf32>
    %add3A_576 = arith.constant 4 : i32
    %add3A_577 = vector.broadcast %add3A_576 : i32 to vector<16xi32>
    %add3A_578 = arith.addi %mul3A_559, %add3A_577 : vector<16xi32>
    %gather3A_579 = tpu.vector_load_idx %arg8[%add3A_578] : memref<4096xf32, #tpu.memory_space<vmem>>[vector<16xi32>], vector<16xf32>,
    %add3A_580 = arith.addf %add3A_575, %gather3A_579 : vector<16xf32>
    %add3A_581 = arith.constant 5 : i32
    %add3A_582 = vector.broadcast %add3A_581 : i32 to vector<16xi32>
    %add3A_583 = arith.addi %mul3A_559, %add3A_582 : vector<16xi32>
    %gather3A_584 = tpu.vector_load_idx %arg8[%add3A_583] : memref<4096xf32, #tpu.memory_space<vmem>>[vector<16xi32>], vector<16xf32>,
    %add3A_585 = arith.addf %add3A_580, %gather3A_584 : vector<16xf32>
    %add3A_586 = arith.constant 6 : i32
    %add3A_587 = vector.broadcast %add3A_586 : i32 to vector<16xi32>
    %add3A_588 = arith.addi %mul3A_559, %add3A_587 : vector<16xi32>
    %gather3A_589 = tpu.vector_load_idx %arg8[%add3A_588] : memref<4096xf32, #tpu.memory_space<vmem>>[vector<16xi32>], vector<16xf32>,
    %add3A_590 = arith.addf %add3A_585, %gather3A_589 : vector<16xf32>
    %add3A_591 = arith.constant 7 : i32
    %add3A_592 = vector.broadcast %add3A_591 : i32 to vector<16xi32>
    %add3A_593 = arith.addi %mul3A_559, %add3A_592 : vector<16xi32>
    %gather3A_594 = tpu.vector_load_idx %arg8[%add3A_593] : memref<4096xf32, #tpu.memory_space<vmem>>[vector<16xi32>], vector<16xf32>,
    %add3A_595 = arith.addf %add3A_590, %gather3A_594 : vector<16xf32>
    %add3A_596 = arith.constant 8 : i32
    %add3A_597 = vector.broadcast %add3A_596 : i32 to vector<16xi32>
    %add3A_598 = arith.addi %mul3A_559, %add3A_597 : vector<16xi32>
    %gather3A_599 = tpu.vector_load_idx %arg8[%add3A_598] : memref<4096xf32, #tpu.memory_space<vmem>>[vector<16xi32>], vector<16xf32>,
    %add3A_600 = arith.addf %add3A_595, %gather3A_599 : vector<16xf32>
    %add3A_601 = arith.constant 9 : i32
    %add3A_602 = vector.broadcast %add3A_601 : i32 to vector<16xi32>
    %add3A_603 = arith.addi %mul3A_559, %add3A_602 : vector<16xi32>
    %gather3A_604 = tpu.vector_load_idx %arg8[%add3A_603] : memref<4096xf32, #tpu.memory_space<vmem>>[vector<16xi32>], vector<16xf32>,
    %add3A_605 = arith.addf %add3A_600, %gather3A_604 : vector<16xf32>
    %add3A_606 = arith.constant 10 : i32
    %add3A_607 = vector.broadcast %add3A_606 : i32 to vector<16xi32>
    %add3A_608 = arith.addi %mul3A_559, %add3A_607 : vector<16xi32>
    %gather3A_609 = tpu.vector_load_idx %arg8[%add3A_608] : memref<4096xf32, #tpu.memory_space<vmem>>[vector<16xi32>], vector<16xf32>,
    %add3A_610 = arith.addf %add3A_605, %gather3A_609 : vector<16xf32>
    %add3A_611 = arith.constant 11 : i32
    %add3A_612 = vector.broadcast %add3A_611 : i32 to vector<16xi32>
    %add3A_613 = arith.addi %mul3A_559, %add3A_612 : vector<16xi32>
    %gather3A_614 = tpu.vector_load_idx %arg8[%add3A_613] : memref<4096xf32, #tpu.memory_space<vmem>>[vector<16xi32>], vector<16xf32>,
    %add3A_615 = arith.addf %add3A_610, %gather3A_614 : vector<16xf32>
    %add3A_616 = arith.constant 12 : i32
    %add3A_617 = vector.broadcast %add3A_616 : i32 to vector<16xi32>
    %add3A_618 = arith.addi %mul3A_559, %add3A_617 : vector<16xi32>
    %gather3A_619 = tpu.vector_load_idx %arg8[%add3A_618] : memref<4096xf32, #tpu.memory_space<vmem>>[vector<16xi32>], vector<16xf32>,
    %add3A_620 = arith.addf %add3A_615, %gather3A_619 : vector<16xf32>
    %add3A_621 = arith.constant 13 : i32
    %add3A_622 = vector.broadcast %add3A_621 : i32 to vector<16xi32>
    %add3A_623 = arith.addi %mul3A_559, %add3A_622 : vector<16xi32>
    %gather3A_624 = tpu.vector_load_idx %arg8[%add3A_623] : memref<4096xf32, #tpu.memory_space<vmem>>[vector<16xi32>], vector<16xf32>,
    %add3A_625 = arith.addf %add3A_620, %gather3A_624 : vector<16xf32>
    %add3A_626 = arith.constant 14 : i32
    %add3A_627 = vector.broadcast %add3A_626 : i32 to vector<16xi32>
    %add3A_628 = arith.addi %mul3A_559, %add3A_627 : vector<16xi32>
    %gather3A_629 = tpu.vector_load_idx %arg8[%add3A_628] : memref<4096xf32, #tpu.memory_space<vmem>>[vector<16xi32>], vector<16xf32>,
    %add3A_630 = arith.addf %add3A_625, %gather3A_629 : vector<16xf32>
    %add3A_631 = arith.constant 15 : i32
    %add3A_632 = vector.broadcast %add3A_631 : i32 to vector<16xi32>
    %add3A_633 = arith.addi %mul3A_559, %add3A_632 : vector<16xi32>
    %gather3A_634 = tpu.vector_load_idx %arg8[%add3A_633] : memref<4096xf32, #tpu.memory_space<vmem>>[vector<16xi32>], vector<16xf32>,
    %add3A_635 = arith.addf %add3A_630, %gather3A_634 : vector<16xf32>
    %swap3A_636 = arith.constant 96 : index
    %swap3A_637 = tpu.vector_load %arg9[%swap3A_636] {strides = array<i32>} : memref<256xf32, #tpu.memory_space<vmem>>, vector<16xf32>,
    tpu.vector_store %arg9[%swap3A_636], %add3A_635 {strides = array<i32>} : memref<256xf32, #tpu.memory_space<vmem>>, vector<16xf32>,
    %add3A_638 = arith.constant 112 : i32
    %add3A_639 = vector.broadcast %add3A_638 : i32 to vector<16xi32>
    %add3A_640 = arith.addi %iota3A, %add3A_639 : vector<16xi32>
    %mul3A_641 = arith.constant 16 : i32
    %mul3A_642 = vector.broadcast %mul3A_641 : i32 to vector<16xi32>
    %mul3A_643 = arith.muli %add3A_640, %mul3A_642 : vector<16xi32>
    %gather3A_644 = tpu.vector_load_idx %arg8[%mul3A_643] : memref<4096xf32, #tpu.memory_space<vmem>>[vector<16xi32>], vector<16xf32>,
    %add3A_645 = arith.constant 1 : i32
    %add3A_646 = vector.broadcast %add3A_645 : i32 to vector<16xi32>
    %add3A_647 = arith.addi %mul3A_643, %add3A_646 : vector<16xi32>
    %gather3A_648 = tpu.vector_load_idx %arg8[%add3A_647] : memref<4096xf32, #tpu.memory_space<vmem>>[vector<16xi32>], vector<16xf32>,
    %add3A_649 = arith.addf %gather3A_644, %gather3A_648 : vector<16xf32>
    %add3A_650 = arith.constant 2 : i32
    %add3A_651 = vector.broadcast %add3A_650 : i32 to vector<16xi32>
    %add3A_652 = arith.addi %mul3A_643, %add3A_651 : vector<16xi32>
    %gather3A_653 = tpu.vector_load_idx %arg8[%add3A_652] : memref<4096xf32, #tpu.memory_space<vmem>>[vector<16xi32>], vector<16xf32>,
    %add3A_654 = arith.addf %add3A_649, %gather3A_653 : vector<16xf32>
    %add3A_655 = arith.constant 3 : i32
    %add3A_656 = vector.broadcast %add3A_655 : i32 to vector<16xi32>
    %add3A_657 = arith.addi %mul3A_643, %add3A_656 : vector<16xi32>
    %gather3A_658 = tpu.vector_load_idx %arg8[%add3A_657] : memref<4096xf32, #tpu.memory_space<vmem>>[vector<16xi32>], vector<16xf32>,
    %add3A_659 = arith.addf %add3A_654, %gather3A_658 : vector<16xf32>
    %add3A_660 = arith.constant 4 : i32
    %add3A_661 = vector.broadcast %add3A_660 : i32 to vector<16xi32>
    %add3A_662 = arith.addi %mul3A_643, %add3A_661 : vector<16xi32>
    %gather3A_663 = tpu.vector_load_idx %arg8[%add3A_662] : memref<4096xf32, #tpu.memory_space<vmem>>[vector<16xi32>], vector<16xf32>,
    %add3A_664 = arith.addf %add3A_659, %gather3A_663 : vector<16xf32>
    %add3A_665 = arith.constant 5 : i32
    %add3A_666 = vector.broadcast %add3A_665 : i32 to vector<16xi32>
    %add3A_667 = arith.addi %mul3A_643, %add3A_666 : vector<16xi32>
    %gather3A_668 = tpu.vector_load_idx %arg8[%add3A_667] : memref<4096xf32, #tpu.memory_space<vmem>>[vector<16xi32>], vector<16xf32>,
    %add3A_669 = arith.addf %add3A_664, %gather3A_668 : vector<16xf32>
    %add3A_670 = arith.constant 6 : i32
    %add3A_671 = vector.broadcast %add3A_670 : i32 to vector<16xi32>
    %add3A_672 = arith.addi %mul3A_643, %add3A_671 : vector<16xi32>
    %gather3A_673 = tpu.vector_load_idx %arg8[%add3A_672] : memref<4096xf32, #tpu.memory_space<vmem>>[vector<16xi32>], vector<16xf32>,
    %add3A_674 = arith.addf %add3A_669, %gather3A_673 : vector<16xf32>
    %add3A_675 = arith.constant 7 : i32
    %add3A_676 = vector.broadcast %add3A_675 : i32 to vector<16xi32>
    %add3A_677 = arith.addi %mul3A_643, %add3A_676 : vector<16xi32>
    %gather3A_678 = tpu.vector_load_idx %arg8[%add3A_677] : memref<4096xf32, #tpu.memory_space<vmem>>[vector<16xi32>], vector<16xf32>,
    %add3A_679 = arith.addf %add3A_674, %gather3A_678 : vector<16xf32>
    %add3A_680 = arith.constant 8 : i32
    %add3A_681 = vector.broadcast %add3A_680 : i32 to vector<16xi32>
    %add3A_682 = arith.addi %mul3A_643, %add3A_681 : vector<16xi32>
    %gather3A_683 = tpu.vector_load_idx %arg8[%add3A_682] : memref<4096xf32, #tpu.memory_space<vmem>>[vector<16xi32>], vector<16xf32>,
    %add3A_684 = arith.addf %add3A_679, %gather3A_683 : vector<16xf32>
    %add3A_685 = arith.constant 9 : i32
    %add3A_686 = vector.broadcast %add3A_685 : i32 to vector<16xi32>
    %add3A_687 = arith.addi %mul3A_643, %add3A_686 : vector<16xi32>
    %gather3A_688 = tpu.vector_load_idx %arg8[%add3A_687] : memref<4096xf32, #tpu.memory_space<vmem>>[vector<16xi32>], vector<16xf32>,
    %add3A_689 = arith.addf %add3A_684, %gather3A_688 : vector<16xf32>
    %add3A_690 = arith.constant 10 : i32
    %add3A_691 = vector.broadcast %add3A_690 : i32 to vector<16xi32>
    %add3A_692 = arith.addi %mul3A_643, %add3A_691 : vector<16xi32>
    %gather3A_693 = tpu.vector_load_idx %arg8[%add3A_692] : memref<4096xf32, #tpu.memory_space<vmem>>[vector<16xi32>], vector<16xf32>,
    %add3A_694 = arith.addf %add3A_689, %gather3A_693 : vector<16xf32>
    %add3A_695 = arith.constant 11 : i32
    %add3A_696 = vector.broadcast %add3A_695 : i32 to vector<16xi32>
    %add3A_697 = arith.addi %mul3A_643, %add3A_696 : vector<16xi32>
    %gather3A_698 = tpu.vector_load_idx %arg8[%add3A_697] : memref<4096xf32, #tpu.memory_space<vmem>>[vector<16xi32>], vector<16xf32>,
    %add3A_699 = arith.addf %add3A_694, %gather3A_698 : vector<16xf32>
    %add3A_700 = arith.constant 12 : i32
    %add3A_701 = vector.broadcast %add3A_700 : i32 to vector<16xi32>
    %add3A_702 = arith.addi %mul3A_643, %add3A_701 : vector<16xi32>
    %gather3A_703 = tpu.vector_load_idx %arg8[%add3A_702] : memref<4096xf32, #tpu.memory_space<vmem>>[vector<16xi32>], vector<16xf32>,
    %add3A_704 = arith.addf %add3A_699, %gather3A_703 : vector<16xf32>
    %add3A_705 = arith.constant 13 : i32
    %add3A_706 = vector.broadcast %add3A_705 : i32 to vector<16xi32>
    %add3A_707 = arith.addi %mul3A_643, %add3A_706 : vector<16xi32>
    %gather3A_708 = tpu.vector_load_idx %arg8[%add3A_707] : memref<4096xf32, #tpu.memory_space<vmem>>[vector<16xi32>], vector<16xf32>,
    %add3A_709 = arith.addf %add3A_704, %gather3A_708 : vector<16xf32>
    %add3A_710 = arith.constant 14 : i32
    %add3A_711 = vector.broadcast %add3A_710 : i32 to vector<16xi32>
    %add3A_712 = arith.addi %mul3A_643, %add3A_711 : vector<16xi32>
    %gather3A_713 = tpu.vector_load_idx %arg8[%add3A_712] : memref<4096xf32, #tpu.memory_space<vmem>>[vector<16xi32>], vector<16xf32>,
    %add3A_714 = arith.addf %add3A_709, %gather3A_713 : vector<16xf32>
    %add3A_715 = arith.constant 15 : i32
    %add3A_716 = vector.broadcast %add3A_715 : i32 to vector<16xi32>
    %add3A_717 = arith.addi %mul3A_643, %add3A_716 : vector<16xi32>
    %gather3A_718 = tpu.vector_load_idx %arg8[%add3A_717] : memref<4096xf32, #tpu.memory_space<vmem>>[vector<16xi32>], vector<16xf32>,
    %add3A_719 = arith.addf %add3A_714, %gather3A_718 : vector<16xf32>
    %swap3A_720 = arith.constant 112 : index
    %swap3A_721 = tpu.vector_load %arg9[%swap3A_720] {strides = array<i32>} : memref<256xf32, #tpu.memory_space<vmem>>, vector<16xf32>,
    tpu.vector_store %arg9[%swap3A_720], %add3A_719 {strides = array<i32>} : memref<256xf32, #tpu.memory_space<vmem>>, vector<16xf32>,
    %add3A_722 = arith.constant 128 : i32
    %add3A_723 = vector.broadcast %add3A_722 : i32 to vector<16xi32>
    %add3A_724 = arith.addi %iota3A, %add3A_723 : vector<16xi32>
    %mul3A_725 = arith.constant 16 : i32
    %mul3A_726 = vector.broadcast %mul3A_725 : i32 to vector<16xi32>
    %mul3A_727 = arith.muli %add3A_724, %mul3A_726 : vector<16xi32>
    %gather3A_728 = tpu.vector_load_idx %arg8[%mul3A_727] : memref<4096xf32, #tpu.memory_space<vmem>>[vector<16xi32>], vector<16xf32>,
    %add3A_729 = arith.constant 1 : i32
    %add3A_730 = vector.broadcast %add3A_729 : i32 to vector<16xi32>
    %add3A_731 = arith.addi %mul3A_727, %add3A_730 : vector<16xi32>
    %gather3A_732 = tpu.vector_load_idx %arg8[%add3A_731] : memref<4096xf32, #tpu.memory_space<vmem>>[vector<16xi32>], vector<16xf32>,
    %add3A_733 = arith.addf %gather3A_728, %gather3A_732 : vector<16xf32>
    %add3A_734 = arith.constant 2 : i32
    %add3A_735 = vector.broadcast %add3A_734 : i32 to vector<16xi32>
    %add3A_736 = arith.addi %mul3A_727, %add3A_735 : vector<16xi32>
    %gather3A_737 = tpu.vector_load_idx %arg8[%add3A_736] : memref<4096xf32, #tpu.memory_space<vmem>>[vector<16xi32>], vector<16xf32>,
    %add3A_738 = arith.addf %add3A_733, %gather3A_737 : vector<16xf32>
    %add3A_739 = arith.constant 3 : i32
    %add3A_740 = vector.broadcast %add3A_739 : i32 to vector<16xi32>
    %add3A_741 = arith.addi %mul3A_727, %add3A_740 : vector<16xi32>
    %gather3A_742 = tpu.vector_load_idx %arg8[%add3A_741] : memref<4096xf32, #tpu.memory_space<vmem>>[vector<16xi32>], vector<16xf32>,
    %add3A_743 = arith.addf %add3A_738, %gather3A_742 : vector<16xf32>
    %add3A_744 = arith.constant 4 : i32
    %add3A_745 = vector.broadcast %add3A_744 : i32 to vector<16xi32>
    %add3A_746 = arith.addi %mul3A_727, %add3A_745 : vector<16xi32>
    %gather3A_747 = tpu.vector_load_idx %arg8[%add3A_746] : memref<4096xf32, #tpu.memory_space<vmem>>[vector<16xi32>], vector<16xf32>,
    %add3A_748 = arith.addf %add3A_743, %gather3A_747 : vector<16xf32>
    %add3A_749 = arith.constant 5 : i32
    %add3A_750 = vector.broadcast %add3A_749 : i32 to vector<16xi32>
    %add3A_751 = arith.addi %mul3A_727, %add3A_750 : vector<16xi32>
    %gather3A_752 = tpu.vector_load_idx %arg8[%add3A_751] : memref<4096xf32, #tpu.memory_space<vmem>>[vector<16xi32>], vector<16xf32>,
    %add3A_753 = arith.addf %add3A_748, %gather3A_752 : vector<16xf32>
    %add3A_754 = arith.constant 6 : i32
    %add3A_755 = vector.broadcast %add3A_754 : i32 to vector<16xi32>
    %add3A_756 = arith.addi %mul3A_727, %add3A_755 : vector<16xi32>
    %gather3A_757 = tpu.vector_load_idx %arg8[%add3A_756] : memref<4096xf32, #tpu.memory_space<vmem>>[vector<16xi32>], vector<16xf32>,
    %add3A_758 = arith.addf %add3A_753, %gather3A_757 : vector<16xf32>
    %add3A_759 = arith.constant 7 : i32
    %add3A_760 = vector.broadcast %add3A_759 : i32 to vector<16xi32>
    %add3A_761 = arith.addi %mul3A_727, %add3A_760 : vector<16xi32>
    %gather3A_762 = tpu.vector_load_idx %arg8[%add3A_761] : memref<4096xf32, #tpu.memory_space<vmem>>[vector<16xi32>], vector<16xf32>,
    %add3A_763 = arith.addf %add3A_758, %gather3A_762 : vector<16xf32>
    %add3A_764 = arith.constant 8 : i32
    %add3A_765 = vector.broadcast %add3A_764 : i32 to vector<16xi32>
    %add3A_766 = arith.addi %mul3A_727, %add3A_765 : vector<16xi32>
    %gather3A_767 = tpu.vector_load_idx %arg8[%add3A_766] : memref<4096xf32, #tpu.memory_space<vmem>>[vector<16xi32>], vector<16xf32>,
    %add3A_768 = arith.addf %add3A_763, %gather3A_767 : vector<16xf32>
    %add3A_769 = arith.constant 9 : i32
    %add3A_770 = vector.broadcast %add3A_769 : i32 to vector<16xi32>
    %add3A_771 = arith.addi %mul3A_727, %add3A_770 : vector<16xi32>
    %gather3A_772 = tpu.vector_load_idx %arg8[%add3A_771] : memref<4096xf32, #tpu.memory_space<vmem>>[vector<16xi32>], vector<16xf32>,
    %add3A_773 = arith.addf %add3A_768, %gather3A_772 : vector<16xf32>
    %add3A_774 = arith.constant 10 : i32
    %add3A_775 = vector.broadcast %add3A_774 : i32 to vector<16xi32>
    %add3A_776 = arith.addi %mul3A_727, %add3A_775 : vector<16xi32>
    %gather3A_777 = tpu.vector_load_idx %arg8[%add3A_776] : memref<4096xf32, #tpu.memory_space<vmem>>[vector<16xi32>], vector<16xf32>,
    %add3A_778 = arith.addf %add3A_773, %gather3A_777 : vector<16xf32>
    %add3A_779 = arith.constant 11 : i32
    %add3A_780 = vector.broadcast %add3A_779 : i32 to vector<16xi32>
    %add3A_781 = arith.addi %mul3A_727, %add3A_780 : vector<16xi32>
    %gather3A_782 = tpu.vector_load_idx %arg8[%add3A_781] : memref<4096xf32, #tpu.memory_space<vmem>>[vector<16xi32>], vector<16xf32>,
    %add3A_783 = arith.addf %add3A_778, %gather3A_782 : vector<16xf32>
    %add3A_784 = arith.constant 12 : i32
    %add3A_785 = vector.broadcast %add3A_784 : i32 to vector<16xi32>
    %add3A_786 = arith.addi %mul3A_727, %add3A_785 : vector<16xi32>
    %gather3A_787 = tpu.vector_load_idx %arg8[%add3A_786] : memref<4096xf32, #tpu.memory_space<vmem>>[vector<16xi32>], vector<16xf32>,
    %add3A_788 = arith.addf %add3A_783, %gather3A_787 : vector<16xf32>
    %add3A_789 = arith.constant 13 : i32
    %add3A_790 = vector.broadcast %add3A_789 : i32 to vector<16xi32>
    %add3A_791 = arith.addi %mul3A_727, %add3A_790 : vector<16xi32>
    %gather3A_792 = tpu.vector_load_idx %arg8[%add3A_791] : memref<4096xf32, #tpu.memory_space<vmem>>[vector<16xi32>], vector<16xf32>,
    %add3A_793 = arith.addf %add3A_788, %gather3A_792 : vector<16xf32>
    %add3A_794 = arith.constant 14 : i32
    %add3A_795 = vector.broadcast %add3A_794 : i32 to vector<16xi32>
    %add3A_796 = arith.addi %mul3A_727, %add3A_795 : vector<16xi32>
    %gather3A_797 = tpu.vector_load_idx %arg8[%add3A_796] : memref<4096xf32, #tpu.memory_space<vmem>>[vector<16xi32>], vector<16xf32>,
    %add3A_798 = arith.addf %add3A_793, %gather3A_797 : vector<16xf32>
    %add3A_799 = arith.constant 15 : i32
    %add3A_800 = vector.broadcast %add3A_799 : i32 to vector<16xi32>
    %add3A_801 = arith.addi %mul3A_727, %add3A_800 : vector<16xi32>
    %gather3A_802 = tpu.vector_load_idx %arg8[%add3A_801] : memref<4096xf32, #tpu.memory_space<vmem>>[vector<16xi32>], vector<16xf32>,
    %add3A_803 = arith.addf %add3A_798, %gather3A_802 : vector<16xf32>
    %swap3A_804 = arith.constant 128 : index
    %swap3A_805 = tpu.vector_load %arg9[%swap3A_804] {strides = array<i32>} : memref<256xf32, #tpu.memory_space<vmem>>, vector<16xf32>,
    tpu.vector_store %arg9[%swap3A_804], %add3A_803 {strides = array<i32>} : memref<256xf32, #tpu.memory_space<vmem>>, vector<16xf32>,
    %add3A_806 = arith.constant 144 : i32
    %add3A_807 = vector.broadcast %add3A_806 : i32 to vector<16xi32>
    %add3A_808 = arith.addi %iota3A, %add3A_807 : vector<16xi32>
    %mul3A_809 = arith.constant 16 : i32
    %mul3A_810 = vector.broadcast %mul3A_809 : i32 to vector<16xi32>
    %mul3A_811 = arith.muli %add3A_808, %mul3A_810 : vector<16xi32>
    %gather3A_812 = tpu.vector_load_idx %arg8[%mul3A_811] : memref<4096xf32, #tpu.memory_space<vmem>>[vector<16xi32>], vector<16xf32>,
    %add3A_813 = arith.constant 1 : i32
    %add3A_814 = vector.broadcast %add3A_813 : i32 to vector<16xi32>
    %add3A_815 = arith.addi %mul3A_811, %add3A_814 : vector<16xi32>
    %gather3A_816 = tpu.vector_load_idx %arg8[%add3A_815] : memref<4096xf32, #tpu.memory_space<vmem>>[vector<16xi32>], vector<16xf32>,
    %add3A_817 = arith.addf %gather3A_812, %gather3A_816 : vector<16xf32>
    %add3A_818 = arith.constant 2 : i32
    %add3A_819 = vector.broadcast %add3A_818 : i32 to vector<16xi32>
    %add3A_820 = arith.addi %mul3A_811, %add3A_819 : vector<16xi32>
    %gather3A_821 = tpu.vector_load_idx %arg8[%add3A_820] : memref<4096xf32, #tpu.memory_space<vmem>>[vector<16xi32>], vector<16xf32>,
    %add3A_822 = arith.addf %add3A_817, %gather3A_821 : vector<16xf32>
    %add3A_823 = arith.constant 3 : i32
    %add3A_824 = vector.broadcast %add3A_823 : i32 to vector<16xi32>
    %add3A_825 = arith.addi %mul3A_811, %add3A_824 : vector<16xi32>
    %gather3A_826 = tpu.vector_load_idx %arg8[%add3A_825] : memref<4096xf32, #tpu.memory_space<vmem>>[vector<16xi32>], vector<16xf32>,
    %add3A_827 = arith.addf %add3A_822, %gather3A_826 : vector<16xf32>
    %add3A_828 = arith.constant 4 : i32
    %add3A_829 = vector.broadcast %add3A_828 : i32 to vector<16xi32>
    %add3A_830 = arith.addi %mul3A_811, %add3A_829 : vector<16xi32>
    %gather3A_831 = tpu.vector_load_idx %arg8[%add3A_830] : memref<4096xf32, #tpu.memory_space<vmem>>[vector<16xi32>], vector<16xf32>,
    %add3A_832 = arith.addf %add3A_827, %gather3A_831 : vector<16xf32>
    %add3A_833 = arith.constant 5 : i32
    %add3A_834 = vector.broadcast %add3A_833 : i32 to vector<16xi32>
    %add3A_835 = arith.addi %mul3A_811, %add3A_834 : vector<16xi32>
    %gather3A_836 = tpu.vector_load_idx %arg8[%add3A_835] : memref<4096xf32, #tpu.memory_space<vmem>>[vector<16xi32>], vector<16xf32>,
    %add3A_837 = arith.addf %add3A_832, %gather3A_836 : vector<16xf32>
    %add3A_838 = arith.constant 6 : i32
    %add3A_839 = vector.broadcast %add3A_838 : i32 to vector<16xi32>
    %add3A_840 = arith.addi %mul3A_811, %add3A_839 : vector<16xi32>
    %gather3A_841 = tpu.vector_load_idx %arg8[%add3A_840] : memref<4096xf32, #tpu.memory_space<vmem>>[vector<16xi32>], vector<16xf32>,
    %add3A_842 = arith.addf %add3A_837, %gather3A_841 : vector<16xf32>
    %add3A_843 = arith.constant 7 : i32
    %add3A_844 = vector.broadcast %add3A_843 : i32 to vector<16xi32>
    %add3A_845 = arith.addi %mul3A_811, %add3A_844 : vector<16xi32>
    %gather3A_846 = tpu.vector_load_idx %arg8[%add3A_845] : memref<4096xf32, #tpu.memory_space<vmem>>[vector<16xi32>], vector<16xf32>,
    %add3A_847 = arith.addf %add3A_842, %gather3A_846 : vector<16xf32>
    %add3A_848 = arith.constant 8 : i32
    %add3A_849 = vector.broadcast %add3A_848 : i32 to vector<16xi32>
    %add3A_850 = arith.addi %mul3A_811, %add3A_849 : vector<16xi32>
    %gather3A_851 = tpu.vector_load_idx %arg8[%add3A_850] : memref<4096xf32, #tpu.memory_space<vmem>>[vector<16xi32>], vector<16xf32>,
    %add3A_852 = arith.addf %add3A_847, %gather3A_851 : vector<16xf32>
    %add3A_853 = arith.constant 9 : i32
    %add3A_854 = vector.broadcast %add3A_853 : i32 to vector<16xi32>
    %add3A_855 = arith.addi %mul3A_811, %add3A_854 : vector<16xi32>
    %gather3A_856 = tpu.vector_load_idx %arg8[%add3A_855] : memref<4096xf32, #tpu.memory_space<vmem>>[vector<16xi32>], vector<16xf32>,
    %add3A_857 = arith.addf %add3A_852, %gather3A_856 : vector<16xf32>
    %add3A_858 = arith.constant 10 : i32
    %add3A_859 = vector.broadcast %add3A_858 : i32 to vector<16xi32>
    %add3A_860 = arith.addi %mul3A_811, %add3A_859 : vector<16xi32>
    %gather3A_861 = tpu.vector_load_idx %arg8[%add3A_860] : memref<4096xf32, #tpu.memory_space<vmem>>[vector<16xi32>], vector<16xf32>,
    %add3A_862 = arith.addf %add3A_857, %gather3A_861 : vector<16xf32>
    %add3A_863 = arith.constant 11 : i32
    %add3A_864 = vector.broadcast %add3A_863 : i32 to vector<16xi32>
    %add3A_865 = arith.addi %mul3A_811, %add3A_864 : vector<16xi32>
    %gather3A_866 = tpu.vector_load_idx %arg8[%add3A_865] : memref<4096xf32, #tpu.memory_space<vmem>>[vector<16xi32>], vector<16xf32>,
    %add3A_867 = arith.addf %add3A_862, %gather3A_866 : vector<16xf32>
    %add3A_868 = arith.constant 12 : i32
    %add3A_869 = vector.broadcast %add3A_868 : i32 to vector<16xi32>
    %add3A_870 = arith.addi %mul3A_811, %add3A_869 : vector<16xi32>
    %gather3A_871 = tpu.vector_load_idx %arg8[%add3A_870] : memref<4096xf32, #tpu.memory_space<vmem>>[vector<16xi32>], vector<16xf32>,
    %add3A_872 = arith.addf %add3A_867, %gather3A_871 : vector<16xf32>
    %add3A_873 = arith.constant 13 : i32
    %add3A_874 = vector.broadcast %add3A_873 : i32 to vector<16xi32>
    %add3A_875 = arith.addi %mul3A_811, %add3A_874 : vector<16xi32>
    %gather3A_876 = tpu.vector_load_idx %arg8[%add3A_875] : memref<4096xf32, #tpu.memory_space<vmem>>[vector<16xi32>], vector<16xf32>,
    %add3A_877 = arith.addf %add3A_872, %gather3A_876 : vector<16xf32>
    %add3A_878 = arith.constant 14 : i32
    %add3A_879 = vector.broadcast %add3A_878 : i32 to vector<16xi32>
    %add3A_880 = arith.addi %mul3A_811, %add3A_879 : vector<16xi32>
    %gather3A_881 = tpu.vector_load_idx %arg8[%add3A_880] : memref<4096xf32, #tpu.memory_space<vmem>>[vector<16xi32>], vector<16xf32>,
    %add3A_882 = arith.addf %add3A_877, %gather3A_881 : vector<16xf32>
    %add3A_883 = arith.constant 15 : i32
    %add3A_884 = vector.broadcast %add3A_883 : i32 to vector<16xi32>
    %add3A_885 = arith.addi %mul3A_811, %add3A_884 : vector<16xi32>
    %gather3A_886 = tpu.vector_load_idx %arg8[%add3A_885] : memref<4096xf32, #tpu.memory_space<vmem>>[vector<16xi32>], vector<16xf32>,
    %add3A_887 = arith.addf %add3A_882, %gather3A_886 : vector<16xf32>
    %swap3A_888 = arith.constant 144 : index
    %swap3A_889 = tpu.vector_load %arg9[%swap3A_888] {strides = array<i32>} : memref<256xf32, #tpu.memory_space<vmem>>, vector<16xf32>,
    tpu.vector_store %arg9[%swap3A_888], %add3A_887 {strides = array<i32>} : memref<256xf32, #tpu.memory_space<vmem>>, vector<16xf32>,
    %add3A_890 = arith.constant 160 : i32
    %add3A_891 = vector.broadcast %add3A_890 : i32 to vector<16xi32>
    %add3A_892 = arith.addi %iota3A, %add3A_891 : vector<16xi32>
    %mul3A_893 = arith.constant 16 : i32
    %mul3A_894 = vector.broadcast %mul3A_893 : i32 to vector<16xi32>
    %mul3A_895 = arith.muli %add3A_892, %mul3A_894 : vector<16xi32>
    %gather3A_896 = tpu.vector_load_idx %arg8[%mul3A_895] : memref<4096xf32, #tpu.memory_space<vmem>>[vector<16xi32>], vector<16xf32>,
    %add3A_897 = arith.constant 1 : i32
    %add3A_898 = vector.broadcast %add3A_897 : i32 to vector<16xi32>
    %add3A_899 = arith.addi %mul3A_895, %add3A_898 : vector<16xi32>
    %gather3A_900 = tpu.vector_load_idx %arg8[%add3A_899] : memref<4096xf32, #tpu.memory_space<vmem>>[vector<16xi32>], vector<16xf32>,
    %add3A_901 = arith.addf %gather3A_896, %gather3A_900 : vector<16xf32>
    %add3A_902 = arith.constant 2 : i32
    %add3A_903 = vector.broadcast %add3A_902 : i32 to vector<16xi32>
    %add3A_904 = arith.addi %mul3A_895, %add3A_903 : vector<16xi32>
    %gather3A_905 = tpu.vector_load_idx %arg8[%add3A_904] : memref<4096xf32, #tpu.memory_space<vmem>>[vector<16xi32>], vector<16xf32>,
    %add3A_906 = arith.addf %add3A_901, %gather3A_905 : vector<16xf32>
    %add3A_907 = arith.constant 3 : i32
    %add3A_908 = vector.broadcast %add3A_907 : i32 to vector<16xi32>
    %add3A_909 = arith.addi %mul3A_895, %add3A_908 : vector<16xi32>
    %gather3A_910 = tpu.vector_load_idx %arg8[%add3A_909] : memref<4096xf32, #tpu.memory_space<vmem>>[vector<16xi32>], vector<16xf32>,
    %add3A_911 = arith.addf %add3A_906, %gather3A_910 : vector<16xf32>
    %add3A_912 = arith.constant 4 : i32
    %add3A_913 = vector.broadcast %add3A_912 : i32 to vector<16xi32>
    %add3A_914 = arith.addi %mul3A_895, %add3A_913 : vector<16xi32>
    %gather3A_915 = tpu.vector_load_idx %arg8[%add3A_914] : memref<4096xf32, #tpu.memory_space<vmem>>[vector<16xi32>], vector<16xf32>,
    %add3A_916 = arith.addf %add3A_911, %gather3A_915 : vector<16xf32>
    %add3A_917 = arith.constant 5 : i32
    %add3A_918 = vector.broadcast %add3A_917 : i32 to vector<16xi32>
    %add3A_919 = arith.addi %mul3A_895, %add3A_918 : vector<16xi32>
    %gather3A_920 = tpu.vector_load_idx %arg8[%add3A_919] : memref<4096xf32, #tpu.memory_space<vmem>>[vector<16xi32>], vector<16xf32>,
    %add3A_921 = arith.addf %add3A_916, %gather3A_920 : vector<16xf32>
    %add3A_922 = arith.constant 6 : i32
    %add3A_923 = vector.broadcast %add3A_922 : i32 to vector<16xi32>
    %add3A_924 = arith.addi %mul3A_895, %add3A_923 : vector<16xi32>
    %gather3A_925 = tpu.vector_load_idx %arg8[%add3A_924] : memref<4096xf32, #tpu.memory_space<vmem>>[vector<16xi32>], vector<16xf32>,
    %add3A_926 = arith.addf %add3A_921, %gather3A_925 : vector<16xf32>
    %add3A_927 = arith.constant 7 : i32
    %add3A_928 = vector.broadcast %add3A_927 : i32 to vector<16xi32>
    %add3A_929 = arith.addi %mul3A_895, %add3A_928 : vector<16xi32>
    %gather3A_930 = tpu.vector_load_idx %arg8[%add3A_929] : memref<4096xf32, #tpu.memory_space<vmem>>[vector<16xi32>], vector<16xf32>,
    %add3A_931 = arith.addf %add3A_926, %gather3A_930 : vector<16xf32>
    %add3A_932 = arith.constant 8 : i32
    %add3A_933 = vector.broadcast %add3A_932 : i32 to vector<16xi32>
    %add3A_934 = arith.addi %mul3A_895, %add3A_933 : vector<16xi32>
    %gather3A_935 = tpu.vector_load_idx %arg8[%add3A_934] : memref<4096xf32, #tpu.memory_space<vmem>>[vector<16xi32>], vector<16xf32>,
    %add3A_936 = arith.addf %add3A_931, %gather3A_935 : vector<16xf32>
    %add3A_937 = arith.constant 9 : i32
    %add3A_938 = vector.broadcast %add3A_937 : i32 to vector<16xi32>
    %add3A_939 = arith.addi %mul3A_895, %add3A_938 : vector<16xi32>
    %gather3A_940 = tpu.vector_load_idx %arg8[%add3A_939] : memref<4096xf32, #tpu.memory_space<vmem>>[vector<16xi32>], vector<16xf32>,
    %add3A_941 = arith.addf %add3A_936, %gather3A_940 : vector<16xf32>
    %add3A_942 = arith.constant 10 : i32
    %add3A_943 = vector.broadcast %add3A_942 : i32 to vector<16xi32>
    %add3A_944 = arith.addi %mul3A_895, %add3A_943 : vector<16xi32>
    %gather3A_945 = tpu.vector_load_idx %arg8[%add3A_944] : memref<4096xf32, #tpu.memory_space<vmem>>[vector<16xi32>], vector<16xf32>,
    %add3A_946 = arith.addf %add3A_941, %gather3A_945 : vector<16xf32>
    %add3A_947 = arith.constant 11 : i32
    %add3A_948 = vector.broadcast %add3A_947 : i32 to vector<16xi32>
    %add3A_949 = arith.addi %mul3A_895, %add3A_948 : vector<16xi32>
    %gather3A_950 = tpu.vector_load_idx %arg8[%add3A_949] : memref<4096xf32, #tpu.memory_space<vmem>>[vector<16xi32>], vector<16xf32>,
    %add3A_951 = arith.addf %add3A_946, %gather3A_950 : vector<16xf32>
    %add3A_952 = arith.constant 12 : i32
    %add3A_953 = vector.broadcast %add3A_952 : i32 to vector<16xi32>
    %add3A_954 = arith.addi %mul3A_895, %add3A_953 : vector<16xi32>
    %gather3A_955 = tpu.vector_load_idx %arg8[%add3A_954] : memref<4096xf32, #tpu.memory_space<vmem>>[vector<16xi32>], vector<16xf32>,
    %add3A_956 = arith.addf %add3A_951, %gather3A_955 : vector<16xf32>
    %add3A_957 = arith.constant 13 : i32
    %add3A_958 = vector.broadcast %add3A_957 : i32 to vector<16xi32>
    %add3A_959 = arith.addi %mul3A_895, %add3A_958 : vector<16xi32>
    %gather3A_960 = tpu.vector_load_idx %arg8[%add3A_959] : memref<4096xf32, #tpu.memory_space<vmem>>[vector<16xi32>], vector<16xf32>,
    %add3A_961 = arith.addf %add3A_956, %gather3A_960 : vector<16xf32>
    %add3A_962 = arith.constant 14 : i32
    %add3A_963 = vector.broadcast %add3A_962 : i32 to vector<16xi32>
    %add3A_964 = arith.addi %mul3A_895, %add3A_963 : vector<16xi32>
    %gather3A_965 = tpu.vector_load_idx %arg8[%add3A_964] : memref<4096xf32, #tpu.memory_space<vmem>>[vector<16xi32>], vector<16xf32>,
    %add3A_966 = arith.addf %add3A_961, %gather3A_965 : vector<16xf32>
    %add3A_967 = arith.constant 15 : i32
    %add3A_968 = vector.broadcast %add3A_967 : i32 to vector<16xi32>
    %add3A_969 = arith.addi %mul3A_895, %add3A_968 : vector<16xi32>
    %gather3A_970 = tpu.vector_load_idx %arg8[%add3A_969] : memref<4096xf32, #tpu.memory_space<vmem>>[vector<16xi32>], vector<16xf32>,
    %add3A_971 = arith.addf %add3A_966, %gather3A_970 : vector<16xf32>
    %swap3A_972 = arith.constant 160 : index
    %swap3A_973 = tpu.vector_load %arg9[%swap3A_972] {strides = array<i32>} : memref<256xf32, #tpu.memory_space<vmem>>, vector<16xf32>,
    tpu.vector_store %arg9[%swap3A_972], %add3A_971 {strides = array<i32>} : memref<256xf32, #tpu.memory_space<vmem>>, vector<16xf32>,
    %add3A_974 = arith.constant 176 : i32
    %add3A_975 = vector.broadcast %add3A_974 : i32 to vector<16xi32>
    %add3A_976 = arith.addi %iota3A, %add3A_975 : vector<16xi32>
    %mul3A_977 = arith.constant 16 : i32
    %mul3A_978 = vector.broadcast %mul3A_977 : i32 to vector<16xi32>
    %mul3A_979 = arith.muli %add3A_976, %mul3A_978 : vector<16xi32>
    %gather3A_980 = tpu.vector_load_idx %arg8[%mul3A_979] : memref<4096xf32, #tpu.memory_space<vmem>>[vector<16xi32>], vector<16xf32>,
    %add3A_981 = arith.constant 1 : i32
    %add3A_982 = vector.broadcast %add3A_981 : i32 to vector<16xi32>
    %add3A_983 = arith.addi %mul3A_979, %add3A_982 : vector<16xi32>
    %gather3A_984 = tpu.vector_load_idx %arg8[%add3A_983] : memref<4096xf32, #tpu.memory_space<vmem>>[vector<16xi32>], vector<16xf32>,
    %add3A_985 = arith.addf %gather3A_980, %gather3A_984 : vector<16xf32>
    %add3A_986 = arith.constant 2 : i32
    %add3A_987 = vector.broadcast %add3A_986 : i32 to vector<16xi32>
    %add3A_988 = arith.addi %mul3A_979, %add3A_987 : vector<16xi32>
    %gather3A_989 = tpu.vector_load_idx %arg8[%add3A_988] : memref<4096xf32, #tpu.memory_space<vmem>>[vector<16xi32>], vector<16xf32>,
    %add3A_990 = arith.addf %add3A_985, %gather3A_989 : vector<16xf32>
    %add3A_991 = arith.constant 3 : i32
    %add3A_992 = vector.broadcast %add3A_991 : i32 to vector<16xi32>
    %add3A_993 = arith.addi %mul3A_979, %add3A_992 : vector<16xi32>
    %gather3A_994 = tpu.vector_load_idx %arg8[%add3A_993] : memref<4096xf32, #tpu.memory_space<vmem>>[vector<16xi32>], vector<16xf32>,
    %add3A_995 = arith.addf %add3A_990, %gather3A_994 : vector<16xf32>
    %add3A_996 = arith.constant 4 : i32
    %add3A_997 = vector.broadcast %add3A_996 : i32 to vector<16xi32>
    %add3A_998 = arith.addi %mul3A_979, %add3A_997 : vector<16xi32>
    %gather3A_999 = tpu.vector_load_idx %arg8[%add3A_998] : memref<4096xf32, #tpu.memory_space<vmem>>[vector<16xi32>], vector<16xf32>,
    %add3A_1000 = arith.addf %add3A_995, %gather3A_999 : vector<16xf32>
    %add3A_1001 = arith.constant 5 : i32
    %add3A_1002 = vector.broadcast %add3A_1001 : i32 to vector<16xi32>
    %add3A_1003 = arith.addi %mul3A_979, %add3A_1002 : vector<16xi32>
    %gather3A_1004 = tpu.vector_load_idx %arg8[%add3A_1003] : memref<4096xf32, #tpu.memory_space<vmem>>[vector<16xi32>], vector<16xf32>,
    %add3A_1005 = arith.addf %add3A_1000, %gather3A_1004 : vector<16xf32>
    %add3A_1006 = arith.constant 6 : i32
    %add3A_1007 = vector.broadcast %add3A_1006 : i32 to vector<16xi32>
    %add3A_1008 = arith.addi %mul3A_979, %add3A_1007 : vector<16xi32>
    %gather3A_1009 = tpu.vector_load_idx %arg8[%add3A_1008] : memref<4096xf32, #tpu.memory_space<vmem>>[vector<16xi32>], vector<16xf32>,
    %add3A_1010 = arith.addf %add3A_1005, %gather3A_1009 : vector<16xf32>
    %add3A_1011 = arith.constant 7 : i32
    %add3A_1012 = vector.broadcast %add3A_1011 : i32 to vector<16xi32>
    %add3A_1013 = arith.addi %mul3A_979, %add3A_1012 : vector<16xi32>
    %gather3A_1014 = tpu.vector_load_idx %arg8[%add3A_1013] : memref<4096xf32, #tpu.memory_space<vmem>>[vector<16xi32>], vector<16xf32>,
    %add3A_1015 = arith.addf %add3A_1010, %gather3A_1014 : vector<16xf32>
    %add3A_1016 = arith.constant 8 : i32
    %add3A_1017 = vector.broadcast %add3A_1016 : i32 to vector<16xi32>
    %add3A_1018 = arith.addi %mul3A_979, %add3A_1017 : vector<16xi32>
    %gather3A_1019 = tpu.vector_load_idx %arg8[%add3A_1018] : memref<4096xf32, #tpu.memory_space<vmem>>[vector<16xi32>], vector<16xf32>,
    %add3A_1020 = arith.addf %add3A_1015, %gather3A_1019 : vector<16xf32>
    %add3A_1021 = arith.constant 9 : i32
    %add3A_1022 = vector.broadcast %add3A_1021 : i32 to vector<16xi32>
    %add3A_1023 = arith.addi %mul3A_979, %add3A_1022 : vector<16xi32>
    %gather3A_1024 = tpu.vector_load_idx %arg8[%add3A_1023] : memref<4096xf32, #tpu.memory_space<vmem>>[vector<16xi32>], vector<16xf32>,
    %add3A_1025 = arith.addf %add3A_1020, %gather3A_1024 : vector<16xf32>
    %add3A_1026 = arith.constant 10 : i32
    %add3A_1027 = vector.broadcast %add3A_1026 : i32 to vector<16xi32>
    %add3A_1028 = arith.addi %mul3A_979, %add3A_1027 : vector<16xi32>
    %gather3A_1029 = tpu.vector_load_idx %arg8[%add3A_1028] : memref<4096xf32, #tpu.memory_space<vmem>>[vector<16xi32>], vector<16xf32>,
    %add3A_1030 = arith.addf %add3A_1025, %gather3A_1029 : vector<16xf32>
    %add3A_1031 = arith.constant 11 : i32
    %add3A_1032 = vector.broadcast %add3A_1031 : i32 to vector<16xi32>
    %add3A_1033 = arith.addi %mul3A_979, %add3A_1032 : vector<16xi32>
    %gather3A_1034 = tpu.vector_load_idx %arg8[%add3A_1033] : memref<4096xf32, #tpu.memory_space<vmem>>[vector<16xi32>], vector<16xf32>,
    %add3A_1035 = arith.addf %add3A_1030, %gather3A_1034 : vector<16xf32>
    %add3A_1036 = arith.constant 12 : i32
    %add3A_1037 = vector.broadcast %add3A_1036 : i32 to vector<16xi32>
    %add3A_1038 = arith.addi %mul3A_979, %add3A_1037 : vector<16xi32>
    %gather3A_1039 = tpu.vector_load_idx %arg8[%add3A_1038] : memref<4096xf32, #tpu.memory_space<vmem>>[vector<16xi32>], vector<16xf32>,
    %add3A_1040 = arith.addf %add3A_1035, %gather3A_1039 : vector<16xf32>
    %add3A_1041 = arith.constant 13 : i32
    %add3A_1042 = vector.broadcast %add3A_1041 : i32 to vector<16xi32>
    %add3A_1043 = arith.addi %mul3A_979, %add3A_1042 : vector<16xi32>
    %gather3A_1044 = tpu.vector_load_idx %arg8[%add3A_1043] : memref<4096xf32, #tpu.memory_space<vmem>>[vector<16xi32>], vector<16xf32>,
    %add3A_1045 = arith.addf %add3A_1040, %gather3A_1044 : vector<16xf32>
    %add3A_1046 = arith.constant 14 : i32
    %add3A_1047 = vector.broadcast %add3A_1046 : i32 to vector<16xi32>
    %add3A_1048 = arith.addi %mul3A_979, %add3A_1047 : vector<16xi32>
    %gather3A_1049 = tpu.vector_load_idx %arg8[%add3A_1048] : memref<4096xf32, #tpu.memory_space<vmem>>[vector<16xi32>], vector<16xf32>,
    %add3A_1050 = arith.addf %add3A_1045, %gather3A_1049 : vector<16xf32>
    %add3A_1051 = arith.constant 15 : i32
    %add3A_1052 = vector.broadcast %add3A_1051 : i32 to vector<16xi32>
    %add3A_1053 = arith.addi %mul3A_979, %add3A_1052 : vector<16xi32>
    %gather3A_1054 = tpu.vector_load_idx %arg8[%add3A_1053] : memref<4096xf32, #tpu.memory_space<vmem>>[vector<16xi32>], vector<16xf32>,
    %add3A_1055 = arith.addf %add3A_1050, %gather3A_1054 : vector<16xf32>
    %swap3A_1056 = arith.constant 176 : index
    %swap3A_1057 = tpu.vector_load %arg9[%swap3A_1056] {strides = array<i32>} : memref<256xf32, #tpu.memory_space<vmem>>, vector<16xf32>,
    tpu.vector_store %arg9[%swap3A_1056], %add3A_1055 {strides = array<i32>} : memref<256xf32, #tpu.memory_space<vmem>>, vector<16xf32>,
    %add3A_1058 = arith.constant 192 : i32
    %add3A_1059 = vector.broadcast %add3A_1058 : i32 to vector<16xi32>
    %add3A_1060 = arith.addi %iota3A, %add3A_1059 : vector<16xi32>
    %mul3A_1061 = arith.constant 16 : i32
    %mul3A_1062 = vector.broadcast %mul3A_1061 : i32 to vector<16xi32>
    %mul3A_1063 = arith.muli %add3A_1060, %mul3A_1062 : vector<16xi32>
    %gather3A_1064 = tpu.vector_load_idx %arg8[%mul3A_1063] : memref<4096xf32, #tpu.memory_space<vmem>>[vector<16xi32>], vector<16xf32>,
    %add3A_1065 = arith.constant 1 : i32
    %add3A_1066 = vector.broadcast %add3A_1065 : i32 to vector<16xi32>
    %add3A_1067 = arith.addi %mul3A_1063, %add3A_1066 : vector<16xi32>
    %gather3A_1068 = tpu.vector_load_idx %arg8[%add3A_1067] : memref<4096xf32, #tpu.memory_space<vmem>>[vector<16xi32>], vector<16xf32>,
    %add3A_1069 = arith.addf %gather3A_1064, %gather3A_1068 : vector<16xf32>
    %add3A_1070 = arith.constant 2 : i32
    %add3A_1071 = vector.broadcast %add3A_1070 : i32 to vector<16xi32>
    %add3A_1072 = arith.addi %mul3A_1063, %add3A_1071 : vector<16xi32>
    %gather3A_1073 = tpu.vector_load_idx %arg8[%add3A_1072] : memref<4096xf32, #tpu.memory_space<vmem>>[vector<16xi32>], vector<16xf32>,
    %add3A_1074 = arith.addf %add3A_1069, %gather3A_1073 : vector<16xf32>
    %add3A_1075 = arith.constant 3 : i32
    %add3A_1076 = vector.broadcast %add3A_1075 : i32 to vector<16xi32>
    %add3A_1077 = arith.addi %mul3A_1063, %add3A_1076 : vector<16xi32>
    %gather3A_1078 = tpu.vector_load_idx %arg8[%add3A_1077] : memref<4096xf32, #tpu.memory_space<vmem>>[vector<16xi32>], vector<16xf32>,
    %add3A_1079 = arith.addf %add3A_1074, %gather3A_1078 : vector<16xf32>
    %add3A_1080 = arith.constant 4 : i32
    %add3A_1081 = vector.broadcast %add3A_1080 : i32 to vector<16xi32>
    %add3A_1082 = arith.addi %mul3A_1063, %add3A_1081 : vector<16xi32>
    %gather3A_1083 = tpu.vector_load_idx %arg8[%add3A_1082] : memref<4096xf32, #tpu.memory_space<vmem>>[vector<16xi32>], vector<16xf32>,
    %add3A_1084 = arith.addf %add3A_1079, %gather3A_1083 : vector<16xf32>
    %add3A_1085 = arith.constant 5 : i32
    %add3A_1086 = vector.broadcast %add3A_1085 : i32 to vector<16xi32>
    %add3A_1087 = arith.addi %mul3A_1063, %add3A_1086 : vector<16xi32>
    %gather3A_1088 = tpu.vector_load_idx %arg8[%add3A_1087] : memref<4096xf32, #tpu.memory_space<vmem>>[vector<16xi32>], vector<16xf32>,
    %add3A_1089 = arith.addf %add3A_1084, %gather3A_1088 : vector<16xf32>
    %add3A_1090 = arith.constant 6 : i32
    %add3A_1091 = vector.broadcast %add3A_1090 : i32 to vector<16xi32>
    %add3A_1092 = arith.addi %mul3A_1063, %add3A_1091 : vector<16xi32>
    %gather3A_1093 = tpu.vector_load_idx %arg8[%add3A_1092] : memref<4096xf32, #tpu.memory_space<vmem>>[vector<16xi32>], vector<16xf32>,
    %add3A_1094 = arith.addf %add3A_1089, %gather3A_1093 : vector<16xf32>
    %add3A_1095 = arith.constant 7 : i32
    %add3A_1096 = vector.broadcast %add3A_1095 : i32 to vector<16xi32>
    %add3A_1097 = arith.addi %mul3A_1063, %add3A_1096 : vector<16xi32>
    %gather3A_1098 = tpu.vector_load_idx %arg8[%add3A_1097] : memref<4096xf32, #tpu.memory_space<vmem>>[vector<16xi32>], vector<16xf32>,
    %add3A_1099 = arith.addf %add3A_1094, %gather3A_1098 : vector<16xf32>
    %add3A_1100 = arith.constant 8 : i32
    %add3A_1101 = vector.broadcast %add3A_1100 : i32 to vector<16xi32>
    %add3A_1102 = arith.addi %mul3A_1063, %add3A_1101 : vector<16xi32>
    %gather3A_1103 = tpu.vector_load_idx %arg8[%add3A_1102] : memref<4096xf32, #tpu.memory_space<vmem>>[vector<16xi32>], vector<16xf32>,
    %add3A_1104 = arith.addf %add3A_1099, %gather3A_1103 : vector<16xf32>
    %add3A_1105 = arith.constant 9 : i32
    %add3A_1106 = vector.broadcast %add3A_1105 : i32 to vector<16xi32>
    %add3A_1107 = arith.addi %mul3A_1063, %add3A_1106 : vector<16xi32>
    %gather3A_1108 = tpu.vector_load_idx %arg8[%add3A_1107] : memref<4096xf32, #tpu.memory_space<vmem>>[vector<16xi32>], vector<16xf32>,
    %add3A_1109 = arith.addf %add3A_1104, %gather3A_1108 : vector<16xf32>
    %add3A_1110 = arith.constant 10 : i32
    %add3A_1111 = vector.broadcast %add3A_1110 : i32 to vector<16xi32>
    %add3A_1112 = arith.addi %mul3A_1063, %add3A_1111 : vector<16xi32>
    %gather3A_1113 = tpu.vector_load_idx %arg8[%add3A_1112] : memref<4096xf32, #tpu.memory_space<vmem>>[vector<16xi32>], vector<16xf32>,
    %add3A_1114 = arith.addf %add3A_1109, %gather3A_1113 : vector<16xf32>
    %add3A_1115 = arith.constant 11 : i32
    %add3A_1116 = vector.broadcast %add3A_1115 : i32 to vector<16xi32>
    %add3A_1117 = arith.addi %mul3A_1063, %add3A_1116 : vector<16xi32>
    %gather3A_1118 = tpu.vector_load_idx %arg8[%add3A_1117] : memref<4096xf32, #tpu.memory_space<vmem>>[vector<16xi32>], vector<16xf32>,
    %add3A_1119 = arith.addf %add3A_1114, %gather3A_1118 : vector<16xf32>
    %add3A_1120 = arith.constant 12 : i32
    %add3A_1121 = vector.broadcast %add3A_1120 : i32 to vector<16xi32>
    %add3A_1122 = arith.addi %mul3A_1063, %add3A_1121 : vector<16xi32>
    %gather3A_1123 = tpu.vector_load_idx %arg8[%add3A_1122] : memref<4096xf32, #tpu.memory_space<vmem>>[vector<16xi32>], vector<16xf32>,
    %add3A_1124 = arith.addf %add3A_1119, %gather3A_1123 : vector<16xf32>
    %add3A_1125 = arith.constant 13 : i32
    %add3A_1126 = vector.broadcast %add3A_1125 : i32 to vector<16xi32>
    %add3A_1127 = arith.addi %mul3A_1063, %add3A_1126 : vector<16xi32>
    %gather3A_1128 = tpu.vector_load_idx %arg8[%add3A_1127] : memref<4096xf32, #tpu.memory_space<vmem>>[vector<16xi32>], vector<16xf32>,
    %add3A_1129 = arith.addf %add3A_1124, %gather3A_1128 : vector<16xf32>
    %add3A_1130 = arith.constant 14 : i32
    %add3A_1131 = vector.broadcast %add3A_1130 : i32 to vector<16xi32>
    %add3A_1132 = arith.addi %mul3A_1063, %add3A_1131 : vector<16xi32>
    %gather3A_1133 = tpu.vector_load_idx %arg8[%add3A_1132] : memref<4096xf32, #tpu.memory_space<vmem>>[vector<16xi32>], vector<16xf32>,
    %add3A_1134 = arith.addf %add3A_1129, %gather3A_1133 : vector<16xf32>
    %add3A_1135 = arith.constant 15 : i32
    %add3A_1136 = vector.broadcast %add3A_1135 : i32 to vector<16xi32>
    %add3A_1137 = arith.addi %mul3A_1063, %add3A_1136 : vector<16xi32>
    %gather3A_1138 = tpu.vector_load_idx %arg8[%add3A_1137] : memref<4096xf32, #tpu.memory_space<vmem>>[vector<16xi32>], vector<16xf32>,
    %add3A_1139 = arith.addf %add3A_1134, %gather3A_1138 : vector<16xf32>
    %swap3A_1140 = arith.constant 192 : index
    %swap3A_1141 = tpu.vector_load %arg9[%swap3A_1140] {strides = array<i32>} : memref<256xf32, #tpu.memory_space<vmem>>, vector<16xf32>,
    tpu.vector_store %arg9[%swap3A_1140], %add3A_1139 {strides = array<i32>} : memref<256xf32, #tpu.memory_space<vmem>>, vector<16xf32>,
    %add3A_1142 = arith.constant 208 : i32
    %add3A_1143 = vector.broadcast %add3A_1142 : i32 to vector<16xi32>
    %add3A_1144 = arith.addi %iota3A, %add3A_1143 : vector<16xi32>
    %mul3A_1145 = arith.constant 16 : i32
    %mul3A_1146 = vector.broadcast %mul3A_1145 : i32 to vector<16xi32>
    %mul3A_1147 = arith.muli %add3A_1144, %mul3A_1146 : vector<16xi32>
    %gather3A_1148 = tpu.vector_load_idx %arg8[%mul3A_1147] : memref<4096xf32, #tpu.memory_space<vmem>>[vector<16xi32>], vector<16xf32>,
    %add3A_1149 = arith.constant 1 : i32
    %add3A_1150 = vector.broadcast %add3A_1149 : i32 to vector<16xi32>
    %add3A_1151 = arith.addi %mul3A_1147, %add3A_1150 : vector<16xi32>
    %gather3A_1152 = tpu.vector_load_idx %arg8[%add3A_1151] : memref<4096xf32, #tpu.memory_space<vmem>>[vector<16xi32>], vector<16xf32>,
    %add3A_1153 = arith.addf %gather3A_1148, %gather3A_1152 : vector<16xf32>
    %add3A_1154 = arith.constant 2 : i32
    %add3A_1155 = vector.broadcast %add3A_1154 : i32 to vector<16xi32>
    %add3A_1156 = arith.addi %mul3A_1147, %add3A_1155 : vector<16xi32>
    %gather3A_1157 = tpu.vector_load_idx %arg8[%add3A_1156] : memref<4096xf32, #tpu.memory_space<vmem>>[vector<16xi32>], vector<16xf32>,
    %add3A_1158 = arith.addf %add3A_1153, %gather3A_1157 : vector<16xf32>
    %add3A_1159 = arith.constant 3 : i32
    %add3A_1160 = vector.broadcast %add3A_1159 : i32 to vector<16xi32>
    %add3A_1161 = arith.addi %mul3A_1147, %add3A_1160 : vector<16xi32>
    %gather3A_1162 = tpu.vector_load_idx %arg8[%add3A_1161] : memref<4096xf32, #tpu.memory_space<vmem>>[vector<16xi32>], vector<16xf32>,
    %add3A_1163 = arith.addf %add3A_1158, %gather3A_1162 : vector<16xf32>
    %add3A_1164 = arith.constant 4 : i32
    %add3A_1165 = vector.broadcast %add3A_1164 : i32 to vector<16xi32>
    %add3A_1166 = arith.addi %mul3A_1147, %add3A_1165 : vector<16xi32>
    %gather3A_1167 = tpu.vector_load_idx %arg8[%add3A_1166] : memref<4096xf32, #tpu.memory_space<vmem>>[vector<16xi32>], vector<16xf32>,
    %add3A_1168 = arith.addf %add3A_1163, %gather3A_1167 : vector<16xf32>
    %add3A_1169 = arith.constant 5 : i32
    %add3A_1170 = vector.broadcast %add3A_1169 : i32 to vector<16xi32>
    %add3A_1171 = arith.addi %mul3A_1147, %add3A_1170 : vector<16xi32>
    %gather3A_1172 = tpu.vector_load_idx %arg8[%add3A_1171] : memref<4096xf32, #tpu.memory_space<vmem>>[vector<16xi32>], vector<16xf32>,
    %add3A_1173 = arith.addf %add3A_1168, %gather3A_1172 : vector<16xf32>
    %add3A_1174 = arith.constant 6 : i32
    %add3A_1175 = vector.broadcast %add3A_1174 : i32 to vector<16xi32>
    %add3A_1176 = arith.addi %mul3A_1147, %add3A_1175 : vector<16xi32>
    %gather3A_1177 = tpu.vector_load_idx %arg8[%add3A_1176] : memref<4096xf32, #tpu.memory_space<vmem>>[vector<16xi32>], vector<16xf32>,
    %add3A_1178 = arith.addf %add3A_1173, %gather3A_1177 : vector<16xf32>
    %add3A_1179 = arith.constant 7 : i32
    %add3A_1180 = vector.broadcast %add3A_1179 : i32 to vector<16xi32>
    %add3A_1181 = arith.addi %mul3A_1147, %add3A_1180 : vector<16xi32>
    %gather3A_1182 = tpu.vector_load_idx %arg8[%add3A_1181] : memref<4096xf32, #tpu.memory_space<vmem>>[vector<16xi32>], vector<16xf32>,
    %add3A_1183 = arith.addf %add3A_1178, %gather3A_1182 : vector<16xf32>
    %add3A_1184 = arith.constant 8 : i32
    %add3A_1185 = vector.broadcast %add3A_1184 : i32 to vector<16xi32>
    %add3A_1186 = arith.addi %mul3A_1147, %add3A_1185 : vector<16xi32>
    %gather3A_1187 = tpu.vector_load_idx %arg8[%add3A_1186] : memref<4096xf32, #tpu.memory_space<vmem>>[vector<16xi32>], vector<16xf32>,
    %add3A_1188 = arith.addf %add3A_1183, %gather3A_1187 : vector<16xf32>
    %add3A_1189 = arith.constant 9 : i32
    %add3A_1190 = vector.broadcast %add3A_1189 : i32 to vector<16xi32>
    %add3A_1191 = arith.addi %mul3A_1147, %add3A_1190 : vector<16xi32>
    %gather3A_1192 = tpu.vector_load_idx %arg8[%add3A_1191] : memref<4096xf32, #tpu.memory_space<vmem>>[vector<16xi32>], vector<16xf32>,
    %add3A_1193 = arith.addf %add3A_1188, %gather3A_1192 : vector<16xf32>
    %add3A_1194 = arith.constant 10 : i32
    %add3A_1195 = vector.broadcast %add3A_1194 : i32 to vector<16xi32>
    %add3A_1196 = arith.addi %mul3A_1147, %add3A_1195 : vector<16xi32>
    %gather3A_1197 = tpu.vector_load_idx %arg8[%add3A_1196] : memref<4096xf32, #tpu.memory_space<vmem>>[vector<16xi32>], vector<16xf32>,
    %add3A_1198 = arith.addf %add3A_1193, %gather3A_1197 : vector<16xf32>
    %add3A_1199 = arith.constant 11 : i32
    %add3A_1200 = vector.broadcast %add3A_1199 : i32 to vector<16xi32>
    %add3A_1201 = arith.addi %mul3A_1147, %add3A_1200 : vector<16xi32>
    %gather3A_1202 = tpu.vector_load_idx %arg8[%add3A_1201] : memref<4096xf32, #tpu.memory_space<vmem>>[vector<16xi32>], vector<16xf32>,
    %add3A_1203 = arith.addf %add3A_1198, %gather3A_1202 : vector<16xf32>
    %add3A_1204 = arith.constant 12 : i32
    %add3A_1205 = vector.broadcast %add3A_1204 : i32 to vector<16xi32>
    %add3A_1206 = arith.addi %mul3A_1147, %add3A_1205 : vector<16xi32>
    %gather3A_1207 = tpu.vector_load_idx %arg8[%add3A_1206] : memref<4096xf32, #tpu.memory_space<vmem>>[vector<16xi32>], vector<16xf32>,
    %add3A_1208 = arith.addf %add3A_1203, %gather3A_1207 : vector<16xf32>
    %add3A_1209 = arith.constant 13 : i32
    %add3A_1210 = vector.broadcast %add3A_1209 : i32 to vector<16xi32>
    %add3A_1211 = arith.addi %mul3A_1147, %add3A_1210 : vector<16xi32>
    %gather3A_1212 = tpu.vector_load_idx %arg8[%add3A_1211] : memref<4096xf32, #tpu.memory_space<vmem>>[vector<16xi32>], vector<16xf32>,
    %add3A_1213 = arith.addf %add3A_1208, %gather3A_1212 : vector<16xf32>
    %add3A_1214 = arith.constant 14 : i32
    %add3A_1215 = vector.broadcast %add3A_1214 : i32 to vector<16xi32>
    %add3A_1216 = arith.addi %mul3A_1147, %add3A_1215 : vector<16xi32>
    %gather3A_1217 = tpu.vector_load_idx %arg8[%add3A_1216] : memref<4096xf32, #tpu.memory_space<vmem>>[vector<16xi32>], vector<16xf32>,
    %add3A_1218 = arith.addf %add3A_1213, %gather3A_1217 : vector<16xf32>
    %add3A_1219 = arith.constant 15 : i32
    %add3A_1220 = vector.broadcast %add3A_1219 : i32 to vector<16xi32>
    %add3A_1221 = arith.addi %mul3A_1147, %add3A_1220 : vector<16xi32>
    %gather3A_1222 = tpu.vector_load_idx %arg8[%add3A_1221] : memref<4096xf32, #tpu.memory_space<vmem>>[vector<16xi32>], vector<16xf32>,
    %add3A_1223 = arith.addf %add3A_1218, %gather3A_1222 : vector<16xf32>
    %swap3A_1224 = arith.constant 208 : index
    %swap3A_1225 = tpu.vector_load %arg9[%swap3A_1224] {strides = array<i32>} : memref<256xf32, #tpu.memory_space<vmem>>, vector<16xf32>,
    tpu.vector_store %arg9[%swap3A_1224], %add3A_1223 {strides = array<i32>} : memref<256xf32, #tpu.memory_space<vmem>>, vector<16xf32>,
    %add3A_1226 = arith.constant 224 : i32
    %add3A_1227 = vector.broadcast %add3A_1226 : i32 to vector<16xi32>
    %add3A_1228 = arith.addi %iota3A, %add3A_1227 : vector<16xi32>
    %mul3A_1229 = arith.constant 16 : i32
    %mul3A_1230 = vector.broadcast %mul3A_1229 : i32 to vector<16xi32>
    %mul3A_1231 = arith.muli %add3A_1228, %mul3A_1230 : vector<16xi32>
    %gather3A_1232 = tpu.vector_load_idx %arg8[%mul3A_1231] : memref<4096xf32, #tpu.memory_space<vmem>>[vector<16xi32>], vector<16xf32>,
    %add3A_1233 = arith.constant 1 : i32
    %add3A_1234 = vector.broadcast %add3A_1233 : i32 to vector<16xi32>
    %add3A_1235 = arith.addi %mul3A_1231, %add3A_1234 : vector<16xi32>
    %gather3A_1236 = tpu.vector_load_idx %arg8[%add3A_1235] : memref<4096xf32, #tpu.memory_space<vmem>>[vector<16xi32>], vector<16xf32>,
    %add3A_1237 = arith.addf %gather3A_1232, %gather3A_1236 : vector<16xf32>
    %add3A_1238 = arith.constant 2 : i32
    %add3A_1239 = vector.broadcast %add3A_1238 : i32 to vector<16xi32>
    %add3A_1240 = arith.addi %mul3A_1231, %add3A_1239 : vector<16xi32>
    %gather3A_1241 = tpu.vector_load_idx %arg8[%add3A_1240] : memref<4096xf32, #tpu.memory_space<vmem>>[vector<16xi32>], vector<16xf32>,
    %add3A_1242 = arith.addf %add3A_1237, %gather3A_1241 : vector<16xf32>
    %add3A_1243 = arith.constant 3 : i32
    %add3A_1244 = vector.broadcast %add3A_1243 : i32 to vector<16xi32>
    %add3A_1245 = arith.addi %mul3A_1231, %add3A_1244 : vector<16xi32>
    %gather3A_1246 = tpu.vector_load_idx %arg8[%add3A_1245] : memref<4096xf32, #tpu.memory_space<vmem>>[vector<16xi32>], vector<16xf32>,
    %add3A_1247 = arith.addf %add3A_1242, %gather3A_1246 : vector<16xf32>
    %add3A_1248 = arith.constant 4 : i32
    %add3A_1249 = vector.broadcast %add3A_1248 : i32 to vector<16xi32>
    %add3A_1250 = arith.addi %mul3A_1231, %add3A_1249 : vector<16xi32>
    %gather3A_1251 = tpu.vector_load_idx %arg8[%add3A_1250] : memref<4096xf32, #tpu.memory_space<vmem>>[vector<16xi32>], vector<16xf32>,
    %add3A_1252 = arith.addf %add3A_1247, %gather3A_1251 : vector<16xf32>
    %add3A_1253 = arith.constant 5 : i32
    %add3A_1254 = vector.broadcast %add3A_1253 : i32 to vector<16xi32>
    %add3A_1255 = arith.addi %mul3A_1231, %add3A_1254 : vector<16xi32>
    %gather3A_1256 = tpu.vector_load_idx %arg8[%add3A_1255] : memref<4096xf32, #tpu.memory_space<vmem>>[vector<16xi32>], vector<16xf32>,
    %add3A_1257 = arith.addf %add3A_1252, %gather3A_1256 : vector<16xf32>
    %add3A_1258 = arith.constant 6 : i32
    %add3A_1259 = vector.broadcast %add3A_1258 : i32 to vector<16xi32>
    %add3A_1260 = arith.addi %mul3A_1231, %add3A_1259 : vector<16xi32>
    %gather3A_1261 = tpu.vector_load_idx %arg8[%add3A_1260] : memref<4096xf32, #tpu.memory_space<vmem>>[vector<16xi32>], vector<16xf32>,
    %add3A_1262 = arith.addf %add3A_1257, %gather3A_1261 : vector<16xf32>
    %add3A_1263 = arith.constant 7 : i32
    %add3A_1264 = vector.broadcast %add3A_1263 : i32 to vector<16xi32>
    %add3A_1265 = arith.addi %mul3A_1231, %add3A_1264 : vector<16xi32>
    %gather3A_1266 = tpu.vector_load_idx %arg8[%add3A_1265] : memref<4096xf32, #tpu.memory_space<vmem>>[vector<16xi32>], vector<16xf32>,
    %add3A_1267 = arith.addf %add3A_1262, %gather3A_1266 : vector<16xf32>
    %add3A_1268 = arith.constant 8 : i32
    %add3A_1269 = vector.broadcast %add3A_1268 : i32 to vector<16xi32>
    %add3A_1270 = arith.addi %mul3A_1231, %add3A_1269 : vector<16xi32>
    %gather3A_1271 = tpu.vector_load_idx %arg8[%add3A_1270] : memref<4096xf32, #tpu.memory_space<vmem>>[vector<16xi32>], vector<16xf32>,
    %add3A_1272 = arith.addf %add3A_1267, %gather3A_1271 : vector<16xf32>
    %add3A_1273 = arith.constant 9 : i32
    %add3A_1274 = vector.broadcast %add3A_1273 : i32 to vector<16xi32>
    %add3A_1275 = arith.addi %mul3A_1231, %add3A_1274 : vector<16xi32>
    %gather3A_1276 = tpu.vector_load_idx %arg8[%add3A_1275] : memref<4096xf32, #tpu.memory_space<vmem>>[vector<16xi32>], vector<16xf32>,
    %add3A_1277 = arith.addf %add3A_1272, %gather3A_1276 : vector<16xf32>
    %add3A_1278 = arith.constant 10 : i32
    %add3A_1279 = vector.broadcast %add3A_1278 : i32 to vector<16xi32>
    %add3A_1280 = arith.addi %mul3A_1231, %add3A_1279 : vector<16xi32>
    %gather3A_1281 = tpu.vector_load_idx %arg8[%add3A_1280] : memref<4096xf32, #tpu.memory_space<vmem>>[vector<16xi32>], vector<16xf32>,
    %add3A_1282 = arith.addf %add3A_1277, %gather3A_1281 : vector<16xf32>
    %add3A_1283 = arith.constant 11 : i32
    %add3A_1284 = vector.broadcast %add3A_1283 : i32 to vector<16xi32>
    %add3A_1285 = arith.addi %mul3A_1231, %add3A_1284 : vector<16xi32>
    %gather3A_1286 = tpu.vector_load_idx %arg8[%add3A_1285] : memref<4096xf32, #tpu.memory_space<vmem>>[vector<16xi32>], vector<16xf32>,
    %add3A_1287 = arith.addf %add3A_1282, %gather3A_1286 : vector<16xf32>
    %add3A_1288 = arith.constant 12 : i32
    %add3A_1289 = vector.broadcast %add3A_1288 : i32 to vector<16xi32>
    %add3A_1290 = arith.addi %mul3A_1231, %add3A_1289 : vector<16xi32>
    %gather3A_1291 = tpu.vector_load_idx %arg8[%add3A_1290] : memref<4096xf32, #tpu.memory_space<vmem>>[vector<16xi32>], vector<16xf32>,
    %add3A_1292 = arith.addf %add3A_1287, %gather3A_1291 : vector<16xf32>
    %add3A_1293 = arith.constant 13 : i32
    %add3A_1294 = vector.broadcast %add3A_1293 : i32 to vector<16xi32>
    %add3A_1295 = arith.addi %mul3A_1231, %add3A_1294 : vector<16xi32>
    %gather3A_1296 = tpu.vector_load_idx %arg8[%add3A_1295] : memref<4096xf32, #tpu.memory_space<vmem>>[vector<16xi32>], vector<16xf32>,
    %add3A_1297 = arith.addf %add3A_1292, %gather3A_1296 : vector<16xf32>
    %add3A_1298 = arith.constant 14 : i32
    %add3A_1299 = vector.broadcast %add3A_1298 : i32 to vector<16xi32>
    %add3A_1300 = arith.addi %mul3A_1231, %add3A_1299 : vector<16xi32>
    %gather3A_1301 = tpu.vector_load_idx %arg8[%add3A_1300] : memref<4096xf32, #tpu.memory_space<vmem>>[vector<16xi32>], vector<16xf32>,
    %add3A_1302 = arith.addf %add3A_1297, %gather3A_1301 : vector<16xf32>
    %add3A_1303 = arith.constant 15 : i32
    %add3A_1304 = vector.broadcast %add3A_1303 : i32 to vector<16xi32>
    %add3A_1305 = arith.addi %mul3A_1231, %add3A_1304 : vector<16xi32>
    %gather3A_1306 = tpu.vector_load_idx %arg8[%add3A_1305] : memref<4096xf32, #tpu.memory_space<vmem>>[vector<16xi32>], vector<16xf32>,
    %add3A_1307 = arith.addf %add3A_1302, %gather3A_1306 : vector<16xf32>
    %swap3A_1308 = arith.constant 224 : index
    %swap3A_1309 = tpu.vector_load %arg9[%swap3A_1308] {strides = array<i32>} : memref<256xf32, #tpu.memory_space<vmem>>, vector<16xf32>,
    tpu.vector_store %arg9[%swap3A_1308], %add3A_1307 {strides = array<i32>} : memref<256xf32, #tpu.memory_space<vmem>>, vector<16xf32>,
    %add3A_1310 = arith.constant 240 : i32
    %add3A_1311 = vector.broadcast %add3A_1310 : i32 to vector<16xi32>
    %add3A_1312 = arith.addi %iota3A, %add3A_1311 : vector<16xi32>
    %mul3A_1313 = arith.constant 16 : i32
    %mul3A_1314 = vector.broadcast %mul3A_1313 : i32 to vector<16xi32>
    %mul3A_1315 = arith.muli %add3A_1312, %mul3A_1314 : vector<16xi32>
    %gather3A_1316 = tpu.vector_load_idx %arg8[%mul3A_1315] : memref<4096xf32, #tpu.memory_space<vmem>>[vector<16xi32>], vector<16xf32>,
    %add3A_1317 = arith.constant 1 : i32
    %add3A_1318 = vector.broadcast %add3A_1317 : i32 to vector<16xi32>
    %add3A_1319 = arith.addi %mul3A_1315, %add3A_1318 : vector<16xi32>
    %gather3A_1320 = tpu.vector_load_idx %arg8[%add3A_1319] : memref<4096xf32, #tpu.memory_space<vmem>>[vector<16xi32>], vector<16xf32>,
    %add3A_1321 = arith.addf %gather3A_1316, %gather3A_1320 : vector<16xf32>
    %add3A_1322 = arith.constant 2 : i32
    %add3A_1323 = vector.broadcast %add3A_1322 : i32 to vector<16xi32>
    %add3A_1324 = arith.addi %mul3A_1315, %add3A_1323 : vector<16xi32>
    %gather3A_1325 = tpu.vector_load_idx %arg8[%add3A_1324] : memref<4096xf32, #tpu.memory_space<vmem>>[vector<16xi32>], vector<16xf32>,
    %add3A_1326 = arith.addf %add3A_1321, %gather3A_1325 : vector<16xf32>
    %add3A_1327 = arith.constant 3 : i32
    %add3A_1328 = vector.broadcast %add3A_1327 : i32 to vector<16xi32>
    %add3A_1329 = arith.addi %mul3A_1315, %add3A_1328 : vector<16xi32>
    %gather3A_1330 = tpu.vector_load_idx %arg8[%add3A_1329] : memref<4096xf32, #tpu.memory_space<vmem>>[vector<16xi32>], vector<16xf32>,
    %add3A_1331 = arith.addf %add3A_1326, %gather3A_1330 : vector<16xf32>
    %add3A_1332 = arith.constant 4 : i32
    %add3A_1333 = vector.broadcast %add3A_1332 : i32 to vector<16xi32>
    %add3A_1334 = arith.addi %mul3A_1315, %add3A_1333 : vector<16xi32>
    %gather3A_1335 = tpu.vector_load_idx %arg8[%add3A_1334] : memref<4096xf32, #tpu.memory_space<vmem>>[vector<16xi32>], vector<16xf32>,
    %add3A_1336 = arith.addf %add3A_1331, %gather3A_1335 : vector<16xf32>
    %add3A_1337 = arith.constant 5 : i32
    %add3A_1338 = vector.broadcast %add3A_1337 : i32 to vector<16xi32>
    %add3A_1339 = arith.addi %mul3A_1315, %add3A_1338 : vector<16xi32>
    %gather3A_1340 = tpu.vector_load_idx %arg8[%add3A_1339] : memref<4096xf32, #tpu.memory_space<vmem>>[vector<16xi32>], vector<16xf32>,
    %add3A_1341 = arith.addf %add3A_1336, %gather3A_1340 : vector<16xf32>
    %add3A_1342 = arith.constant 6 : i32
    %add3A_1343 = vector.broadcast %add3A_1342 : i32 to vector<16xi32>
    %add3A_1344 = arith.addi %mul3A_1315, %add3A_1343 : vector<16xi32>
    %gather3A_1345 = tpu.vector_load_idx %arg8[%add3A_1344] : memref<4096xf32, #tpu.memory_space<vmem>>[vector<16xi32>], vector<16xf32>,
    %add3A_1346 = arith.addf %add3A_1341, %gather3A_1345 : vector<16xf32>
    %add3A_1347 = arith.constant 7 : i32
    %add3A_1348 = vector.broadcast %add3A_1347 : i32 to vector<16xi32>
    %add3A_1349 = arith.addi %mul3A_1315, %add3A_1348 : vector<16xi32>
    %gather3A_1350 = tpu.vector_load_idx %arg8[%add3A_1349] : memref<4096xf32, #tpu.memory_space<vmem>>[vector<16xi32>], vector<16xf32>,
    %add3A_1351 = arith.addf %add3A_1346, %gather3A_1350 : vector<16xf32>
    %add3A_1352 = arith.constant 8 : i32
    %add3A_1353 = vector.broadcast %add3A_1352 : i32 to vector<16xi32>
    %add3A_1354 = arith.addi %mul3A_1315, %add3A_1353 : vector<16xi32>
    %gather3A_1355 = tpu.vector_load_idx %arg8[%add3A_1354] : memref<4096xf32, #tpu.memory_space<vmem>>[vector<16xi32>], vector<16xf32>,
    %add3A_1356 = arith.addf %add3A_1351, %gather3A_1355 : vector<16xf32>
    %add3A_1357 = arith.constant 9 : i32
    %add3A_1358 = vector.broadcast %add3A_1357 : i32 to vector<16xi32>
    %add3A_1359 = arith.addi %mul3A_1315, %add3A_1358 : vector<16xi32>
    %gather3A_1360 = tpu.vector_load_idx %arg8[%add3A_1359] : memref<4096xf32, #tpu.memory_space<vmem>>[vector<16xi32>], vector<16xf32>,
    %add3A_1361 = arith.addf %add3A_1356, %gather3A_1360 : vector<16xf32>
    %add3A_1362 = arith.constant 10 : i32
    %add3A_1363 = vector.broadcast %add3A_1362 : i32 to vector<16xi32>
    %add3A_1364 = arith.addi %mul3A_1315, %add3A_1363 : vector<16xi32>
    %gather3A_1365 = tpu.vector_load_idx %arg8[%add3A_1364] : memref<4096xf32, #tpu.memory_space<vmem>>[vector<16xi32>], vector<16xf32>,
    %add3A_1366 = arith.addf %add3A_1361, %gather3A_1365 : vector<16xf32>
    %add3A_1367 = arith.constant 11 : i32
    %add3A_1368 = vector.broadcast %add3A_1367 : i32 to vector<16xi32>
    %add3A_1369 = arith.addi %mul3A_1315, %add3A_1368 : vector<16xi32>
    %gather3A_1370 = tpu.vector_load_idx %arg8[%add3A_1369] : memref<4096xf32, #tpu.memory_space<vmem>>[vector<16xi32>], vector<16xf32>,
    %add3A_1371 = arith.addf %add3A_1366, %gather3A_1370 : vector<16xf32>
    %add3A_1372 = arith.constant 12 : i32
    %add3A_1373 = vector.broadcast %add3A_1372 : i32 to vector<16xi32>
    %add3A_1374 = arith.addi %mul3A_1315, %add3A_1373 : vector<16xi32>
    %gather3A_1375 = tpu.vector_load_idx %arg8[%add3A_1374] : memref<4096xf32, #tpu.memory_space<vmem>>[vector<16xi32>], vector<16xf32>,
    %add3A_1376 = arith.addf %add3A_1371, %gather3A_1375 : vector<16xf32>
    %add3A_1377 = arith.constant 13 : i32
    %add3A_1378 = vector.broadcast %add3A_1377 : i32 to vector<16xi32>
    %add3A_1379 = arith.addi %mul3A_1315, %add3A_1378 : vector<16xi32>
    %gather3A_1380 = tpu.vector_load_idx %arg8[%add3A_1379] : memref<4096xf32, #tpu.memory_space<vmem>>[vector<16xi32>], vector<16xf32>,
    %add3A_1381 = arith.addf %add3A_1376, %gather3A_1380 : vector<16xf32>
    %add3A_1382 = arith.constant 14 : i32
    %add3A_1383 = vector.broadcast %add3A_1382 : i32 to vector<16xi32>
    %add3A_1384 = arith.addi %mul3A_1315, %add3A_1383 : vector<16xi32>
    %gather3A_1385 = tpu.vector_load_idx %arg8[%add3A_1384] : memref<4096xf32, #tpu.memory_space<vmem>>[vector<16xi32>], vector<16xf32>,
    %add3A_1386 = arith.addf %add3A_1381, %gather3A_1385 : vector<16xf32>
    %add3A_1387 = arith.constant 15 : i32
    %add3A_1388 = vector.broadcast %add3A_1387 : i32 to vector<16xi32>
    %add3A_1389 = arith.addi %mul3A_1315, %add3A_1388 : vector<16xi32>
    %gather3A_1390 = tpu.vector_load_idx %arg8[%add3A_1389] : memref<4096xf32, #tpu.memory_space<vmem>>[vector<16xi32>], vector<16xf32>,
    %add3A_1391 = arith.addf %add3A_1386, %gather3A_1390 : vector<16xf32>
    %swap3A_1392 = arith.constant 240 : index
    %swap3A_1393 = tpu.vector_load %arg9[%swap3A_1392] {strides = array<i32>} : memref<256xf32, #tpu.memory_space<vmem>>, vector<16xf32>,
    tpu.vector_store %arg9[%swap3A_1392], %add3A_1391 {strides = array<i32>} : memref<256xf32, #tpu.memory_space<vmem>>, vector<16xf32>,
    "tpu.region"() ({
      %run_scoped3A = tpu.sem_alloc : memref<!tpu.dma_semaphore, #tpu.memory_space<semaphore_mem>>
      %dma_start3A_1732 = arith.constant 0 : i32
      %dma_start3A_1733 = tpu.memref_slice %arg12[%arg1, %dma_start3A_1732] : memref<16x256xf32, #tpu.memory_space<vmem_shared>> -> memref<1x256xf32, #tpu.memory_space<vmem_shared>>
      %dma_start3A_1734 = tpu.memref_squeeze %dma_start3A_1733 : memref<1x256xf32, #tpu.memory_space<vmem_shared>> -> memref<256xf32, #tpu.memory_space<vmem_shared>>
      %dma_start3A_1735 = arith.constant 0 : i32
      %dma_start3A_1736 = tpu.memref_slice %arg12[%arg1, %dma_start3A_1735] : memref<16x256xf32, #tpu.memory_space<vmem_shared>> -> memref<1x256xf32, #tpu.memory_space<vmem_shared>>
      %dma_start3A_1737 = tpu.memref_squeeze %dma_start3A_1736 : memref<1x256xf32, #tpu.memory_space<vmem_shared>> -> memref<256xf32, #tpu.memory_space<vmem_shared>>
      tpu.enqueue_dma source(%arg9 : memref<256xf32, #tpu.memory_space<vmem>>) target(%dma_start3A_1737 : memref<256xf32, #tpu.memory_space<vmem_shared>>) target_semaphore(%run_scoped3A : memref<!tpu.dma_semaphore, #tpu.memory_space<semaphore_mem>>)
      %dma_wait3A_1738 = arith.constant 0 : i32
      %dma_wait3A_1739 = tpu.memref_slice %arg12[%arg1, %dma_wait3A_1738] : memref<16x256xf32, #tpu.memory_space<vmem_shared>> -> memref<1x256xf32, #tpu.memory_space<vmem_shared>>
      %dma_wait3A_1740 = tpu.memref_squeeze %dma_wait3A_1739 : memref<1x256xf32, #tpu.memory_space<vmem_shared>> -> memref<256xf32, #tpu.memory_space<vmem_shared>>
      %dma_wait3A_1741 = arith.constant 0 : i32
      %dma_wait3A_1742 = tpu.memref_slice %arg12[%arg1, %dma_wait3A_1741] : memref<16x256xf32, #tpu.memory_space<vmem_shared>> -> memref<1x256xf32, #tpu.memory_space<vmem_shared>>
      %dma_wait3A_1743 = tpu.memref_squeeze %dma_wait3A_1742 : memref<1x256xf32, #tpu.memory_space<vmem_shared>> -> memref<256xf32, #tpu.memory_space<vmem_shared>>
      tpu.wait_dma2 semaphore(%run_scoped3A : memref<!tpu.dma_semaphore, #tpu.memory_space<semaphore_mem>>) src(%arg9 : memref<256xf32, #tpu.memory_space<vmem>>) dst(%dma_wait3A_1743 : memref<256xf32, #tpu.memory_space<vmem_shared>>)
      tpu.yield
    }) : () -> ()
    %add3A_1394 = arith.constant 0 : i32
    %add3A_1395 = arith.addi %add3A_35, %add3A_1394 : i32
    %dma_start3A_1396 = tpu.memref_slice %arg2[%add3A_1395] : memref<12582912xf32, #tpu.memory_space<hbm>> -> memref<16384xf32, #tpu.memory_space<hbm>>
    %dma_start3A_1397 = tpu.memref_slice %arg2[%add3A_1395] : memref<12582912xf32, #tpu.memory_space<hbm>> -> memref<16384xf32, #tpu.memory_space<hbm>>
    tpu.enqueue_dma source(%dma_start3A_1397 : memref<16384xf32, #tpu.memory_space<hbm>>) target(%arg4 : memref<16384xf32, #tpu.memory_space<vmem>>) target_semaphore(%arg13 : memref<!tpu.dma_semaphore, #tpu.memory_space<semaphore_mem>>)
    %add3A_1398 = arith.constant 16384 : i32
    %add3A_1399 = arith.addi %add3A_35, %add3A_1398 : i32
    %dma_start3A_1400 = tpu.memref_slice %arg2[%add3A_1399] : memref<12582912xf32, #tpu.memory_space<hbm>> -> memref<16384xf32, #tpu.memory_space<hbm>>
    %dma_start3A_1401 = tpu.memref_slice %arg2[%add3A_1399] : memref<12582912xf32, #tpu.memory_space<hbm>> -> memref<16384xf32, #tpu.memory_space<hbm>>
    tpu.enqueue_dma source(%dma_start3A_1401 : memref<16384xf32, #tpu.memory_space<hbm>>) target(%arg5 : memref<16384xf32, #tpu.memory_space<vmem>>) target_semaphore(%arg14 : memref<!tpu.dma_semaphore, #tpu.memory_space<semaphore_mem>>)
    %barrier3A = arith.constant 0 : index
    tpu.barrier barrier_id(%barrier3A)
    %xor3A = arith.constant 1 : i32
    %xor3A_1402 = arith.xori %arg1, %xor3A : i32
    "tpu.region"() ({
      %run_scoped3A = tpu.sem_alloc : memref<!tpu.dma_semaphore, #tpu.memory_space<semaphore_mem>>
      %dma_start3A_1732 = arith.constant 0 : i32
      %dma_start3A_1733 = tpu.memref_slice %arg12[%xor3A_1402, %dma_start3A_1732] : memref<16x256xf32, #tpu.memory_space<vmem_shared>> -> memref<1x256xf32, #tpu.memory_space<vmem_shared>>
      %dma_start3A_1734 = tpu.memref_squeeze %dma_start3A_1733 : memref<1x256xf32, #tpu.memory_space<vmem_shared>> -> memref<256xf32, #tpu.memory_space<vmem_shared>>
      %dma_start3A_1735 = arith.constant 0 : i32
      %dma_start3A_1736 = tpu.memref_slice %arg12[%xor3A_1402, %dma_start3A_1735] : memref<16x256xf32, #tpu.memory_space<vmem_shared>> -> memref<1x256xf32, #tpu.memory_space<vmem_shared>>
      %dma_start3A_1737 = tpu.memref_squeeze %dma_start3A_1736 : memref<1x256xf32, #tpu.memory_space<vmem_shared>> -> memref<256xf32, #tpu.memory_space<vmem_shared>>
      tpu.enqueue_dma source(%dma_start3A_1737 : memref<256xf32, #tpu.memory_space<vmem_shared>>) target(%arg10 : memref<256xf32, #tpu.memory_space<vmem>>) target_semaphore(%run_scoped3A : memref<!tpu.dma_semaphore, #tpu.memory_space<semaphore_mem>>)
      %dma_wait3A_1738 = arith.constant 0 : i32
      %dma_wait3A_1739 = tpu.memref_slice %arg12[%xor3A_1402, %dma_wait3A_1738] : memref<16x256xf32, #tpu.memory_space<vmem_shared>> -> memref<1x256xf32, #tpu.memory_space<vmem_shared>>
      %dma_wait3A_1740 = tpu.memref_squeeze %dma_wait3A_1739 : memref<1x256xf32, #tpu.memory_space<vmem_shared>> -> memref<256xf32, #tpu.memory_space<vmem_shared>>
      %dma_wait3A_1741 = arith.constant 0 : i32
      %dma_wait3A_1742 = tpu.memref_slice %arg12[%xor3A_1402, %dma_wait3A_1741] : memref<16x256xf32, #tpu.memory_space<vmem_shared>> -> memref<1x256xf32, #tpu.memory_space<vmem_shared>>
      %dma_wait3A_1743 = tpu.memref_squeeze %dma_wait3A_1742 : memref<1x256xf32, #tpu.memory_space<vmem_shared>> -> memref<256xf32, #tpu.memory_space<vmem_shared>>
      tpu.wait_dma2 semaphore(%run_scoped3A : memref<!tpu.dma_semaphore, #tpu.memory_space<semaphore_mem>>) src(%dma_wait3A_1743 : memref<256xf32, #tpu.memory_space<vmem_shared>>) dst(%arg10 : memref<256xf32, #tpu.memory_space<vmem>>)
      tpu.yield
    }) : () -> ()
    %broadcast_in_dim3A_1403 = arith.constant 0.000000e+00 : f32
    %broadcast_in_dim3A_1404 = vector.broadcast %broadcast_in_dim3A_1403 : f32 to vector<16xf32>
    %get3A = arith.constant 0 : index
    %get3A_1405 = tpu.vector_load %arg9[%get3A] {strides = array<i32>} : memref<256xf32, #tpu.memory_space<vmem>>, vector<16xf32>,
    %get3A_1406 = arith.constant 0 : index
    %get3A_1407 = tpu.vector_load %arg10[%get3A_1406] {strides = array<i32>} : memref<256xf32, #tpu.memory_space<vmem>>, vector<16xf32>,
    %add3A_1408 = arith.addf %get3A_1405, %get3A_1407 : vector<16xf32>
    %broadcast_in_dim3A_1409 = arith.constant true
    %broadcast_in_dim3A_1410 = vector.broadcast %broadcast_in_dim3A_1409 : i1 to vector<16xi1>
    %masked_cumsum3A = tpu.scan <sum>, %add3A_1408 masked %broadcast_in_dim3A_1410 : vector<16xf32>, vector<16xi1> -> vector<16xf32>
    %add3A_1411 = arith.addf %masked_cumsum3A, %broadcast_in_dim3A_1404 : vector<16xf32>
    %mul3A_1412 = arith.constant 1.27156579E-6 : f32
    %mul3A_1413 = vector.broadcast %mul3A_1412 : f32 to vector<16xf32>
    %mul3A_1414 = arith.mulf %add3A_1411, %mul3A_1413 : vector<16xf32>
    %swap3A_1415 = arith.constant 0 : index
    %swap3A_1416 = tpu.vector_load %arg11[%swap3A_1415] {strides = array<i32>} : memref<256xf32, #tpu.memory_space<vmem>>, vector<16xf32>,
    tpu.vector_store %arg11[%swap3A_1415], %mul3A_1414 {strides = array<i32>} : memref<256xf32, #tpu.memory_space<vmem>>, vector<16xf32>,
    %reduce_sum3A = arith.constant true
    %reduce_sum3A_1417 = vector.broadcast %reduce_sum3A : i1 to vector<16xi1>
    %reduce_sum3A_1418 = tpu.scan <sum>, %add3A_1408 masked %reduce_sum3A_1417 : vector<16xf32>, vector<16xi1> -> vector<16xf32>
    %reduce_sum3A_1419 = vector.extract %reduce_sum3A_1418[15] : f32 from vector<16xf32>
    %add3A_1420 = vector.broadcast %reduce_sum3A_1419 : f32 to vector<16xf32>
    %add3A_1421 = arith.addf %broadcast_in_dim3A_1404, %add3A_1420 : vector<16xf32>
    %get3A_1422 = arith.constant 16 : index
    %get3A_1423 = tpu.vector_load %arg9[%get3A_1422] {strides = array<i32>} : memref<256xf32, #tpu.memory_space<vmem>>, vector<16xf32>,
    %get3A_1424 = arith.constant 16 : index
    %get3A_1425 = tpu.vector_load %arg10[%get3A_1424] {strides = array<i32>} : memref<256xf32, #tpu.memory_space<vmem>>, vector<16xf32>,
    %add3A_1426 = arith.addf %get3A_1423, %get3A_1425 : vector<16xf32>
    %broadcast_in_dim3A_1427 = arith.constant true
    %broadcast_in_dim3A_1428 = vector.broadcast %broadcast_in_dim3A_1427 : i1 to vector<16xi1>
    %masked_cumsum3A_1429 = tpu.scan <sum>, %add3A_1426 masked %broadcast_in_dim3A_1428 : vector<16xf32>, vector<16xi1> -> vector<16xf32>
    %add3A_1430 = arith.addf %masked_cumsum3A_1429, %add3A_1421 : vector<16xf32>
    %mul3A_1431 = arith.constant 1.27156579E-6 : f32
    %mul3A_1432 = vector.broadcast %mul3A_1431 : f32 to vector<16xf32>
    %mul3A_1433 = arith.mulf %add3A_1430, %mul3A_1432 : vector<16xf32>
    %swap3A_1434 = arith.constant 16 : index
    %swap3A_1435 = tpu.vector_load %arg11[%swap3A_1434] {strides = array<i32>} : memref<256xf32, #tpu.memory_space<vmem>>, vector<16xf32>,
    tpu.vector_store %arg11[%swap3A_1434], %mul3A_1433 {strides = array<i32>} : memref<256xf32, #tpu.memory_space<vmem>>, vector<16xf32>,
    %reduce_sum3A_1436 = arith.constant true
    %reduce_sum3A_1437 = vector.broadcast %reduce_sum3A_1436 : i1 to vector<16xi1>
    %reduce_sum3A_1438 = tpu.scan <sum>, %add3A_1426 masked %reduce_sum3A_1437 : vector<16xf32>, vector<16xi1> -> vector<16xf32>
    %reduce_sum3A_1439 = vector.extract %reduce_sum3A_1438[15] : f32 from vector<16xf32>
    %add3A_1440 = vector.broadcast %reduce_sum3A_1439 : f32 to vector<16xf32>
    %add3A_1441 = arith.addf %add3A_1421, %add3A_1440 : vector<16xf32>
    %get3A_1442 = arith.constant 32 : index
    %get3A_1443 = tpu.vector_load %arg9[%get3A_1442] {strides = array<i32>} : memref<256xf32, #tpu.memory_space<vmem>>, vector<16xf32>,
    %get3A_1444 = arith.constant 32 : index
    %get3A_1445 = tpu.vector_load %arg10[%get3A_1444] {strides = array<i32>} : memref<256xf32, #tpu.memory_space<vmem>>, vector<16xf32>,
    %add3A_1446 = arith.addf %get3A_1443, %get3A_1445 : vector<16xf32>
    %broadcast_in_dim3A_1447 = arith.constant true
    %broadcast_in_dim3A_1448 = vector.broadcast %broadcast_in_dim3A_1447 : i1 to vector<16xi1>
    %masked_cumsum3A_1449 = tpu.scan <sum>, %add3A_1446 masked %broadcast_in_dim3A_1448 : vector<16xf32>, vector<16xi1> -> vector<16xf32>
    %add3A_1450 = arith.addf %masked_cumsum3A_1449, %add3A_1441 : vector<16xf32>
    %mul3A_1451 = arith.constant 1.27156579E-6 : f32
    %mul3A_1452 = vector.broadcast %mul3A_1451 : f32 to vector<16xf32>
    %mul3A_1453 = arith.mulf %add3A_1450, %mul3A_1452 : vector<16xf32>
    %swap3A_1454 = arith.constant 32 : index
    %swap3A_1455 = tpu.vector_load %arg11[%swap3A_1454] {strides = array<i32>} : memref<256xf32, #tpu.memory_space<vmem>>, vector<16xf32>,
    tpu.vector_store %arg11[%swap3A_1454], %mul3A_1453 {strides = array<i32>} : memref<256xf32, #tpu.memory_space<vmem>>, vector<16xf32>,
    %reduce_sum3A_1456 = arith.constant true
    %reduce_sum3A_1457 = vector.broadcast %reduce_sum3A_1456 : i1 to vector<16xi1>
    %reduce_sum3A_1458 = tpu.scan <sum>, %add3A_1446 masked %reduce_sum3A_1457 : vector<16xf32>, vector<16xi1> -> vector<16xf32>
    %reduce_sum3A_1459 = vector.extract %reduce_sum3A_1458[15] : f32 from vector<16xf32>
    %add3A_1460 = vector.broadcast %reduce_sum3A_1459 : f32 to vector<16xf32>
    %add3A_1461 = arith.addf %add3A_1441, %add3A_1460 : vector<16xf32>
    %get3A_1462 = arith.constant 48 : index
    %get3A_1463 = tpu.vector_load %arg9[%get3A_1462] {strides = array<i32>} : memref<256xf32, #tpu.memory_space<vmem>>, vector<16xf32>,
    %get3A_1464 = arith.constant 48 : index
    %get3A_1465 = tpu.vector_load %arg10[%get3A_1464] {strides = array<i32>} : memref<256xf32, #tpu.memory_space<vmem>>, vector<16xf32>,
    %add3A_1466 = arith.addf %get3A_1463, %get3A_1465 : vector<16xf32>
    %broadcast_in_dim3A_1467 = arith.constant true
    %broadcast_in_dim3A_1468 = vector.broadcast %broadcast_in_dim3A_1467 : i1 to vector<16xi1>
    %masked_cumsum3A_1469 = tpu.scan <sum>, %add3A_1466 masked %broadcast_in_dim3A_1468 : vector<16xf32>, vector<16xi1> -> vector<16xf32>
    %add3A_1470 = arith.addf %masked_cumsum3A_1469, %add3A_1461 : vector<16xf32>
    %mul3A_1471 = arith.constant 1.27156579E-6 : f32
    %mul3A_1472 = vector.broadcast %mul3A_1471 : f32 to vector<16xf32>
    %mul3A_1473 = arith.mulf %add3A_1470, %mul3A_1472 : vector<16xf32>
    %swap3A_1474 = arith.constant 48 : index
    %swap3A_1475 = tpu.vector_load %arg11[%swap3A_1474] {strides = array<i32>} : memref<256xf32, #tpu.memory_space<vmem>>, vector<16xf32>,
    tpu.vector_store %arg11[%swap3A_1474], %mul3A_1473 {strides = array<i32>} : memref<256xf32, #tpu.memory_space<vmem>>, vector<16xf32>,
    %reduce_sum3A_1476 = arith.constant true
    %reduce_sum3A_1477 = vector.broadcast %reduce_sum3A_1476 : i1 to vector<16xi1>
    %reduce_sum3A_1478 = tpu.scan <sum>, %add3A_1466 masked %reduce_sum3A_1477 : vector<16xf32>, vector<16xi1> -> vector<16xf32>
    %reduce_sum3A_1479 = vector.extract %reduce_sum3A_1478[15] : f32 from vector<16xf32>
    %add3A_1480 = vector.broadcast %reduce_sum3A_1479 : f32 to vector<16xf32>
    %add3A_1481 = arith.addf %add3A_1461, %add3A_1480 : vector<16xf32>
    %get3A_1482 = arith.constant 64 : index
    %get3A_1483 = tpu.vector_load %arg9[%get3A_1482] {strides = array<i32>} : memref<256xf32, #tpu.memory_space<vmem>>, vector<16xf32>,
    %get3A_1484 = arith.constant 64 : index
    %get3A_1485 = tpu.vector_load %arg10[%get3A_1484] {strides = array<i32>} : memref<256xf32, #tpu.memory_space<vmem>>, vector<16xf32>,
    %add3A_1486 = arith.addf %get3A_1483, %get3A_1485 : vector<16xf32>
    %broadcast_in_dim3A_1487 = arith.constant true
    %broadcast_in_dim3A_1488 = vector.broadcast %broadcast_in_dim3A_1487 : i1 to vector<16xi1>
    %masked_cumsum3A_1489 = tpu.scan <sum>, %add3A_1486 masked %broadcast_in_dim3A_1488 : vector<16xf32>, vector<16xi1> -> vector<16xf32>
    %add3A_1490 = arith.addf %masked_cumsum3A_1489, %add3A_1481 : vector<16xf32>
    %mul3A_1491 = arith.constant 1.27156579E-6 : f32
    %mul3A_1492 = vector.broadcast %mul3A_1491 : f32 to vector<16xf32>
    %mul3A_1493 = arith.mulf %add3A_1490, %mul3A_1492 : vector<16xf32>
    %swap3A_1494 = arith.constant 64 : index
    %swap3A_1495 = tpu.vector_load %arg11[%swap3A_1494] {strides = array<i32>} : memref<256xf32, #tpu.memory_space<vmem>>, vector<16xf32>,
    tpu.vector_store %arg11[%swap3A_1494], %mul3A_1493 {strides = array<i32>} : memref<256xf32, #tpu.memory_space<vmem>>, vector<16xf32>,
    %reduce_sum3A_1496 = arith.constant true
    %reduce_sum3A_1497 = vector.broadcast %reduce_sum3A_1496 : i1 to vector<16xi1>
    %reduce_sum3A_1498 = tpu.scan <sum>, %add3A_1486 masked %reduce_sum3A_1497 : vector<16xf32>, vector<16xi1> -> vector<16xf32>
    %reduce_sum3A_1499 = vector.extract %reduce_sum3A_1498[15] : f32 from vector<16xf32>
    %add3A_1500 = vector.broadcast %reduce_sum3A_1499 : f32 to vector<16xf32>
    %add3A_1501 = arith.addf %add3A_1481, %add3A_1500 : vector<16xf32>
    %get3A_1502 = arith.constant 80 : index
    %get3A_1503 = tpu.vector_load %arg9[%get3A_1502] {strides = array<i32>} : memref<256xf32, #tpu.memory_space<vmem>>, vector<16xf32>,
    %get3A_1504 = arith.constant 80 : index
    %get3A_1505 = tpu.vector_load %arg10[%get3A_1504] {strides = array<i32>} : memref<256xf32, #tpu.memory_space<vmem>>, vector<16xf32>,
    %add3A_1506 = arith.addf %get3A_1503, %get3A_1505 : vector<16xf32>
    %broadcast_in_dim3A_1507 = arith.constant true
    %broadcast_in_dim3A_1508 = vector.broadcast %broadcast_in_dim3A_1507 : i1 to vector<16xi1>
    %masked_cumsum3A_1509 = tpu.scan <sum>, %add3A_1506 masked %broadcast_in_dim3A_1508 : vector<16xf32>, vector<16xi1> -> vector<16xf32>
    %add3A_1510 = arith.addf %masked_cumsum3A_1509, %add3A_1501 : vector<16xf32>
    %mul3A_1511 = arith.constant 1.27156579E-6 : f32
    %mul3A_1512 = vector.broadcast %mul3A_1511 : f32 to vector<16xf32>
    %mul3A_1513 = arith.mulf %add3A_1510, %mul3A_1512 : vector<16xf32>
    %swap3A_1514 = arith.constant 80 : index
    %swap3A_1515 = tpu.vector_load %arg11[%swap3A_1514] {strides = array<i32>} : memref<256xf32, #tpu.memory_space<vmem>>, vector<16xf32>,
    tpu.vector_store %arg11[%swap3A_1514], %mul3A_1513 {strides = array<i32>} : memref<256xf32, #tpu.memory_space<vmem>>, vector<16xf32>,
    %reduce_sum3A_1516 = arith.constant true
    %reduce_sum3A_1517 = vector.broadcast %reduce_sum3A_1516 : i1 to vector<16xi1>
    %reduce_sum3A_1518 = tpu.scan <sum>, %add3A_1506 masked %reduce_sum3A_1517 : vector<16xf32>, vector<16xi1> -> vector<16xf32>
    %reduce_sum3A_1519 = vector.extract %reduce_sum3A_1518[15] : f32 from vector<16xf32>
    %add3A_1520 = vector.broadcast %reduce_sum3A_1519 : f32 to vector<16xf32>
    %add3A_1521 = arith.addf %add3A_1501, %add3A_1520 : vector<16xf32>
    %get3A_1522 = arith.constant 96 : index
    %get3A_1523 = tpu.vector_load %arg9[%get3A_1522] {strides = array<i32>} : memref<256xf32, #tpu.memory_space<vmem>>, vector<16xf32>,
    %get3A_1524 = arith.constant 96 : index
    %get3A_1525 = tpu.vector_load %arg10[%get3A_1524] {strides = array<i32>} : memref<256xf32, #tpu.memory_space<vmem>>, vector<16xf32>,
    %add3A_1526 = arith.addf %get3A_1523, %get3A_1525 : vector<16xf32>
    %broadcast_in_dim3A_1527 = arith.constant true
    %broadcast_in_dim3A_1528 = vector.broadcast %broadcast_in_dim3A_1527 : i1 to vector<16xi1>
    %masked_cumsum3A_1529 = tpu.scan <sum>, %add3A_1526 masked %broadcast_in_dim3A_1528 : vector<16xf32>, vector<16xi1> -> vector<16xf32>
    %add3A_1530 = arith.addf %masked_cumsum3A_1529, %add3A_1521 : vector<16xf32>
    %mul3A_1531 = arith.constant 1.27156579E-6 : f32
    %mul3A_1532 = vector.broadcast %mul3A_1531 : f32 to vector<16xf32>
    %mul3A_1533 = arith.mulf %add3A_1530, %mul3A_1532 : vector<16xf32>
    %swap3A_1534 = arith.constant 96 : index
    %swap3A_1535 = tpu.vector_load %arg11[%swap3A_1534] {strides = array<i32>} : memref<256xf32, #tpu.memory_space<vmem>>, vector<16xf32>,
    tpu.vector_store %arg11[%swap3A_1534], %mul3A_1533 {strides = array<i32>} : memref<256xf32, #tpu.memory_space<vmem>>, vector<16xf32>,
    %reduce_sum3A_1536 = arith.constant true
    %reduce_sum3A_1537 = vector.broadcast %reduce_sum3A_1536 : i1 to vector<16xi1>
    %reduce_sum3A_1538 = tpu.scan <sum>, %add3A_1526 masked %reduce_sum3A_1537 : vector<16xf32>, vector<16xi1> -> vector<16xf32>
    %reduce_sum3A_1539 = vector.extract %reduce_sum3A_1538[15] : f32 from vector<16xf32>
    %add3A_1540 = vector.broadcast %reduce_sum3A_1539 : f32 to vector<16xf32>
    %add3A_1541 = arith.addf %add3A_1521, %add3A_1540 : vector<16xf32>
    %get3A_1542 = arith.constant 112 : index
    %get3A_1543 = tpu.vector_load %arg9[%get3A_1542] {strides = array<i32>} : memref<256xf32, #tpu.memory_space<vmem>>, vector<16xf32>,
    %get3A_1544 = arith.constant 112 : index
    %get3A_1545 = tpu.vector_load %arg10[%get3A_1544] {strides = array<i32>} : memref<256xf32, #tpu.memory_space<vmem>>, vector<16xf32>,
    %add3A_1546 = arith.addf %get3A_1543, %get3A_1545 : vector<16xf32>
    %broadcast_in_dim3A_1547 = arith.constant true
    %broadcast_in_dim3A_1548 = vector.broadcast %broadcast_in_dim3A_1547 : i1 to vector<16xi1>
    %masked_cumsum3A_1549 = tpu.scan <sum>, %add3A_1546 masked %broadcast_in_dim3A_1548 : vector<16xf32>, vector<16xi1> -> vector<16xf32>
    %add3A_1550 = arith.addf %masked_cumsum3A_1549, %add3A_1541 : vector<16xf32>
    %mul3A_1551 = arith.constant 1.27156579E-6 : f32
    %mul3A_1552 = vector.broadcast %mul3A_1551 : f32 to vector<16xf32>
    %mul3A_1553 = arith.mulf %add3A_1550, %mul3A_1552 : vector<16xf32>
    %swap3A_1554 = arith.constant 112 : index
    %swap3A_1555 = tpu.vector_load %arg11[%swap3A_1554] {strides = array<i32>} : memref<256xf32, #tpu.memory_space<vmem>>, vector<16xf32>,
    tpu.vector_store %arg11[%swap3A_1554], %mul3A_1553 {strides = array<i32>} : memref<256xf32, #tpu.memory_space<vmem>>, vector<16xf32>,
    %reduce_sum3A_1556 = arith.constant true
    %reduce_sum3A_1557 = vector.broadcast %reduce_sum3A_1556 : i1 to vector<16xi1>
    %reduce_sum3A_1558 = tpu.scan <sum>, %add3A_1546 masked %reduce_sum3A_1557 : vector<16xf32>, vector<16xi1> -> vector<16xf32>
    %reduce_sum3A_1559 = vector.extract %reduce_sum3A_1558[15] : f32 from vector<16xf32>
    %add3A_1560 = vector.broadcast %reduce_sum3A_1559 : f32 to vector<16xf32>
    %add3A_1561 = arith.addf %add3A_1541, %add3A_1560 : vector<16xf32>
    %get3A_1562 = arith.constant 128 : index
    %get3A_1563 = tpu.vector_load %arg9[%get3A_1562] {strides = array<i32>} : memref<256xf32, #tpu.memory_space<vmem>>, vector<16xf32>,
    %get3A_1564 = arith.constant 128 : index
    %get3A_1565 = tpu.vector_load %arg10[%get3A_1564] {strides = array<i32>} : memref<256xf32, #tpu.memory_space<vmem>>, vector<16xf32>,
    %add3A_1566 = arith.addf %get3A_1563, %get3A_1565 : vector<16xf32>
    %broadcast_in_dim3A_1567 = arith.constant true
    %broadcast_in_dim3A_1568 = vector.broadcast %broadcast_in_dim3A_1567 : i1 to vector<16xi1>
    %masked_cumsum3A_1569 = tpu.scan <sum>, %add3A_1566 masked %broadcast_in_dim3A_1568 : vector<16xf32>, vector<16xi1> -> vector<16xf32>
    %add3A_1570 = arith.addf %masked_cumsum3A_1569, %add3A_1561 : vector<16xf32>
    %mul3A_1571 = arith.constant 1.27156579E-6 : f32
    %mul3A_1572 = vector.broadcast %mul3A_1571 : f32 to vector<16xf32>
    %mul3A_1573 = arith.mulf %add3A_1570, %mul3A_1572 : vector<16xf32>
    %swap3A_1574 = arith.constant 128 : index
    %swap3A_1575 = tpu.vector_load %arg11[%swap3A_1574] {strides = array<i32>} : memref<256xf32, #tpu.memory_space<vmem>>, vector<16xf32>,
    tpu.vector_store %arg11[%swap3A_1574], %mul3A_1573 {strides = array<i32>} : memref<256xf32, #tpu.memory_space<vmem>>, vector<16xf32>,
    %reduce_sum3A_1576 = arith.constant true
    %reduce_sum3A_1577 = vector.broadcast %reduce_sum3A_1576 : i1 to vector<16xi1>
    %reduce_sum3A_1578 = tpu.scan <sum>, %add3A_1566 masked %reduce_sum3A_1577 : vector<16xf32>, vector<16xi1> -> vector<16xf32>
    %reduce_sum3A_1579 = vector.extract %reduce_sum3A_1578[15] : f32 from vector<16xf32>
    %add3A_1580 = vector.broadcast %reduce_sum3A_1579 : f32 to vector<16xf32>
    %add3A_1581 = arith.addf %add3A_1561, %add3A_1580 : vector<16xf32>
    %get3A_1582 = arith.constant 144 : index
    %get3A_1583 = tpu.vector_load %arg9[%get3A_1582] {strides = array<i32>} : memref<256xf32, #tpu.memory_space<vmem>>, vector<16xf32>,
    %get3A_1584 = arith.constant 144 : index
    %get3A_1585 = tpu.vector_load %arg10[%get3A_1584] {strides = array<i32>} : memref<256xf32, #tpu.memory_space<vmem>>, vector<16xf32>,
    %add3A_1586 = arith.addf %get3A_1583, %get3A_1585 : vector<16xf32>
    %broadcast_in_dim3A_1587 = arith.constant true
    %broadcast_in_dim3A_1588 = vector.broadcast %broadcast_in_dim3A_1587 : i1 to vector<16xi1>
    %masked_cumsum3A_1589 = tpu.scan <sum>, %add3A_1586 masked %broadcast_in_dim3A_1588 : vector<16xf32>, vector<16xi1> -> vector<16xf32>
    %add3A_1590 = arith.addf %masked_cumsum3A_1589, %add3A_1581 : vector<16xf32>
    %mul3A_1591 = arith.constant 1.27156579E-6 : f32
    %mul3A_1592 = vector.broadcast %mul3A_1591 : f32 to vector<16xf32>
    %mul3A_1593 = arith.mulf %add3A_1590, %mul3A_1592 : vector<16xf32>
    %swap3A_1594 = arith.constant 144 : index
    %swap3A_1595 = tpu.vector_load %arg11[%swap3A_1594] {strides = array<i32>} : memref<256xf32, #tpu.memory_space<vmem>>, vector<16xf32>,
    tpu.vector_store %arg11[%swap3A_1594], %mul3A_1593 {strides = array<i32>} : memref<256xf32, #tpu.memory_space<vmem>>, vector<16xf32>,
    %reduce_sum3A_1596 = arith.constant true
    %reduce_sum3A_1597 = vector.broadcast %reduce_sum3A_1596 : i1 to vector<16xi1>
    %reduce_sum3A_1598 = tpu.scan <sum>, %add3A_1586 masked %reduce_sum3A_1597 : vector<16xf32>, vector<16xi1> -> vector<16xf32>
    %reduce_sum3A_1599 = vector.extract %reduce_sum3A_1598[15] : f32 from vector<16xf32>
    %add3A_1600 = vector.broadcast %reduce_sum3A_1599 : f32 to vector<16xf32>
    %add3A_1601 = arith.addf %add3A_1581, %add3A_1600 : vector<16xf32>
    %get3A_1602 = arith.constant 160 : index
    %get3A_1603 = tpu.vector_load %arg9[%get3A_1602] {strides = array<i32>} : memref<256xf32, #tpu.memory_space<vmem>>, vector<16xf32>,
    %get3A_1604 = arith.constant 160 : index
    %get3A_1605 = tpu.vector_load %arg10[%get3A_1604] {strides = array<i32>} : memref<256xf32, #tpu.memory_space<vmem>>, vector<16xf32>,
    %add3A_1606 = arith.addf %get3A_1603, %get3A_1605 : vector<16xf32>
    %broadcast_in_dim3A_1607 = arith.constant true
    %broadcast_in_dim3A_1608 = vector.broadcast %broadcast_in_dim3A_1607 : i1 to vector<16xi1>
    %masked_cumsum3A_1609 = tpu.scan <sum>, %add3A_1606 masked %broadcast_in_dim3A_1608 : vector<16xf32>, vector<16xi1> -> vector<16xf32>
    %add3A_1610 = arith.addf %masked_cumsum3A_1609, %add3A_1601 : vector<16xf32>
    %mul3A_1611 = arith.constant 1.27156579E-6 : f32
    %mul3A_1612 = vector.broadcast %mul3A_1611 : f32 to vector<16xf32>
    %mul3A_1613 = arith.mulf %add3A_1610, %mul3A_1612 : vector<16xf32>
    %swap3A_1614 = arith.constant 160 : index
    %swap3A_1615 = tpu.vector_load %arg11[%swap3A_1614] {strides = array<i32>} : memref<256xf32, #tpu.memory_space<vmem>>, vector<16xf32>,
    tpu.vector_store %arg11[%swap3A_1614], %mul3A_1613 {strides = array<i32>} : memref<256xf32, #tpu.memory_space<vmem>>, vector<16xf32>,
    %reduce_sum3A_1616 = arith.constant true
    %reduce_sum3A_1617 = vector.broadcast %reduce_sum3A_1616 : i1 to vector<16xi1>
    %reduce_sum3A_1618 = tpu.scan <sum>, %add3A_1606 masked %reduce_sum3A_1617 : vector<16xf32>, vector<16xi1> -> vector<16xf32>
    %reduce_sum3A_1619 = vector.extract %reduce_sum3A_1618[15] : f32 from vector<16xf32>
    %add3A_1620 = vector.broadcast %reduce_sum3A_1619 : f32 to vector<16xf32>
    %add3A_1621 = arith.addf %add3A_1601, %add3A_1620 : vector<16xf32>
    %get3A_1622 = arith.constant 176 : index
    %get3A_1623 = tpu.vector_load %arg9[%get3A_1622] {strides = array<i32>} : memref<256xf32, #tpu.memory_space<vmem>>, vector<16xf32>,
    %get3A_1624 = arith.constant 176 : index
    %get3A_1625 = tpu.vector_load %arg10[%get3A_1624] {strides = array<i32>} : memref<256xf32, #tpu.memory_space<vmem>>, vector<16xf32>,
    %add3A_1626 = arith.addf %get3A_1623, %get3A_1625 : vector<16xf32>
    %broadcast_in_dim3A_1627 = arith.constant true
    %broadcast_in_dim3A_1628 = vector.broadcast %broadcast_in_dim3A_1627 : i1 to vector<16xi1>
    %masked_cumsum3A_1629 = tpu.scan <sum>, %add3A_1626 masked %broadcast_in_dim3A_1628 : vector<16xf32>, vector<16xi1> -> vector<16xf32>
    %add3A_1630 = arith.addf %masked_cumsum3A_1629, %add3A_1621 : vector<16xf32>
    %mul3A_1631 = arith.constant 1.27156579E-6 : f32
    %mul3A_1632 = vector.broadcast %mul3A_1631 : f32 to vector<16xf32>
    %mul3A_1633 = arith.mulf %add3A_1630, %mul3A_1632 : vector<16xf32>
    %swap3A_1634 = arith.constant 176 : index
    %swap3A_1635 = tpu.vector_load %arg11[%swap3A_1634] {strides = array<i32>} : memref<256xf32, #tpu.memory_space<vmem>>, vector<16xf32>,
    tpu.vector_store %arg11[%swap3A_1634], %mul3A_1633 {strides = array<i32>} : memref<256xf32, #tpu.memory_space<vmem>>, vector<16xf32>,
    %reduce_sum3A_1636 = arith.constant true
    %reduce_sum3A_1637 = vector.broadcast %reduce_sum3A_1636 : i1 to vector<16xi1>
    %reduce_sum3A_1638 = tpu.scan <sum>, %add3A_1626 masked %reduce_sum3A_1637 : vector<16xf32>, vector<16xi1> -> vector<16xf32>
    %reduce_sum3A_1639 = vector.extract %reduce_sum3A_1638[15] : f32 from vector<16xf32>
    %add3A_1640 = vector.broadcast %reduce_sum3A_1639 : f32 to vector<16xf32>
    %add3A_1641 = arith.addf %add3A_1621, %add3A_1640 : vector<16xf32>
    %get3A_1642 = arith.constant 192 : index
    %get3A_1643 = tpu.vector_load %arg9[%get3A_1642] {strides = array<i32>} : memref<256xf32, #tpu.memory_space<vmem>>, vector<16xf32>,
    %get3A_1644 = arith.constant 192 : index
    %get3A_1645 = tpu.vector_load %arg10[%get3A_1644] {strides = array<i32>} : memref<256xf32, #tpu.memory_space<vmem>>, vector<16xf32>,
    %add3A_1646 = arith.addf %get3A_1643, %get3A_1645 : vector<16xf32>
    %broadcast_in_dim3A_1647 = arith.constant true
    %broadcast_in_dim3A_1648 = vector.broadcast %broadcast_in_dim3A_1647 : i1 to vector<16xi1>
    %masked_cumsum3A_1649 = tpu.scan <sum>, %add3A_1646 masked %broadcast_in_dim3A_1648 : vector<16xf32>, vector<16xi1> -> vector<16xf32>
    %add3A_1650 = arith.addf %masked_cumsum3A_1649, %add3A_1641 : vector<16xf32>
    %mul3A_1651 = arith.constant 1.27156579E-6 : f32
    %mul3A_1652 = vector.broadcast %mul3A_1651 : f32 to vector<16xf32>
    %mul3A_1653 = arith.mulf %add3A_1650, %mul3A_1652 : vector<16xf32>
    %swap3A_1654 = arith.constant 192 : index
    %swap3A_1655 = tpu.vector_load %arg11[%swap3A_1654] {strides = array<i32>} : memref<256xf32, #tpu.memory_space<vmem>>, vector<16xf32>,
    tpu.vector_store %arg11[%swap3A_1654], %mul3A_1653 {strides = array<i32>} : memref<256xf32, #tpu.memory_space<vmem>>, vector<16xf32>,
    %reduce_sum3A_1656 = arith.constant true
    %reduce_sum3A_1657 = vector.broadcast %reduce_sum3A_1656 : i1 to vector<16xi1>
    %reduce_sum3A_1658 = tpu.scan <sum>, %add3A_1646 masked %reduce_sum3A_1657 : vector<16xf32>, vector<16xi1> -> vector<16xf32>
    %reduce_sum3A_1659 = vector.extract %reduce_sum3A_1658[15] : f32 from vector<16xf32>
    %add3A_1660 = vector.broadcast %reduce_sum3A_1659 : f32 to vector<16xf32>
    %add3A_1661 = arith.addf %add3A_1641, %add3A_1660 : vector<16xf32>
    %get3A_1662 = arith.constant 208 : index
    %get3A_1663 = tpu.vector_load %arg9[%get3A_1662] {strides = array<i32>} : memref<256xf32, #tpu.memory_space<vmem>>, vector<16xf32>,
    %get3A_1664 = arith.constant 208 : index
    %get3A_1665 = tpu.vector_load %arg10[%get3A_1664] {strides = array<i32>} : memref<256xf32, #tpu.memory_space<vmem>>, vector<16xf32>,
    %add3A_1666 = arith.addf %get3A_1663, %get3A_1665 : vector<16xf32>
    %broadcast_in_dim3A_1667 = arith.constant true
    %broadcast_in_dim3A_1668 = vector.broadcast %broadcast_in_dim3A_1667 : i1 to vector<16xi1>
    %masked_cumsum3A_1669 = tpu.scan <sum>, %add3A_1666 masked %broadcast_in_dim3A_1668 : vector<16xf32>, vector<16xi1> -> vector<16xf32>
    %add3A_1670 = arith.addf %masked_cumsum3A_1669, %add3A_1661 : vector<16xf32>
    %mul3A_1671 = arith.constant 1.27156579E-6 : f32
    %mul3A_1672 = vector.broadcast %mul3A_1671 : f32 to vector<16xf32>
    %mul3A_1673 = arith.mulf %add3A_1670, %mul3A_1672 : vector<16xf32>
    %swap3A_1674 = arith.constant 208 : index
    %swap3A_1675 = tpu.vector_load %arg11[%swap3A_1674] {strides = array<i32>} : memref<256xf32, #tpu.memory_space<vmem>>, vector<16xf32>,
    tpu.vector_store %arg11[%swap3A_1674], %mul3A_1673 {strides = array<i32>} : memref<256xf32, #tpu.memory_space<vmem>>, vector<16xf32>,
    %reduce_sum3A_1676 = arith.constant true
    %reduce_sum3A_1677 = vector.broadcast %reduce_sum3A_1676 : i1 to vector<16xi1>
    %reduce_sum3A_1678 = tpu.scan <sum>, %add3A_1666 masked %reduce_sum3A_1677 : vector<16xf32>, vector<16xi1> -> vector<16xf32>
    %reduce_sum3A_1679 = vector.extract %reduce_sum3A_1678[15] : f32 from vector<16xf32>
    %add3A_1680 = vector.broadcast %reduce_sum3A_1679 : f32 to vector<16xf32>
    %add3A_1681 = arith.addf %add3A_1661, %add3A_1680 : vector<16xf32>
    %get3A_1682 = arith.constant 224 : index
    %get3A_1683 = tpu.vector_load %arg9[%get3A_1682] {strides = array<i32>} : memref<256xf32, #tpu.memory_space<vmem>>, vector<16xf32>,
    %get3A_1684 = arith.constant 224 : index
    %get3A_1685 = tpu.vector_load %arg10[%get3A_1684] {strides = array<i32>} : memref<256xf32, #tpu.memory_space<vmem>>, vector<16xf32>,
    %add3A_1686 = arith.addf %get3A_1683, %get3A_1685 : vector<16xf32>
    %broadcast_in_dim3A_1687 = arith.constant true
    %broadcast_in_dim3A_1688 = vector.broadcast %broadcast_in_dim3A_1687 : i1 to vector<16xi1>
    %masked_cumsum3A_1689 = tpu.scan <sum>, %add3A_1686 masked %broadcast_in_dim3A_1688 : vector<16xf32>, vector<16xi1> -> vector<16xf32>
    %add3A_1690 = arith.addf %masked_cumsum3A_1689, %add3A_1681 : vector<16xf32>
    %mul3A_1691 = arith.constant 1.27156579E-6 : f32
    %mul3A_1692 = vector.broadcast %mul3A_1691 : f32 to vector<16xf32>
    %mul3A_1693 = arith.mulf %add3A_1690, %mul3A_1692 : vector<16xf32>
    %swap3A_1694 = arith.constant 224 : index
    %swap3A_1695 = tpu.vector_load %arg11[%swap3A_1694] {strides = array<i32>} : memref<256xf32, #tpu.memory_space<vmem>>, vector<16xf32>,
    tpu.vector_store %arg11[%swap3A_1694], %mul3A_1693 {strides = array<i32>} : memref<256xf32, #tpu.memory_space<vmem>>, vector<16xf32>,
    %reduce_sum3A_1696 = arith.constant true
    %reduce_sum3A_1697 = vector.broadcast %reduce_sum3A_1696 : i1 to vector<16xi1>
    %reduce_sum3A_1698 = tpu.scan <sum>, %add3A_1686 masked %reduce_sum3A_1697 : vector<16xf32>, vector<16xi1> -> vector<16xf32>
    %reduce_sum3A_1699 = vector.extract %reduce_sum3A_1698[15] : f32 from vector<16xf32>
    %add3A_1700 = vector.broadcast %reduce_sum3A_1699 : f32 to vector<16xf32>
    %add3A_1701 = arith.addf %add3A_1681, %add3A_1700 : vector<16xf32>
    %get3A_1702 = arith.constant 240 : index
    %get3A_1703 = tpu.vector_load %arg9[%get3A_1702] {strides = array<i32>} : memref<256xf32, #tpu.memory_space<vmem>>, vector<16xf32>,
    %get3A_1704 = arith.constant 240 : index
    %get3A_1705 = tpu.vector_load %arg10[%get3A_1704] {strides = array<i32>} : memref<256xf32, #tpu.memory_space<vmem>>, vector<16xf32>,
    %add3A_1706 = arith.addf %get3A_1703, %get3A_1705 : vector<16xf32>
    %broadcast_in_dim3A_1707 = arith.constant true
    %broadcast_in_dim3A_1708 = vector.broadcast %broadcast_in_dim3A_1707 : i1 to vector<16xi1>
    %masked_cumsum3A_1709 = tpu.scan <sum>, %add3A_1706 masked %broadcast_in_dim3A_1708 : vector<16xf32>, vector<16xi1> -> vector<16xf32>
    %add3A_1710 = arith.addf %masked_cumsum3A_1709, %add3A_1701 : vector<16xf32>
    %mul3A_1711 = arith.constant 1.27156579E-6 : f32
    %mul3A_1712 = vector.broadcast %mul3A_1711 : f32 to vector<16xf32>
    %mul3A_1713 = arith.mulf %add3A_1710, %mul3A_1712 : vector<16xf32>
    %swap3A_1714 = arith.constant 240 : index
    %swap3A_1715 = tpu.vector_load %arg11[%swap3A_1714] {strides = array<i32>} : memref<256xf32, #tpu.memory_space<vmem>>, vector<16xf32>,
    tpu.vector_store %arg11[%swap3A_1714], %mul3A_1713 {strides = array<i32>} : memref<256xf32, #tpu.memory_space<vmem>>, vector<16xf32>,
    %reduce_sum3A_1716 = arith.constant true
    %reduce_sum3A_1717 = vector.broadcast %reduce_sum3A_1716 : i1 to vector<16xi1>
    %reduce_sum3A_1718 = tpu.scan <sum>, %add3A_1706 masked %reduce_sum3A_1717 : vector<16xf32>, vector<16xi1> -> vector<16xf32>
    %reduce_sum3A_1719 = vector.extract %reduce_sum3A_1718[15] : f32 from vector<16xf32>
    %add3A_1720 = vector.broadcast %reduce_sum3A_1719 : f32 to vector<16xf32>
    %add3A_1721 = arith.addf %add3A_1701, %add3A_1720 : vector<16xf32>
    %scan3A_1722 = arith.constant 0 : i32
    %scan3A_1723 = arith.constant 0 : i32
    %scan3A_1724 = arith.constant 12 : i32
    %scan3A_1725 = arith.addi %scan3A_1723, %scan3A_1724 : i32
    %scan3A_1726 = arith.constant 1 : i32
    %scan3A_1727 = scf.for %scan3A_1732 = %scan3A_1723 to %scan3A_1725 step %scan3A_1726 iter_args(%scan3A_1733 = %scan3A_1722) -> (i32)  : i32 {
      %mul3A_1734 = arith.constant 2 : i32
      %mul3A_1735 = arith.muli %scan3A_1732, %mul3A_1734 : i32
      %add3A_1736 = arith.constant 0 : i32
      %add3A_1737 = arith.addi %mul3A_1735, %add3A_1736 : i32
      %dma_wait3A_1738 = tpu.memref_slice %arg2[%add3A_35] : memref<12582912xf32, #tpu.memory_space<hbm>> -> memref<16384xf32, #tpu.memory_space<hbm>>
      %dma_wait3A_1739 = tpu.memref_slice %arg2[%add3A_35] : memref<12582912xf32, #tpu.memory_space<hbm>> -> memref<16384xf32, #tpu.memory_space<hbm>>
      tpu.wait_dma2 semaphore(%arg13 : memref<!tpu.dma_semaphore, #tpu.memory_space<semaphore_mem>>) src(%dma_wait3A_1739 : memref<16384xf32, #tpu.memory_space<hbm>>) dst(%arg4 : memref<16384xf32, #tpu.memory_space<vmem>>)
      %ge3A = arith.constant 2 : i32
      %ge3A_1740 = arith.cmpi sge, %add3A_1737, %ge3A : i32
      %convert_element_type3A = arith.extui %ge3A_1740 : i1 to i32
      %cond3A = arith.constant 0 : i32
      %cond3A_1741 = arith.cmpi ne, %convert_element_type3A, %cond3A : i32
      scf.if %cond3A_1741 {
        %dma_wait3A_1784 = tpu.memref_slice %arg3[%add3A_35] : memref<12582912xf32, #tpu.memory_space<hbm>> -> memref<16384xf32, #tpu.memory_space<hbm>>
        %dma_wait3A_1785 = tpu.memref_slice %arg3[%add3A_35] : memref<12582912xf32, #tpu.memory_space<hbm>> -> memref<16384xf32, #tpu.memory_space<hbm>>
        tpu.wait_dma2 semaphore(%arg15 : memref<!tpu.dma_semaphore, #tpu.memory_space<semaphore_mem>>) src(%arg6 : memref<16384xf32, #tpu.memory_space<vmem>>) dst(%dma_wait3A_1785 : memref<16384xf32, #tpu.memory_space<hbm>>)
      } else {
      }
      %parallel_loop3A_1742 = arith.constant 0 : i32
      %parallel_loop3A_1743 = arith.constant 1024 : i32
      %parallel_loop3A_1744 = arith.constant 1 : i32
      scf.for %parallel_loop3A_1784 = %parallel_loop3A_1742 to %parallel_loop3A_1743 step %parallel_loop3A_1744  : i32 {
        %parallel_loop3A_1785 = arith.constant 16 : i32
        %parallel_loop3A_1786 = arith.muli %parallel_loop3A_1784, %parallel_loop3A_1785 : i32
        %parallel_loop3A_1787 = arith.index_cast %parallel_loop3A_1786 : i32 to index
        %parallel_loop3A_1788 = tpu.vector_load %arg4[%parallel_loop3A_1787] {strides = array<i32>} : memref<16384xf32, #tpu.memory_space<vmem>>, vector<16xf32>,
        %parallel_loop3A_1789 = arith.constant 2.550000e+02 : f32
        %parallel_loop3A_1790 = vector.broadcast %parallel_loop3A_1789 : f32 to vector<16xf32>
        %parallel_loop3A_1791 = arith.mulf %parallel_loop3A_1788, %parallel_loop3A_1790 : vector<16xf32>
        %parallel_loop3A_1792 = arith.constant 2.550000e+02 : f32
        %parallel_loop3A_1793 = vector.broadcast %parallel_loop3A_1792 : f32 to vector<16xf32>
        %parallel_loop3A_1794 = arith.subf %parallel_loop3A_1793, %parallel_loop3A_1791 : vector<16xf32>
        %parallel_loop3A_1795 = arith.fptosi %parallel_loop3A_1794 : vector<16xf32> to vector<16xi32>
        %parallel_loop3A_1796 = arith.constant 254 : i32
        %parallel_loop3A_1797 = vector.broadcast %parallel_loop3A_1796 : i32 to vector<16xi32>
        %parallel_loop3A_1798 = arith.subi %parallel_loop3A_1797, %parallel_loop3A_1795 : vector<16xi32>
        %parallel_loop3A_1799 = arith.constant 0 : i32
        %parallel_loop3A_1800 = vector.broadcast %parallel_loop3A_1799 : i32 to vector<16xi32>
        %parallel_loop3A_1801 = arith.maxsi %parallel_loop3A_1798, %parallel_loop3A_1800 : vector<16xi32>
        %parallel_loop3A_1802 = tpu.vector_load_idx %arg11[%parallel_loop3A_1801] : memref<256xf32, #tpu.memory_space<vmem>>[vector<16xi32>], vector<16xf32>,
        %parallel_loop3A_1803 = arith.index_cast %parallel_loop3A_1786 : i32 to index
        %parallel_loop3A_1804 = tpu.vector_load %arg6[%parallel_loop3A_1803] {strides = array<i32>} : memref<16384xf32, #tpu.memory_space<vmem>>, vector<16xf32>,
        tpu.vector_store %arg6[%parallel_loop3A_1803], %parallel_loop3A_1802 {strides = array<i32>} : memref<16384xf32, #tpu.memory_space<vmem>>, vector<16xf32>,
      } {sc.loop_unroll_factor = 16 : i64, sc.parallel_access}
      %mul3A_1745 = arith.constant 16384 : i32
      %mul3A_1746 = arith.muli %add3A_1737, %mul3A_1745 : i32
      %add3A_1747 = arith.addi %add3A_35, %mul3A_1746 : i32
      %dma_start3A_1748 = tpu.memref_slice %arg3[%add3A_1747] : memref<12582912xf32, #tpu.memory_space<hbm>> -> memref<16384xf32, #tpu.memory_space<hbm>>
      %dma_start3A_1749 = tpu.memref_slice %arg3[%add3A_1747] : memref<12582912xf32, #tpu.memory_space<hbm>> -> memref<16384xf32, #tpu.memory_space<hbm>>
      tpu.enqueue_dma source(%arg6 : memref<16384xf32, #tpu.memory_space<vmem>>) target(%dma_start3A_1749 : memref<16384xf32, #tpu.memory_space<hbm>>) target_semaphore(%arg15 : memref<!tpu.dma_semaphore, #tpu.memory_space<semaphore_mem>>)
      %add3A_1750 = arith.constant 2 : i32
      %add3A_1751 = arith.addi %add3A_1737, %add3A_1750 : i32
      %lt3A_1752 = arith.constant 24 : i32
      %lt3A_1753 = arith.cmpi slt, %add3A_1751, %lt3A_1752 : i32
      %convert_element_type3A_1754 = arith.extui %lt3A_1753 : i1 to i32
      %cond3A_1755 = arith.constant 0 : i32
      %cond3A_1756 = arith.cmpi ne, %convert_element_type3A_1754, %cond3A_1755 : i32
      scf.if %cond3A_1756 {
        %add3A_1784 = arith.constant 2 : i32
        %add3A_1785 = arith.addi %add3A_1737, %add3A_1784 : i32
        %mul3A_1786 = arith.constant 16384 : i32
        %mul3A_1787 = arith.muli %add3A_1785, %mul3A_1786 : i32
        %add3A_1788 = arith.addi %add3A_35, %mul3A_1787 : i32
        %dma_start3A_1789 = tpu.memref_slice %arg2[%add3A_1788] : memref<12582912xf32, #tpu.memory_space<hbm>> -> memref<16384xf32, #tpu.memory_space<hbm>>
        %dma_start3A_1790 = tpu.memref_slice %arg2[%add3A_1788] : memref<12582912xf32, #tpu.memory_space<hbm>> -> memref<16384xf32, #tpu.memory_space<hbm>>
        tpu.enqueue_dma source(%dma_start3A_1790 : memref<16384xf32, #tpu.memory_space<hbm>>) target(%arg4 : memref<16384xf32, #tpu.memory_space<vmem>>) target_semaphore(%arg13 : memref<!tpu.dma_semaphore, #tpu.memory_space<semaphore_mem>>)
      } else {
      }
      %mul3A_1757 = arith.constant 2 : i32
      %mul3A_1758 = arith.muli %scan3A_1732, %mul3A_1757 : i32
      %add3A_1759 = arith.constant 1 : i32
      %add3A_1760 = arith.addi %mul3A_1758, %add3A_1759 : i32
      %dma_wait3A_1761 = tpu.memref_slice %arg2[%add3A_35] : memref<12582912xf32, #tpu.memory_space<hbm>> -> memref<16384xf32, #tpu.memory_space<hbm>>
      %dma_wait3A_1762 = tpu.memref_slice %arg2[%add3A_35] : memref<12582912xf32, #tpu.memory_space<hbm>> -> memref<16384xf32, #tpu.memory_space<hbm>>
      tpu.wait_dma2 semaphore(%arg14 : memref<!tpu.dma_semaphore, #tpu.memory_space<semaphore_mem>>) src(%dma_wait3A_1762 : memref<16384xf32, #tpu.memory_space<hbm>>) dst(%arg5 : memref<16384xf32, #tpu.memory_space<vmem>>)
      %ge3A_1763 = arith.constant 2 : i32
      %ge3A_1764 = arith.cmpi sge, %add3A_1760, %ge3A_1763 : i32
      %convert_element_type3A_1765 = arith.extui %ge3A_1764 : i1 to i32
      %cond3A_1766 = arith.constant 0 : i32
      %cond3A_1767 = arith.cmpi ne, %convert_element_type3A_1765, %cond3A_1766 : i32
      scf.if %cond3A_1767 {
        %dma_wait3A_1784 = tpu.memref_slice %arg3[%add3A_35] : memref<12582912xf32, #tpu.memory_space<hbm>> -> memref<16384xf32, #tpu.memory_space<hbm>>
        %dma_wait3A_1785 = tpu.memref_slice %arg3[%add3A_35] : memref<12582912xf32, #tpu.memory_space<hbm>> -> memref<16384xf32, #tpu.memory_space<hbm>>
        tpu.wait_dma2 semaphore(%arg16 : memref<!tpu.dma_semaphore, #tpu.memory_space<semaphore_mem>>) src(%arg7 : memref<16384xf32, #tpu.memory_space<vmem>>) dst(%dma_wait3A_1785 : memref<16384xf32, #tpu.memory_space<hbm>>)
      } else {
      }
      %parallel_loop3A_1768 = arith.constant 0 : i32
      %parallel_loop3A_1769 = arith.constant 1024 : i32
      %parallel_loop3A_1770 = arith.constant 1 : i32
      scf.for %parallel_loop3A_1784 = %parallel_loop3A_1768 to %parallel_loop3A_1769 step %parallel_loop3A_1770  : i32 {
        %parallel_loop3A_1785 = arith.constant 16 : i32
        %parallel_loop3A_1786 = arith.muli %parallel_loop3A_1784, %parallel_loop3A_1785 : i32
        %parallel_loop3A_1787 = arith.index_cast %parallel_loop3A_1786 : i32 to index
        %parallel_loop3A_1788 = tpu.vector_load %arg5[%parallel_loop3A_1787] {strides = array<i32>} : memref<16384xf32, #tpu.memory_space<vmem>>, vector<16xf32>,
        %parallel_loop3A_1789 = arith.constant 2.550000e+02 : f32
        %parallel_loop3A_1790 = vector.broadcast %parallel_loop3A_1789 : f32 to vector<16xf32>
        %parallel_loop3A_1791 = arith.mulf %parallel_loop3A_1788, %parallel_loop3A_1790 : vector<16xf32>
        %parallel_loop3A_1792 = arith.constant 2.550000e+02 : f32
        %parallel_loop3A_1793 = vector.broadcast %parallel_loop3A_1792 : f32 to vector<16xf32>
        %parallel_loop3A_1794 = arith.subf %parallel_loop3A_1793, %parallel_loop3A_1791 : vector<16xf32>
        %parallel_loop3A_1795 = arith.fptosi %parallel_loop3A_1794 : vector<16xf32> to vector<16xi32>
        %parallel_loop3A_1796 = arith.constant 254 : i32
        %parallel_loop3A_1797 = vector.broadcast %parallel_loop3A_1796 : i32 to vector<16xi32>
        %parallel_loop3A_1798 = arith.subi %parallel_loop3A_1797, %parallel_loop3A_1795 : vector<16xi32>
        %parallel_loop3A_1799 = arith.constant 0 : i32
        %parallel_loop3A_1800 = vector.broadcast %parallel_loop3A_1799 : i32 to vector<16xi32>
        %parallel_loop3A_1801 = arith.maxsi %parallel_loop3A_1798, %parallel_loop3A_1800 : vector<16xi32>
        %parallel_loop3A_1802 = tpu.vector_load_idx %arg11[%parallel_loop3A_1801] : memref<256xf32, #tpu.memory_space<vmem>>[vector<16xi32>], vector<16xf32>,
        %parallel_loop3A_1803 = arith.index_cast %parallel_loop3A_1786 : i32 to index
        %parallel_loop3A_1804 = tpu.vector_load %arg7[%parallel_loop3A_1803] {strides = array<i32>} : memref<16384xf32, #tpu.memory_space<vmem>>, vector<16xf32>,
        tpu.vector_store %arg7[%parallel_loop3A_1803], %parallel_loop3A_1802 {strides = array<i32>} : memref<16384xf32, #tpu.memory_space<vmem>>, vector<16xf32>,
      } {sc.loop_unroll_factor = 16 : i64, sc.parallel_access}
      %mul3A_1771 = arith.constant 16384 : i32
      %mul3A_1772 = arith.muli %add3A_1760, %mul3A_1771 : i32
      %add3A_1773 = arith.addi %add3A_35, %mul3A_1772 : i32
      %dma_start3A_1774 = tpu.memref_slice %arg3[%add3A_1773] : memref<12582912xf32, #tpu.memory_space<hbm>> -> memref<16384xf32, #tpu.memory_space<hbm>>
      %dma_start3A_1775 = tpu.memref_slice %arg3[%add3A_1773] : memref<12582912xf32, #tpu.memory_space<hbm>> -> memref<16384xf32, #tpu.memory_space<hbm>>
      tpu.enqueue_dma source(%arg7 : memref<16384xf32, #tpu.memory_space<vmem>>) target(%dma_start3A_1775 : memref<16384xf32, #tpu.memory_space<hbm>>) target_semaphore(%arg16 : memref<!tpu.dma_semaphore, #tpu.memory_space<semaphore_mem>>)
      %add3A_1776 = arith.constant 2 : i32
      %add3A_1777 = arith.addi %add3A_1760, %add3A_1776 : i32
      %lt3A_1778 = arith.constant 24 : i32
      %lt3A_1779 = arith.cmpi slt, %add3A_1777, %lt3A_1778 : i32
      %convert_element_type3A_1780 = arith.extui %lt3A_1779 : i1 to i32
      %cond3A_1781 = arith.constant 0 : i32
      %cond3A_1782 = arith.cmpi ne, %convert_element_type3A_1780, %cond3A_1781 : i32
      scf.if %cond3A_1782 {
        %add3A_1784 = arith.constant 2 : i32
        %add3A_1785 = arith.addi %add3A_1760, %add3A_1784 : i32
        %mul3A_1786 = arith.constant 16384 : i32
        %mul3A_1787 = arith.muli %add3A_1785, %mul3A_1786 : i32
        %add3A_1788 = arith.addi %add3A_35, %mul3A_1787 : i32
        %dma_start3A_1789 = tpu.memref_slice %arg2[%add3A_1788] : memref<12582912xf32, #tpu.memory_space<hbm>> -> memref<16384xf32, #tpu.memory_space<hbm>>
        %dma_start3A_1790 = tpu.memref_slice %arg2[%add3A_1788] : memref<12582912xf32, #tpu.memory_space<hbm>> -> memref<16384xf32, #tpu.memory_space<hbm>>
        tpu.enqueue_dma source(%dma_start3A_1790 : memref<16384xf32, #tpu.memory_space<hbm>>) target(%arg5 : memref<16384xf32, #tpu.memory_space<vmem>>) target_semaphore(%arg14 : memref<!tpu.dma_semaphore, #tpu.memory_space<semaphore_mem>>)
      } else {
      }
      %scan3A_1783 = arith.constant 0 : i32
      scf.yield %scan3A_1783 : i32
    }
    %scan3A_1728 = arith.constant 12 : i32
    %dma_wait3A = tpu.memref_slice %arg3[%add3A_35] : memref<12582912xf32, #tpu.memory_space<hbm>> -> memref<16384xf32, #tpu.memory_space<hbm>>
    %dma_wait3A_1729 = tpu.memref_slice %arg3[%add3A_35] : memref<12582912xf32, #tpu.memory_space<hbm>> -> memref<16384xf32, #tpu.memory_space<hbm>>
    tpu.wait_dma2 semaphore(%arg15 : memref<!tpu.dma_semaphore, #tpu.memory_space<semaphore_mem>>) src(%arg6 : memref<16384xf32, #tpu.memory_space<vmem>>) dst(%dma_wait3A_1729 : memref<16384xf32, #tpu.memory_space<hbm>>)
    %dma_wait3A_1730 = tpu.memref_slice %arg3[%add3A_35] : memref<12582912xf32, #tpu.memory_space<hbm>> -> memref<16384xf32, #tpu.memory_space<hbm>>
    %dma_wait3A_1731 = tpu.memref_slice %arg3[%add3A_35] : memref<12582912xf32, #tpu.memory_space<hbm>> -> memref<16384xf32, #tpu.memory_space<hbm>>
    tpu.wait_dma2 semaphore(%arg16 : memref<!tpu.dma_semaphore, #tpu.memory_space<semaphore_mem>>) src(%arg7 : memref<16384xf32, #tpu.memory_space<vmem>>) dst(%dma_wait3A_1731 : memref<16384xf32, #tpu.memory_space<hbm>>)
    return
  }
}

</mosaic_0001>

<sc_bundles>
// kernel: kernel.3.cloned.1.call-start
scs
__scs_entry_jumppad:
0x0: {  	(pc) =	sbr.rel $0x88, $3  }
0x1: {  	(tag) =	ssettag $0x0;
	lr =	simm.s32 $0x1  }
0x2: {  	[smem:$0x3FA0] =	sst lr;
	_ =	strace $0xD0000000  }
0x3: {  	_ = 	snop  }
0x4: {  	_ = 	snop  }
0x5: {  	_ = 	snop  }
0x6: {  	_ = 	snop  }
0x7: {  	_ = 	snop  }
__scs_overlays_trampoline_lowered:
0x8: {  	[smem:$0x3FAF] =	sst s0  }
0x9: {  	[smem:$0x3FB0] =	sst s1  }
0xa: {  	[smem:$0x3FB1] =	sst s2  }
0xb: {  	[smem:$0x3FB2] =	sst s3  }
0xc: {  	[smem:$0x3FB3] =	sst s4  }
0xd: {  	[smem:$0x3FB4] =	sst s5  }
0xe: {  	[smem:$0x3FB5] =	sst s6  }
0xf: {  	[smem:$0x3FB6] =	sst s7  }
0x10: {  	[smem:$0x3FB7] =	sst s8  }
0x11: {  	[smem:$0x3FB8] =	sst s9;
	s0 =	simm.s32 @!p0 $0x0  }
0x12: {  	s1 =	sld [smem:$0x3F9E];
	s0 =	simm.s32 @p0 $0x1  }
0x13: {  	[smem:$0x3FB9] =	sst s0;
	s0 =	simm.s32 @!p1 $0x0  }
0x14: {  	s2 =	sld [smem:$0x3F9D];
	s0 =	simm.s32 @p1 $0x1  }
0x15: {  	[smem:$0x3FBA] =	sst s0;
	s0 =	simm.s32 @!p2 $0x0  }
0x16: {  	s3 =	sld [smem:$0x3FDB];
	s0 =	simm.s32 @p2 $0x1  }
0x17: {  	s4 =	simm.s32 $0x1BF5;
	[smem:$0x3FBC] =	sst s0  }
0x18: {  	s0 =	sld [smem:$0x3F9F];
	_ =	swait.ge [sflag:s4], $0x0  }
0x19: {  	s7 =	sld [smem:$0x3FA0]  }
0x1a: {  	s8 =	sadd.s32 $0xFFFFE003, lr  }
0x1b: {  	s9 =	sadd.s32 $0xFFFFFEF7, lr;
	s5 =	simm.s32 $0xFFFFFFFF;
	p2 =	slt.u32 s8, $0xFFFFF086  }
0x1c: {  	p1 =	slt.u32 s9, $0xF7A;
	s5 =	simm.s32 @!p2 $0x0  }
0x1d: {  	s5 =	simm.s32 @p1 $0x1;
	p0 =	seq.s32 s7, s2  }
0x1e: {  	s7 =	smul.u32 @!p0 $0xF7A, s2;
	p2 =	seq.s32 @!p0 s5, $0x0  }
0x1f: {  	s9 =	smul.u32 $0xF7A, s1;
	s8 =	simm.s32 @!p0 $0x1BF5;
	p2 =	por !p2, p0  }
0x20: {  	[sflag:s8] =	ssyncset.s32 @!p0 $0xFFFFF086;
	s6 =	sadd.s32 @!p0 s3, s7;
	s7 =	simm.s32 @!p0 $0x108  }
0x21: {  	s3 =	sadd.s32 s3, s9;
	s6 =	sadd.s32 @!p0 $0x88, s6;
	s7 =	simm.s32 @p2 $0x1082  }
0x22: {  	[simem:s7], [sflag:s8] =	dma.local @!p0 [hbm:s6], $0xF7A  }
0x23: {  	s9 =	sor.u32 $0xD0000000, s2;
	s6 =	simm.s32 $0x108;
	_ =	swait.ge @!p0 [sflag:s8], $0x0  }
0x24: {  	s3 =	sadd.s32 $0x88, s3;
	s6 =	simm.s32 @!p1 $0x1082;
	[sflag:s4] =	ssyncset.s32 $0xFFFFF086  }
0x25: {  	[simem:s6], [sflag:s4] =	dma.local [hbm:s3], $0xF7A  }
0x26: {  	[smem:$0x3FA0] =	sst s1;
	(tag) =	ssettag s2;
	_ =	strace s9  }
0x27: {  	s1 =	sld [smem:$0x3FB0]  }
0x28: {  	s2 =	sld [smem:$0x3FB1]  }
0x29: {  	s4 =	sld [smem:$0x3FB3]  }
0x2a: {  	p0 =	seq.s32 s5, $0x0;
	s5 =	sld [smem:$0x3FB4]  }
0x2b: {  	s6 =	sld [smem:$0x3FB5]  }
0x2c: {  	s7 =	sld [smem:$0x3FB6]  }
0x2d: {  	s3 =	simm.s32 $0x108;
	s8 =	sld [smem:$0x3FB7]  }
0x2e: {  	s3 =	simm.s32 @!p0 $0x1082;
	s9 =	sld [smem:$0x3FB8]  }
0x2f: {  	lr =	sadd.s32 s0, s3;
	s0 =	sld [smem:$0x3FAF]  }
0x30: {  	s3 =	sld [smem:$0x3FB2]  }
0x31: {  	[smem:$0x3FBB] =	sst s10  }
0x32: {  	s10 =	sld [smem:$0x3FB9];
	_ =	sdelay $0x3  }
0x33: {  	p0 =	seq.s32 s10, $0x1;
	s10 =	sld [smem:$0x3FBB];
	_ =	sdelay $0x3  }
0x34: {  	[smem:$0x3FBB] =	sst s10  }
0x35: {  	s10 =	sld [smem:$0x3FBA];
	_ =	sdelay $0x3  }
0x36: {  	p1 =	seq.s32 s10, $0x1;
	s10 =	sld [smem:$0x3FBB];
	_ =	sdelay $0x3  }
0x37: {  	[smem:$0x3FBB] =	sst s10  }
0x38: {  	s10 =	sld [smem:$0x3FBC]  }
0x39: {  	_ = 	snop;
	(pc) =	sbr.ind lr, $3  }
0x3a: {  	_ = 	snop  }
0x3b: {  	_ = 	snop  }
0x3c: {  	p2 =	seq.s32 s10, $0x1;
	s10 =	sld [smem:$0x3FBB]  }
0x3d: {  	_ =	shalt  }
0x3e: {  	_ =	shalt  }
0x3f: {  	_ =	shalt  }
0x40: {  	_ =	shalt  }
0x41: {  	_ =	shalt  }
0x42: {  	_ =	shalt  }
0x43: {  	_ =	shalt  }
0x44: {  	_ =	shalt  }
0x45: {  	_ =	shalt  }
0x46: {  	_ =	shalt  }
0x47: {  	_ =	shalt  }
0x48: {  	_ =	shalt  }
0x49: {  	_ =	shalt  }
0x4a: {  	_ =	shalt  }
0x4b: {  	_ =	shalt  }
0x4c: {  	_ =	shalt  }
0x4d: {  	_ =	shalt  }
0x4e: {  	_ =	shalt  }
0x4f: {  	_ =	shalt  }
0x50: {  	_ =	shalt  }
0x51: {  	_ =	shalt  }
0x52: {  	_ =	shalt  }
0x53: {  	_ =	shalt  }
0x54: {  	_ =	shalt  }
0x55: {  	_ =	shalt  }
0x56: {  	_ =	shalt  }
0x57: {  	_ =	shalt  }
0x58: {  	_ =	shalt  }
0x59: {  	_ =	shalt  }
0x5a: {  	_ =	shalt  }
0x5b: {  	_ =	shalt  }
0x5c: {  	_ =	shalt  }
0x5d: {  	_ =	shalt  }
0x5e: {  	_ =	shalt  }
0x5f: {  	_ =	shalt  }
0x60: {  	_ =	shalt  }
0x61: {  	_ =	shalt  }
0x62: {  	_ =	shalt  }
0x63: {  	_ =	shalt  }
0x64: {  	_ =	shalt  }
0x65: {  	_ =	shalt  }
0x66: {  	_ =	shalt  }
0x67: {  	_ =	shalt  }
0x68: {  	_ =	shalt  }
0x69: {  	_ =	shalt  }
0x6a: {  	_ =	shalt  }
0x6b: {  	_ =	shalt  }
0x6c: {  	_ =	shalt  }
0x6d: {  	_ =	shalt  }
0x6e: {  	_ =	shalt  }
0x6f: {  	_ =	shalt  }
0x70: {  	_ =	shalt  }
0x71: {  	_ =	shalt  }
0x72: {  	_ =	shalt  }
0x73: {  	_ =	shalt  }
0x74: {  	_ =	shalt  }
0x75: {  	_ =	shalt  }
0x76: {  	_ =	shalt  }
0x77: {  	_ =	shalt  }
0x78: {  	_ =	shalt  }
0x79: {  	_ =	shalt  }
0x7a: {  	_ =	shalt  }
0x7b: {  	_ =	shalt  }
0x7c: {  	_ =	shalt  }
0x7d: {  	_ =	shalt  }
0x7e: {  	_ =	shalt  }
0x7f: {  	_ =	shalt  }
0x80: {  	_ =	shalt  }
0x81: {  	_ =	shalt  }
0x82: {  	_ =	shalt  }
0x83: {  	_ =	shalt  }
0x84: {  	_ =	shalt  }
0x85: {  	_ =	shalt  }
0x86: {  	_ =	shalt  }
0x87: {  	_ =	shalt  }
.Lfunc_end0:
.L_simem_size_0:
called_computation.1_lowered:
.L_overlay_start_0:
0x88: {  	s2 =	sld [smem:$0x3FD9]  }
0x89: {  	s3 =	sld [smem:$0x3FFE];
	_ =	sdelay $0x1  }
0x8a: {  	s1 =	srdreg.scid  }
0x8b: {  	s0 =	sand.u32 $0x1, s1  }
0x8c: {  	s17 =	sshll.u32 s0, $0xA;
	s2 =	sadd.s32 s3, s2  }
0x8d: {  	s2 =	sadd.s32 s2, s17  }
0x8e: {  	[smem:$0x3FC7] =	sst s2  }
0x8f: {  	_ = 	snop  }
0x90: {  	s2 =	sld [smem:$0x3FD0];
	(tm) =	ssettm $0x1  }
0x91: {  	s18 =	sld [smem:$0x3FFB];
	_ =	sdelay $0x3  }
0x92: {  	_ =	strace s18  }
0x93: {  	s3 =	sld [smem:$0x3FFC];
	_ =	sdelay $0x3  }
0x94: {  	_ =	strace s3  }
0x95: {  	s3 =	sld [smem:$0x3FFD];
	_ =	sdelay $0x3  }
0x96: {  	_ =	strace s3  }
0x97: {  	_ =	strace $0x8FFFFFFF  }
0x98: {  	s19 =	sld [smem:$0x3FDB];
	_ =	sdelay $0x1  }
0x99: {  	s4 =	simm.s32 $_scs_section_size  }
0x9a: {  	s5 =	simm.s32 $_size__tile_overlayer_lowered;
	s6 =	simm.s32 $_tile_overlayer_lowered  }
0x9b: {  	s22 =	simm.s32 $0x1BFF;
	s21 =	sshll.u32 s6, $0x1;
	s3 =	sadd.s32 s4, s19  }
0x9c: {  	s7 =	simm.s32 $0x0;
	s20 =	sshll.u32 s5, $0x1;
	s5 =	sadd.s32 s21, s3  }
0x9d: {  	[timem:s7], [sflag:s22] =	dma.local [hbm:s5], s20  }
0x9e: {  	_ =	swait.ge [sflag:s22], s20  }
0x9f: {  	s4 =	ssub.s32 $0x0, s20;
	[sflag:s22] =	ssyncset.done $0x0  }
0xa0: {  	[sflag:s22] =	ssyncadd.s32 s4;
	_ =	sdelay $0x1  }
0xa1: {  	s23 =	simm.s32 $0x1B8B  }
0xa2: {  	_ =	swait.ge [sflag:s23], $0x1  }
0xa3: {  	[sflag:s23] =	ssyncset.done $0x0  }
0xa4: {  	s25 =	simm.s32 $0x1B8E;
	s24 =	sld [smem:$0x3FFE];
	[sflag:s23] =	ssyncadd.s32 $0xFFFFFFFF  }
0xa5: {  	s26 =	simm.s32 $execute0_lowered;
	[smem:$0x3FD2] =	sst s25  }
0xa6: {  	s5 =	sshll.u32 s26, $0x1;
	_ =	strace $0x80000049;
	[dreg:$0x1] =	wrdreg $0xFFFFFFFF  }
0xa7: {  	s28 =	simm.s32 $_size_execute0_lowered;
	s3 =	sadd.s32 s3, s5;
	[dreg:$0x0] =	wrdreg $0x0  }
0xa8: {  	s5 =	sshll.u32 s28, $0x1;
	[dreg:$0x2] =	wrdreg s3  }
0xa9: {  	[dreg:$0x3] =	wrdreg s5  }
0xaa: {  	[dreg:$0x4] =	wrdreg $0xC0  }
0xab: {  	_ =	task [dreg:s7], $0x5FFFF  }
0xac: {  	[dreg:$0x1] =	wrdreg $0xFFFFFFFF  }
0xad: {  	[dreg:$0x0] =	wrdreg $0x60  }
0xae: {  	[dreg:$0x2] =	wrdreg s2  }
0xaf: {  	[dreg:$0x3] =	wrdreg s24  }
0xb0: {  	[dreg:$0x4] =	wrdreg $0x113000  }
0xb1: {  	[dreg:$0x5] =	wrdreg $0x9  }
0xb2: {  	_ =	task.clear_ibuf [dreg:s7], $0x6FFFF;
	_ =	strace $0x90000049  }
0xb3: {  	s29 =	simm.s32 $0x9;
	_ =	strace $0x8000004B  }
0xb4: {  	_ =	swait.ge [sflag:s29], $0x1  }
0xb5: {  	[sflag:s29] =	ssyncadd.s32 $0xFFFFFFFF  }
0xb6: {  	_ =	strace $0x9000004B  }
0xb7: {  	_ =	sfence  }
0xb8: {  	s30 =	sld [smem:$0x0];
	_ =	sdelay $0x2  }
0xb9: {  	s31 =	sshll.u32 s1, $0xD;
	s1 =	sshrl.u32 s1, $0x2  }
0xba: {  	s3 =	sand.u32 $0x4000, s31;
	s1 =	sadd.s32 s1, s30  }
0xbb: {  	s0 =	sor.u32 s3, s0;
	s1 =	sshll.u32 s1, $0x11  }
0xbc: {  	s0 =	sor.u32 s1, s0  }
0xbd: {  	s0 =	sadd.s32 $0x8F2B, s0  }
0xbe: {  	[sflag:s0] =	ssyncadd.remote.s32 $0x1  }
0xbf: {  	_ =	sfence.sel $0xFFFF  }
0xc0: {  	[dreg:$0x0] =	wrdreg $0xFFFFFFFF;
	(pc) =	sbr.abs _section_cstart, $3  }
0xc1: {  	[dreg:$0x1] =	wrdreg $0xFFFFFFFF  }
0xc2: {  	_ =	task.clear_ibuf [dreg:s7], $0x2FFFF;
	_ =	strace $0x9FFFFFFF  }
0xc3: {  	(tm) =	ssettm $0x7FFFFFFF  }
tec
execute0_lowered:
.L_overlay_start_1:
0x0: {  	(tag) =	ssettag $0x1  }
0x1: {  	s2 =	rddreg [dreg:$0x0]  }
0x2: {  	s0 =	rddreg [dreg:$0x1]  }
0x3: {  	s1 =	srdreg.scid;
	s11 =	rddreg [dreg:$0x2]  }
0x4: {  	s7 =	stileid.u32;
	s3 =	simm.s32 $0x0;
	s14 =	simm.s32 $0x4000  }
0x5: {  	s15 =	simm.s32 $0x1;
	s16 =	simm.s32 $0x10000;
	s17 =	simm.s32 $0x2  }
0x6: {  	s18 =	simm.s32 $0x80;
	s19 =	simm.s32 $0x400;
	s21 =	simm.s32 $0x5  }
0x7: {  	v0 =	vlaneseq.u32;
	s23 =	simm.s32 $0x11200;
	s24 =	simm.s32 $0x8000;
	s28 =	simm.s32 $0x3  }
0x8: {  	s29 =	simm.s32 $0x0;
	s1 =	sand.u32 $0x1, s1;
	s5 =	sshrl.u32 s7, $0x1;
	v1 =	vmul.u32 $0x10, v0  }
0x9: {  	v2 =	vimm.f32 $0.0e+00;
	s25 =	sand.u32 $0x1, s7;
	[smem:$0x7FF] =	sst s3;
	s31 =	sshll.u32 s7, $0x8  }
0xa: {  	v3 =	vimm.f32 $1.000000000e+00;
	s8 =	sshll.u32 s7, $0x7;
	s4 =	sshll.u32 s1, $0x3;
	p0 =	seq.s32 s25, $0x1;
	v4 =	vor.u32 $0x1, v1;
	v5 =	vor.u32 $0x2, v1  }
0xb: {  	s1 =	ssub.s32 $0x2, s1;
	_ =	strace $0x8000004A;
	s10 =	sand.u32 $0x380, s8;
	v6 =	vor.u32 $0x3, v1;
	v7 =	vor.u32 $0x4, v1;
	v8 =	vor.u32 $0x5, v1  }
0xc: {  	s25 =	simm.s32 $0x4;
	s4 =	sor.u32 s5, s4;
	s6 =	sshrl.u32 s1, $0x1;
	v9 =	vor.u32 $0x6, v1;
	v10 =	vor.u32 $0x7, v1;
	v11 =	vor.u32 $0x8, v1  }
0xd: {  	s5 =	simm.s32 $0x60000;
	v12 =	vor.u32 $0x9, v1;
	v13 =	vor.u32 $0xA, v1;
	v14 =	vor.u32 $0xB, v1;
	s26 =	ssub.s32 s1, s6;
	s1 =	sand.u32 $0x800, s31  }
0xe: {  	v15 =	vor.u32 $0xC, v1;
	v16 =	vor.u32 $0xD, v1;
	v17 =	vor.u32 $0xE, v1;
	s4 =	smul.u32 $0xC0000, s4;
	s5 =	simm.s32 @!p0 $0x0;
	s12 =	sadd.s32 s1, s11  }
.Ltmp0:
0xf: {  	v18 =	vor.u32 $0xF, v1;
	v19 =	vor.u32 $0x100, v1;
	v20 =	vor.u32 $0x101, v1;
	s1 =	sor.u32 s1, s10;
	s13 =	smax.u32 s26, $0x1;
	(pc) =	sbr.rel .LBB2_1-.Ltmp0, $4  }
0x10: {  	v21 =	vor.u32 $0x102, v1;
	v22 =	vor.u32 $0x103, v1;
	v23 =	vor.u32 $0x104, v1;
	s26 =	simm.s32 $0xC000;
	s4 =	sadd.s32 s5, s4;
	s5 =	sadd.s32 $0x800, s0  }
0x11: {  	v24 =	vor.u32 $0x105, v1;
	v25 =	vor.u32 $0x106, v1;
	v26 =	vor.u32 $0x107, v1;
	s10 =	sadd.s32 s10, s12;
	s1 =	sxor.u32 $0x80, s1;
	s30 =	sshrl.u32 s4, $0x3  }
0x12: {  	v27 =	vor.u32 $0x108, v1;
	v28 =	vor.u32 $0x109, v1;
	v29 =	vor.u32 $0x10A, v1;
	s8 =	sor.u32 $0x8000, s4;
	s9 =	sor.u32 $0xC000, s4;
	s6 =	sadd.s32 s2, s30  }
0x13: {  	v30 =	vor.u32 $0x10B, v1;
	v31 =	vor.u32 $0x10C, v1;
	v32 =	vor.u32 $0x10D, v1;
	s11 =	sadd.s32 s1, s11;
	s12 =	sor.u32 $0x4000, s4;
	s7 =	sadd.s32 $0x800, s6  }
.LBB2_21:
0x14: {  	s29 =	sadd.s32 $0x1, s29  }
0x15: {  	_ =	swait.ge [sflag:s28], $0x4000;
	p0 =	sne.s32 s29, s13  }
.Ltmp1:
0x16: {  	[sflag:s28] =	ssyncset.done $0x0;
	(pc) =	sbr.rel @!p0 .LBB2_22-.Ltmp1, $4  }
0x17: {  	[sflag:s28] =	ssyncadd.s32 $0xFFFFC000  }
0x18: {  	_ =	swait.ge [sflag:s25], $0x4000  }
0x19: {  	[sflag:s25] =	ssyncset.done $0x0  }
0x1a: {  	[sflag:s25] =	ssyncadd.s32 $0xFFFFC000  }
.LBB2_1:
0x1b: {  	[tilespmem:s3], [sflag:$0x1] =	stream.linear.gather [hbm4b:s6+s3], $0x4000, $0x38;
	[tilespmem:$0x11400] =	vst v63  }
0x1c: {  	s0 =	simm.s32 $0x0  }
0x1d: {  	[tilespmem:s14], [sflag:$0x2] =	stream.linear.gather [hbm4b:s7+s3], $0x4000, $0x38;
	[tilespmem:$0x11400] =	vst v63  }
.LBB2_2:
0x1e: {  	p0 =	sne.s32 s0, $0x3FC0  }
.Ltmp2:
0x1f: {  	_ = 	snop;
	(pc) =	sbr.rel @p0 .LBB2_2-.Ltmp2, $3  }
0x20: {  	_ =	sdelay $0x1  }
0x21: {  	s1 =	sshra.s32 s0, $0x2  }
0x22: {  	s0 =	sadd.s32 $0x40, s0;
	[tilespmem:s1+$0x10000] =	vst v2  }
0x23: {  	s30 =	simm.s32 $0x0  }
.LBB2_4:
0x24: {  	_ =	swait.ge [sflag:s15], $0x4000  }
0x25: {  	[sflag:s15] =	ssyncset.done $0x0  }
0x26: {  	s0 =	simm.s32 $0x80;
	[sflag:s15] =	ssyncadd.s32 $0xFFFFC000  }
0x27: {  	v33 =	vld [tilespmem:s0+$0x70]  }
0x28: {  	v34 =	vld [tilespmem:s0+$0xFFFFFF90]  }
0x29: {  	v35 =	vld [tilespmem:s0+$0xFFFFFFA0]  }
0x2a: {  	v36 =	vld [tilespmem:s0+$0xFFFFFFB0]  }
0x2b: {  	v37 =	vld [tilespmem:s0+$0xFFFFFFC0]  }
0x2c: {  	v38 =	vld [tilespmem:s0+$0xFFFFFFD0]  }
0x2d: {  	v39 =	vld [tilespmem:s0+$0xFFFFFFE0]  }
0x2e: {  	v40 =	vld [tilespmem:s0+$0xFFFFFFF0]  }
0x2f: {  	v41 =	vld [tilespmem:s0+$0x0]  }
0x30: {  	v42 =	vld [tilespmem:s0+$0x10]  }
0x31: {  	v43 =	vld [tilespmem:s0+$0x20];
	v33 =	vmul.f32 $2.550000000e+02, v33  }
0x32: {  	v44 =	vld [tilespmem:s0+$0x30];
	v34 =	vmul.f32 $2.550000000e+02, v34;
	v35 =	vmul.f32 $2.550000000e+02, v35  }
0x33: {  	v45 =	vld [tilespmem:s0+$0x40];
	v36 =	vmul.f32 $2.550000000e+02, v36;
	v37 =	vmul.f32 $2.550000000e+02, v37  }
0x34: {  	v46 =	vld [tilespmem:s0+$0x50];
	v38 =	vmul.f32 $2.550000000e+02, v38;
	v39 =	vmul.f32 $2.550000000e+02, v39  }
0x35: {  	v47 =	vld [tilespmem:s0+$0x60];
	v40 =	vmul.f32 $2.550000000e+02, v40;
	v41 =	vmul.f32 $2.550000000e+02, v41  }
0x36: {  	v48 =	vld [tilespmem:s0+$0xFFFFFF80];
	v42 =	vmul.f32 $2.550000000e+02, v42;
	v43 =	vmul.f32 $2.550000000e+02, v43  }
0x37: {  	v44 =	vmul.f32 $2.550000000e+02, v44;
	v33 =	vsub.f32 $2.550000000e+02, v33;
	v34 =	vsub.f32 $2.550000000e+02, v34  }
0x38: {  	v45 =	vmul.f32 $2.550000000e+02, v45;
	v35 =	vsub.f32 $2.550000000e+02, v35;
	v36 =	vsub.f32 $2.550000000e+02, v36  }
0x39: {  	v46 =	vmul.f32 $2.550000000e+02, v46;
	v37 =	vsub.f32 $2.550000000e+02, v37;
	v38 =	vsub.f32 $2.550000000e+02, v38  }
0x3a: {  	v47 =	vmul.f32 $2.550000000e+02, v47;
	v39 =	vsub.f32 $2.550000000e+02, v39;
	v40 =	vsub.f32 $2.550000000e+02, v40  }
0x3b: {  	v48 =	vmul.f32 $2.550000000e+02, v48;
	v41 =	vsub.f32 $2.550000000e+02, v41;
	v42 =	vsub.f32 $2.550000000e+02, v42  }
0x3c: {  	v43 =	vsub.f32 $2.550000000e+02, v43;
	v33 =	vtrunc.f32 v33;
	v34 =	vtrunc.f32 v34  }
0x3d: {  	v44 =	vsub.f32 $2.550000000e+02, v44;
	v35 =	vtrunc.f32 v35;
	v36 =	vtrunc.f32 v36  }
0x3e: {  	v45 =	vsub.f32 $2.550000000e+02, v45;
	v37 =	vtrunc.f32 v37;
	v38 =	vtrunc.f32 v38  }
0x3f: {  	v46 =	vsub.f32 $2.550000000e+02, v46;
	v39 =	vtrunc.f32 v39;
	v40 =	vtrunc.f32 v40  }
0x40: {  	v48 =	vsub.f32 $2.550000000e+02, v48;
	v41 =	vtrunc.f32 v41;
	v42 =	vtrunc.f32 v42  }
0x41: {  	v47 =	vsub.f32 $2.550000000e+02, v47;
	v43 =	vtrunc.f32 v43;
	v44 =	vtrunc.f32 v44  }
0x42: {  	v48 =	vtrunc.f32 v48;
	v45 =	vtrunc.f32 v45  }
0x43: {  	v46 =	vtrunc.f32 v46;
	v47 =	vtrunc.f32 v47  }
0x44: {  	v33 =	vcvt.f32.s32 v33;
	v48 =	vcvt.f32.s32 v48  }
0x45: {  	v34 =	vcvt.f32.s32 v34;
	v60 =	vcvt.f32.s32 v35  }
0x46: {  	v61 =	vcvt.f32.s32 v36;
	v37 =	vcvt.f32.s32 v37  }
0x47: {  	v38 =	vcvt.f32.s32 v38;
	v39 =	vcvt.f32.s32 v39  }
0x48: {  	v40 =	vcvt.f32.s32 v40;
	v41 =	vcvt.f32.s32 v41  }
0x49: {  	v42 =	vcvt.f32.s32 v42;
	v43 =	vcvt.f32.s32 v43  }
0x4a: {  	v44 =	vcvt.f32.s32 v44;
	v45 =	vcvt.f32.s32 v45  }
0x4b: {  	v46 =	vcvt.f32.s32 v46;
	v47 =	vcvt.f32.s32 v47  }
0x4c: {  	v33 =	vsub.s32 $0xFE, v33;
	v62 =	vsub.s32 $0xFE, v48;
	v34 =	vsub.s32 $0xFE, v34  }
0x4d: {  	v35 =	vsub.s32 $0xFE, v61;
	v37 =	vsub.s32 $0xFE, v37;
	v38 =	vsub.s32 $0xFE, v38  }
0x4e: {  	v39 =	vsub.s32 $0xFE, v39;
	v40 =	vsub.s32 $0xFE, v40;
	v63 =	vsub.s32 $0xFE, v41  }
0x4f: {  	v50 =	vsub.s32 $0xFE, v42;
	v51 =	vsub.s32 $0xFE, v43;
	v44 =	vsub.s32 $0xFE, v44  }
0x50: {  	v45 =	vsub.s32 $0xFE, v45;
	v46 =	vsub.s32 $0xFE, v46;
	v47 =	vsub.s32 $0xFE, v47  }
0x51: {  	vm0 =	vgt.s32 v33, $0x0;
	vm1 =	vgt.s32 v34, $0x0;
	vm3 =	vgt.s32 v35, $0x0  }
0x52: {  	vm4 =	vgt.s32 v37, $0x0;
	vm5 =	vgt.s32 v38, $0x0;
	vm6 =	vgt.s32 v39, $0x0  }
0x53: {  	vm7 =	vgt.s32 v40, $0x0;
	vm8 =	vgt.s32 v63, $0x0;
	vm9 =	vgt.s32 v50, $0x0  }
0x54: {  	vm10 =	vgt.s32 v51, $0x0;
	vm11 =	vgt.s32 v44, $0x0;
	vm12 =	vgt.s32 v45, $0x0  }
0x55: {  	vm14 =	vgt.s32 v46, $0x0;
	vm15 =	vgt.s32 v47, $0x0;
	v33 =	vnsel vm0, $0x0, v33  }
0x56: {  	vm0 =	vgt.s32 v62, $0x0;
	v53 =	vnsel vm1, $0x0, v34;
	v55 =	vnsel vm3, $0x0, v35  }
0x57: {  	v43 =	vnsel vm4, $0x0, v37;
	v42 =	vnsel vm5, $0x0, v38;
	v33 =	vshll.u32 v33, $0x4  }
0x58: {  	v41 =	vnsel vm6, $0x0, v39;
	v40 =	vnsel vm7, $0x0, v40;
	v49 =	vor.u32 v0, v33  }
0x59: {  	v39 =	vnsel vm8, $0x0, v63;
	v38 =	vnsel vm9, $0x0, v50;
	v37 =	vnsel vm10, $0x0, v51  }
0x5a: {  	v36 =	vnsel vm11, $0x0, v44;
	v35 =	vnsel vm12, $0x0, v45;
	v33 =	vsub.s32 $0xFE, v60  }
0x5b: {  	v34 =	vnsel vm14, $0x0, v46;
	v52 =	vnsel vm0, $0x0, v62;
	vm2 =	vgt.s32 v33, $0x0  }
0x5c: {  	v46 =	vshll.u32 v53, $0x4;
	v45 =	vshll.u32 v55, $0x4;
	v54 =	vnsel vm2, $0x0, v33  }
0x5d: {  	s1 =	simm.s32 $0x180;
	s0 =	simm.s32 $0x0;
	v44 =	vshll.u32 v52, $0x4;
	v33 =	vnsel vm15, $0x0, v47;
	v47 =	vshll.u32 v54, $0x4;
	[tilespmem:v49+s16+$0x0] =	vst.idx.add.f32.msk $0xffff, v3  }
.LBB2_5:
0x5e: {  	v48 =	vld [tilespmem:s1+$0x70];
	s0 =	sadd.s32 $0x10, s0;
	v43 =	vshll.u32 v43, $0x4;
	v42 =	vshll.u32 v42, $0x4;
	v41 =	vshll.u32 v41, $0x4  }
0x5f: {  	v40 =	vshll.u32 v40, $0x4;
	v39 =	vshll.u32 v39, $0x4;
	v38 =	vshll.u32 v38, $0x4;
	v49 =	vld [tilespmem:s1+$0xFFFFFF90];
	p0 =	slt.u32 s0, $0x3F0  }
0x60: {  	v37 =	vshll.u32 v37, $0x4;
	v36 =	vshll.u32 v36, $0x4;
	v35 =	vshll.u32 v35, $0x4;
	v50 =	vld [tilespmem:s1+$0xFFFFFFA0]  }
0x61: {  	v44 =	vor.u32 v0, v44;
	v34 =	vshll.u32 v34, $0x4;
	v33 =	vshll.u32 v33, $0x4;
	v51 =	vld [tilespmem:s1+$0xFFFFFFB0]  }
0x62: {  	v46 =	vor.u32 v0, v46;
	v47 =	vor.u32 v0, v47;
	v45 =	vor.u32 v0, v45;
	v52 =	vld [tilespmem:s1+$0xFFFFFFC0]  }
0x63: {  	v43 =	vor.u32 v0, v43;
	v42 =	vor.u32 v0, v42;
	v53 =	vld [tilespmem:s1+$0xFFFFFFD0];
	v48 =	vmul.f32 $2.550000000e+02, v48  }
0x64: {  	v41 =	vor.u32 v0, v41;
	v40 =	vor.u32 v0, v40;
	v49 =	vmul.f32 $2.550000000e+02, v49;
	v54 =	vld [tilespmem:s1+$0xFFFFFFE0]  }
0x65: {  	v39 =	vor.u32 v0, v39;
	v50 =	vmul.f32 $2.550000000e+02, v50;
	v55 =	vld [tilespmem:s1+$0xFFFFFFF0];
	v48 =	vsub.f32 $2.550000000e+02, v48  }
0x66: {  	v38 =	vor.u32 v0, v38;
	v49 =	vsub.f32 $2.550000000e+02, v49;
	v51 =	vmul.f32 $2.550000000e+02, v51;
	v56 =	vld [tilespmem:s1+$0x0]  }
0x67: {  	v50 =	vsub.f32 $2.550000000e+02, v50;
	v52 =	vmul.f32 $2.550000000e+02, v52;
	v57 =	vld [tilespmem:s1+$0x10];
	v48 =	vtrunc.f32 v48  }
0x68: {  	v51 =	vsub.f32 $2.550000000e+02, v51;
	v53 =	vmul.f32 $2.550000000e+02, v53;
	v58 =	vld [tilespmem:s1+$0x20];
	v48 =	vcvt.f32.s32 v48  }
0x69: {  	v49 =	vtrunc.f32 v49;
	v52 =	vsub.f32 $2.550000000e+02, v52;
	v54 =	vmul.f32 $2.550000000e+02, v54;
	v59 =	vld [tilespmem:s1+$0x30]  }
0x6a: {  	v53 =	vsub.f32 $2.550000000e+02, v53;
	v55 =	vmul.f32 $2.550000000e+02, v55;
	v60 =	vld [tilespmem:s1+$0x40];
	v48 =	vsub.s32 $0xFE, v48  }
0x6b: {  	v54 =	vsub.f32 $2.550000000e+02, v54;
	v56 =	vmul.f32 $2.550000000e+02, v56;
	v61 =	vld [tilespmem:s1+$0x50];
	vm0 =	vgt.s32 v48, $0x0  }
0x6c: {  	v55 =	vsub.f32 $2.550000000e+02, v55;
	v57 =	vmul.f32 $2.550000000e+02, v57;
	v62 =	vld [tilespmem:s1+$0x60];
	v48 =	vnsel vm0, $0x0, v48  }
0x6d: {  	v63 =	vld [tilespmem:s1+$0xFFFFFF80];
	v56 =	vsub.f32 $2.550000000e+02, v56;
	v58 =	vmul.f32 $2.550000000e+02, v58;
	v48 =	vshll.u32 v48, $0x4  }
0x6e: {  	v57 =	vsub.f32 $2.550000000e+02, v57;
	v59 =	vmul.f32 $2.550000000e+02, v59;
	v48 =	vor.u32 v0, v48;
	[tilespmem:v44+s16+$0x0] =	vst.idx.add.f32.msk $0xffff, v3  }
0x6f: {  	v44 =	vtrunc.f32 v50;
	v50 =	vsub.f32 $2.550000000e+02, v58;
	v58 =	vmul.f32 $2.550000000e+02, v60;
	[tilespmem:v46+s16+$0x0] =	vst.idx.add.f32.msk $0xffff, v3  }
0x70: {  	v46 =	vtrunc.f32 v51;
	v51 =	vsub.f32 $2.550000000e+02, v59;
	v59 =	vmul.f32 $2.550000000e+02, v61;
	[tilespmem:v47+s16+$0x0] =	vst.idx.add.f32.msk $0xffff, v3  }
0x71: {  	v47 =	vtrunc.f32 v52;
	v52 =	vsub.f32 $2.550000000e+02, v58;
	v58 =	vmul.f32 $2.550000000e+02, v62;
	[tilespmem:v45+s16+$0x0] =	vst.idx.add.f32.msk $0xffff, v3  }
0x72: {  	v53 =	vtrunc.f32 v53;
	v45 =	vmul.f32 $2.550000000e+02, v63;
	v59 =	vsub.f32 $2.550000000e+02, v59;
	[tilespmem:v43+s16+$0x0] =	vst.idx.add.f32.msk $0xffff, v3  }
0x73: {  	v43 =	vtrunc.f32 v54;
	v54 =	vtrunc.f32 v55;
	v55 =	vsub.f32 $2.550000000e+02, v58;
	[tilespmem:v48+s16+$0x0] =	vst.idx.add.f32.msk $0xffff, v3  }
0x74: {  	v48 =	vtrunc.f32 v56;
	v56 =	vtrunc.f32 v57;
	v45 =	vsub.f32 $2.550000000e+02, v45;
	[tilespmem:v42+s16+$0x0] =	vst.idx.add.f32.msk $0xffff, v3  }
0x75: {  	v37 =	vor.u32 v0, v37;
	v42 =	vtrunc.f32 v50;
	v50 =	vtrunc.f32 v51;
	[tilespmem:v41+s16+$0x0] =	vst.idx.add.f32.msk $0xffff, v3  }
0x76: {  	v36 =	vor.u32 v0, v36;
	v41 =	vtrunc.f32 v45;
	v45 =	vtrunc.f32 v52;
	[tilespmem:v40+s16+$0x0] =	vst.idx.add.f32.msk $0xffff, v3  }
0x77: {  	v35 =	vor.u32 v0, v35;
	v51 =	vtrunc.f32 v55;
	v40 =	vtrunc.f32 v59;
	[tilespmem:v39+s16+$0x0] =	vst.idx.add.f32.msk $0xffff, v3  }
0x78: {  	v34 =	vor.u32 v0, v34;
	v39 =	vcvt.f32.s32 v41;
	v41 =	vcvt.f32.s32 v49;
	[tilespmem:v38+s16+$0x0] =	vst.idx.add.f32.msk $0xffff, v3  }
0x79: {  	v33 =	vor.u32 v0, v33;
	v38 =	vcvt.f32.s32 v44;
	v44 =	vcvt.f32.s32 v46  }
0x7a: {  	v46 =	vcvt.f32.s32 v47;
	v47 =	vcvt.f32.s32 v53;
	v39 =	vsub.s32 $0xFE, v39;
	[tilespmem:v37+s16+$0x0] =	vst.idx.add.f32.msk $0xffff, v3  }
0x7b: {  	v37 =	vsub.s32 $0xFE, v41;
	v41 =	vcvt.f32.s32 v43;
	v43 =	vcvt.f32.s32 v54;
	[tilespmem:v36+s16+$0x0] =	vst.idx.add.f32.msk $0xffff, v3  }
0x7c: {  	v36 =	vsub.s32 $0xFE, v38;
	v38 =	vcvt.f32.s32 v48;
	v48 =	vcvt.f32.s32 v56;
	[tilespmem:v35+s16+$0x0] =	vst.idx.add.f32.msk $0xffff, v3  }
0x7d: {  	v42 =	vcvt.f32.s32 v42;
	v35 =	vsub.s32 $0xFE, v44;
	v44 =	vcvt.f32.s32 v50;
	[tilespmem:v34+s16+$0x0] =	vst.idx.add.f32.msk $0xffff, v3  }
0x7e: {  	v45 =	vcvt.f32.s32 v45;
	v40 =	vcvt.f32.s32 v40;
	v34 =	vsub.s32 $0xFE, v46;
	[tilespmem:v33+s16+$0x0] =	vst.idx.add.f32.msk $0xffff, v3  }
0x7f: {  	v41 =	vsub.s32 $0xFE, v41;
	v46 =	vcvt.f32.s32 v51;
	v33 =	vsub.s32 $0xFE, v47  }
0x80: {  	v38 =	vsub.s32 $0xFE, v38;
	v48 =	vsub.s32 $0xFE, v48;
	v47 =	vsub.s32 $0xFE, v43  }
0x81: {  	v49 =	vsub.s32 $0xFE, v42;
	v45 =	vsub.s32 $0xFE, v45;
	v44 =	vsub.s32 $0xFE, v44  }
0x82: {  	vm0 =	vgt.s32 v39, $0x0;
	v50 =	vsub.s32 $0xFE, v40;
	v46 =	vsub.s32 $0xFE, v46  }
0x83: {  	vm1 =	vgt.s32 v37, $0x0;
	vm2 =	vgt.s32 v36, $0x0;
	vm3 =	vgt.s32 v35, $0x0  }
0x84: {  	vm6 =	vgt.s32 v41, $0x0;
	vm4 =	vgt.s32 v34, $0x0;
	vm5 =	vgt.s32 v33, $0x0  }
0x85: {  	vm8 =	vgt.s32 v38, $0x0;
	vm9 =	vgt.s32 v48, $0x0;
	vm7 =	vgt.s32 v47, $0x0  }
0x86: {  	vm10 =	vgt.s32 v49, $0x0;
	vm12 =	vgt.s32 v45, $0x0;
	vm11 =	vgt.s32 v44, $0x0  }
0x87: {  	v51 =	vnsel vm0, $0x0, v39;
	vm0 =	vgt.s32 v50, $0x0;
	vm13 =	vgt.s32 v46, $0x0  }
0x88: {  	v52 =	vnsel vm1, $0x0, v37;
	v53 =	vnsel vm2, $0x0, v36;
	v54 =	vnsel vm3, $0x0, v35  }
.Ltmp3:
0x89: {  	v41 =	vnsel vm6, $0x0, v41;
	v43 =	vnsel vm4, $0x0, v34;
	v42 =	vnsel vm5, $0x0, v33;
	(pc) =	sbr.rel @p0 .LBB2_5-.Ltmp3, $4  }
0x8a: {  	v39 =	vnsel vm8, $0x0, v38;
	v38 =	vnsel vm9, $0x0, v48;
	v40 =	vnsel vm7, $0x0, v47  }
0x8b: {  	v37 =	vnsel vm10, $0x0, v49;
	v35 =	vnsel vm12, $0x0, v45;
	v36 =	vnsel vm11, $0x0, v44  }
0x8c: {  	v34 =	vnsel vm0, $0x0, v50;
	v44 =	vshll.u32 v51, $0x4;
	v33 =	vnsel vm13, $0x0, v46  }
0x8d: {  	s1 =	sadd.s32 $0x100, s1;
	v45 =	vshll.u32 v54, $0x4;
	v47 =	vshll.u32 v53, $0x4;
	v46 =	vshll.u32 v52, $0x4  }
0x8e: {  	v44 =	vor.u32 v0, v44  }
0x8f: {  	v46 =	vor.u32 v0, v46  }
0x90: {  	v47 =	vor.u32 v0, v47  }
0x91: {  	v43 =	vshll.u32 v43, $0x4;
	v45 =	vor.u32 v0, v45  }
0x92: {  	v42 =	vshll.u32 v42, $0x4;
	v43 =	vor.u32 v0, v43  }
0x93: {  	v41 =	vshll.u32 v41, $0x4;
	v42 =	vor.u32 v0, v42;
	[tilespmem:v44+s16+$0x0] =	vst.idx.add.f32.msk $0xffff, v3  }
0x94: {  	v40 =	vshll.u32 v40, $0x4;
	v41 =	vor.u32 v0, v41;
	[tilespmem:v46+s16+$0x0] =	vst.idx.add.f32.msk $0xffff, v3  }
0x95: {  	v39 =	vshll.u32 v39, $0x4;
	v40 =	vor.u32 v0, v40;
	[tilespmem:v47+s16+$0x0] =	vst.idx.add.f32.msk $0xffff, v3  }
0x96: {  	v38 =	vshll.u32 v38, $0x4;
	v39 =	vor.u32 v0, v39;
	[tilespmem:v45+s16+$0x0] =	vst.idx.add.f32.msk $0xffff, v3  }
0x97: {  	v37 =	vshll.u32 v37, $0x4;
	v38 =	vor.u32 v0, v38;
	[tilespmem:v43+s16+$0x0] =	vst.idx.add.f32.msk $0xffff, v3  }
0x98: {  	v36 =	vshll.u32 v36, $0x4;
	v37 =	vor.u32 v0, v37;
	[tilespmem:v42+s16+$0x0] =	vst.idx.add.f32.msk $0xffff, v3  }
0x99: {  	v35 =	vshll.u32 v35, $0x4;
	v36 =	vor.u32 v0, v36;
	[tilespmem:v41+s16+$0x0] =	vst.idx.add.f32.msk $0xffff, v3  }
0x9a: {  	v34 =	vshll.u32 v34, $0x4;
	v35 =	vor.u32 v0, v35;
	[tilespmem:v40+s16+$0x0] =	vst.idx.add.f32.msk $0xffff, v3  }
0x9b: {  	v33 =	vshll.u32 v33, $0x4;
	v34 =	vor.u32 v0, v34;
	[tilespmem:v39+s16+$0x0] =	vst.idx.add.f32.msk $0xffff, v3  }
0x9c: {  	v33 =	vor.u32 v0, v33;
	[tilespmem:v38+s16+$0x0] =	vst.idx.add.f32.msk $0xffff, v3  }
0x9d: {  	[tilespmem:v37+s16+$0x0] =	vst.idx.add.f32.msk $0xffff, v3  }
0x9e: {  	s31 =	sshll.u32 s30, $0xF;
	p0 =	seq.s32 s30, $0xB;
	[tilespmem:v36+s16+$0x0] =	vst.idx.add.f32.msk $0xffff, v3  }
0x9f: {  	s0 =	sadd.s32 @!p0 s31, s8;
	[tilespmem:v35+s16+$0x0] =	vst.idx.add.f32.msk $0xffff, v3  }
0xa0: {  	s0 =	sshrl.u32 @!p0 s0, $0x3;
	[tilespmem:v34+s16+$0x0] =	vst.idx.add.f32.msk $0xffff, v3  }
0xa1: {  	s1 =	simm.s32 @!p0 $0x0;
	s0 =	sadd.s32 @!p0 s2, s0;
	[tilespmem:v33+s16+$0x0] =	vst.idx.add.f32.msk $0xffff, v3  }
0xa2: {  	[tilespmem:s1], [sflag:$0x1] =	stream.linear.gather @!p0 [hbm4b:s0+s1], $0x4000, $0x38;
	[tilespmem:$0x11400] =	vst v63  }
0xa3: {  	_ =	swait.ge [sflag:s17], $0x4000  }
0xa4: {  	[sflag:s17] =	ssyncset.done $0x0  }
0xa5: {  	s22 =	simm.s32 $0x4080;
	[sflag:s17] =	ssyncadd.s32 $0xFFFFC000  }
0xa6: {  	v45 =	vld [tilespmem:s22+$0x70]  }
0xa7: {  	v46 =	vld [tilespmem:s22+$0xFFFFFF90]  }
0xa8: {  	v47 =	vld [tilespmem:s22+$0xFFFFFFA0]  }
0xa9: {  	v48 =	vld [tilespmem:s22+$0xFFFFFFB0]  }
0xaa: {  	v49 =	vld [tilespmem:s22+$0xFFFFFFC0]  }
0xab: {  	v50 =	vld [tilespmem:s22+$0xFFFFFFD0]  }
0xac: {  	v51 =	vld [tilespmem:s22+$0xFFFFFFE0]  }
0xad: {  	v52 =	vld [tilespmem:s22+$0xFFFFFFF0]  }
0xae: {  	v53 =	vld [tilespmem:s22+$0x0]  }
0xaf: {  	v54 =	vld [tilespmem:s22+$0x10]  }
0xb0: {  	v55 =	vld [tilespmem:s22+$0x20];
	v33 =	vmul.f32 $2.550000000e+02, v45  }
0xb1: {  	v56 =	vld [tilespmem:s22+$0x30];
	v34 =	vmul.f32 $2.550000000e+02, v46;
	v35 =	vmul.f32 $2.550000000e+02, v47  }
0xb2: {  	v57 =	vld [tilespmem:s22+$0x40];
	v36 =	vmul.f32 $2.550000000e+02, v48;
	v37 =	vmul.f32 $2.550000000e+02, v49  }
0xb3: {  	v58 =	vld [tilespmem:s22+$0x50];
	v38 =	vmul.f32 $2.550000000e+02, v50;
	v39 =	vmul.f32 $2.550000000e+02, v51  }
0xb4: {  	v59 =	vld [tilespmem:s22+$0x60];
	v40 =	vmul.f32 $2.550000000e+02, v52;
	v41 =	vmul.f32 $2.550000000e+02, v53  }
0xb5: {  	v42 =	vmul.f32 $2.550000000e+02, v54;
	v43 =	vmul.f32 $2.550000000e+02, v55  }
0xb6: {  	v44 =	vmul.f32 $2.550000000e+02, v56;
	v33 =	vsub.f32 $2.550000000e+02, v33;
	v34 =	vsub.f32 $2.550000000e+02, v34  }
0xb7: {  	v45 =	vmul.f32 $2.550000000e+02, v57;
	v35 =	vsub.f32 $2.550000000e+02, v35;
	v36 =	vsub.f32 $2.550000000e+02, v36  }
0xb8: {  	v46 =	vmul.f32 $2.550000000e+02, v58;
	v37 =	vsub.f32 $2.550000000e+02, v37;
	v38 =	vsub.f32 $2.550000000e+02, v38  }
0xb9: {  	v47 =	vmul.f32 $2.550000000e+02, v59;
	v39 =	vsub.f32 $2.550000000e+02, v39;
	v40 =	vsub.f32 $2.550000000e+02, v40  }
0xba: {  	v41 =	vsub.f32 $2.550000000e+02, v41;
	v42 =	vsub.f32 $2.550000000e+02, v42;
	v33 =	vtrunc.f32 v33  }
0xbb: {  	v43 =	vsub.f32 $2.550000000e+02, v43;
	v34 =	vtrunc.f32 v34;
	v35 =	vtrunc.f32 v35  }
0xbc: {  	v44 =	vsub.f32 $2.550000000e+02, v44;
	v36 =	vtrunc.f32 v36;
	v37 =	vtrunc.f32 v37  }
0xbd: {  	v48 =	vld [tilespmem:s22+$0xFFFFFF80];
	v45 =	vsub.f32 $2.550000000e+02, v45;
	v38 =	vtrunc.f32 v38;
	v39 =	vtrunc.f32 v39  }
0xbe: {  	v46 =	vsub.f32 $2.550000000e+02, v46;
	v40 =	vtrunc.f32 v40;
	v41 =	vtrunc.f32 v41  }
0xbf: {  	v47 =	vsub.f32 $2.550000000e+02, v47;
	v42 =	vtrunc.f32 v42;
	v43 =	vtrunc.f32 v43  }
0xc0: {  	v44 =	vtrunc.f32 v44;
	v45 =	vtrunc.f32 v45  }
0xc1: {  	v46 =	vtrunc.f32 v46;
	v47 =	vtrunc.f32 v47  }
0xc2: {  	v33 =	vcvt.f32.s32 v33;
	v48 =	vmul.f32 $2.550000000e+02, v48  }
0xc3: {  	v34 =	vcvt.f32.s32 v34;
	v60 =	vcvt.f32.s32 v35  }
0xc4: {  	v61 =	vcvt.f32.s32 v36;
	v37 =	vcvt.f32.s32 v37  }
0xc5: {  	v38 =	vcvt.f32.s32 v38;
	v39 =	vcvt.f32.s32 v39  }
0xc6: {  	v40 =	vcvt.f32.s32 v40;
	v41 =	vcvt.f32.s32 v41  }
0xc7: {  	v42 =	vcvt.f32.s32 v42;
	v43 =	vcvt.f32.s32 v43  }
0xc8: {  	v44 =	vcvt.f32.s32 v44;
	v45 =	vcvt.f32.s32 v45  }
0xc9: {  	v46 =	vcvt.f32.s32 v46;
	v47 =	vcvt.f32.s32 v47  }
0xca: {  	v33 =	vsub.s32 $0xFE, v33;
	v48 =	vsub.f32 $2.550000000e+02, v48;
	v34 =	vsub.s32 $0xFE, v34  }
0xcb: {  	v35 =	vsub.s32 $0xFE, v61;
	v37 =	vsub.s32 $0xFE, v37;
	v38 =	vsub.s32 $0xFE, v38  }
0xcc: {  	v39 =	vsub.s32 $0xFE, v39;
	v40 =	vsub.s32 $0xFE, v40;
	v63 =	vsub.s32 $0xFE, v41  }
0xcd: {  	v50 =	vsub.s32 $0xFE, v42;
	v51 =	vsub.s32 $0xFE, v43;
	v44 =	vsub.s32 $0xFE, v44  }
0xce: {  	v45 =	vsub.s32 $0xFE, v45;
	v46 =	vsub.s32 $0xFE, v46;
	v47 =	vsub.s32 $0xFE, v47  }
0xcf: {  	vm0 =	vgt.s32 v33, $0x0;
	vm1 =	vgt.s32 v34, $0x0;
	vm3 =	vgt.s32 v35, $0x0  }
0xd0: {  	vm4 =	vgt.s32 v37, $0x0;
	vm5 =	vgt.s32 v38, $0x0;
	vm6 =	vgt.s32 v39, $0x0  }
0xd1: {  	vm7 =	vgt.s32 v40, $0x0;
	vm8 =	vgt.s32 v63, $0x0;
	vm9 =	vgt.s32 v50, $0x0  }
0xd2: {  	vm10 =	vgt.s32 v51, $0x0;
	vm11 =	vgt.s32 v44, $0x0;
	vm12 =	vgt.s32 v45, $0x0  }
0xd3: {  	vm14 =	vgt.s32 v46, $0x0;
	vm15 =	vgt.s32 v47, $0x0;
	v48 =	vtrunc.f32 v48  }
0xd4: {  	v33 =	vnsel vm0, $0x0, v33;
	v53 =	vnsel vm1, $0x0, v34;
	v55 =	vnsel vm3, $0x0, v35  }
0xd5: {  	v43 =	vnsel vm4, $0x0, v37;
	v42 =	vnsel vm5, $0x0, v38;
	v41 =	vnsel vm6, $0x0, v39  }
0xd6: {  	v40 =	vnsel vm7, $0x0, v40;
	v39 =	vnsel vm8, $0x0, v63;
	v33 =	vshll.u32 v33, $0x4  }
0xd7: {  	v38 =	vnsel vm9, $0x0, v50;
	v48 =	vcvt.f32.s32 v48;
	v49 =	vor.u32 v0, v33  }
0xd8: {  	v37 =	vnsel vm10, $0x0, v51;
	v36 =	vnsel vm11, $0x0, v44;
	v35 =	vnsel vm12, $0x0, v45  }
0xd9: {  	v34 =	vnsel vm14, $0x0, v46;
	v33 =	vsub.s32 $0xFE, v60;
	v62 =	vsub.s32 $0xFE, v48  }
0xda: {  	v46 =	vshll.u32 v53, $0x4;
	vm2 =	vgt.s32 v33, $0x0;
	vm0 =	vgt.s32 v62, $0x0  }
0xdb: {  	v45 =	vshll.u32 v55, $0x4;
	v54 =	vnsel vm2, $0x0, v33;
	v52 =	vnsel vm0, $0x0, v62  }
0xdc: {  	s0 =	simm.s32 $0x0;
	s1 =	simm.s32 $0x4180;
	v33 =	vnsel vm15, $0x0, v47;
	v47 =	vshll.u32 v54, $0x4;
	v44 =	vshll.u32 v52, $0x4;
	[tilespmem:v49+s16+$0x0] =	vst.idx.add.f32.msk $0xffff, v3  }
.LBB2_7:
0xdd: {  	v48 =	vld [tilespmem:s1+$0x70];
	s0 =	sadd.s32 $0x10, s0;
	v43 =	vshll.u32 v43, $0x4;
	v42 =	vshll.u32 v42, $0x4;
	v41 =	vshll.u32 v41, $0x4  }
0xde: {  	v40 =	vshll.u32 v40, $0x4;
	v39 =	vshll.u32 v39, $0x4;
	v38 =	vshll.u32 v38, $0x4;
	v49 =	vld [tilespmem:s1+$0xFFFFFF90];
	p1 =	slt.u32 s0, $0x3F0  }
0xdf: {  	v37 =	vshll.u32 v37, $0x4;
	v36 =	vshll.u32 v36, $0x4;
	v35 =	vshll.u32 v35, $0x4;
	v50 =	vld [tilespmem:s1+$0xFFFFFFA0]  }
0xe0: {  	v44 =	vor.u32 v0, v44;
	v34 =	vshll.u32 v34, $0x4;
	v33 =	vshll.u32 v33, $0x4;
	v51 =	vld [tilespmem:s1+$0xFFFFFFB0]  }
0xe1: {  	v46 =	vor.u32 v0, v46;
	v47 =	vor.u32 v0, v47;
	v45 =	vor.u32 v0, v45;
	v52 =	vld [tilespmem:s1+$0xFFFFFFC0]  }
0xe2: {  	v43 =	vor.u32 v0, v43;
	v42 =	vor.u32 v0, v42;
	v53 =	vld [tilespmem:s1+$0xFFFFFFD0];
	v48 =	vmul.f32 $2.550000000e+02, v48  }
0xe3: {  	v41 =	vor.u32 v0, v41;
	v40 =	vor.u32 v0, v40;
	v49 =	vmul.f32 $2.550000000e+02, v49;
	v54 =	vld [tilespmem:s1+$0xFFFFFFE0]  }
0xe4: {  	v39 =	vor.u32 v0, v39;
	v50 =	vmul.f32 $2.550000000e+02, v50;
	v55 =	vld [tilespmem:s1+$0xFFFFFFF0];
	v48 =	vsub.f32 $2.550000000e+02, v48  }
0xe5: {  	v38 =	vor.u32 v0, v38;
	v49 =	vsub.f32 $2.550000000e+02, v49;
	v51 =	vmul.f32 $2.550000000e+02, v51;
	v56 =	vld [tilespmem:s1+$0x0]  }
0xe6: {  	v50 =	vsub.f32 $2.550000000e+02, v50;
	v52 =	vmul.f32 $2.550000000e+02, v52;
	v57 =	vld [tilespmem:s1+$0x10];
	v48 =	vtrunc.f32 v48  }
0xe7: {  	v51 =	vsub.f32 $2.550000000e+02, v51;
	v53 =	vmul.f32 $2.550000000e+02, v53;
	v58 =	vld [tilespmem:s1+$0x20];
	v48 =	vcvt.f32.s32 v48  }
0xe8: {  	v49 =	vtrunc.f32 v49;
	v52 =	vsub.f32 $2.550000000e+02, v52;
	v54 =	vmul.f32 $2.550000000e+02, v54;
	v59 =	vld [tilespmem:s1+$0x30]  }
0xe9: {  	v53 =	vsub.f32 $2.550000000e+02, v53;
	v55 =	vmul.f32 $2.550000000e+02, v55;
	v60 =	vld [tilespmem:s1+$0x40];
	v48 =	vsub.s32 $0xFE, v48  }
0xea: {  	v54 =	vsub.f32 $2.550000000e+02, v54;
	v56 =	vmul.f32 $2.550000000e+02, v56;
	v61 =	vld [tilespmem:s1+$0x50];
	vm0 =	vgt.s32 v48, $0x0  }
0xeb: {  	v55 =	vsub.f32 $2.550000000e+02, v55;
	v57 =	vmul.f32 $2.550000000e+02, v57;
	v62 =	vld [tilespmem:s1+$0x60];
	v48 =	vnsel vm0, $0x0, v48  }
0xec: {  	v63 =	vld [tilespmem:s1+$0xFFFFFF80];
	v56 =	vsub.f32 $2.550000000e+02, v56;
	v58 =	vmul.f32 $2.550000000e+02, v58;
	v48 =	vshll.u32 v48, $0x4  }
0xed: {  	v57 =	vsub.f32 $2.550000000e+02, v57;
	v59 =	vmul.f32 $2.550000000e+02, v59;
	v48 =	vor.u32 v0, v48;
	[tilespmem:v44+s16+$0x0] =	vst.idx.add.f32.msk $0xffff, v3  }
0xee: {  	v44 =	vtrunc.f32 v50;
	v50 =	vsub.f32 $2.550000000e+02, v58;
	v58 =	vmul.f32 $2.550000000e+02, v60;
	[tilespmem:v46+s16+$0x0] =	vst.idx.add.f32.msk $0xffff, v3  }
0xef: {  	v46 =	vtrunc.f32 v51;
	v51 =	vsub.f32 $2.550000000e+02, v59;
	v59 =	vmul.f32 $2.550000000e+02, v61;
	[tilespmem:v47+s16+$0x0] =	vst.idx.add.f32.msk $0xffff, v3  }
0xf0: {  	v47 =	vtrunc.f32 v52;
	v52 =	vsub.f32 $2.550000000e+02, v58;
	v58 =	vmul.f32 $2.550000000e+02, v62;
	[tilespmem:v45+s16+$0x0] =	vst.idx.add.f32.msk $0xffff, v3  }
0xf1: {  	v53 =	vtrunc.f32 v53;
	v45 =	vmul.f32 $2.550000000e+02, v63;
	v59 =	vsub.f32 $2.550000000e+02, v59;
	[tilespmem:v43+s16+$0x0] =	vst.idx.add.f32.msk $0xffff, v3  }
0xf2: {  	v43 =	vtrunc.f32 v54;
	v54 =	vtrunc.f32 v55;
	v55 =	vsub.f32 $2.550000000e+02, v58;
	[tilespmem:v48+s16+$0x0] =	vst.idx.add.f32.msk $0xffff, v3  }
0xf3: {  	v48 =	vtrunc.f32 v56;
	v56 =	vtrunc.f32 v57;
	v45 =	vsub.f32 $2.550000000e+02, v45;
	[tilespmem:v42+s16+$0x0] =	vst.idx.add.f32.msk $0xffff, v3  }
0xf4: {  	v37 =	vor.u32 v0, v37;
	v42 =	vtrunc.f32 v50;
	v50 =	vtrunc.f32 v51;
	[tilespmem:v41+s16+$0x0] =	vst.idx.add.f32.msk $0xffff, v3  }
0xf5: {  	v36 =	vor.u32 v0, v36;
	v41 =	vtrunc.f32 v45;
	v45 =	vtrunc.f32 v52;
	[tilespmem:v40+s16+$0x0] =	vst.idx.add.f32.msk $0xffff, v3  }
0xf6: {  	v35 =	vor.u32 v0, v35;
	v51 =	vtrunc.f32 v55;
	v40 =	vtrunc.f32 v59;
	[tilespmem:v39+s16+$0x0] =	vst.idx.add.f32.msk $0xffff, v3  }
0xf7: {  	v34 =	vor.u32 v0, v34;
	v39 =	vcvt.f32.s32 v41;
	v41 =	vcvt.f32.s32 v49;
	[tilespmem:v38+s16+$0x0] =	vst.idx.add.f32.msk $0xffff, v3  }
0xf8: {  	v33 =	vor.u32 v0, v33;
	v38 =	vcvt.f32.s32 v44;
	v44 =	vcvt.f32.s32 v46  }
0xf9: {  	v46 =	vcvt.f32.s32 v47;
	v47 =	vcvt.f32.s32 v53;
	v39 =	vsub.s32 $0xFE, v39;
	[tilespmem:v37+s16+$0x0] =	vst.idx.add.f32.msk $0xffff, v3  }
0xfa: {  	v37 =	vsub.s32 $0xFE, v41;
	v41 =	vcvt.f32.s32 v43;
	v43 =	vcvt.f32.s32 v54;
	[tilespmem:v36+s16+$0x0] =	vst.idx.add.f32.msk $0xffff, v3  }
0xfb: {  	v36 =	vsub.s32 $0xFE, v38;
	v38 =	vcvt.f32.s32 v48;
	v48 =	vcvt.f32.s32 v56;
	[tilespmem:v35+s16+$0x0] =	vst.idx.add.f32.msk $0xffff, v3  }
0xfc: {  	v42 =	vcvt.f32.s32 v42;
	v35 =	vsub.s32 $0xFE, v44;
	v44 =	vcvt.f32.s32 v50;
	[tilespmem:v34+s16+$0x0] =	vst.idx.add.f32.msk $0xffff, v3  }
0xfd: {  	v45 =	vcvt.f32.s32 v45;
	v40 =	vcvt.f32.s32 v40;
	v34 =	vsub.s32 $0xFE, v46;
	[tilespmem:v33+s16+$0x0] =	vst.idx.add.f32.msk $0xffff, v3  }
0xfe: {  	v41 =	vsub.s32 $0xFE, v41;
	v46 =	vcvt.f32.s32 v51;
	v33 =	vsub.s32 $0xFE, v47  }
0xff: {  	v38 =	vsub.s32 $0xFE, v38;
	v48 =	vsub.s32 $0xFE, v48;
	v47 =	vsub.s32 $0xFE, v43  }
0x100: {  	v49 =	vsub.s32 $0xFE, v42;
	v45 =	vsub.s32 $0xFE, v45;
	v44 =	vsub.s32 $0xFE, v44  }
0x101: {  	vm0 =	vgt.s32 v39, $0x0;
	v50 =	vsub.s32 $0xFE, v40;
	v46 =	vsub.s32 $0xFE, v46  }
0x102: {  	vm1 =	vgt.s32 v37, $0x0;
	vm2 =	vgt.s32 v36, $0x0;
	vm3 =	vgt.s32 v35, $0x0  }
0x103: {  	vm6 =	vgt.s32 v41, $0x0;
	vm4 =	vgt.s32 v34, $0x0;
	vm5 =	vgt.s32 v33, $0x0  }
0x104: {  	vm8 =	vgt.s32 v38, $0x0;
	vm9 =	vgt.s32 v48, $0x0;
	vm7 =	vgt.s32 v47, $0x0  }
0x105: {  	vm10 =	vgt.s32 v49, $0x0;
	vm12 =	vgt.s32 v45, $0x0;
	vm11 =	vgt.s32 v44, $0x0  }
0x106: {  	v51 =	vnsel vm0, $0x0, v39;
	vm0 =	vgt.s32 v50, $0x0;
	vm13 =	vgt.s32 v46, $0x0  }
0x107: {  	v52 =	vnsel vm1, $0x0, v37;
	v53 =	vnsel vm2, $0x0, v36;
	v54 =	vnsel vm3, $0x0, v35  }
.Ltmp4:
0x108: {  	v41 =	vnsel vm6, $0x0, v41;
	v43 =	vnsel vm4, $0x0, v34;
	v42 =	vnsel vm5, $0x0, v33;
	(pc) =	sbr.rel @p1 .LBB2_7-.Ltmp4, $4  }
0x109: {  	v39 =	vnsel vm8, $0x0, v38;
	v38 =	vnsel vm9, $0x0, v48;
	v40 =	vnsel vm7, $0x0, v47  }
0x10a: {  	v37 =	vnsel vm10, $0x0, v49;
	v35 =	vnsel vm12, $0x0, v45;
	v36 =	vnsel vm11, $0x0, v44  }
0x10b: {  	v34 =	vnsel vm0, $0x0, v50;
	v44 =	vshll.u32 v51, $0x4;
	v33 =	vnsel vm13, $0x0, v46  }
0x10c: {  	s1 =	sadd.s32 $0x100, s1;
	v45 =	vshll.u32 v54, $0x4;
	v47 =	vshll.u32 v53, $0x4;
	v46 =	vshll.u32 v52, $0x4  }
0x10d: {  	v44 =	vor.u32 v0, v44  }
0x10e: {  	v46 =	vor.u32 v0, v46  }
0x10f: {  	v47 =	vor.u32 v0, v47  }
0x110: {  	v43 =	vshll.u32 v43, $0x4;
	v45 =	vor.u32 v0, v45  }
0x111: {  	v42 =	vshll.u32 v42, $0x4;
	v43 =	vor.u32 v0, v43  }
0x112: {  	v41 =	vshll.u32 v41, $0x4;
	v42 =	vor.u32 v0, v42;
	[tilespmem:v44+s16+$0x0] =	vst.idx.add.f32.msk $0xffff, v3  }
0x113: {  	v40 =	vshll.u32 v40, $0x4;
	v41 =	vor.u32 v0, v41;
	[tilespmem:v46+s16+$0x0] =	vst.idx.add.f32.msk $0xffff, v3  }
0x114: {  	v39 =	vshll.u32 v39, $0x4;
	v40 =	vor.u32 v0, v40;
	[tilespmem:v47+s16+$0x0] =	vst.idx.add.f32.msk $0xffff, v3  }
0x115: {  	v38 =	vshll.u32 v38, $0x4;
	v39 =	vor.u32 v0, v39;
	[tilespmem:v45+s16+$0x0] =	vst.idx.add.f32.msk $0xffff, v3  }
0x116: {  	v37 =	vshll.u32 v37, $0x4;
	v38 =	vor.u32 v0, v38;
	[tilespmem:v43+s16+$0x0] =	vst.idx.add.f32.msk $0xffff, v3  }
0x117: {  	v36 =	vshll.u32 v36, $0x4;
	v37 =	vor.u32 v0, v37;
	[tilespmem:v42+s16+$0x0] =	vst.idx.add.f32.msk $0xffff, v3  }
0x118: {  	v35 =	vshll.u32 v35, $0x4;
	v36 =	vor.u32 v0, v36;
	[tilespmem:v41+s16+$0x0] =	vst.idx.add.f32.msk $0xffff, v3  }
0x119: {  	v34 =	vshll.u32 v34, $0x4;
	v35 =	vor.u32 v0, v35;
	[tilespmem:v40+s16+$0x0] =	vst.idx.add.f32.msk $0xffff, v3  }
0x11a: {  	v33 =	vshll.u32 v33, $0x4;
	v34 =	vor.u32 v0, v34;
	[tilespmem:v39+s16+$0x0] =	vst.idx.add.f32.msk $0xffff, v3  }
0x11b: {  	v33 =	vor.u32 v0, v33;
	[tilespmem:v38+s16+$0x0] =	vst.idx.add.f32.msk $0xffff, v3  }
.Ltmp5:
0x11c: {  	[tilespmem:v37+s16+$0x0] =	vst.idx.add.f32.msk $0xffff, v3;
	(pc) =	sbr.rel @p0 .LBB2_10-.Ltmp5, $4  }
0x11d: {  	[tilespmem:v36+s16+$0x0] =	vst.idx.add.f32.msk $0xffff, v3  }
0x11e: {  	[tilespmem:v35+s16+$0x0] =	vst.idx.add.f32.msk $0xffff, v3  }
0x11f: {  	[tilespmem:v34+s16+$0x0] =	vst.idx.add.f32.msk $0xffff, v3  }
0x120: {  	[tilespmem:v33+s16+$0x0] =	vst.idx.add.f32.msk $0xffff, v3  }
.Ltmp6:
0x121: {  	(pc) =	sbr.rel .LBB2_4-.Ltmp6, $4  }
0x122: {  	s0 =	sadd.s32 s31, s9  }
0x123: {  	s0 =	sshrl.u32 s0, $0x3  }
0x124: {  	s30 =	sadd.s32 $0x1, s30;
	s0 =	sadd.s32 s2, s0  }
0x125: {  	[tilespmem:s14], [sflag:$0x2] =	stream.linear.gather [hbm4b:s0+s3], $0x4000, $0x38;
	[tilespmem:$0x11400] =	vst v63  }
.LBB2_10:
0x126: {  	_ =	sdelay $0x3  }
0x127: {  	v33 =	vld.idx.msk [tilespmem:v1+s16+$0x0], $0xffff  }
0x128: {  	v34 =	vld.idx.msk [tilespmem:v4+s16+$0x0], $0xffff;
	_ =	sdelay $0x1  }
0x129: {  	v35 =	vld.idx.msk [tilespmem:v5+s16+$0x0], $0xffff;
	_ =	sdelay $0x1  }
0x12a: {  	v36 =	vld.idx.msk [tilespmem:v6+s16+$0x0], $0xffff  }
0x12b: {  	v33 =	vadd.f32 v34, v33  }
0x12c: {  	v55 =	vld.idx.msk [tilespmem:v7+s16+$0x0], $0xffff  }
0x12d: {  	v33 =	vadd.f32 v35, v33  }
0x12e: {  	v56 =	vld.idx.msk [tilespmem:v8+s16+$0x0], $0xffff  }
0x12f: {  	v33 =	vadd.f32 v36, v33  }
0x130: {  	v57 =	vld.idx.msk [tilespmem:v9+s16+$0x0], $0xffff  }
0x131: {  	v33 =	vadd.f32 v55, v33  }
0x132: {  	v58 =	vld.idx.msk [tilespmem:v10+s16+$0x0], $0xffff  }
0x133: {  	v33 =	vadd.f32 v56, v33  }
0x134: {  	v59 =	vld.idx.msk [tilespmem:v11+s16+$0x0], $0xffff  }
0x135: {  	v33 =	vadd.f32 v57, v33  }
0x136: {  	v60 =	vld.idx.msk [tilespmem:v12+s16+$0x0], $0xffff  }
0x137: {  	v33 =	vadd.f32 v58, v33  }
0x138: {  	v61 =	vld.idx.msk [tilespmem:v13+s16+$0x0], $0xffff  }
0x139: {  	v33 =	vadd.f32 v59, v33  }
0x13a: {  	v62 =	vld.idx.msk [tilespmem:v14+s16+$0x0], $0xffff  }
0x13b: {  	v33 =	vadd.f32 v60, v33  }
0x13c: {  	v63 =	vld.idx.msk [tilespmem:v15+s16+$0x0], $0xffff  }
0x13d: {  	v33 =	vadd.f32 v61, v33  }
0x13e: {  	v40 =	vld.idx.msk [tilespmem:v16+s16+$0x0], $0xffff  }
0x13f: {  	v33 =	vadd.f32 v62, v33  }
0x140: {  	v41 =	vld.idx.msk [tilespmem:v17+s16+$0x0], $0xffff  }
0x141: {  	v33 =	vadd.f32 v63, v33  }
0x142: {  	v42 =	vld.idx.msk [tilespmem:v18+s16+$0x0], $0xffff  }
0x143: {  	v33 =	vadd.f32 v40, v33;
	_ =	sdelay $0x1  }
0x144: {  	v33 =	vadd.f32 v41, v33;
	_ =	sdelay $0x1  }
0x145: {  	v33 =	vadd.f32 v42, v33;
	_ =	sdelay $0x1  }
0x146: {  	[tilespmem:$0x11000] =	vst v33  }
0x147: {  	v33 =	vld.idx.msk [tilespmem:v19+s16+$0x0], $0xffff  }
0x148: {  	v43 =	vld.idx.msk [tilespmem:v20+s16+$0x0], $0xffff;
	_ =	sdelay $0x1  }
0x149: {  	v44 =	vld.idx.msk [tilespmem:v21+s16+$0x0], $0xffff;
	_ =	sdelay $0x1  }
0x14a: {  	v45 =	vld.idx.msk [tilespmem:v22+s16+$0x0], $0xffff  }
0x14b: {  	v33 =	vadd.f32 v43, v33  }
0x14c: {  	v46 =	vld.idx.msk [tilespmem:v23+s16+$0x0], $0xffff  }
0x14d: {  	v33 =	vadd.f32 v44, v33  }
0x14e: {  	v47 =	vld.idx.msk [tilespmem:v24+s16+$0x0], $0xffff  }
0x14f: {  	v33 =	vadd.f32 v45, v33  }
0x150: {  	v48 =	vld.idx.msk [tilespmem:v25+s16+$0x0], $0xffff  }
0x151: {  	v33 =	vadd.f32 v46, v33  }
0x152: {  	v49 =	vld.idx.msk [tilespmem:v26+s16+$0x0], $0xffff  }
0x153: {  	v33 =	vadd.f32 v47, v33  }
0x154: {  	v50 =	vld.idx.msk [tilespmem:v27+s16+$0x0], $0xffff  }
0x155: {  	v33 =	vadd.f32 v48, v33  }
0x156: {  	v51 =	vld.idx.msk [tilespmem:v28+s16+$0x0], $0xffff  }
0x157: {  	v33 =	vadd.f32 v49, v33  }
0x158: {  	v52 =	vld.idx.msk [tilespmem:v29+s16+$0x0], $0xffff  }
0x159: {  	v33 =	vadd.f32 v50, v33  }
0x15a: {  	v53 =	vld.idx.msk [tilespmem:v30+s16+$0x0], $0xffff  }
0x15b: {  	v54 =	vor.u32 $0x10E, v1;
	v33 =	vadd.f32 v51, v33  }
0x15c: {  	v37 =	vld.idx.msk [tilespmem:v31+s16+$0x0], $0xffff  }
0x15d: {  	v55 =	vor.u32 $0x10F, v1;
	v33 =	vadd.f32 v52, v33  }
0x15e: {  	v38 =	vld.idx.msk [tilespmem:v32+s16+$0x0], $0xffff  }
0x15f: {  	v33 =	vadd.f32 v53, v33  }
0x160: {  	v56 =	vld.idx.msk [tilespmem:v54+s16+$0x0], $0xffff  }
0x161: {  	v33 =	vadd.f32 v37, v33  }
0x162: {  	v34 =	vld.idx.msk [tilespmem:v55+s16+$0x0], $0xffff  }
0x163: {  	v33 =	vadd.f32 v38, v33;
	_ =	sdelay $0x1  }
0x164: {  	v57 =	vor.u32 $0x200, v1;
	v33 =	vadd.f32 v56, v33  }
0x165: {  	v58 =	vor.u32 $0x201, v1  }
0x166: {  	v33 =	vadd.f32 v34, v33  }
0x167: {  	v59 =	vor.u32 $0x202, v1  }
0x168: {  	[tilespmem:$0x11010] =	vst v33  }
0x169: {  	v60 =	vor.u32 $0x203, v1;
	v33 =	vld.idx.msk [tilespmem:v57+s16+$0x0], $0xffff  }
0x16a: {  	v36 =	vld.idx.msk [tilespmem:v58+s16+$0x0], $0xffff  }
0x16b: {  	v61 =	vor.u32 $0x204, v1  }
0x16c: {  	v34 =	vld.idx.msk [tilespmem:v59+s16+$0x0], $0xffff  }
0x16d: {  	v62 =	vor.u32 $0x205, v1  }
0x16e: {  	v35 =	vld.idx.msk [tilespmem:v60+s16+$0x0], $0xffff  }
0x16f: {  	v63 =	vor.u32 $0x206, v1;
	v33 =	vadd.f32 v36, v33  }
0x170: {  	v37 =	vld.idx.msk [tilespmem:v61+s16+$0x0], $0xffff  }
0x171: {  	v40 =	vor.u32 $0x207, v1;
	v33 =	vadd.f32 v34, v33  }
0x172: {  	v38 =	vld.idx.msk [tilespmem:v62+s16+$0x0], $0xffff  }
0x173: {  	v41 =	vor.u32 $0x208, v1;
	v33 =	vadd.f32 v35, v33  }
0x174: {  	v36 =	vld.idx.msk [tilespmem:v63+s16+$0x0], $0xffff  }
0x175: {  	v42 =	vor.u32 $0x209, v1;
	v33 =	vadd.f32 v37, v33  }
0x176: {  	v34 =	vld.idx.msk [tilespmem:v40+s16+$0x0], $0xffff  }
0x177: {  	v43 =	vor.u32 $0x20A, v1;
	v33 =	vadd.f32 v38, v33  }
0x178: {  	v35 =	vld.idx.msk [tilespmem:v41+s16+$0x0], $0xffff  }
0x179: {  	v44 =	vor.u32 $0x20B, v1;
	v33 =	vadd.f32 v36, v33  }
0x17a: {  	v37 =	vld.idx.msk [tilespmem:v42+s16+$0x0], $0xffff  }
0x17b: {  	v45 =	vor.u32 $0x20C, v1;
	v33 =	vadd.f32 v34, v33  }
0x17c: {  	v38 =	vld.idx.msk [tilespmem:v43+s16+$0x0], $0xffff  }
0x17d: {  	v46 =	vor.u32 $0x20D, v1;
	v33 =	vadd.f32 v35, v33  }
0x17e: {  	v36 =	vld.idx.msk [tilespmem:v44+s16+$0x0], $0xffff  }
0x17f: {  	v47 =	vor.u32 $0x20E, v1;
	v33 =	vadd.f32 v37, v33  }
0x180: {  	v34 =	vld.idx.msk [tilespmem:v45+s16+$0x0], $0xffff  }
0x181: {  	v48 =	vor.u32 $0x20F, v1;
	v33 =	vadd.f32 v38, v33  }
0x182: {  	v35 =	vld.idx.msk [tilespmem:v46+s16+$0x0], $0xffff  }
0x183: {  	v33 =	vadd.f32 v36, v33  }
0x184: {  	v49 =	vld.idx.msk [tilespmem:v47+s16+$0x0], $0xffff  }
0x185: {  	v33 =	vadd.f32 v34, v33  }
0x186: {  	v50 =	vld.idx.msk [tilespmem:v48+s16+$0x0], $0xffff  }
0x187: {  	v33 =	vadd.f32 v35, v33;
	_ =	sdelay $0x1  }
0x188: {  	v51 =	vor.u32 $0x300, v1;
	v33 =	vadd.f32 v49, v33  }
0x189: {  	v52 =	vor.u32 $0x301, v1  }
0x18a: {  	v33 =	vadd.f32 v50, v33  }
0x18b: {  	v53 =	vor.u32 $0x302, v1  }
0x18c: {  	[tilespmem:$0x11020] =	vst v33  }
0x18d: {  	v54 =	vor.u32 $0x303, v1;
	v33 =	vld.idx.msk [tilespmem:v51+s16+$0x0], $0xffff  }
0x18e: {  	v36 =	vld.idx.msk [tilespmem:v52+s16+$0x0], $0xffff  }
0x18f: {  	v55 =	vor.u32 $0x304, v1  }
0x190: {  	v34 =	vld.idx.msk [tilespmem:v53+s16+$0x0], $0xffff  }
0x191: {  	v56 =	vor.u32 $0x305, v1  }
0x192: {  	v35 =	vld.idx.msk [tilespmem:v54+s16+$0x0], $0xffff  }
0x193: {  	v57 =	vor.u32 $0x306, v1;
	v33 =	vadd.f32 v36, v33  }
0x194: {  	v37 =	vld.idx.msk [tilespmem:v55+s16+$0x0], $0xffff  }
0x195: {  	v58 =	vor.u32 $0x307, v1;
	v33 =	vadd.f32 v34, v33  }
0x196: {  	v38 =	vld.idx.msk [tilespmem:v56+s16+$0x0], $0xffff  }
0x197: {  	v59 =	vor.u32 $0x308, v1;
	v33 =	vadd.f32 v35, v33  }
0x198: {  	v36 =	vld.idx.msk [tilespmem:v57+s16+$0x0], $0xffff  }
0x199: {  	v60 =	vor.u32 $0x309, v1;
	v33 =	vadd.f32 v37, v33  }
0x19a: {  	v34 =	vld.idx.msk [tilespmem:v58+s16+$0x0], $0xffff  }
0x19b: {  	v61 =	vor.u32 $0x30A, v1;
	v33 =	vadd.f32 v38, v33  }
0x19c: {  	v35 =	vld.idx.msk [tilespmem:v59+s16+$0x0], $0xffff  }
0x19d: {  	v62 =	vor.u32 $0x30B, v1;
	v33 =	vadd.f32 v36, v33  }
0x19e: {  	v37 =	vld.idx.msk [tilespmem:v60+s16+$0x0], $0xffff  }
0x19f: {  	v63 =	vor.u32 $0x30C, v1;
	v33 =	vadd.f32 v34, v33  }
0x1a0: {  	v38 =	vld.idx.msk [tilespmem:v61+s16+$0x0], $0xffff  }
0x1a1: {  	v40 =	vor.u32 $0x30D, v1;
	v33 =	vadd.f32 v35, v33  }
0x1a2: {  	v36 =	vld.idx.msk [tilespmem:v62+s16+$0x0], $0xffff  }
0x1a3: {  	v41 =	vor.u32 $0x30E, v1;
	v33 =	vadd.f32 v37, v33  }
0x1a4: {  	v34 =	vld.idx.msk [tilespmem:v63+s16+$0x0], $0xffff  }
0x1a5: {  	v42 =	vor.u32 $0x30F, v1;
	v33 =	vadd.f32 v38, v33  }
0x1a6: {  	v35 =	vld.idx.msk [tilespmem:v40+s16+$0x0], $0xffff  }
0x1a7: {  	v33 =	vadd.f32 v36, v33  }
0x1a8: {  	v43 =	vld.idx.msk [tilespmem:v41+s16+$0x0], $0xffff  }
0x1a9: {  	v33 =	vadd.f32 v34, v33  }
0x1aa: {  	v44 =	vld.idx.msk [tilespmem:v42+s16+$0x0], $0xffff  }
0x1ab: {  	v33 =	vadd.f32 v35, v33;
	_ =	sdelay $0x1  }
0x1ac: {  	v45 =	vor.u32 $0x400, v1;
	v33 =	vadd.f32 v43, v33  }
0x1ad: {  	v46 =	vor.u32 $0x401, v1  }
0x1ae: {  	v33 =	vadd.f32 v44, v33  }
0x1af: {  	v47 =	vor.u32 $0x402, v1  }
0x1b0: {  	[tilespmem:$0x11030] =	vst v33  }
0x1b1: {  	v48 =	vor.u32 $0x403, v1;
	v33 =	vld.idx.msk [tilespmem:v45+s16+$0x0], $0xffff  }
0x1b2: {  	v36 =	vld.idx.msk [tilespmem:v46+s16+$0x0], $0xffff  }
0x1b3: {  	v49 =	vor.u32 $0x404, v1  }
0x1b4: {  	v34 =	vld.idx.msk [tilespmem:v47+s16+$0x0], $0xffff  }
0x1b5: {  	v50 =	vor.u32 $0x405, v1  }
0x1b6: {  	v35 =	vld.idx.msk [tilespmem:v48+s16+$0x0], $0xffff  }
0x1b7: {  	v51 =	vor.u32 $0x406, v1;
	v33 =	vadd.f32 v36, v33  }
0x1b8: {  	v37 =	vld.idx.msk [tilespmem:v49+s16+$0x0], $0xffff  }
0x1b9: {  	v52 =	vor.u32 $0x407, v1;
	v33 =	vadd.f32 v34, v33  }
0x1ba: {  	v38 =	vld.idx.msk [tilespmem:v50+s16+$0x0], $0xffff  }
0x1bb: {  	v53 =	vor.u32 $0x408, v1;
	v33 =	vadd.f32 v35, v33  }
0x1bc: {  	v36 =	vld.idx.msk [tilespmem:v51+s16+$0x0], $0xffff  }
0x1bd: {  	v54 =	vor.u32 $0x409, v1;
	v33 =	vadd.f32 v37, v33  }
0x1be: {  	v34 =	vld.idx.msk [tilespmem:v52+s16+$0x0], $0xffff  }
0x1bf: {  	v55 =	vor.u32 $0x40A, v1;
	v33 =	vadd.f32 v38, v33  }
0x1c0: {  	v35 =	vld.idx.msk [tilespmem:v53+s16+$0x0], $0xffff  }
0x1c1: {  	v56 =	vor.u32 $0x40B, v1;
	v33 =	vadd.f32 v36, v33  }
0x1c2: {  	v37 =	vld.idx.msk [tilespmem:v54+s16+$0x0], $0xffff  }
0x1c3: {  	v57 =	vor.u32 $0x40C, v1;
	v33 =	vadd.f32 v34, v33  }
0x1c4: {  	v38 =	vld.idx.msk [tilespmem:v55+s16+$0x0], $0xffff  }
0x1c5: {  	v58 =	vor.u32 $0x40D, v1;
	v33 =	vadd.f32 v35, v33  }
0x1c6: {  	v36 =	vld.idx.msk [tilespmem:v56+s16+$0x0], $0xffff  }
0x1c7: {  	v59 =	vor.u32 $0x40E, v1;
	v33 =	vadd.f32 v37, v33  }
0x1c8: {  	v34 =	vld.idx.msk [tilespmem:v57+s16+$0x0], $0xffff  }
0x1c9: {  	v60 =	vor.u32 $0x40F, v1;
	v33 =	vadd.f32 v38, v33  }
0x1ca: {  	v35 =	vld.idx.msk [tilespmem:v58+s16+$0x0], $0xffff  }
0x1cb: {  	v33 =	vadd.f32 v36, v33  }
0x1cc: {  	v61 =	vld.idx.msk [tilespmem:v59+s16+$0x0], $0xffff  }
0x1cd: {  	v33 =	vadd.f32 v34, v33  }
0x1ce: {  	v62 =	vld.idx.msk [tilespmem:v60+s16+$0x0], $0xffff  }
0x1cf: {  	v33 =	vadd.f32 v35, v33;
	_ =	sdelay $0x1  }
0x1d0: {  	v63 =	vor.u32 $0x500, v1;
	v33 =	vadd.f32 v61, v33  }
0x1d1: {  	v40 =	vor.u32 $0x501, v1  }
0x1d2: {  	v33 =	vadd.f32 v62, v33  }
0x1d3: {  	v41 =	vor.u32 $0x502, v1  }
0x1d4: {  	[tilespmem:$0x11040] =	vst v33  }
0x1d5: {  	v42 =	vor.u32 $0x503, v1;
	v33 =	vld.idx.msk [tilespmem:v63+s16+$0x0], $0xffff  }
0x1d6: {  	v36 =	vld.idx.msk [tilespmem:v40+s16+$0x0], $0xffff  }
0x1d7: {  	v43 =	vor.u32 $0x504, v1  }
0x1d8: {  	v34 =	vld.idx.msk [tilespmem:v41+s16+$0x0], $0xffff  }
0x1d9: {  	v44 =	vor.u32 $0x505, v1  }
0x1da: {  	v35 =	vld.idx.msk [tilespmem:v42+s16+$0x0], $0xffff  }
0x1db: {  	v45 =	vor.u32 $0x506, v1;
	v33 =	vadd.f32 v36, v33  }
0x1dc: {  	v37 =	vld.idx.msk [tilespmem:v43+s16+$0x0], $0xffff  }
0x1dd: {  	v46 =	vor.u32 $0x507, v1;
	v33 =	vadd.f32 v34, v33  }
0x1de: {  	v38 =	vld.idx.msk [tilespmem:v44+s16+$0x0], $0xffff  }
0x1df: {  	v47 =	vor.u32 $0x508, v1;
	v33 =	vadd.f32 v35, v33  }
0x1e0: {  	v36 =	vld.idx.msk [tilespmem:v45+s16+$0x0], $0xffff  }
0x1e1: {  	v48 =	vor.u32 $0x509, v1;
	v33 =	vadd.f32 v37, v33  }
0x1e2: {  	v34 =	vld.idx.msk [tilespmem:v46+s16+$0x0], $0xffff  }
0x1e3: {  	v49 =	vor.u32 $0x50A, v1;
	v33 =	vadd.f32 v38, v33  }
0x1e4: {  	v35 =	vld.idx.msk [tilespmem:v47+s16+$0x0], $0xffff  }
0x1e5: {  	v50 =	vor.u32 $0x50B, v1;
	v33 =	vadd.f32 v36, v33  }
0x1e6: {  	v37 =	vld.idx.msk [tilespmem:v48+s16+$0x0], $0xffff  }
0x1e7: {  	v51 =	vor.u32 $0x50C, v1;
	v33 =	vadd.f32 v34, v33  }
0x1e8: {  	v38 =	vld.idx.msk [tilespmem:v49+s16+$0x0], $0xffff  }
0x1e9: {  	v52 =	vor.u32 $0x50D, v1;
	v33 =	vadd.f32 v35, v33  }
0x1ea: {  	v36 =	vld.idx.msk [tilespmem:v50+s16+$0x0], $0xffff  }
0x1eb: {  	v53 =	vor.u32 $0x50E, v1;
	v33 =	vadd.f32 v37, v33  }
0x1ec: {  	v34 =	vld.idx.msk [tilespmem:v51+s16+$0x0], $0xffff  }
0x1ed: {  	v54 =	vor.u32 $0x50F, v1;
	v33 =	vadd.f32 v38, v33  }
0x1ee: {  	v35 =	vld.idx.msk [tilespmem:v52+s16+$0x0], $0xffff  }
0x1ef: {  	v33 =	vadd.f32 v36, v33  }
0x1f0: {  	v55 =	vld.idx.msk [tilespmem:v53+s16+$0x0], $0xffff  }
0x1f1: {  	v33 =	vadd.f32 v34, v33  }
0x1f2: {  	v56 =	vld.idx.msk [tilespmem:v54+s16+$0x0], $0xffff  }
0x1f3: {  	v33 =	vadd.f32 v35, v33;
	_ =	sdelay $0x1  }
0x1f4: {  	v57 =	vor.u32 $0x600, v1;
	v33 =	vadd.f32 v55, v33  }
0x1f5: {  	v58 =	vor.u32 $0x601, v1  }
0x1f6: {  	v33 =	vadd.f32 v56, v33  }
0x1f7: {  	v59 =	vor.u32 $0x602, v1  }
0x1f8: {  	[tilespmem:$0x11050] =	vst v33  }
0x1f9: {  	v60 =	vor.u32 $0x603, v1;
	v33 =	vld.idx.msk [tilespmem:v57+s16+$0x0], $0xffff  }
0x1fa: {  	v36 =	vld.idx.msk [tilespmem:v58+s16+$0x0], $0xffff  }
0x1fb: {  	v61 =	vor.u32 $0x604, v1  }
0x1fc: {  	v34 =	vld.idx.msk [tilespmem:v59+s16+$0x0], $0xffff  }
0x1fd: {  	v62 =	vor.u32 $0x605, v1  }
0x1fe: {  	v35 =	vld.idx.msk [tilespmem:v60+s16+$0x0], $0xffff  }
0x1ff: {  	v63 =	vor.u32 $0x606, v1;
	v33 =	vadd.f32 v36, v33  }
0x200: {  	v37 =	vld.idx.msk [tilespmem:v61+s16+$0x0], $0xffff  }
0x201: {  	v40 =	vor.u32 $0x607, v1;
	v33 =	vadd.f32 v34, v33  }
0x202: {  	v38 =	vld.idx.msk [tilespmem:v62+s16+$0x0], $0xffff  }
0x203: {  	v41 =	vor.u32 $0x608, v1;
	v33 =	vadd.f32 v35, v33  }
0x204: {  	v36 =	vld.idx.msk [tilespmem:v63+s16+$0x0], $0xffff  }
0x205: {  	v42 =	vor.u32 $0x609, v1;
	v33 =	vadd.f32 v37, v33  }
0x206: {  	v34 =	vld.idx.msk [tilespmem:v40+s16+$0x0], $0xffff  }
0x207: {  	v43 =	vor.u32 $0x60A, v1;
	v33 =	vadd.f32 v38, v33  }
0x208: {  	v35 =	vld.idx.msk [tilespmem:v41+s16+$0x0], $0xffff  }
0x209: {  	v44 =	vor.u32 $0x60B, v1;
	v33 =	vadd.f32 v36, v33  }
0x20a: {  	v37 =	vld.idx.msk [tilespmem:v42+s16+$0x0], $0xffff  }
0x20b: {  	v45 =	vor.u32 $0x60C, v1;
	v33 =	vadd.f32 v34, v33  }
0x20c: {  	v38 =	vld.idx.msk [tilespmem:v43+s16+$0x0], $0xffff  }
0x20d: {  	v46 =	vor.u32 $0x60D, v1;
	v33 =	vadd.f32 v35, v33  }
0x20e: {  	v36 =	vld.idx.msk [tilespmem:v44+s16+$0x0], $0xffff  }
0x20f: {  	v47 =	vor.u32 $0x60E, v1;
	v33 =	vadd.f32 v37, v33  }
0x210: {  	v34 =	vld.idx.msk [tilespmem:v45+s16+$0x0], $0xffff  }
0x211: {  	v48 =	vor.u32 $0x60F, v1;
	v33 =	vadd.f32 v38, v33  }
0x212: {  	v35 =	vld.idx.msk [tilespmem:v46+s16+$0x0], $0xffff  }
0x213: {  	v33 =	vadd.f32 v36, v33  }
0x214: {  	v49 =	vld.idx.msk [tilespmem:v47+s16+$0x0], $0xffff  }
0x215: {  	v33 =	vadd.f32 v34, v33  }
0x216: {  	v50 =	vld.idx.msk [tilespmem:v48+s16+$0x0], $0xffff  }
0x217: {  	v33 =	vadd.f32 v35, v33;
	_ =	sdelay $0x1  }
0x218: {  	v51 =	vor.u32 $0x700, v1;
	v33 =	vadd.f32 v49, v33  }
0x219: {  	v52 =	vor.u32 $0x701, v1  }
0x21a: {  	v33 =	vadd.f32 v50, v33  }
0x21b: {  	v53 =	vor.u32 $0x702, v1  }
0x21c: {  	[tilespmem:$0x11060] =	vst v33  }
0x21d: {  	v54 =	vor.u32 $0x703, v1;
	v33 =	vld.idx.msk [tilespmem:v51+s16+$0x0], $0xffff  }
0x21e: {  	v36 =	vld.idx.msk [tilespmem:v52+s16+$0x0], $0xffff  }
0x21f: {  	v55 =	vor.u32 $0x704, v1  }
0x220: {  	v34 =	vld.idx.msk [tilespmem:v53+s16+$0x0], $0xffff  }
0x221: {  	v56 =	vor.u32 $0x705, v1  }
0x222: {  	v35 =	vld.idx.msk [tilespmem:v54+s16+$0x0], $0xffff  }
0x223: {  	v57 =	vor.u32 $0x706, v1;
	v33 =	vadd.f32 v36, v33  }
0x224: {  	v37 =	vld.idx.msk [tilespmem:v55+s16+$0x0], $0xffff  }
0x225: {  	v58 =	vor.u32 $0x707, v1;
	v33 =	vadd.f32 v34, v33  }
0x226: {  	v38 =	vld.idx.msk [tilespmem:v56+s16+$0x0], $0xffff  }
0x227: {  	v59 =	vor.u32 $0x708, v1;
	v33 =	vadd.f32 v35, v33  }
0x228: {  	v36 =	vld.idx.msk [tilespmem:v57+s16+$0x0], $0xffff  }
0x229: {  	v60 =	vor.u32 $0x709, v1;
	v33 =	vadd.f32 v37, v33  }
0x22a: {  	v34 =	vld.idx.msk [tilespmem:v58+s16+$0x0], $0xffff  }
0x22b: {  	v61 =	vor.u32 $0x70A, v1;
	v33 =	vadd.f32 v38, v33  }
0x22c: {  	v35 =	vld.idx.msk [tilespmem:v59+s16+$0x0], $0xffff  }
0x22d: {  	v62 =	vor.u32 $0x70B, v1;
	v33 =	vadd.f32 v36, v33  }
0x22e: {  	v37 =	vld.idx.msk [tilespmem:v60+s16+$0x0], $0xffff  }
0x22f: {  	v63 =	vor.u32 $0x70C, v1;
	v33 =	vadd.f32 v34, v33  }
0x230: {  	v38 =	vld.idx.msk [tilespmem:v61+s16+$0x0], $0xffff  }
0x231: {  	v40 =	vor.u32 $0x70D, v1;
	v33 =	vadd.f32 v35, v33  }
0x232: {  	v36 =	vld.idx.msk [tilespmem:v62+s16+$0x0], $0xffff  }
0x233: {  	v41 =	vor.u32 $0x70E, v1;
	v33 =	vadd.f32 v37, v33  }
0x234: {  	v34 =	vld.idx.msk [tilespmem:v63+s16+$0x0], $0xffff  }
0x235: {  	v42 =	vor.u32 $0x70F, v1;
	v33 =	vadd.f32 v38, v33  }
0x236: {  	v35 =	vld.idx.msk [tilespmem:v40+s16+$0x0], $0xffff  }
0x237: {  	v33 =	vadd.f32 v36, v33  }
0x238: {  	v43 =	vld.idx.msk [tilespmem:v41+s16+$0x0], $0xffff  }
0x239: {  	v33 =	vadd.f32 v34, v33  }
0x23a: {  	v44 =	vld.idx.msk [tilespmem:v42+s16+$0x0], $0xffff  }
0x23b: {  	v33 =	vadd.f32 v35, v33;
	_ =	sdelay $0x1  }
0x23c: {  	v45 =	vor.u32 $0x800, v1;
	v33 =	vadd.f32 v43, v33  }
0x23d: {  	v46 =	vor.u32 $0x801, v1  }
0x23e: {  	v33 =	vadd.f32 v44, v33  }
0x23f: {  	v47 =	vor.u32 $0x802, v1  }
0x240: {  	[tilespmem:$0x11070] =	vst v33  }
0x241: {  	v48 =	vor.u32 $0x803, v1;
	v33 =	vld.idx.msk [tilespmem:v45+s16+$0x0], $0xffff  }
0x242: {  	v36 =	vld.idx.msk [tilespmem:v46+s16+$0x0], $0xffff  }
0x243: {  	v49 =	vor.u32 $0x804, v1  }
0x244: {  	v34 =	vld.idx.msk [tilespmem:v47+s16+$0x0], $0xffff  }
0x245: {  	v50 =	vor.u32 $0x805, v1  }
0x246: {  	v35 =	vld.idx.msk [tilespmem:v48+s16+$0x0], $0xffff  }
0x247: {  	v51 =	vor.u32 $0x806, v1;
	v33 =	vadd.f32 v36, v33  }
0x248: {  	v37 =	vld.idx.msk [tilespmem:v49+s16+$0x0], $0xffff  }
0x249: {  	v52 =	vor.u32 $0x807, v1;
	v33 =	vadd.f32 v34, v33  }
0x24a: {  	v38 =	vld.idx.msk [tilespmem:v50+s16+$0x0], $0xffff  }
0x24b: {  	v53 =	vor.u32 $0x808, v1;
	v33 =	vadd.f32 v35, v33  }
0x24c: {  	v36 =	vld.idx.msk [tilespmem:v51+s16+$0x0], $0xffff  }
0x24d: {  	v54 =	vor.u32 $0x809, v1;
	v33 =	vadd.f32 v37, v33  }
0x24e: {  	v34 =	vld.idx.msk [tilespmem:v52+s16+$0x0], $0xffff  }
0x24f: {  	v55 =	vor.u32 $0x80A, v1;
	v33 =	vadd.f32 v38, v33  }
0x250: {  	v35 =	vld.idx.msk [tilespmem:v53+s16+$0x0], $0xffff  }
0x251: {  	v56 =	vor.u32 $0x80B, v1;
	v33 =	vadd.f32 v36, v33  }
0x252: {  	v37 =	vld.idx.msk [tilespmem:v54+s16+$0x0], $0xffff  }
0x253: {  	v57 =	vor.u32 $0x80C, v1;
	v33 =	vadd.f32 v34, v33  }
0x254: {  	v38 =	vld.idx.msk [tilespmem:v55+s16+$0x0], $0xffff  }
0x255: {  	v58 =	vor.u32 $0x80D, v1;
	v33 =	vadd.f32 v35, v33  }
0x256: {  	v36 =	vld.idx.msk [tilespmem:v56+s16+$0x0], $0xffff  }
0x257: {  	v59 =	vor.u32 $0x80E, v1;
	v33 =	vadd.f32 v37, v33  }
0x258: {  	v34 =	vld.idx.msk [tilespmem:v57+s16+$0x0], $0xffff  }
0x259: {  	v60 =	vor.u32 $0x80F, v1;
	v33 =	vadd.f32 v38, v33  }
0x25a: {  	v35 =	vld.idx.msk [tilespmem:v58+s16+$0x0], $0xffff  }
0x25b: {  	v33 =	vadd.f32 v36, v33  }
0x25c: {  	v61 =	vld.idx.msk [tilespmem:v59+s16+$0x0], $0xffff  }
0x25d: {  	v33 =	vadd.f32 v34, v33  }
0x25e: {  	v62 =	vld.idx.msk [tilespmem:v60+s16+$0x0], $0xffff  }
0x25f: {  	v33 =	vadd.f32 v35, v33;
	_ =	sdelay $0x1  }
0x260: {  	v63 =	vor.u32 $0x900, v1;
	v33 =	vadd.f32 v61, v33  }
0x261: {  	v40 =	vor.u32 $0x901, v1  }
0x262: {  	v33 =	vadd.f32 v62, v33  }
0x263: {  	v41 =	vor.u32 $0x902, v1  }
0x264: {  	[tilespmem:$0x11080] =	vst v33  }
0x265: {  	v42 =	vor.u32 $0x903, v1;
	v33 =	vld.idx.msk [tilespmem:v63+s16+$0x0], $0xffff  }
0x266: {  	v36 =	vld.idx.msk [tilespmem:v40+s16+$0x0], $0xffff  }
0x267: {  	v43 =	vor.u32 $0x904, v1  }
0x268: {  	v34 =	vld.idx.msk [tilespmem:v41+s16+$0x0], $0xffff  }
0x269: {  	v44 =	vor.u32 $0x905, v1  }
0x26a: {  	v35 =	vld.idx.msk [tilespmem:v42+s16+$0x0], $0xffff  }
0x26b: {  	v45 =	vor.u32 $0x906, v1;
	v33 =	vadd.f32 v36, v33  }
0x26c: {  	v37 =	vld.idx.msk [tilespmem:v43+s16+$0x0], $0xffff  }
0x26d: {  	v46 =	vor.u32 $0x907, v1;
	v33 =	vadd.f32 v34, v33  }
0x26e: {  	v38 =	vld.idx.msk [tilespmem:v44+s16+$0x0], $0xffff  }
0x26f: {  	v47 =	vor.u32 $0x908, v1;
	v33 =	vadd.f32 v35, v33  }
0x270: {  	v36 =	vld.idx.msk [tilespmem:v45+s16+$0x0], $0xffff  }
0x271: {  	v48 =	vor.u32 $0x909, v1;
	v33 =	vadd.f32 v37, v33  }
0x272: {  	v34 =	vld.idx.msk [tilespmem:v46+s16+$0x0], $0xffff  }
0x273: {  	v49 =	vor.u32 $0x90A, v1;
	v33 =	vadd.f32 v38, v33  }
0x274: {  	v35 =	vld.idx.msk [tilespmem:v47+s16+$0x0], $0xffff  }
0x275: {  	v50 =	vor.u32 $0x90B, v1;
	v33 =	vadd.f32 v36, v33  }
0x276: {  	v37 =	vld.idx.msk [tilespmem:v48+s16+$0x0], $0xffff  }
0x277: {  	v51 =	vor.u32 $0x90C, v1;
	v33 =	vadd.f32 v34, v33  }
0x278: {  	v38 =	vld.idx.msk [tilespmem:v49+s16+$0x0], $0xffff  }
0x279: {  	v52 =	vor.u32 $0x90D, v1;
	v33 =	vadd.f32 v35, v33  }
0x27a: {  	v36 =	vld.idx.msk [tilespmem:v50+s16+$0x0], $0xffff  }
0x27b: {  	v53 =	vor.u32 $0x90E, v1;
	v33 =	vadd.f32 v37, v33  }
0x27c: {  	v34 =	vld.idx.msk [tilespmem:v51+s16+$0x0], $0xffff  }
0x27d: {  	v54 =	vor.u32 $0x90F, v1;
	v33 =	vadd.f32 v38, v33  }
0x27e: {  	v35 =	vld.idx.msk [tilespmem:v52+s16+$0x0], $0xffff  }
0x27f: {  	v33 =	vadd.f32 v36, v33  }
0x280: {  	v55 =	vld.idx.msk [tilespmem:v53+s16+$0x0], $0xffff  }
0x281: {  	v33 =	vadd.f32 v34, v33  }
0x282: {  	v56 =	vld.idx.msk [tilespmem:v54+s16+$0x0], $0xffff  }
0x283: {  	v33 =	vadd.f32 v35, v33;
	_ =	sdelay $0x1  }
0x284: {  	v57 =	vor.u32 $0xA00, v1;
	v33 =	vadd.f32 v55, v33  }
0x285: {  	v58 =	vor.u32 $0xA01, v1  }
0x286: {  	v33 =	vadd.f32 v56, v33  }
0x287: {  	v59 =	vor.u32 $0xA02, v1  }
0x288: {  	[tilespmem:$0x11090] =	vst v33  }
0x289: {  	v60 =	vor.u32 $0xA03, v1;
	v33 =	vld.idx.msk [tilespmem:v57+s16+$0x0], $0xffff  }
0x28a: {  	v36 =	vld.idx.msk [tilespmem:v58+s16+$0x0], $0xffff  }
0x28b: {  	v61 =	vor.u32 $0xA04, v1  }
0x28c: {  	v34 =	vld.idx.msk [tilespmem:v59+s16+$0x0], $0xffff  }
0x28d: {  	v62 =	vor.u32 $0xA05, v1  }
0x28e: {  	v35 =	vld.idx.msk [tilespmem:v60+s16+$0x0], $0xffff  }
0x28f: {  	v63 =	vor.u32 $0xA06, v1;
	v33 =	vadd.f32 v36, v33  }
0x290: {  	v37 =	vld.idx.msk [tilespmem:v61+s16+$0x0], $0xffff  }
0x291: {  	v40 =	vor.u32 $0xA07, v1;
	v33 =	vadd.f32 v34, v33  }
0x292: {  	v38 =	vld.idx.msk [tilespmem:v62+s16+$0x0], $0xffff  }
0x293: {  	v41 =	vor.u32 $0xA08, v1;
	v33 =	vadd.f32 v35, v33  }
0x294: {  	v36 =	vld.idx.msk [tilespmem:v63+s16+$0x0], $0xffff  }
0x295: {  	v42 =	vor.u32 $0xA09, v1;
	v33 =	vadd.f32 v37, v33  }
0x296: {  	v34 =	vld.idx.msk [tilespmem:v40+s16+$0x0], $0xffff  }
0x297: {  	v43 =	vor.u32 $0xA0A, v1;
	v33 =	vadd.f32 v38, v33  }
0x298: {  	v35 =	vld.idx.msk [tilespmem:v41+s16+$0x0], $0xffff  }
0x299: {  	v44 =	vor.u32 $0xA0B, v1;
	v33 =	vadd.f32 v36, v33  }
0x29a: {  	v37 =	vld.idx.msk [tilespmem:v42+s16+$0x0], $0xffff  }
0x29b: {  	v45 =	vor.u32 $0xA0C, v1;
	v33 =	vadd.f32 v34, v33  }
0x29c: {  	v38 =	vld.idx.msk [tilespmem:v43+s16+$0x0], $0xffff  }
0x29d: {  	v46 =	vor.u32 $0xA0D, v1;
	v33 =	vadd.f32 v35, v33  }
0x29e: {  	v36 =	vld.idx.msk [tilespmem:v44+s16+$0x0], $0xffff  }
0x29f: {  	v47 =	vor.u32 $0xA0E, v1;
	v33 =	vadd.f32 v37, v33  }
0x2a0: {  	v34 =	vld.idx.msk [tilespmem:v45+s16+$0x0], $0xffff  }
0x2a1: {  	v48 =	vor.u32 $0xA0F, v1;
	v33 =	vadd.f32 v38, v33  }
0x2a2: {  	v35 =	vld.idx.msk [tilespmem:v46+s16+$0x0], $0xffff  }
0x2a3: {  	v33 =	vadd.f32 v36, v33  }
0x2a4: {  	v49 =	vld.idx.msk [tilespmem:v47+s16+$0x0], $0xffff  }
0x2a5: {  	v33 =	vadd.f32 v34, v33  }
0x2a6: {  	v50 =	vld.idx.msk [tilespmem:v48+s16+$0x0], $0xffff  }
0x2a7: {  	v33 =	vadd.f32 v35, v33;
	_ =	sdelay $0x1  }
0x2a8: {  	v51 =	vor.u32 $0xB00, v1;
	v33 =	vadd.f32 v49, v33  }
0x2a9: {  	v52 =	vor.u32 $0xB01, v1  }
0x2aa: {  	v33 =	vadd.f32 v50, v33  }
0x2ab: {  	v53 =	vor.u32 $0xB02, v1  }
0x2ac: {  	[tilespmem:$0x110A0] =	vst v33  }
0x2ad: {  	v54 =	vor.u32 $0xB03, v1;
	v33 =	vld.idx.msk [tilespmem:v51+s16+$0x0], $0xffff  }
0x2ae: {  	v36 =	vld.idx.msk [tilespmem:v52+s16+$0x0], $0xffff  }
0x2af: {  	v55 =	vor.u32 $0xB04, v1  }
0x2b0: {  	v34 =	vld.idx.msk [tilespmem:v53+s16+$0x0], $0xffff  }
0x2b1: {  	v56 =	vor.u32 $0xB05, v1  }
0x2b2: {  	v35 =	vld.idx.msk [tilespmem:v54+s16+$0x0], $0xffff  }
0x2b3: {  	v57 =	vor.u32 $0xB06, v1;
	v33 =	vadd.f32 v36, v33  }
0x2b4: {  	v37 =	vld.idx.msk [tilespmem:v55+s16+$0x0], $0xffff  }
0x2b5: {  	v58 =	vor.u32 $0xB07, v1;
	v33 =	vadd.f32 v34, v33  }
0x2b6: {  	v38 =	vld.idx.msk [tilespmem:v56+s16+$0x0], $0xffff  }
0x2b7: {  	v59 =	vor.u32 $0xB08, v1;
	v33 =	vadd.f32 v35, v33  }
0x2b8: {  	v36 =	vld.idx.msk [tilespmem:v57+s16+$0x0], $0xffff  }
0x2b9: {  	v60 =	vor.u32 $0xB09, v1;
	v33 =	vadd.f32 v37, v33  }
0x2ba: {  	v34 =	vld.idx.msk [tilespmem:v58+s16+$0x0], $0xffff  }
0x2bb: {  	v61 =	vor.u32 $0xB0A, v1;
	v33 =	vadd.f32 v38, v33  }
0x2bc: {  	v35 =	vld.idx.msk [tilespmem:v59+s16+$0x0], $0xffff  }
0x2bd: {  	v62 =	vor.u32 $0xB0B, v1;
	v33 =	vadd.f32 v36, v33  }
0x2be: {  	v37 =	vld.idx.msk [tilespmem:v60+s16+$0x0], $0xffff  }
0x2bf: {  	v63 =	vor.u32 $0xB0C, v1;
	v33 =	vadd.f32 v34, v33  }
0x2c0: {  	v38 =	vld.idx.msk [tilespmem:v61+s16+$0x0], $0xffff  }
0x2c1: {  	v40 =	vor.u32 $0xB0D, v1;
	v33 =	vadd.f32 v35, v33  }
0x2c2: {  	v36 =	vld.idx.msk [tilespmem:v62+s16+$0x0], $0xffff  }
0x2c3: {  	v41 =	vor.u32 $0xB0E, v1;
	v33 =	vadd.f32 v37, v33  }
0x2c4: {  	v34 =	vld.idx.msk [tilespmem:v63+s16+$0x0], $0xffff  }
0x2c5: {  	v42 =	vor.u32 $0xB0F, v1;
	v33 =	vadd.f32 v38, v33  }
0x2c6: {  	v35 =	vld.idx.msk [tilespmem:v40+s16+$0x0], $0xffff  }
0x2c7: {  	v33 =	vadd.f32 v36, v33  }
0x2c8: {  	v43 =	vld.idx.msk [tilespmem:v41+s16+$0x0], $0xffff  }
0x2c9: {  	v33 =	vadd.f32 v34, v33  }
0x2ca: {  	v44 =	vld.idx.msk [tilespmem:v42+s16+$0x0], $0xffff  }
0x2cb: {  	v33 =	vadd.f32 v35, v33;
	_ =	sdelay $0x1  }
0x2cc: {  	v45 =	vor.u32 $0xC00, v1;
	v33 =	vadd.f32 v43, v33  }
0x2cd: {  	v46 =	vor.u32 $0xC01, v1  }
0x2ce: {  	v33 =	vadd.f32 v44, v33  }
0x2cf: {  	v47 =	vor.u32 $0xC02, v1  }
0x2d0: {  	[tilespmem:$0x110B0] =	vst v33  }
0x2d1: {  	v48 =	vor.u32 $0xC03, v1;
	v33 =	vld.idx.msk [tilespmem:v45+s16+$0x0], $0xffff  }
0x2d2: {  	v36 =	vld.idx.msk [tilespmem:v46+s16+$0x0], $0xffff  }
0x2d3: {  	v49 =	vor.u32 $0xC04, v1  }
0x2d4: {  	v34 =	vld.idx.msk [tilespmem:v47+s16+$0x0], $0xffff  }
0x2d5: {  	v50 =	vor.u32 $0xC05, v1  }
0x2d6: {  	v35 =	vld.idx.msk [tilespmem:v48+s16+$0x0], $0xffff  }
0x2d7: {  	v51 =	vor.u32 $0xC06, v1;
	v33 =	vadd.f32 v36, v33  }
0x2d8: {  	v37 =	vld.idx.msk [tilespmem:v49+s16+$0x0], $0xffff  }
0x2d9: {  	v52 =	vor.u32 $0xC07, v1;
	v33 =	vadd.f32 v34, v33  }
0x2da: {  	v38 =	vld.idx.msk [tilespmem:v50+s16+$0x0], $0xffff  }
0x2db: {  	v53 =	vor.u32 $0xC08, v1;
	v33 =	vadd.f32 v35, v33  }
0x2dc: {  	v36 =	vld.idx.msk [tilespmem:v51+s16+$0x0], $0xffff  }
0x2dd: {  	v54 =	vor.u32 $0xC09, v1;
	v33 =	vadd.f32 v37, v33  }
0x2de: {  	v34 =	vld.idx.msk [tilespmem:v52+s16+$0x0], $0xffff  }
0x2df: {  	v55 =	vor.u32 $0xC0A, v1;
	v33 =	vadd.f32 v38, v33  }
0x2e0: {  	v35 =	vld.idx.msk [tilespmem:v53+s16+$0x0], $0xffff  }
0x2e1: {  	v56 =	vor.u32 $0xC0B, v1;
	v33 =	vadd.f32 v36, v33  }
0x2e2: {  	v37 =	vld.idx.msk [tilespmem:v54+s16+$0x0], $0xffff  }
0x2e3: {  	v57 =	vor.u32 $0xC0C, v1;
	v33 =	vadd.f32 v34, v33  }
0x2e4: {  	v38 =	vld.idx.msk [tilespmem:v55+s16+$0x0], $0xffff  }
0x2e5: {  	v58 =	vor.u32 $0xC0D, v1;
	v33 =	vadd.f32 v35, v33  }
0x2e6: {  	v36 =	vld.idx.msk [tilespmem:v56+s16+$0x0], $0xffff  }
0x2e7: {  	v59 =	vor.u32 $0xC0E, v1;
	v33 =	vadd.f32 v37, v33  }
0x2e8: {  	v34 =	vld.idx.msk [tilespmem:v57+s16+$0x0], $0xffff  }
0x2e9: {  	v60 =	vor.u32 $0xC0F, v1;
	v33 =	vadd.f32 v38, v33  }
0x2ea: {  	v35 =	vld.idx.msk [tilespmem:v58+s16+$0x0], $0xffff  }
0x2eb: {  	v33 =	vadd.f32 v36, v33  }
0x2ec: {  	v61 =	vld.idx.msk [tilespmem:v59+s16+$0x0], $0xffff  }
0x2ed: {  	v33 =	vadd.f32 v34, v33  }
0x2ee: {  	v62 =	vld.idx.msk [tilespmem:v60+s16+$0x0], $0xffff  }
0x2ef: {  	v33 =	vadd.f32 v35, v33;
	_ =	sdelay $0x1  }
0x2f0: {  	v63 =	vor.u32 $0xD00, v1;
	v33 =	vadd.f32 v61, v33  }
0x2f1: {  	v40 =	vor.u32 $0xD01, v1  }
0x2f2: {  	v33 =	vadd.f32 v62, v33  }
0x2f3: {  	v41 =	vor.u32 $0xD02, v1  }
0x2f4: {  	[tilespmem:$0x110C0] =	vst v33  }
0x2f5: {  	v42 =	vor.u32 $0xD03, v1;
	v33 =	vld.idx.msk [tilespmem:v63+s16+$0x0], $0xffff  }
0x2f6: {  	v36 =	vld.idx.msk [tilespmem:v40+s16+$0x0], $0xffff  }
0x2f7: {  	v43 =	vor.u32 $0xD04, v1  }
0x2f8: {  	v34 =	vld.idx.msk [tilespmem:v41+s16+$0x0], $0xffff  }
0x2f9: {  	v44 =	vor.u32 $0xD05, v1  }
0x2fa: {  	v35 =	vld.idx.msk [tilespmem:v42+s16+$0x0], $0xffff  }
0x2fb: {  	v45 =	vor.u32 $0xD06, v1;
	v33 =	vadd.f32 v36, v33  }
0x2fc: {  	v37 =	vld.idx.msk [tilespmem:v43+s16+$0x0], $0xffff  }
0x2fd: {  	v46 =	vor.u32 $0xD07, v1;
	v33 =	vadd.f32 v34, v33  }
0x2fe: {  	v38 =	vld.idx.msk [tilespmem:v44+s16+$0x0], $0xffff  }
0x2ff: {  	v47 =	vor.u32 $0xD08, v1;
	v33 =	vadd.f32 v35, v33  }
0x300: {  	v36 =	vld.idx.msk [tilespmem:v45+s16+$0x0], $0xffff  }
0x301: {  	v48 =	vor.u32 $0xD09, v1;
	v33 =	vadd.f32 v37, v33  }
0x302: {  	v34 =	vld.idx.msk [tilespmem:v46+s16+$0x0], $0xffff  }
0x303: {  	v49 =	vor.u32 $0xD0A, v1;
	v33 =	vadd.f32 v38, v33  }
0x304: {  	v35 =	vld.idx.msk [tilespmem:v47+s16+$0x0], $0xffff  }
0x305: {  	v50 =	vor.u32 $0xD0B, v1;
	v33 =	vadd.f32 v36, v33  }
0x306: {  	v37 =	vld.idx.msk [tilespmem:v48+s16+$0x0], $0xffff  }
0x307: {  	v51 =	vor.u32 $0xD0C, v1;
	v33 =	vadd.f32 v34, v33  }
0x308: {  	v38 =	vld.idx.msk [tilespmem:v49+s16+$0x0], $0xffff  }
0x309: {  	v52 =	vor.u32 $0xD0D, v1;
	v33 =	vadd.f32 v35, v33  }
0x30a: {  	v36 =	vld.idx.msk [tilespmem:v50+s16+$0x0], $0xffff  }
0x30b: {  	v53 =	vor.u32 $0xD0E, v1;
	v33 =	vadd.f32 v37, v33  }
0x30c: {  	v34 =	vld.idx.msk [tilespmem:v51+s16+$0x0], $0xffff  }
0x30d: {  	v54 =	vor.u32 $0xD0F, v1;
	v33 =	vadd.f32 v38, v33  }
0x30e: {  	v35 =	vld.idx.msk [tilespmem:v52+s16+$0x0], $0xffff  }
0x30f: {  	v33 =	vadd.f32 v36, v33  }
0x310: {  	v55 =	vld.idx.msk [tilespmem:v53+s16+$0x0], $0xffff  }
0x311: {  	v33 =	vadd.f32 v34, v33  }
0x312: {  	v56 =	vld.idx.msk [tilespmem:v54+s16+$0x0], $0xffff  }
0x313: {  	v33 =	vadd.f32 v35, v33;
	_ =	sdelay $0x1  }
0x314: {  	v57 =	vor.u32 $0xE00, v1;
	v33 =	vadd.f32 v55, v33  }
0x315: {  	v58 =	vor.u32 $0xE01, v1  }
0x316: {  	v33 =	vadd.f32 v56, v33  }
0x317: {  	v59 =	vor.u32 $0xE02, v1  }
0x318: {  	[tilespmem:$0x110D0] =	vst v33  }
0x319: {  	v60 =	vor.u32 $0xE03, v1;
	v33 =	vld.idx.msk [tilespmem:v57+s16+$0x0], $0xffff  }
0x31a: {  	v36 =	vld.idx.msk [tilespmem:v58+s16+$0x0], $0xffff  }
0x31b: {  	v61 =	vor.u32 $0xE04, v1  }
0x31c: {  	v34 =	vld.idx.msk [tilespmem:v59+s16+$0x0], $0xffff  }
0x31d: {  	v62 =	vor.u32 $0xE05, v1  }
0x31e: {  	v35 =	vld.idx.msk [tilespmem:v60+s16+$0x0], $0xffff  }
0x31f: {  	v63 =	vor.u32 $0xE06, v1;
	v33 =	vadd.f32 v36, v33  }
0x320: {  	v37 =	vld.idx.msk [tilespmem:v61+s16+$0x0], $0xffff  }
0x321: {  	v40 =	vor.u32 $0xE07, v1;
	v33 =	vadd.f32 v34, v33  }
0x322: {  	v38 =	vld.idx.msk [tilespmem:v62+s16+$0x0], $0xffff  }
0x323: {  	v41 =	vor.u32 $0xE08, v1;
	v33 =	vadd.f32 v35, v33  }
0x324: {  	v36 =	vld.idx.msk [tilespmem:v63+s16+$0x0], $0xffff  }
0x325: {  	v42 =	vor.u32 $0xE09, v1;
	v33 =	vadd.f32 v37, v33  }
0x326: {  	v34 =	vld.idx.msk [tilespmem:v40+s16+$0x0], $0xffff  }
0x327: {  	v43 =	vor.u32 $0xE0A, v1;
	v33 =	vadd.f32 v38, v33  }
0x328: {  	v35 =	vld.idx.msk [tilespmem:v41+s16+$0x0], $0xffff  }
0x329: {  	v44 =	vor.u32 $0xE0B, v1;
	v33 =	vadd.f32 v36, v33  }
0x32a: {  	v37 =	vld.idx.msk [tilespmem:v42+s16+$0x0], $0xffff  }
0x32b: {  	v45 =	vor.u32 $0xE0C, v1;
	v33 =	vadd.f32 v34, v33  }
0x32c: {  	v38 =	vld.idx.msk [tilespmem:v43+s16+$0x0], $0xffff  }
0x32d: {  	v46 =	vor.u32 $0xE0D, v1;
	v33 =	vadd.f32 v35, v33  }
0x32e: {  	v36 =	vld.idx.msk [tilespmem:v44+s16+$0x0], $0xffff  }
0x32f: {  	v47 =	vor.u32 $0xE0E, v1;
	v33 =	vadd.f32 v37, v33  }
0x330: {  	v34 =	vld.idx.msk [tilespmem:v45+s16+$0x0], $0xffff  }
0x331: {  	v48 =	vor.u32 $0xE0F, v1;
	v33 =	vadd.f32 v38, v33  }
0x332: {  	v35 =	vld.idx.msk [tilespmem:v46+s16+$0x0], $0xffff  }
0x333: {  	v33 =	vadd.f32 v36, v33  }
0x334: {  	v49 =	vld.idx.msk [tilespmem:v47+s16+$0x0], $0xffff  }
0x335: {  	v33 =	vadd.f32 v34, v33  }
0x336: {  	v50 =	vld.idx.msk [tilespmem:v48+s16+$0x0], $0xffff  }
0x337: {  	v33 =	vadd.f32 v35, v33;
	_ =	sdelay $0x1  }
0x338: {  	v51 =	vor.u32 $0xF00, v1;
	v33 =	vadd.f32 v49, v33  }
0x339: {  	v52 =	vor.u32 $0xF01, v1  }
0x33a: {  	v33 =	vadd.f32 v50, v33  }
0x33b: {  	v53 =	vor.u32 $0xF02, v1  }
0x33c: {  	[tilespmem:$0x110E0] =	vst v33  }
0x33d: {  	v54 =	vor.u32 $0xF03, v1;
	v33 =	vld.idx.msk [tilespmem:v51+s16+$0x0], $0xffff  }
0x33e: {  	v36 =	vld.idx.msk [tilespmem:v52+s16+$0x0], $0xffff  }
0x33f: {  	v55 =	vor.u32 $0xF04, v1  }
0x340: {  	v34 =	vld.idx.msk [tilespmem:v53+s16+$0x0], $0xffff  }
0x341: {  	v56 =	vor.u32 $0xF05, v1  }
0x342: {  	v35 =	vld.idx.msk [tilespmem:v54+s16+$0x0], $0xffff  }
0x343: {  	v57 =	vor.u32 $0xF06, v1;
	v33 =	vadd.f32 v36, v33  }
0x344: {  	v37 =	vld.idx.msk [tilespmem:v55+s16+$0x0], $0xffff  }
0x345: {  	v58 =	vor.u32 $0xF07, v1;
	v33 =	vadd.f32 v34, v33  }
0x346: {  	v38 =	vld.idx.msk [tilespmem:v56+s16+$0x0], $0xffff  }
0x347: {  	v59 =	vor.u32 $0xF08, v1;
	v33 =	vadd.f32 v35, v33  }
0x348: {  	v36 =	vld.idx.msk [tilespmem:v57+s16+$0x0], $0xffff  }
0x349: {  	v60 =	vor.u32 $0xF09, v1;
	v33 =	vadd.f32 v37, v33  }
0x34a: {  	v34 =	vld.idx.msk [tilespmem:v58+s16+$0x0], $0xffff  }
0x34b: {  	v61 =	vor.u32 $0xF0A, v1;
	v33 =	vadd.f32 v38, v33  }
0x34c: {  	v35 =	vld.idx.msk [tilespmem:v59+s16+$0x0], $0xffff  }
0x34d: {  	v62 =	vor.u32 $0xF0B, v1;
	v33 =	vadd.f32 v36, v33  }
0x34e: {  	v37 =	vld.idx.msk [tilespmem:v60+s16+$0x0], $0xffff  }
0x34f: {  	v63 =	vor.u32 $0xF0C, v1;
	v33 =	vadd.f32 v34, v33  }
0x350: {  	v38 =	vld.idx.msk [tilespmem:v61+s16+$0x0], $0xffff  }
0x351: {  	v40 =	vor.u32 $0xF0D, v1;
	v33 =	vadd.f32 v35, v33  }
0x352: {  	v36 =	vld.idx.msk [tilespmem:v62+s16+$0x0], $0xffff  }
0x353: {  	v41 =	vor.u32 $0xF0E, v1;
	v33 =	vadd.f32 v37, v33  }
0x354: {  	v34 =	vld.idx.msk [tilespmem:v63+s16+$0x0], $0xffff  }
0x355: {  	v42 =	vor.u32 $0xF0F, v1;
	v33 =	vadd.f32 v38, v33  }
0x356: {  	v35 =	vld.idx.msk [tilespmem:v40+s16+$0x0], $0xffff  }
0x357: {  	v33 =	vadd.f32 v36, v33  }
0x358: {  	v43 =	vld.idx.msk [tilespmem:v41+s16+$0x0], $0xffff  }
0x359: {  	v33 =	vadd.f32 v34, v33  }
0x35a: {  	v44 =	vld.idx.msk [tilespmem:v42+s16+$0x0], $0xffff  }
0x35b: {  	v33 =	vadd.f32 v35, v33;
	_ =	sdelay $0x1  }
0x35c: {  	v33 =	vadd.f32 v43, v33;
	_ =	sdelay $0x1  }
0x35d: {  	v33 =	vadd.f32 v44, v33;
	_ =	sdelay $0x1  }
0x35e: {  	s0 =	simm.s32 $0x11000;
	[tilespmem:$0x110F0] =	vst v33  }
0x35f: {  	[spmem:s10] =	stream.strided.scatter [tilespmem:s0], [sflag:$0x5], $0x100, s19, s18, $0x38;
	[tilespmem:$0x11400] =	vst v63  }
0x360: {  	_ =	swait.ge [sflag:s21], $0x100  }
0x361: {  	[sflag:s21] =	ssyncset.done $0x0  }
0x362: {  	s30 =	simm.s32 $0x0;
	[sflag:s21] =	ssyncadd.s32 $0xFFFFFF00  }
0x363: {  	[tilespmem:s30], [sflag:$0x1] =	stream.linear.gather [hbm4b:s6+s30], $0x4000, $0x38;
	[tilespmem:$0x11400] =	vst v63  }
0x364: {  	_ = 	snop  }
0x365: {  	[tilespmem:s14], [sflag:$0x2] =	stream.linear.gather [hbm4b:s7+s30], $0x4000, $0x38;
	[tilespmem:$0x11400] =	vst v63  }
0x366: {  	s31 =	simm.s32 $0x11100;
	[bflag:$0x0] =	sbarrier.arrive $0xFFFF  }
0x367: {  	[tilespmem:s31], [sflag:$0x5] =	stream.strided.gather [spmem:s11], $0x100, s19, s18, $0x38;
	[tilespmem:$0x11400] =	vst v63  }
0x368: {  	_ =	swait.ge [sflag:s21], $0x100  }
0x369: {  	[sflag:s21] =	ssyncset.done $0x0  }
0x36a: {  	[sflag:s21] =	ssyncadd.s32 $0xFFFFFF00  }
0x36b: {  	v45 =	vld [tilespmem:$0x11000]  }
0x36c: {  	v46 =	vld [tilespmem:$0x11100]  }
0x36d: {  	v47 =	vld [tilespmem:$0x11010]  }
0x36e: {  	v48 =	vld [tilespmem:$0x11110]  }
0x36f: {  	v49 =	vld [tilespmem:$0x11020]  }
0x370: {  	v50 =	vld [tilespmem:$0x11120]  }
0x371: {  	v51 =	vld [tilespmem:$0x11030];
	v33 =	vadd.f32 v46, v45  }
0x372: {  	v39 =	vld [tilespmem:$0x11130]  }
0x373: {  	v53 =	vld [tilespmem:$0x11040];
	v52 =	vadd.f32 v48, v47;
	(xrf2) =	vadd.scan.msk.f32 $0xffff, v33  }
0x374: {  	v54 =	vld [tilespmem:$0x11140]  }
0x375: {  	v56 =	vld [tilespmem:$0x11050];
	v55 =	vadd.f32 v50, v49;
	(xrf2) =	vadd.scan.msk.f32 $0xffff, v52  }
0x376: {  	v57 =	vld [tilespmem:$0x11150]  }
0x377: {  	v59 =	vld [tilespmem:$0x11060];
	v58 =	vadd.f32 v39, v51;
	(xrf2) =	vadd.scan.msk.f32 $0xffff, v55  }
0x378: {  	v60 =	vld [tilespmem:$0x11160]  }
0x379: {  	v62 =	vld [tilespmem:$0x11070];
	v61 =	vadd.f32 v54, v53;
	(xrf2) =	vadd.scan.msk.f32 $0xffff, v58  }
0x37a: {  	v63 =	vld [tilespmem:$0x11170]  }
0x37b: {  	v44 =	vadd.f32 v57, v56;
	v45 =	vld [tilespmem:$0x11080];
	(xrf2) =	vadd.scan.msk.f32 $0xffff, v61  }
0x37c: {  	v46 =	vld [tilespmem:$0x11180]  }
0x37d: {  	v47 =	vadd.f32 v60, v59;
	v48 =	vld [tilespmem:$0x11090];
	v40, _, _ =	vpop (xrf2);
	(xrf2) =	vadd.scan.msk.f32 $0xffff, v44  }
0x37e: {  	v49 =	vld [tilespmem:$0x11190];
	v39 =	vadd.f32 $0.0e+00, v40  }
0x37f: {  	v42 =	vld [tilespmem:$0x111A0];
	v50 =	vadd.f32 v63, v62;
	v41, _, _ =	vpop (xrf2);
	(xrf2) =	vadd.scan.msk.f32 $0xffff, v47  }
0x380: {  	v51 =	vld [tilespmem:$0x110A0];
	v36 =	vadd.f32 v41, v39  }
0x381: {  	v53 =	vld [tilespmem:$0x110B0];
	v52 =	vadd.f32 v46, v45;
	v43, _, _ =	vpop (xrf2);
	(xrf2) =	vadd.scan.msk.f32 $0xffff, v50  }
0x382: {  	v44 =	vld [tilespmem:$0x111B0];
	v38 =	vadd.f32 v43, v36  }
0x383: {  	v55 =	vld [tilespmem:$0x110C0];
	v54 =	vadd.f32 v49, v48;
	v45, _, _ =	vpop (xrf2);
	(xrf2) =	vadd.scan.msk.f32 $0xffff, v52  }
0x384: {  	v46 =	vld [tilespmem:$0x111C0];
	v40 =	vadd.f32 v45, v38  }
0x385: {  	v57 =	vld [tilespmem:$0x110D0];
	v56 =	vadd.f32 v42, v51;
	v47, _, _ =	vpop (xrf2);
	(xrf2) =	vadd.scan.msk.f32 $0xffff, v54  }
0x386: {  	v48 =	vld [tilespmem:$0x111D0];
	v42 =	vadd.f32 v47, v40  }
0x387: {  	v59 =	vld [tilespmem:$0x110E0];
	v58 =	vadd.f32 v44, v53;
	v49, _, _ =	vpop (xrf2);
	(xrf2) =	vadd.scan.msk.f32 $0xffff, v56  }
0x388: {  	v50 =	vld [tilespmem:$0x111E0];
	v44 =	vadd.f32 v49, v42  }
0x389: {  	v60 =	vadd.f32 v46, v55;
	v51, _, _ =	vpop (xrf2);
	(xrf2) =	vadd.scan.msk.f32 $0xffff, v58  }
0x38a: {  	v34 =	vadd.f32 v51, v44  }
0x38b: {  	v62 =	vld [tilespmem:$0x110F0];
	v61 =	vadd.f32 v48, v57;
	v46, _, _ =	vpop (xrf2);
	(xrf2) =	vadd.scan.msk.f32 $0xffff, v60  }
0x38c: {  	v53 =	vld [tilespmem:$0x111F0];
	v36 =	vbroadcast v36, $0xF;
	v52 =	vadd.f32 v46, v34  }
0x38d: {  	v63 =	vbroadcast v39, $0xF;
	v57 =	vbroadcast v38, $0xF;
	v56 =	vadd.f32 v50, v59;
	v54, _, _ =	vpop (xrf2);
	(xrf2) =	vadd.scan.msk.f32 $0xffff, v61  }
0x38e: {  	v36 =	vadd.f32 v43, v36;
	v40 =	vbroadcast v40, $0xF;
	v59 =	vadd.f32 v54, v52  }
0x38f: {  	v39 =	vmul.f32 $1.271565790e-06, v39;
	v37 =	vadd.f32 v45, v57;
	v58 =	vadd.f32 v41, v63;
	v43, _, _ =	vpop (xrf2);
	(xrf2) =	vadd.scan.msk.f32 $0xffff, v56  }
0x390: {  	v36 =	vmul.f32 $1.271565790e-06, v36;
	v61 =	vadd.f32 v47, v40;
	v40 =	vadd.f32 v43, v59  }
0x391: {  	v35 =	vadd.f32 v53, v62;
	v42 =	vbroadcast v42, $0xF;
	v37 =	vmul.f32 $1.271565790e-06, v37;
	v45, _, _ =	vpop (xrf2)  }
0x392: {  	[tilespmem:$0x11200] =	vst v39;
	v60 =	vmul.f32 $1.271565790e-06, v58;
	v62 =	vbroadcast v44, $0xF;
	v44 =	vadd.f32 v45, v40  }
0x393: {  	v42 =	vadd.f32 v49, v42;
	v63 =	vmul.f32 $1.271565790e-06, v61;
	v34 =	vbroadcast v34, $0xF;
	(xrf2) =	vadd.scan.msk.f32 $0xffff, v35;
	v47, _, _ =	vpop (xrf2)  }
0x394: {  	[tilespmem:$0x11220] =	vst v36;
	v53 =	vadd.f32 v51, v62;
	v55 =	vbroadcast v52, $0xF;
	v56 =	vadd.f32 v47, v44  }
0x395: {  	[tilespmem:$0x11230] =	vst v37;
	v58 =	vmul.f32 $1.271565790e-06, v42;
	v34 =	vadd.f32 v46, v34;
	v41 =	vbroadcast v59, $0xF;
	v57, _, _ =	vpop (xrf2)  }
0x396: {  	[tilespmem:$0x11210] =	vst v60;
	v33 =	vmul.f32 $1.271565790e-06, v53;
	v59 =	vadd.f32 v54, v55;
	v60 =	vadd.f32 v57, v56  }
0x397: {  	[tilespmem:$0x11240] =	vst v63;
	v34 =	vmul.f32 $1.271565790e-06, v34;
	v62 =	vadd.f32 v43, v41;
	v40 =	vbroadcast v40, $0xF;
	v61, _, _ =	vpop (xrf2)  }
0x398: {  	[tilespmem:$0x11250] =	vst v58;
	v63 =	vmul.f32 $1.271565790e-06, v59;
	v46 =	vbroadcast v44, $0xF;
	v49 =	vadd.f32 v61, v60  }
0x399: {  	[tilespmem:$0x11260] =	vst v33;
	v51 =	vadd.f32 v45, v40;
	v35 =	vmul.f32 $1.271565790e-06, v62;
	v50, _, _ =	vpop (xrf2);
	v39 =	vbroadcast v56, $0xF  }
0x39a: {  	[tilespmem:$0x11270] =	vst v34;
	v52 =	vadd.f32 v47, v46;
	v53 =	vbroadcast v60, $0xF;
	v54 =	vadd.f32 v50, v49  }
0x39b: {  	[tilespmem:$0x11280] =	vst v63;
	v33 =	vmul.f32 $1.271565790e-06, v51;
	v55 =	vadd.f32 v57, v39;
	v56 =	vbroadcast v49, $0xF  }
0x39c: {  	[tilespmem:$0x11290] =	vst v35;
	v34 =	vmul.f32 $1.271565790e-06, v52;
	v57 =	vadd.f32 v61, v53;
	v58 =	vbroadcast v54, $0xF  }
0x39d: {  	[tilespmem:$0x112A0] =	vst v33;
	v59 =	vmul.f32 $1.271565790e-06, v55;
	v61, _, _ =	vpop (xrf2);
	v60 =	vadd.f32 v50, v56  }
0x39e: {  	[tilespmem:$0x112B0] =	vst v34;
	v35 =	vmul.f32 $1.271565790e-06, v57;
	v62 =	vadd.f32 v61, v58  }
0x39f: {  	[tilespmem:$0x112C0] =	vst v59;
	v63 =	vmul.f32 $1.271565790e-06, v60  }
0x3a0: {  	[tilespmem:$0x112D0] =	vst v35;
	v34 =	vmul.f32 $1.271565790e-06, v62  }
0x3a1: {  	[tilespmem:$0x112E0] =	vst v63  }
0x3a2: {  	[tilespmem:$0x112F0] =	vst v34  }
.LBB2_11:
0x3a3: {  	_ =	swait.ge [sflag:s15], $0x4000  }
0x3a4: {  	p0 =	seq.s32 s30, $0x0;
	[sflag:s15] =	ssyncset.done $0x0  }
0x3a5: {  	s0 =	simm.s32 @!p0 $0x3;
	[sflag:s15] =	ssyncadd.s32 $0xFFFFC000  }
0x3a6: {  	_ =	swait.ge @!p0 [sflag:s0], $0x4000  }
0x3a7: {  	[sflag:s0] =	ssyncset.done @!p0 $0x0  }
0x3a8: {  	s22 =	simm.s32 $0x80;
	[sflag:s0] =	ssyncadd.s32 @!p0 $0xFFFFC000  }
0x3a9: {  	v33 =	vld [tilespmem:s22+$0x70]  }
0x3aa: {  	v34 =	vld [tilespmem:s22+$0xFFFFFF90]  }
0x3ab: {  	v35 =	vld [tilespmem:s22+$0xFFFFFFA0]  }
0x3ac: {  	v36 =	vld [tilespmem:s22+$0xFFFFFFB0]  }
0x3ad: {  	v37 =	vld [tilespmem:s22+$0xFFFFFFC0]  }
0x3ae: {  	v38 =	vld [tilespmem:s22+$0xFFFFFFD0]  }
0x3af: {  	v39 =	vld [tilespmem:s22+$0xFFFFFFE0]  }
0x3b0: {  	v40 =	vld [tilespmem:s22+$0xFFFFFFF0]  }
0x3b1: {  	v41 =	vld [tilespmem:s22+$0x0]  }
0x3b2: {  	v42 =	vld [tilespmem:s22+$0x10]  }
0x3b3: {  	v43 =	vld [tilespmem:s22+$0x20];
	v33 =	vmul.f32 $2.550000000e+02, v33  }
0x3b4: {  	v44 =	vld [tilespmem:s22+$0x30];
	v34 =	vmul.f32 $2.550000000e+02, v34;
	v35 =	vmul.f32 $2.550000000e+02, v35  }
0x3b5: {  	v45 =	vld [tilespmem:s22+$0x40];
	v36 =	vmul.f32 $2.550000000e+02, v36;
	v37 =	vmul.f32 $2.550000000e+02, v37  }
0x3b6: {  	v46 =	vld [tilespmem:s22+$0x50];
	v38 =	vmul.f32 $2.550000000e+02, v38;
	v39 =	vmul.f32 $2.550000000e+02, v39  }
0x3b7: {  	v47 =	vld [tilespmem:s22+$0x60];
	v40 =	vmul.f32 $2.550000000e+02, v40;
	v41 =	vmul.f32 $2.550000000e+02, v41  }
0x3b8: {  	v48 =	vld [tilespmem:s22+$0xFFFFFF80];
	v42 =	vmul.f32 $2.550000000e+02, v42;
	v43 =	vmul.f32 $2.550000000e+02, v43  }
0x3b9: {  	v44 =	vmul.f32 $2.550000000e+02, v44;
	v33 =	vsub.f32 $2.550000000e+02, v33;
	v34 =	vsub.f32 $2.550000000e+02, v34  }
0x3ba: {  	v45 =	vmul.f32 $2.550000000e+02, v45;
	v35 =	vsub.f32 $2.550000000e+02, v35;
	v36 =	vsub.f32 $2.550000000e+02, v36  }
0x3bb: {  	v46 =	vmul.f32 $2.550000000e+02, v46;
	v37 =	vsub.f32 $2.550000000e+02, v37;
	v38 =	vsub.f32 $2.550000000e+02, v38  }
0x3bc: {  	v47 =	vmul.f32 $2.550000000e+02, v47;
	v39 =	vsub.f32 $2.550000000e+02, v39;
	v40 =	vsub.f32 $2.550000000e+02, v40  }
0x3bd: {  	v48 =	vmul.f32 $2.550000000e+02, v48;
	v41 =	vsub.f32 $2.550000000e+02, v41;
	v42 =	vsub.f32 $2.550000000e+02, v42  }
0x3be: {  	v43 =	vsub.f32 $2.550000000e+02, v43;
	v33 =	vtrunc.f32 v33;
	v34 =	vtrunc.f32 v34  }
0x3bf: {  	v44 =	vsub.f32 $2.550000000e+02, v44;
	v35 =	vtrunc.f32 v35;
	v36 =	vtrunc.f32 v36  }
0x3c0: {  	v45 =	vsub.f32 $2.550000000e+02, v45;
	v37 =	vtrunc.f32 v37;
	v38 =	vtrunc.f32 v38  }
0x3c1: {  	v46 =	vsub.f32 $2.550000000e+02, v46;
	v39 =	vtrunc.f32 v39;
	v40 =	vtrunc.f32 v40  }
0x3c2: {  	v47 =	vsub.f32 $2.550000000e+02, v47;
	v41 =	vtrunc.f32 v41;
	v42 =	vtrunc.f32 v42  }
0x3c3: {  	v48 =	vsub.f32 $2.550000000e+02, v48;
	v43 =	vtrunc.f32 v43;
	v44 =	vtrunc.f32 v44  }
0x3c4: {  	v45 =	vtrunc.f32 v45;
	v46 =	vtrunc.f32 v46  }
0x3c5: {  	v48 =	vtrunc.f32 v48;
	v49 =	vtrunc.f32 v47  }
0x3c6: {  	v33 =	vcvt.f32.s32 v33;
	v55 =	vcvt.f32.s32 v48  }
0x3c7: {  	v34 =	vcvt.f32.s32 v34;
	v56 =	vcvt.f32.s32 v35  }
0x3c8: {  	v50 =	vcvt.f32.s32 v36;
	v37 =	vcvt.f32.s32 v37;
	v33 =	vsub.s32 $0xFE, v33  }
0x3c9: {  	v57 =	vcvt.f32.s32 v38;
	v58 =	vcvt.f32.s32 v39;
	vm0 =	vgt.s32 v33, $0x0  }
0x3ca: {  	v59 =	vcvt.f32.s32 v40;
	v41 =	vcvt.f32.s32 v41;
	v33 =	vnsel vm0, $0x0, v33  }
0x3cb: {  	v42 =	vcvt.f32.s32 v42;
	v60 =	vcvt.f32.s32 v43  }
0x3cc: {  	v61 =	vcvt.f32.s32 v44;
	v62 =	vcvt.f32.s32 v45  }
0x3cd: {  	v51 =	vcvt.f32.s32 v46;
	v63 =	vcvt.f32.s32 v49;
	v35 =	vsub.s32 $0xFE, v55  }
0x3ce: {  	v36 =	vsub.s32 $0xFE, v34;
	v38 =	vsub.s32 $0xFE, v56;
	v40 =	vsub.s32 $0xFE, v50  }
0x3cf: {  	v43 =	vsub.s32 $0xFE, v37;
	v47 =	vsub.s32 $0xFE, v57;
	v46 =	vsub.s32 $0xFE, v58;
	v52 =	vld.idx.msk [tilespmem:v33+s23+$0x0], $0xffff  }
0x3d0: {  	v45 =	vsub.s32 $0xFE, v59;
	v44 =	vsub.s32 $0xFE, v41;
	v41 =	vsub.s32 $0xFE, v42  }
0x3d1: {  	v42 =	vsub.s32 $0xFE, v60;
	v39 =	vsub.s32 $0xFE, v61;
	v37 =	vsub.s32 $0xFE, v62  }
0x3d2: {  	v34 =	vsub.s32 $0xFE, v51;
	vm2 =	vgt.s32 v36, $0x0;
	vm3 =	vgt.s32 v38, $0x0  }
0x3d3: {  	s31 =	sshll.u32 s30, $0xF;
	s1 =	simm.s32 $0x8080;
	vm4 =	vgt.s32 v40, $0x0;
	vm6 =	vgt.s32 v43, $0x0;
	vm7 =	vgt.s32 v47, $0x0  }
0x3d4: {  	s20 =	simm.s32 $0x0;
	s0 =	simm.s32 $0x8080;
	s22 =	simm.s32 $0x180;
	vm5 =	vgt.s32 v46, $0x0;
	vm0 =	vgt.s32 v35, $0x0;
	v33 =	vsub.s32 $0xFE, v63;
	[tilespmem:s1+$0x70] =	vst v52  }
.LBB2_12:
0x3d5: {  	v48 =	vld [tilespmem:s22+$0x70];
	s20 =	sadd.s32 $0x10, s20;
	vm9 =	vgt.s32 v45, $0x0;
	vm10 =	vgt.s32 v44, $0x0;
	vm11 =	vgt.s32 v41, $0x0  }
0x3d6: {  	vm12 =	vgt.s32 v42, $0x0;
	vm13 =	vgt.s32 v39, $0x0;
	vm8 =	vgt.s32 v37, $0x0;
	v49 =	vld [tilespmem:s22+$0xFFFFFF90];
	p1 =	slt.u32 s20, $0x3F0  }
0x3d7: {  	v35 =	vnsel vm0, $0x0, v35;
	vm1 =	vgt.s32 v34, $0x0;
	vm0 =	vgt.s32 v33, $0x0;
	v50 =	vld [tilespmem:s22+$0xFFFFFFA0]  }
0x3d8: {  	v36 =	vnsel vm2, $0x0, v36;
	v38 =	vnsel vm3, $0x0, v38;
	v40 =	vnsel vm4, $0x0, v40;
	v51 =	vld [tilespmem:s22+$0xFFFFFFB0]  }
0x3d9: {  	v43 =	vnsel vm6, $0x0, v43;
	v47 =	vnsel vm7, $0x0, v47;
	v46 =	vnsel vm5, $0x0, v46;
	v52 =	vld [tilespmem:s22+$0xFFFFFFC0]  }
0x3da: {  	v45 =	vnsel vm9, $0x0, v45;
	v44 =	vnsel vm10, $0x0, v44;
	v53 =	vld [tilespmem:s22+$0xFFFFFFD0];
	v48 =	vmul.f32 $2.550000000e+02, v48  }
0x3db: {  	v41 =	vnsel vm11, $0x0, v41;
	v42 =	vnsel vm12, $0x0, v42;
	v49 =	vmul.f32 $2.550000000e+02, v49;
	v54 =	vld [tilespmem:s22+$0xFFFFFFE0]  }
0x3dc: {  	v39 =	vnsel vm13, $0x0, v39;
	v50 =	vmul.f32 $2.550000000e+02, v50;
	v55 =	vld [tilespmem:s22+$0xFFFFFFF0];
	v48 =	vsub.f32 $2.550000000e+02, v48  }
0x3dd: {  	v37 =	vnsel vm8, $0x0, v37;
	v49 =	vsub.f32 $2.550000000e+02, v49;
	v51 =	vmul.f32 $2.550000000e+02, v51;
	v56 =	vld [tilespmem:s22+$0x0]  }
0x3de: {  	v50 =	vsub.f32 $2.550000000e+02, v50;
	v52 =	vmul.f32 $2.550000000e+02, v52;
	v57 =	vld [tilespmem:s22+$0x10];
	v48 =	vtrunc.f32 v48  }
0x3df: {  	v51 =	vsub.f32 $2.550000000e+02, v51;
	v53 =	vmul.f32 $2.550000000e+02, v53;
	v58 =	vld [tilespmem:s22+$0x20];
	v48 =	vcvt.f32.s32 v48  }
0x3e0: {  	v49 =	vtrunc.f32 v49;
	v52 =	vsub.f32 $2.550000000e+02, v52;
	v54 =	vmul.f32 $2.550000000e+02, v54;
	v59 =	vld [tilespmem:s22+$0x30]  }
0x3e1: {  	v53 =	vsub.f32 $2.550000000e+02, v53;
	v55 =	vmul.f32 $2.550000000e+02, v55;
	v60 =	vld [tilespmem:s22+$0x40];
	v48 =	vsub.s32 $0xFE, v48  }
0x3e2: {  	v54 =	vsub.f32 $2.550000000e+02, v54;
	v56 =	vmul.f32 $2.550000000e+02, v56;
	v61 =	vld [tilespmem:s22+$0x50];
	vm2 =	vgt.s32 v48, $0x0  }
0x3e3: {  	v55 =	vsub.f32 $2.550000000e+02, v55;
	v57 =	vmul.f32 $2.550000000e+02, v57;
	v62 =	vld [tilespmem:s22+$0x60];
	v48 =	vnsel vm2, $0x0, v48  }
0x3e4: {  	v50 =	vtrunc.f32 v50;
	v63 =	vld [tilespmem:s22+$0xFFFFFF80];
	v56 =	vsub.f32 $2.550000000e+02, v56;
	v58 =	vmul.f32 $2.550000000e+02, v58  }
0x3e5: {  	v51 =	vtrunc.f32 v51;
	v57 =	vsub.f32 $2.550000000e+02, v57;
	v59 =	vmul.f32 $2.550000000e+02, v59;
	v35 =	vld.idx.msk [tilespmem:v35+s23+$0x0], $0xffff  }
0x3e6: {  	v52 =	vtrunc.f32 v52;
	v58 =	vsub.f32 $2.550000000e+02, v58;
	v60 =	vmul.f32 $2.550000000e+02, v60;
	v36 =	vld.idx.msk [tilespmem:v36+s23+$0x0], $0xffff  }
0x3e7: {  	v53 =	vtrunc.f32 v53;
	v59 =	vsub.f32 $2.550000000e+02, v59;
	v61 =	vmul.f32 $2.550000000e+02, v61;
	v38 =	vld.idx.msk [tilespmem:v38+s23+$0x0], $0xffff  }
0x3e8: {  	v54 =	vtrunc.f32 v54;
	v60 =	vsub.f32 $2.550000000e+02, v60;
	v62 =	vmul.f32 $2.550000000e+02, v62;
	v48 =	vld.idx.msk [tilespmem:v48+s23+$0x0], $0xffff  }
0x3e9: {  	v55 =	vtrunc.f32 v55;
	v63 =	vmul.f32 $2.550000000e+02, v63;
	v61 =	vsub.f32 $2.550000000e+02, v61;
	v40 =	vld.idx.msk [tilespmem:v40+s23+$0x0], $0xffff  }
0x3ea: {  	v56 =	vtrunc.f32 v56;
	v57 =	vtrunc.f32 v57;
	v62 =	vsub.f32 $2.550000000e+02, v62;
	v43 =	vld.idx.msk [tilespmem:v43+s23+$0x0], $0xffff  }
0x3eb: {  	v58 =	vtrunc.f32 v58;
	v59 =	vtrunc.f32 v59;
	v63 =	vsub.f32 $2.550000000e+02, v63;
	[tilespmem:s1+$0xFFFFFF80] =	vst v35;
	v47 =	vld.idx.msk [tilespmem:v47+s23+$0x0], $0xffff  }
0x3ec: {  	v34 =	vnsel vm1, $0x0, v34;
	v60 =	vtrunc.f32 v60;
	v61 =	vtrunc.f32 v61;
	[tilespmem:s1+$0xFFFFFF90] =	vst v36;
	v46 =	vld.idx.msk [tilespmem:v46+s23+$0x0], $0xffff  }
0x3ed: {  	v33 =	vnsel vm0, $0x0, v33;
	v62 =	vtrunc.f32 v62;
	s1 =	sadd.s32 $0x100, s1;
	v35 =	vtrunc.f32 v63;
	[tilespmem:s0+$0xFFFFFFA0] =	vst v38;
	v45 =	vld.idx.msk [tilespmem:v45+s23+$0x0], $0xffff  }
0x3ee: {  	v36 =	vcvt.f32.s32 v49;
	v35 =	vcvt.f32.s32 v35;
	[tilespmem:s1+$0x70] =	vst v48;
	v44 =	vld.idx.msk [tilespmem:v44+s23+$0x0], $0xffff  }
0x3ef: {  	v38 =	vcvt.f32.s32 v50;
	v48 =	vcvt.f32.s32 v51;
	[tilespmem:s0+$0xFFFFFFB0] =	vst v40;
	v41 =	vld.idx.msk [tilespmem:v41+s23+$0x0], $0xffff  }
0x3f0: {  	v49 =	vcvt.f32.s32 v52;
	v50 =	vcvt.f32.s32 v53;
	v35 =	vsub.s32 $0xFE, v35;
	[tilespmem:s0+$0xFFFFFFC0] =	vst v43;
	v42 =	vld.idx.msk [tilespmem:v42+s23+$0x0], $0xffff  }
0x3f1: {  	v52 =	vcvt.f32.s32 v55;
	v36 =	vsub.s32 $0xFE, v36;
	v51 =	vcvt.f32.s32 v54;
	[tilespmem:s0+$0xFFFFFFD0] =	vst v47;
	v53 =	vld.idx.msk [tilespmem:v39+s23+$0x0], $0xffff  }
0x3f2: {  	v54 =	vcvt.f32.s32 v57;
	v38 =	vsub.s32 $0xFE, v38;
	v39 =	vcvt.f32.s32 v56;
	[tilespmem:s0+$0xFFFFFFE0] =	vst v46;
	v55 =	vld.idx.msk [tilespmem:v37+s23+$0x0], $0xffff  }
0x3f3: {  	v40 =	vsub.s32 $0xFE, v48;
	v48 =	vcvt.f32.s32 v59;
	v37 =	vcvt.f32.s32 v58;
	[tilespmem:s0+$0xFFFFFFF0] =	vst v45;
	v56 =	vld.idx.msk [tilespmem:v34+s23+$0x0], $0xffff  }
0x3f4: {  	v43 =	vsub.s32 $0xFE, v49;
	v49 =	vcvt.f32.s32 v61;
	v34 =	vcvt.f32.s32 v60;
	[tilespmem:s0+$0x0] =	vst v44;
	v57 =	vld.idx.msk [tilespmem:v33+s23+$0x0], $0xffff  }
0x3f5: {  	v47 =	vsub.s32 $0xFE, v50;
	v46 =	vsub.s32 $0xFE, v51;
	v33 =	vcvt.f32.s32 v62;
	[tilespmem:s0+$0x10] =	vst v41  }
.Ltmp7:
0x3f6: {  	v45 =	vsub.s32 $0xFE, v52;
	v44 =	vsub.s32 $0xFE, v39;
	v41 =	vsub.s32 $0xFE, v54;
	[tilespmem:s0+$0x20] =	vst v42;
	(pc) =	sbr.rel @p1 .LBB2_12-.Ltmp7, $4  }
0x3f7: {  	v39 =	vsub.s32 $0xFE, v48;
	v42 =	vsub.s32 $0xFE, v37;
	v37 =	vsub.s32 $0xFE, v34;
	[tilespmem:s0+$0x30] =	vst v53  }
0x3f8: {  	vm0 =	vgt.s32 v35, $0x0;
	v34 =	vsub.s32 $0xFE, v49;
	v33 =	vsub.s32 $0xFE, v33;
	[tilespmem:s0+$0x40] =	vst v55  }
0x3f9: {  	vm2 =	vgt.s32 v36, $0x0;
	vm3 =	vgt.s32 v38, $0x0;
	vm4 =	vgt.s32 v40, $0x0;
	[tilespmem:s0+$0x50] =	vst v56  }
0x3fa: {  	s22 =	sadd.s32 $0x100, s22;
	vm6 =	vgt.s32 v43, $0x0;
	vm7 =	vgt.s32 v47, $0x0;
	vm5 =	vgt.s32 v46, $0x0;
	[tilespmem:s0+$0x60] =	vst v57;
	s0 =	smov.u32 s1  }
0x3fb: {  	v35 =	vnsel vm0, $0x0, v35  }
0x3fc: {  	v36 =	vnsel vm2, $0x0, v36  }
0x3fd: {  	v38 =	vnsel vm3, $0x0, v38  }
0x3fe: {  	v40 =	vnsel vm4, $0x0, v40  }
0x3ff: {  	v43 =	vnsel vm6, $0x0, v43  }
0x400: {  	v47 =	vnsel vm7, $0x0, v47;
	v35 =	vld.idx.msk [tilespmem:v35+s23+$0x0], $0xffff  }
0x401: {  	vm9 =	vgt.s32 v45, $0x0;
	v46 =	vnsel vm5, $0x0, v46;
	v36 =	vld.idx.msk [tilespmem:v36+s23+$0x0], $0xffff  }
0x402: {  	vm1 =	vgt.s32 v44, $0x0;
	v45 =	vnsel vm9, $0x0, v45;
	v38 =	vld.idx.msk [tilespmem:v38+s23+$0x0], $0xffff  }
0x403: {  	vm10 =	vgt.s32 v41, $0x0;
	v44 =	vnsel vm1, $0x0, v44;
	v40 =	vld.idx.msk [tilespmem:v40+s23+$0x0], $0xffff  }
0x404: {  	vm11 =	vgt.s32 v42, $0x0;
	v41 =	vnsel vm10, $0x0, v41;
	v43 =	vld.idx.msk [tilespmem:v43+s23+$0x0], $0xffff  }
0x405: {  	vm12 =	vgt.s32 v39, $0x0;
	v42 =	vnsel vm11, $0x0, v42;
	v57 =	vld.idx.msk [tilespmem:v47+s23+$0x0], $0xffff;
	[tilespmem:s1+$0xFFFFFF80] =	vst v35  }
0x406: {  	vm13 =	vgt.s32 v37, $0x0;
	v39 =	vnsel vm12, $0x0, v39;
	v58 =	vld.idx.msk [tilespmem:v46+s23+$0x0], $0xffff;
	[tilespmem:s1+$0xFFFFFF90] =	vst v36  }
0x407: {  	vm14 =	vgt.s32 v34, $0x0;
	v37 =	vnsel vm13, $0x0, v37;
	v59 =	vld.idx.msk [tilespmem:v45+s23+$0x0], $0xffff;
	[tilespmem:s0+$0xFFFFFFA0] =	vst v38  }
0x408: {  	vm15 =	vgt.s32 v33, $0x0;
	v34 =	vnsel vm14, $0x0, v34;
	v44 =	vld.idx.msk [tilespmem:v44+s23+$0x0], $0xffff;
	[tilespmem:s0+$0xFFFFFFB0] =	vst v40  }
0x409: {  	v33 =	vnsel vm15, $0x0, v33;
	v60 =	vld.idx.msk [tilespmem:v41+s23+$0x0], $0xffff;
	[tilespmem:s0+$0xFFFFFFC0] =	vst v43  }
0x40a: {  	v61 =	vld.idx.msk [tilespmem:v42+s23+$0x0], $0xffff;
	[tilespmem:s0+$0xFFFFFFD0] =	vst v57  }
0x40b: {  	v62 =	vld.idx.msk [tilespmem:v39+s23+$0x0], $0xffff;
	[tilespmem:s0+$0xFFFFFFE0] =	vst v58  }
0x40c: {  	v63 =	vld.idx.msk [tilespmem:v37+s23+$0x0], $0xffff;
	[tilespmem:s0+$0xFFFFFFF0] =	vst v59  }
0x40d: {  	v34 =	vld.idx.msk [tilespmem:v34+s23+$0x0], $0xffff;
	[tilespmem:s0+$0x0] =	vst v44  }
0x40e: {  	v33 =	vld.idx.msk [tilespmem:v33+s23+$0x0], $0xffff;
	[tilespmem:s0+$0x10] =	vst v60  }
0x40f: {  	p1 =	sne.s32 s30, $0xB;
	[tilespmem:s0+$0x20] =	vst v61  }
.Ltmp8:
0x410: {  	[tilespmem:s0+$0x30] =	vst v62;
	(pc) =	sbr.rel @p1 .LBB2_15-.Ltmp8, $4  }
0x411: {  	s20 =	sadd.s32 s4, s31;
	[tilespmem:s0+$0x40] =	vst v63  }
0x412: {  	s1 =	sshrl.u32 s20, $0x3;
	[tilespmem:s0+$0x50] =	vst v34  }
0x413: {  	[tilespmem:s0+$0x60] =	vst v33;
	s22 =	sadd.s32 s5, s1  }
0x414: {  	[hbm4b:s22+s3] =	stream.linear.scatter [tilespmem:s24], [sflag:$0x3], $0x4000, $0x38;
	[tilespmem:$0x11400] =	vst v63  }
.Ltmp9:
0x415: {  	(pc) =	sbr.rel .LBB2_16-.Ltmp9, $4  }
0x416: {  	_ = 	snop  }
0x417: {  	_ =	swait.ge [sflag:s17], $0x4000  }
0x418: {  	[sflag:s17] =	ssyncset.done $0x0  }
0x419: {  	[sflag:s17] =	ssyncadd.s32 $0xFFFFC000  }
.LBB2_15:
0x41a: {  	s0 =	sadd.s32 s31, s8  }
0x41b: {  	s0 =	sshrl.u32 s0, $0x3  }
.Ltmp10:
0x41c: {  	s0 =	sadd.s32 s2, s0;
	(pc) =	sbr.rel @p0 .LBB2_17-.Ltmp10, $4  }
0x41d: {  	[tilespmem:s3], [sflag:$0x1] =	stream.linear.gather [hbm4b:s0+s3], $0x4000, $0x38;
	[tilespmem:$0x11400] =	vst v63  }
0x41e: {  	_ =	swait.ge [sflag:s17], $0x4000  }
0x41f: {  	[sflag:s17] =	ssyncset.done $0x0  }
0x420: {  	[sflag:s17] =	ssyncadd.s32 $0xFFFFC000  }
.LBB2_16:
0x421: {  	_ =	swait.ge [sflag:s25], $0x4000  }
0x422: {  	[sflag:s25] =	ssyncset.done $0x0  }
0x423: {  	[sflag:s25] =	ssyncadd.s32 $0xFFFFC000  }
.LBB2_17:
0x424: {  	s0 =	simm.s32 $0x4080  }
0x425: {  	v33 =	vld [tilespmem:s0+$0x70]  }
0x426: {  	v34 =	vld [tilespmem:s0+$0xFFFFFF90]  }
0x427: {  	v35 =	vld [tilespmem:s0+$0xFFFFFFA0]  }
0x428: {  	v36 =	vld [tilespmem:s0+$0xFFFFFFB0]  }
0x429: {  	v37 =	vld [tilespmem:s0+$0xFFFFFFC0]  }
0x42a: {  	v38 =	vld [tilespmem:s0+$0xFFFFFFD0]  }
0x42b: {  	v39 =	vld [tilespmem:s0+$0xFFFFFFE0]  }
0x42c: {  	v40 =	vld [tilespmem:s0+$0xFFFFFFF0]  }
0x42d: {  	v41 =	vld [tilespmem:s0+$0x0]  }
0x42e: {  	v42 =	vld [tilespmem:s0+$0x10]  }
0x42f: {  	v43 =	vld [tilespmem:s0+$0x20];
	v33 =	vmul.f32 $2.550000000e+02, v33  }
0x430: {  	v44 =	vld [tilespmem:s0+$0x30];
	v34 =	vmul.f32 $2.550000000e+02, v34;
	v35 =	vmul.f32 $2.550000000e+02, v35  }
0x431: {  	v45 =	vld [tilespmem:s0+$0x40];
	v36 =	vmul.f32 $2.550000000e+02, v36;
	v37 =	vmul.f32 $2.550000000e+02, v37  }
0x432: {  	v46 =	vld [tilespmem:s0+$0x50];
	v38 =	vmul.f32 $2.550000000e+02, v38;
	v39 =	vmul.f32 $2.550000000e+02, v39  }
0x433: {  	v47 =	vld [tilespmem:s0+$0x60];
	v40 =	vmul.f32 $2.550000000e+02, v40;
	v41 =	vmul.f32 $2.550000000e+02, v41  }
0x434: {  	v48 =	vld [tilespmem:s0+$0xFFFFFF80];
	v42 =	vmul.f32 $2.550000000e+02, v42;
	v43 =	vmul.f32 $2.550000000e+02, v43  }
0x435: {  	v44 =	vmul.f32 $2.550000000e+02, v44;
	v33 =	vsub.f32 $2.550000000e+02, v33;
	v34 =	vsub.f32 $2.550000000e+02, v34  }
0x436: {  	v45 =	vmul.f32 $2.550000000e+02, v45;
	v35 =	vsub.f32 $2.550000000e+02, v35;
	v36 =	vsub.f32 $2.550000000e+02, v36  }
0x437: {  	v46 =	vmul.f32 $2.550000000e+02, v46;
	v37 =	vsub.f32 $2.550000000e+02, v37;
	v38 =	vsub.f32 $2.550000000e+02, v38  }
0x438: {  	v47 =	vmul.f32 $2.550000000e+02, v47;
	v39 =	vsub.f32 $2.550000000e+02, v39;
	v40 =	vsub.f32 $2.550000000e+02, v40  }
0x439: {  	v48 =	vmul.f32 $2.550000000e+02, v48;
	v41 =	vsub.f32 $2.550000000e+02, v41;
	v42 =	vsub.f32 $2.550000000e+02, v42  }
0x43a: {  	v43 =	vsub.f32 $2.550000000e+02, v43;
	v33 =	vtrunc.f32 v33;
	v34 =	vtrunc.f32 v34  }
0x43b: {  	v44 =	vsub.f32 $2.550000000e+02, v44;
	v35 =	vtrunc.f32 v35;
	v36 =	vtrunc.f32 v36  }
0x43c: {  	v45 =	vsub.f32 $2.550000000e+02, v45;
	v37 =	vtrunc.f32 v37;
	v38 =	vtrunc.f32 v38  }
0x43d: {  	v46 =	vsub.f32 $2.550000000e+02, v46;
	v39 =	vtrunc.f32 v39;
	v40 =	vtrunc.f32 v40  }
0x43e: {  	v47 =	vsub.f32 $2.550000000e+02, v47;
	v41 =	vtrunc.f32 v41;
	v42 =	vtrunc.f32 v42  }
0x43f: {  	v48 =	vsub.f32 $2.550000000e+02, v48;
	v43 =	vtrunc.f32 v43;
	v44 =	vtrunc.f32 v44  }
0x440: {  	v45 =	vtrunc.f32 v45;
	v46 =	vtrunc.f32 v46  }
0x441: {  	v48 =	vtrunc.f32 v48;
	v49 =	vtrunc.f32 v47  }
0x442: {  	v33 =	vcvt.f32.s32 v33;
	v55 =	vcvt.f32.s32 v48  }
0x443: {  	v34 =	vcvt.f32.s32 v34;
	v56 =	vcvt.f32.s32 v35  }
0x444: {  	v50 =	vcvt.f32.s32 v36;
	v37 =	vcvt.f32.s32 v37;
	v33 =	vsub.s32 $0xFE, v33  }
0x445: {  	v57 =	vcvt.f32.s32 v38;
	v58 =	vcvt.f32.s32 v39;
	vm0 =	vgt.s32 v33, $0x0  }
0x446: {  	v59 =	vcvt.f32.s32 v40;
	v41 =	vcvt.f32.s32 v41;
	v33 =	vnsel vm0, $0x0, v33  }
0x447: {  	v42 =	vcvt.f32.s32 v42;
	v60 =	vcvt.f32.s32 v43  }
0x448: {  	v61 =	vcvt.f32.s32 v44;
	v62 =	vcvt.f32.s32 v45  }
0x449: {  	v51 =	vcvt.f32.s32 v46;
	v63 =	vcvt.f32.s32 v49;
	v35 =	vsub.s32 $0xFE, v55  }
0x44a: {  	v36 =	vsub.s32 $0xFE, v34;
	v38 =	vsub.s32 $0xFE, v56;
	v40 =	vsub.s32 $0xFE, v50  }
0x44b: {  	v43 =	vsub.s32 $0xFE, v37;
	v47 =	vsub.s32 $0xFE, v57;
	v46 =	vsub.s32 $0xFE, v58;
	v52 =	vld.idx.msk [tilespmem:v33+s23+$0x0], $0xffff  }
0x44c: {  	v45 =	vsub.s32 $0xFE, v59;
	v44 =	vsub.s32 $0xFE, v41;
	v41 =	vsub.s32 $0xFE, v42  }
0x44d: {  	v42 =	vsub.s32 $0xFE, v60;
	v39 =	vsub.s32 $0xFE, v61;
	v37 =	vsub.s32 $0xFE, v62  }
0x44e: {  	v34 =	vsub.s32 $0xFE, v51;
	vm2 =	vgt.s32 v36, $0x0;
	vm3 =	vgt.s32 v38, $0x0  }
0x44f: {  	s1 =	simm.s32 $0xC080;
	vm4 =	vgt.s32 v40, $0x0;
	vm6 =	vgt.s32 v43, $0x0;
	vm7 =	vgt.s32 v47, $0x0  }
0x450: {  	s20 =	simm.s32 $0x0;
	s22 =	simm.s32 $0x4180;
	s0 =	simm.s32 $0xC080;
	vm5 =	vgt.s32 v46, $0x0;
	vm0 =	vgt.s32 v35, $0x0;
	v33 =	vsub.s32 $0xFE, v63;
	[tilespmem:s1+$0x70] =	vst v52  }
.LBB2_18:
0x451: {  	v48 =	vld [tilespmem:s22+$0x70];
	s20 =	sadd.s32 $0x10, s20;
	vm9 =	vgt.s32 v45, $0x0;
	vm10 =	vgt.s32 v44, $0x0;
	vm11 =	vgt.s32 v41, $0x0  }
0x452: {  	vm12 =	vgt.s32 v42, $0x0;
	vm13 =	vgt.s32 v39, $0x0;
	vm8 =	vgt.s32 v37, $0x0;
	v49 =	vld [tilespmem:s22+$0xFFFFFF90];
	p0 =	slt.u32 s20, $0x3F0  }
0x453: {  	v35 =	vnsel vm0, $0x0, v35;
	vm1 =	vgt.s32 v34, $0x0;
	vm0 =	vgt.s32 v33, $0x0;
	v50 =	vld [tilespmem:s22+$0xFFFFFFA0]  }
0x454: {  	v36 =	vnsel vm2, $0x0, v36;
	v38 =	vnsel vm3, $0x0, v38;
	v40 =	vnsel vm4, $0x0, v40;
	v51 =	vld [tilespmem:s22+$0xFFFFFFB0]  }
0x455: {  	v43 =	vnsel vm6, $0x0, v43;
	v47 =	vnsel vm7, $0x0, v47;
	v46 =	vnsel vm5, $0x0, v46;
	v52 =	vld [tilespmem:s22+$0xFFFFFFC0]  }
0x456: {  	v45 =	vnsel vm9, $0x0, v45;
	v44 =	vnsel vm10, $0x0, v44;
	v53 =	vld [tilespmem:s22+$0xFFFFFFD0];
	v48 =	vmul.f32 $2.550000000e+02, v48  }
0x457: {  	v41 =	vnsel vm11, $0x0, v41;
	v42 =	vnsel vm12, $0x0, v42;
	v49 =	vmul.f32 $2.550000000e+02, v49;
	v54 =	vld [tilespmem:s22+$0xFFFFFFE0]  }
0x458: {  	v39 =	vnsel vm13, $0x0, v39;
	v50 =	vmul.f32 $2.550000000e+02, v50;
	v55 =	vld [tilespmem:s22+$0xFFFFFFF0];
	v48 =	vsub.f32 $2.550000000e+02, v48  }
0x459: {  	v37 =	vnsel vm8, $0x0, v37;
	v49 =	vsub.f32 $2.550000000e+02, v49;
	v51 =	vmul.f32 $2.550000000e+02, v51;
	v56 =	vld [tilespmem:s22+$0x0]  }
0x45a: {  	v50 =	vsub.f32 $2.550000000e+02, v50;
	v52 =	vmul.f32 $2.550000000e+02, v52;
	v57 =	vld [tilespmem:s22+$0x10];
	v48 =	vtrunc.f32 v48  }
0x45b: {  	v51 =	vsub.f32 $2.550000000e+02, v51;
	v53 =	vmul.f32 $2.550000000e+02, v53;
	v58 =	vld [tilespmem:s22+$0x20];
	v48 =	vcvt.f32.s32 v48  }
0x45c: {  	v49 =	vtrunc.f32 v49;
	v52 =	vsub.f32 $2.550000000e+02, v52;
	v54 =	vmul.f32 $2.550000000e+02, v54;
	v59 =	vld [tilespmem:s22+$0x30]  }
0x45d: {  	v53 =	vsub.f32 $2.550000000e+02, v53;
	v55 =	vmul.f32 $2.550000000e+02, v55;
	v60 =	vld [tilespmem:s22+$0x40];
	v48 =	vsub.s32 $0xFE, v48  }
0x45e: {  	v54 =	vsub.f32 $2.550000000e+02, v54;
	v56 =	vmul.f32 $2.550000000e+02, v56;
	v61 =	vld [tilespmem:s22+$0x50];
	vm2 =	vgt.s32 v48, $0x0  }
0x45f: {  	v55 =	vsub.f32 $2.550000000e+02, v55;
	v57 =	vmul.f32 $2.550000000e+02, v57;
	v62 =	vld [tilespmem:s22+$0x60];
	v48 =	vnsel vm2, $0x0, v48  }
0x460: {  	v50 =	vtrunc.f32 v50;
	v63 =	vld [tilespmem:s22+$0xFFFFFF80];
	v56 =	vsub.f32 $2.550000000e+02, v56;
	v58 =	vmul.f32 $2.550000000e+02, v58  }
0x461: {  	v51 =	vtrunc.f32 v51;
	v57 =	vsub.f32 $2.550000000e+02, v57;
	v59 =	vmul.f32 $2.550000000e+02, v59;
	v35 =	vld.idx.msk [tilespmem:v35+s23+$0x0], $0xffff  }
0x462: {  	v52 =	vtrunc.f32 v52;
	v58 =	vsub.f32 $2.550000000e+02, v58;
	v60 =	vmul.f32 $2.550000000e+02, v60;
	v36 =	vld.idx.msk [tilespmem:v36+s23+$0x0], $0xffff  }
0x463: {  	v53 =	vtrunc.f32 v53;
	v59 =	vsub.f32 $2.550000000e+02, v59;
	v61 =	vmul.f32 $2.550000000e+02, v61;
	v38 =	vld.idx.msk [tilespmem:v38+s23+$0x0], $0xffff  }
0x464: {  	v54 =	vtrunc.f32 v54;
	v60 =	vsub.f32 $2.550000000e+02, v60;
	v62 =	vmul.f32 $2.550000000e+02, v62;
	v48 =	vld.idx.msk [tilespmem:v48+s23+$0x0], $0xffff  }
0x465: {  	v55 =	vtrunc.f32 v55;
	v63 =	vmul.f32 $2.550000000e+02, v63;
	v61 =	vsub.f32 $2.550000000e+02, v61;
	v40 =	vld.idx.msk [tilespmem:v40+s23+$0x0], $0xffff  }
0x466: {  	v56 =	vtrunc.f32 v56;
	v57 =	vtrunc.f32 v57;
	v62 =	vsub.f32 $2.550000000e+02, v62;
	v43 =	vld.idx.msk [tilespmem:v43+s23+$0x0], $0xffff  }
0x467: {  	v58 =	vtrunc.f32 v58;
	v59 =	vtrunc.f32 v59;
	v63 =	vsub.f32 $2.550000000e+02, v63;
	[tilespmem:s1+$0xFFFFFF80] =	vst v35;
	v47 =	vld.idx.msk [tilespmem:v47+s23+$0x0], $0xffff  }
0x468: {  	v34 =	vnsel vm1, $0x0, v34;
	v60 =	vtrunc.f32 v60;
	v61 =	vtrunc.f32 v61;
	[tilespmem:s1+$0xFFFFFF90] =	vst v36;
	v46 =	vld.idx.msk [tilespmem:v46+s23+$0x0], $0xffff  }
0x469: {  	v33 =	vnsel vm0, $0x0, v33;
	v62 =	vtrunc.f32 v62;
	s1 =	sadd.s32 $0x100, s1;
	v35 =	vtrunc.f32 v63;
	[tilespmem:s0+$0xFFFFFFA0] =	vst v38;
	v45 =	vld.idx.msk [tilespmem:v45+s23+$0x0], $0xffff  }
0x46a: {  	v36 =	vcvt.f32.s32 v49;
	v35 =	vcvt.f32.s32 v35;
	[tilespmem:s1+$0x70] =	vst v48;
	v44 =	vld.idx.msk [tilespmem:v44+s23+$0x0], $0xffff  }
0x46b: {  	v38 =	vcvt.f32.s32 v50;
	v48 =	vcvt.f32.s32 v51;
	[tilespmem:s0+$0xFFFFFFB0] =	vst v40;
	v41 =	vld.idx.msk [tilespmem:v41+s23+$0x0], $0xffff  }
0x46c: {  	v49 =	vcvt.f32.s32 v52;
	v50 =	vcvt.f32.s32 v53;
	v35 =	vsub.s32 $0xFE, v35;
	[tilespmem:s0+$0xFFFFFFC0] =	vst v43;
	v42 =	vld.idx.msk [tilespmem:v42+s23+$0x0], $0xffff  }
0x46d: {  	v52 =	vcvt.f32.s32 v55;
	v36 =	vsub.s32 $0xFE, v36;
	v51 =	vcvt.f32.s32 v54;
	[tilespmem:s0+$0xFFFFFFD0] =	vst v47;
	v53 =	vld.idx.msk [tilespmem:v39+s23+$0x0], $0xffff  }
0x46e: {  	v54 =	vcvt.f32.s32 v57;
	v38 =	vsub.s32 $0xFE, v38;
	v39 =	vcvt.f32.s32 v56;
	[tilespmem:s0+$0xFFFFFFE0] =	vst v46;
	v55 =	vld.idx.msk [tilespmem:v37+s23+$0x0], $0xffff  }
0x46f: {  	v40 =	vsub.s32 $0xFE, v48;
	v48 =	vcvt.f32.s32 v59;
	v37 =	vcvt.f32.s32 v58;
	[tilespmem:s0+$0xFFFFFFF0] =	vst v45;
	v56 =	vld.idx.msk [tilespmem:v34+s23+$0x0], $0xffff  }
0x470: {  	v43 =	vsub.s32 $0xFE, v49;
	v49 =	vcvt.f32.s32 v61;
	v34 =	vcvt.f32.s32 v60;
	[tilespmem:s0+$0x0] =	vst v44;
	v57 =	vld.idx.msk [tilespmem:v33+s23+$0x0], $0xffff  }
0x471: {  	v47 =	vsub.s32 $0xFE, v50;
	v46 =	vsub.s32 $0xFE, v51;
	v33 =	vcvt.f32.s32 v62;
	[tilespmem:s0+$0x10] =	vst v41  }
.Ltmp11:
0x472: {  	v45 =	vsub.s32 $0xFE, v52;
	v44 =	vsub.s32 $0xFE, v39;
	v41 =	vsub.s32 $0xFE, v54;
	[tilespmem:s0+$0x20] =	vst v42;
	(pc) =	sbr.rel @p0 .LBB2_18-.Ltmp11, $4  }
0x473: {  	v39 =	vsub.s32 $0xFE, v48;
	v42 =	vsub.s32 $0xFE, v37;
	v37 =	vsub.s32 $0xFE, v34;
	[tilespmem:s0+$0x30] =	vst v53  }
0x474: {  	vm0 =	vgt.s32 v35, $0x0;
	v34 =	vsub.s32 $0xFE, v49;
	v33 =	vsub.s32 $0xFE, v33;
	[tilespmem:s0+$0x40] =	vst v55  }
0x475: {  	vm2 =	vgt.s32 v36, $0x0;
	vm3 =	vgt.s32 v38, $0x0;
	vm4 =	vgt.s32 v40, $0x0;
	[tilespmem:s0+$0x50] =	vst v56  }
0x476: {  	s22 =	sadd.s32 $0x100, s22;
	vm6 =	vgt.s32 v43, $0x0;
	vm7 =	vgt.s32 v47, $0x0;
	vm5 =	vgt.s32 v46, $0x0;
	[tilespmem:s0+$0x60] =	vst v57;
	s0 =	smov.u32 s1  }
0x477: {  	v35 =	vnsel vm0, $0x0, v35  }
0x478: {  	v36 =	vnsel vm2, $0x0, v36  }
0x479: {  	v38 =	vnsel vm3, $0x0, v38  }
0x47a: {  	v40 =	vnsel vm4, $0x0, v40  }
0x47b: {  	v43 =	vnsel vm6, $0x0, v43  }
0x47c: {  	v47 =	vnsel vm7, $0x0, v47;
	v35 =	vld.idx.msk [tilespmem:v35+s23+$0x0], $0xffff  }
0x47d: {  	vm9 =	vgt.s32 v45, $0x0;
	v46 =	vnsel vm5, $0x0, v46;
	v36 =	vld.idx.msk [tilespmem:v36+s23+$0x0], $0xffff  }
0x47e: {  	vm1 =	vgt.s32 v44, $0x0;
	v45 =	vnsel vm9, $0x0, v45;
	v38 =	vld.idx.msk [tilespmem:v38+s23+$0x0], $0xffff  }
0x47f: {  	vm10 =	vgt.s32 v41, $0x0;
	v44 =	vnsel vm1, $0x0, v44;
	v40 =	vld.idx.msk [tilespmem:v40+s23+$0x0], $0xffff  }
0x480: {  	vm11 =	vgt.s32 v42, $0x0;
	v41 =	vnsel vm10, $0x0, v41;
	v43 =	vld.idx.msk [tilespmem:v43+s23+$0x0], $0xffff  }
0x481: {  	vm12 =	vgt.s32 v39, $0x0;
	v42 =	vnsel vm11, $0x0, v42;
	v57 =	vld.idx.msk [tilespmem:v47+s23+$0x0], $0xffff;
	[tilespmem:s1+$0xFFFFFF80] =	vst v35  }
0x482: {  	vm13 =	vgt.s32 v37, $0x0;
	v39 =	vnsel vm12, $0x0, v39;
	v58 =	vld.idx.msk [tilespmem:v46+s23+$0x0], $0xffff;
	[tilespmem:s1+$0xFFFFFF90] =	vst v36  }
0x483: {  	vm14 =	vgt.s32 v34, $0x0;
	v37 =	vnsel vm13, $0x0, v37;
	v59 =	vld.idx.msk [tilespmem:v45+s23+$0x0], $0xffff;
	[tilespmem:s0+$0xFFFFFFA0] =	vst v38  }
0x484: {  	vm15 =	vgt.s32 v33, $0x0;
	v34 =	vnsel vm14, $0x0, v34;
	v44 =	vld.idx.msk [tilespmem:v44+s23+$0x0], $0xffff;
	[tilespmem:s0+$0xFFFFFFB0] =	vst v40  }
0x485: {  	v33 =	vnsel vm15, $0x0, v33;
	v60 =	vld.idx.msk [tilespmem:v41+s23+$0x0], $0xffff;
	[tilespmem:s0+$0xFFFFFFC0] =	vst v43  }
0x486: {  	v61 =	vld.idx.msk [tilespmem:v42+s23+$0x0], $0xffff;
	[tilespmem:s0+$0xFFFFFFD0] =	vst v57  }
0x487: {  	v62 =	vld.idx.msk [tilespmem:v39+s23+$0x0], $0xffff;
	[tilespmem:s0+$0xFFFFFFE0] =	vst v58  }
0x488: {  	v63 =	vld.idx.msk [tilespmem:v37+s23+$0x0], $0xffff;
	[tilespmem:s0+$0xFFFFFFF0] =	vst v59  }
0x489: {  	v34 =	vld.idx.msk [tilespmem:v34+s23+$0x0], $0xffff;
	[tilespmem:s0+$0x0] =	vst v44  }
0x48a: {  	v33 =	vld.idx.msk [tilespmem:v33+s23+$0x0], $0xffff;
	[tilespmem:s0+$0x10] =	vst v60  }
0x48b: {  	p0 =	seq.s32 s30, $0xB;
	[tilespmem:s0+$0x20] =	vst v61  }
.Ltmp12:
0x48c: {  	[tilespmem:s0+$0x30] =	vst v62;
	(pc) =	sbr.rel @p0 .LBB2_21-.Ltmp12, $4  }
0x48d: {  	s20 =	sadd.s32 s31, s12;
	[tilespmem:s0+$0x40] =	vst v63  }
0x48e: {  	s1 =	sshrl.u32 s20, $0x3;
	[tilespmem:s0+$0x50] =	vst v34  }
0x48f: {  	[tilespmem:s0+$0x60] =	vst v33;
	s22 =	sadd.s32 s5, s1  }
0x490: {  	[hbm4b:s22+s3] =	stream.linear.scatter [tilespmem:s26], [sflag:$0x4], $0x4000, $0x38;
	[tilespmem:$0x11400] =	vst v63  }
.Ltmp13:
0x491: {  	(pc) =	sbr.rel .LBB2_11-.Ltmp13, $4  }
0x492: {  	s0 =	sadd.s32 s31, s9  }
0x493: {  	s0 =	sshrl.u32 s0, $0x3  }
0x494: {  	s30 =	sadd.s32 $0x1, s30;
	s0 =	sadd.s32 s2, s0  }
0x495: {  	[tilespmem:s14], [sflag:$0x2] =	stream.linear.gather [hbm4b:s0+s3], $0x4000, $0x38;
	[tilespmem:$0x11400] =	vst v63  }
.LBB2_22:
0x496: {  	_ =	sfence.sel $0x180000  }
0x497: {  	[bflag:$0x0] =	sbarrier.arrive $0xFFFF  }
0x498: {  	_ =	strace $0x9000004A  }
0x499: {  	s0 =	stileid.u32;
	[bflag:$0x2] =	sbarrier.arrive $0xFFFF  }
0x49a: {  	p0 =	sne.s32 s0, $0x0;
	s0 =	rddreg [dreg:$0x3]  }
0x49b: {  	s0 =	sadd.s32 @!p0 $0x100000, s0  }
0x49c: {  	[sflag:s0] =	ssyncadd.tile.s32 @!p0 $0x1;
	_ =	shalt  }
.Lfunc_end2:
_tile_overlayer_lowered:
.L_overlay_start_2:
0x49d: {  	(tag) =	ssettag $0x2  }
0x49e: {  	s0 =	rddreg [dreg:$0x0];
	s2 =	stileid.u32  }
0x49f: {  	s1 =	rddreg [dreg:$0x1];
	p0 =	sne.s32 s2, $0x0  }
0x4a0: {  	s3 =	rddreg [dreg:$0x2];
	[bflag:$0x3] =	sbarrier.arrive $0xFFFF;
	s2 =	simm.s32 @!p0 $0x1C05  }
0x4a1: {  	[timem:s3], [sflag:s2] =	dma.local @!p0 [hbm:s0], s1  }
0x4a2: {  	s0 =	simm.s32 @!p0 $0x5  }
0x4a3: {  	_ =	swait.ge @!p0 [sflag:s0], s1  }
0x4a4: {  	s1 =	ssub.s32 @!p0 $0x0, s1;
	[sflag:s0] =	ssyncset.done @!p0 $0x0  }
0x4a5: {  	[sflag:s0] =	ssyncadd.s32 @!p0 s1  }
0x4a6: {  	[bflag:$0x3] =	sbarrier.arrive $0xFFFF  }
0x4a7: {  	_ =	shalt  }

// kernel: sparse-core-data-format-call.cloned.1.call-start
scs
called_computation_lowered:
.L_overlay_start_0:
0x0: {  	s2 =	sld [smem:$0x3FD9]  }
0x1: {  	s3 =	sld [smem:$0x3FFE];
	_ =	sdelay $0x1  }
0x2: {  	s1 =	srdreg.scid  }
0x3: {  	s0 =	sand.u32 $0x1, s1  }
0x4: {  	s19 =	sshll.u32 s0, $0xA;
	s2 =	sadd.s32 s3, s2  }
0x5: {  	s2 =	sadd.s32 s2, s19  }
0x6: {  	[smem:$0x3FC7] =	sst s2  }
0x7: {  	_ = 	snop  }
0x8: {  	s2 =	sld [smem:$0x3FC9]  }
0x9: {  	s20 =	sld [smem:$0x3FD0];
	(tm) =	ssettm $0x1  }
0xa: {  	s4 =	sld [smem:$0x3FFB];
	_ =	sdelay $0x3  }
0xb: {  	_ =	strace s4  }
0xc: {  	s4 =	sld [smem:$0x3FFC];
	_ =	sdelay $0x3  }
0xd: {  	_ =	strace s4  }
0xe: {  	s4 =	sld [smem:$0x3FFD];
	_ =	sdelay $0x3  }
0xf: {  	_ =	strace s4  }
0x10: {  	_ =	strace $0x8FFFFFFF  }
0x11: {  	s21 =	sld [smem:$0x3FDB];
	_ =	sdelay $0x1  }
0x12: {  	s5 =	simm.s32 $_scs_section_size  }
0x13: {  	s6 =	simm.s32 $_size__tile_overlayer_lowered;
	s7 =	simm.s32 $_tile_overlayer_lowered  }
0x14: {  	s24 =	simm.s32 $0x1BFF;
	s23 =	sshll.u32 s7, $0x1;
	s4 =	sadd.s32 s5, s21  }
0x15: {  	s8 =	simm.s32 $0x0;
	s22 =	sshll.u32 s6, $0x1;
	s6 =	sadd.s32 s23, s4  }
0x16: {  	[timem:s8], [sflag:s24] =	dma.local [hbm:s6], s22  }
0x17: {  	_ =	swait.ge [sflag:s24], s22  }
0x18: {  	s5 =	ssub.s32 $0x0, s22;
	[sflag:s24] =	ssyncset.done $0x0  }
0x19: {  	[sflag:s24] =	ssyncadd.s32 s5;
	_ =	sdelay $0x1  }
0x1a: {  	s25 =	simm.s32 $0x1B8B  }
0x1b: {  	_ =	swait.ge [sflag:s25], $0x1  }
0x1c: {  	[sflag:s25] =	ssyncset.done $0x0  }
0x1d: {  	s26 =	simm.s32 $0x1B8E;
	[sflag:s25] =	ssyncadd.s32 $0xFFFFFFFF  }
0x1e: {  	s27 =	simm.s32 $execute0_lowered;
	[smem:$0x3FD2] =	sst s26  }
0x1f: {  	s5 =	sshll.u32 s27, $0x1;
	_ =	strace $0x80000046;
	[dreg:$0x1] =	wrdreg $0xFFFFFFFF  }
0x20: {  	s28 =	simm.s32 $_size_execute0_lowered;
	s4 =	sadd.s32 s4, s5;
	[dreg:$0x0] =	wrdreg $0x0  }
0x21: {  	s5 =	sshll.u32 s28, $0x1;
	[dreg:$0x2] =	wrdreg s4  }
0x22: {  	[dreg:$0x3] =	wrdreg s5  }
0x23: {  	[dreg:$0x4] =	wrdreg $0xC0  }
0x24: {  	_ =	task [dreg:s8], $0x5FFFF  }
0x25: {  	[dreg:$0x1] =	wrdreg $0xFFFFFFFF  }
0x26: {  	[dreg:$0x0] =	wrdreg $0x60  }
0x27: {  	[dreg:$0x2] =	wrdreg s2  }
0x28: {  	[dreg:$0x3] =	wrdreg s20  }
0x29: {  	[dreg:$0x4] =	wrdreg $0x9  }
0x2a: {  	_ =	task.clear_ibuf [dreg:s8], $0x5FFFF;
	_ =	strace $0x90000046  }
0x2b: {  	s29 =	simm.s32 $0x9;
	_ =	strace $0x80000048  }
0x2c: {  	_ =	swait.ge [sflag:s29], $0x1  }
0x2d: {  	[sflag:s29] =	ssyncadd.s32 $0xFFFFFFFF  }
0x2e: {  	_ =	strace $0x90000048  }
0x2f: {  	_ =	sfence  }
0x30: {  	s30 =	sld [smem:$0x0];
	_ =	sdelay $0x2  }
0x31: {  	s31 =	sshll.u32 s1, $0xD;
	s1 =	sshrl.u32 s1, $0x2  }
0x32: {  	s3 =	sand.u32 $0x4000, s31;
	s1 =	sadd.s32 s1, s30  }
0x33: {  	s0 =	sor.u32 s3, s0;
	s1 =	sshll.u32 s1, $0x11  }
0x34: {  	s0 =	sor.u32 s1, s0  }
0x35: {  	s0 =	sadd.s32 $0x8F2B, s0  }
0x36: {  	[sflag:s0] =	ssyncadd.remote.s32 $0x1  }
0x37: {  	_ =	sfence.sel $0xFFFF  }
0x38: {  	[dreg:$0x0] =	wrdreg $0xFFFFFFFF;
	(pc) =	sbr.abs _section_cstart, $3  }
0x39: {  	[dreg:$0x1] =	wrdreg $0xFFFFFFFF  }
0x3a: {  	_ =	task.clear_ibuf [dreg:s8], $0x2FFFF;
	_ =	strace $0x9FFFFFFF  }
0x3b: {  	(tm) =	ssettm $0x7FFFFFFF  }
tec
execute0_lowered:
.L_overlay_start_1:
0x0: {  	(tag) =	ssettag $0x1  }
0x1: {  	s0 =	srdreg.scid  }
0x2: {  	s1 =	sshll.u32 s0, $0x4  }
0x3: {  	s2 =	rddreg [dreg:$0x0];
	s0 =	stileid.u32;
	s1 =	sand.u32 $0x10, s1  }
0x4: {  	s4 =	rddreg [dreg:$0x1];
	s1 =	sor.u32 s0, s1  }
0x5: {  	s7 =	simm.s32 $0x1;
	s8 =	simm.s32 $0x2;
	s3 =	sshll.u32 s1, $0x2  }
0x6: {  	s9 =	simm.s32 $0x0;
	s12 =	simm.s32 $0x0;
	s6 =	ssub.s32 $0xC00, s3  }
.Ltmp0:
0x7: {  	s11 =	simm.s32 $0x0;
	s5 =	sand.u32 $0x7C, s6;
	(pc) =	sbr.rel .LBB1_1-.Ltmp0, $4  }
0x8: {  	s1 =	rddreg [dreg:$0x2];
	_ =	strace $0x80000047;
	p0 =	sne.s32 s5, $0x0  }
0x9: {  	s6 =	sshrl.u32 s6, $0x7;
	s5 =	simm.s32 $0x1;
	s7 =	simm.s32 @!p0 $0x0  }
0xa: {  	s10 =	smov.u32 s3;
	[sflag:s5] =	ssyncpa.u1 $0x0;
	s6 =	sadd.s32 s7, s6  }
0xb: {  	[sflag:s8] =	ssyncpa.u1 $0x0;
	s8 =	simm.s32 $0x0;
	s7 =	sadd.s32 $0x1, s6  }
.LBB1_9:
0xc: {  	s14 =	sadd.s32 $0x80, s10  }
0xd: {  	p1 =	sgt.s32 s14, $0xBFF  }
0xe: {  	s14 =	smov.u32 @p1 s3;
	p1 =	sne.s32 s11, s7  }
.Ltmp1:
0xf: {  	p0 =	slt.u32 s11, $0x2;
	(pc) =	sbr.rel @!p1 .LBB1_10-.Ltmp1, $4  }
0x10: {  	s13 =	simm.s32 @!p0 $0x2  }
0x11: {  	s15 =	sadd.s32 $0x1, s11;
	_ =	swait.ge @!p0 [sflag:s13], $0x4000  }
0x12: {  	s12 =	smov.u32 s10;
	s9 =	sadd.s32 $0x4000, s9;
	[sflag:s13] =	ssyncset.done @!p0 $0x0  }
0x13: {  	s11 =	smov.u32 s15;
	s10 =	smov.u32 s14;
	[sflag:s13] =	ssyncadd.s32 @!p0 $0xFFFFC000  }
.LBB1_1:
0x14: {  	p0 =	sge.u32 s11, s6  }
0x15: {  	s13 =	sxor.u32 @!p0 $0xFFFFFFFF, s11  }
0x16: {  	s31 =	sadd.s32 $0xFFFFFFFF, s11;
	s14 =	sshll.u32 @!p0 s10, $0x9;
	s13 =	sshll.u32 @!p0 s13, $0xE  }
0x17: {  	s15 =	simm.s32 @!p0 $0x0;
	s14 =	sadd.s32 @!p0 s2, s14;
	s13 =	sand.u32 @!p0 $0x4000, s13  }
0x18: {  	[tilespmem:s13], [sflag:$0x1] =	stream.linear.gather @!p0 [hbm4b:s14+s15], $0x4000, $0x38;
	[tilespmem:$0x10000] =	vst v63  }
0x19: {  	p0 =	sge.u32 s31, s6  }
.Ltmp2:
0x1a: {  	_ = 	snop;
	(pc) =	sbr.rel @p0 .LBB1_9-.Ltmp2, $1  }
0x1b: {  	_ =	sdelay $0x3  }
0x1c: {  	s14 =	sand.u32 $0x4000, s9  }
0x1d: {  	_ =	swait.ge [sflag:s5], $0x4000;
	s15 =	sshll.u32 s11, $0xE;
	s16 =	simm.s32 $0x0  }
0x1e: {  	s13 =	sor.u32 $0x40, s14;
	[sflag:s5] =	ssyncset.done $0x0;
	s15 =	sand.u32 $0x4000, s15  }
0x1f: {  	s14 =	sor.u32 $0x8040, s14;
	[sflag:s5] =	ssyncadd.s32 $0xFFFFC000;
	s15 =	sor.u32 $0x8000, s15  }
.LBB1_3:
0x20: {  	s17 =	smov.u32 s14;
	s18 =	smov.u32 s13;
	s19 =	simm.s32 $0x0  }
.LBB1_4:
0x21: {  	v0 =	vmov s17;
	v2 =	vld [tilespmem:s18+$0x30]  }
0x22: {  	v4 =	vld [tilespmem:s18+$0xFFFFFFD0]  }
0x23: {  	v6 =	vld [tilespmem:s18+$0xFFFFFFE0]  }
0x24: {  	v7 =	vld [tilespmem:s18+$0xFFFFFFF0]  }
0x25: {  	s20 =	simm.s32 $0x0;
	v1 =	vld [tilespmem:s18+$0x0]  }
0x26: {  	v3 =	vld [tilespmem:s18+$0x10];
	[tilespmem:v0+s20+$0x30 ss:$0x1] =	vst.idx.msk $0xffff, v2  }
0x27: {  	v5 =	vld [tilespmem:s18+$0x20];
	[tilespmem:v0+s20+$0xFFFFFFD0 ss:$0x1] =	vst.idx.msk $0xffff, v4  }
0x28: {  	s21 =	sadd.s32 $0x80, s18;
	v2 =	vld [tilespmem:s18+$0xFFFFFFC0];
	[tilespmem:v0+s20+$0xFFFFFFE0 ss:$0x1] =	vst.idx.msk $0xffff, v6  }
0x29: {  	s22 =	simm.s32 $0x800;
	s23 =	simm.s32 $0x1000;
	v4 =	vld [tilespmem:s21+$0x30];
	[tilespmem:v0+s20+$0xFFFFFFF0 ss:$0x1] =	vst.idx.msk $0xffff, v7  }
.LBB1_5:
0x2a: {  	p0 =	sne.s32 s23, $0x3800;
	v6 =	vld [tilespmem:s21+$0xFFFFFFD0];
	[tilespmem:v0+s20+$0x0 ss:$0x1] =	vst.idx.msk $0xffff, v1  }
0x2b: {  	v7 =	vld [tilespmem:s21+$0xFFFFFFE0];
	[tilespmem:v0+s20+$0x10 ss:$0x1] =	vst.idx.msk $0xffff, v3  }
0x2c: {  	v8 =	vld [tilespmem:s21+$0xFFFFFFF0];
	[tilespmem:v0+s20+$0x20 ss:$0x1] =	vst.idx.msk $0xffff, v5  }
.Ltmp3:
0x2d: {  	v1 =	vld [tilespmem:s21+$0x0];
	[tilespmem:v0+s20+$0xFFFFFFC0 ss:$0x1] =	vst.idx.msk $0xffff, v2;
	s20 =	sshra.s32 s22, $0x2;
	s22 =	smov.u32 s23;
	(pc) =	sbr.rel @p0 .LBB1_5-.Ltmp3, $4  }
0x2e: {  	v3 =	vld [tilespmem:s21+$0x10];
	[tilespmem:v0+s20+$0x30 ss:$0x1] =	vst.idx.msk $0xffff, v4  }
0x2f: {  	[tilespmem:v0+s20+$0xFFFFFFD0 ss:$0x1] =	vst.idx.msk $0xffff, v6;
	v5 =	vld [tilespmem:s21+$0x20]  }
0x30: {  	v2 =	vld [tilespmem:s21+$0xFFFFFFC0];
	[tilespmem:v0+s20+$0xFFFFFFE0 ss:$0x1] =	vst.idx.msk $0xffff, v7;
	s21 =	sadd.s32 $0x80, s21  }
0x31: {  	s23 =	sadd.s32 $0x800, s23;
	v4 =	vld [tilespmem:s21+$0x30];
	[tilespmem:v0+s20+$0xFFFFFFF0 ss:$0x1] =	vst.idx.msk $0xffff, v8  }
0x32: {  	_ =	sdelay $0x3  }
0x33: {  	v6 =	vld [tilespmem:s21+$0xFFFFFFD0];
	[tilespmem:v0+s20+$0x0 ss:$0x1] =	vst.idx.msk $0xffff, v1  }
0x34: {  	v58 =	vld [tilespmem:s21+$0xFFFFFFE0];
	[tilespmem:v0+s20+$0x10 ss:$0x1] =	vst.idx.msk $0xffff, v3  }
0x35: {  	v59 =	vld [tilespmem:s21+$0xFFFFFFF0];
	[tilespmem:v0+s20+$0x20 ss:$0x1] =	vst.idx.msk $0xffff, v5  }
0x36: {  	s22 =	sshra.s32 s22, $0x2;
	v60 =	vld [tilespmem:s21+$0x0];
	[tilespmem:v0+s20+$0xFFFFFFC0 ss:$0x1] =	vst.idx.msk $0xffff, v2  }
0x37: {  	v61 =	vld [tilespmem:s21+$0x10];
	[tilespmem:v0+s22+$0x30 ss:$0x1] =	vst.idx.msk $0xffff, v4  }
0x38: {  	v62 =	vld [tilespmem:s21+$0x20];
	s19 =	sadd.s32 $0x1, s19;
	[tilespmem:v0+s22+$0xFFFFFFD0 ss:$0x1] =	vst.idx.msk $0xffff, v6  }
0x39: {  	v63 =	vld [tilespmem:s21+$0xFFFFFFC0];
	p0 =	sne.s32 s19, $0x4;
	[tilespmem:v0+s22+$0xFFFFFFE0 ss:$0x1] =	vst.idx.msk $0xffff, v58  }
.Ltmp4:
0x3a: {  	[tilespmem:v0+s22+$0xFFFFFFF0 ss:$0x1] =	vst.idx.msk $0xffff, v59;
	(pc) =	sbr.rel @p0 .LBB1_4-.Ltmp4, $4  }
0x3b: {  	[tilespmem:v0+s22+$0x0 ss:$0x1] =	vst.idx.msk $0xffff, v60  }
0x3c: {  	[tilespmem:v0+s22+$0x10 ss:$0x1] =	vst.idx.msk $0xffff, v61  }
0x3d: {  	[tilespmem:v0+s22+$0x20 ss:$0x1] =	vst.idx.msk $0xffff, v62  }
0x3e: {  	s18 =	sadd.s32 $0x400, s18;
	s17 =	sadd.s32 $0x80, s17;
	[tilespmem:v0+s22+$0xFFFFFFC0 ss:$0x1] =	vst.idx.msk $0xffff, v63  }
0x3f: {  	s16 =	sadd.s32 $0x1, s16  }
0x40: {  	p0 =	sne.s32 s16, $0x4  }
.Ltmp5:
0x41: {  	_ = 	snop;
	(pc) =	sbr.rel @p0 .LBB1_3-.Ltmp5, $2  }
0x42: {  	_ =	sdelay $0x2  }
0x43: {  	s13 =	sadd.s32 $0x1000, s13;
	s14 =	sadd.s32 $0x1000, s14  }
.Ltmp6:
0x44: {  	(pc) =	sbr.rel .LBB1_9-.Ltmp6, $4  }
0x45: {  	_ = 	snop  }
0x46: {  	s12 =	sshll.u32 s12, $0x9  }
0x47: {  	s12 =	sadd.s32 s4, s12  }
0x48: {  	[hbm4b:s12+s8] =	stream.linear.scatter [tilespmem:s15], [sflag:$0x2], $0x4000, $0x38;
	[tilespmem:$0x10000] =	vst v63  }
.LBB1_10:
0x49: {  	_ =	sfence.sel $0x180000  }
0x4a: {  	s2 =	simm.s32 $0x1;
	[bflag:$0x0] =	sbarrier.arrive $0xFFFF  }
0x4b: {  	s31 =	simm.s32 $0x2;
	[sflag:s2] =	ssyncpa.u1 $0x1  }
0x4c: {  	[sflag:s31] =	ssyncpa.u1 $0x1  }
0x4d: {  	p0 =	sne.s32 s0, $0x0;
	_ =	strace $0x90000047  }
0x4e: {  	s0 =	sadd.s32 @!p0 $0x100000, s1;
	[bflag:$0x2] =	sbarrier.arrive $0xFFFF  }
0x4f: {  	[sflag:s0] =	ssyncadd.tile.s32 @!p0 $0x1;
	_ =	shalt  }
.Lfunc_end1:
_tile_overlayer_lowered:
.L_overlay_start_2:
0x50: {  	(tag) =	ssettag $0x2  }
0x51: {  	s0 =	rddreg [dreg:$0x0];
	s2 =	stileid.u32  }
0x52: {  	s1 =	rddreg [dreg:$0x1];
	p0 =	sne.s32 s2, $0x0  }
0x53: {  	s3 =	rddreg [dreg:$0x2];
	[bflag:$0x3] =	sbarrier.arrive $0xFFFF;
	s2 =	simm.s32 @!p0 $0x1C01  }
0x54: {  	[timem:s3], [sflag:s2] =	dma.local @!p0 [hbm:s0], s1  }
0x55: {  	s0 =	simm.s32 @!p0 $0x1  }
0x56: {  	_ =	swait.ge @!p0 [sflag:s0], s1  }
0x57: {  	s1 =	ssub.s32 @!p0 $0x0, s1;
	[sflag:s0] =	ssyncset.done @!p0 $0x0  }
0x58: {  	[sflag:s0] =	ssyncadd.s32 @!p0 s1  }
0x59: {  	[bflag:$0x3] =	sbarrier.arrive $0xFFFF  }
0x5a: {  	_ =	shalt  }

</sc_bundles>
